<compile_context>
chip_gen: v7x
topology: tpu7x:2x2x1
jax: 0.10.2.dev20260603
libtpu: 0.0.44.dev20260713+nightly
codegen_flags: <defaults>
</compile_context>

<pallas_src>
import jax
import jax.numpy as jnp
from jax import lax
from jax.experimental import pallas as pl
from jax.experimental.pallas import tpu as pltpu
from jax.experimental.pallas import tpu_sc as plsc

N = 10000
E = 320000
F = 128
ALPHA = 0.2

NC = 2
NS = 16
NT = NC * NS
EC = E // NT
B = 80
NBUF = 3
NBUFS = 2
NP = 10240
ROWS_PER_TILE = NP // NS

MM_BLK = 1000
MM_GRID = N // MM_BLK
ROW_BLK = 1024
GRID = NP // ROW_BLK


def _mm_body(x_ref, w_ref, a_ref, wh_ref, s1_ref, s2_ref):
    xb = x_ref[...]
    wh = jnp.dot(xb, w_ref[...], preferred_element_type=jnp.float32)
    wh_ref[...] = wh.astype(jnp.bfloat16)
    s1_ref[...] = jnp.dot(wh, a_ref[:F], preferred_element_type=jnp.float32)
    s2_ref[...] = jnp.dot(wh, a_ref[F:], preferred_element_type=jnp.float32)


def _stage1(x, W, a):
    return pl.pallas_call(
        _mm_body,
        grid=(MM_GRID,),
        in_specs=[
            pl.BlockSpec((MM_BLK, F), lambda i: (i, 0)),
            pl.BlockSpec((F, F), lambda i: (0, 0)),
            pl.BlockSpec((2 * F, 1), lambda i: (0, 0)),
        ],
        out_specs=[
            pl.BlockSpec((MM_BLK, F), lambda i: (i, 0)),
            pl.BlockSpec((MM_BLK, 1), lambda i: (i, 0)),
            pl.BlockSpec((MM_BLK, 1), lambda i: (i, 0)),
        ],
        out_shape=[
            jax.ShapeDtypeStruct((N, F), jnp.bfloat16),
            jax.ShapeDtypeStruct((N, 1), jnp.float32),
            jax.ShapeDtypeStruct((N, 1), jnp.float32),
        ],
    )(x, W, a)


def _sc_score_body(s1_hbm, s2_hbm, src_hbm, dst_hbm,
                   ex_out, den_out,
                   s1_v, s2_v, src_v, dst_v, ex_v, den_v):
    c = lax.axis_index("c")
    s = lax.axis_index("s")
    g = c * NS + s
    base = g * EC

    pltpu.sync_copy(s1_hbm, s1_v)
    pltpu.sync_copy(s2_hbm, s2_v)
    pltpu.sync_copy(src_hbm.at[pl.ds(base, EC)], src_v)
    pltpu.sync_copy(dst_hbm.at[pl.ds(base, EC)], dst_v)

    zv = jnp.zeros((16,), jnp.float32)

    def _zden(i, _):
        den_v[pl.ds(i * 16, 16)] = zv
        return 0
    lax.fori_loop(0, NP // 16, _zden, 0)

    def _score(i, _):
        d16 = dst_v[pl.ds(i * 16, 16)]
        t16 = src_v[pl.ds(i * 16, 16)]
        e = plsc.load_gather(s1_v, [d16]) + plsc.load_gather(s2_v, [t16])
        e = jnp.where(e >= 0.0, e, ALPHA * e)
        ex = jnp.exp(e)
        ex_v[pl.ds(i * 16, 16)] = ex
        plsc.addupdate_scatter(den_v, [d16], ex)
        return 0
    lax.fori_loop(0, EC // 16, _score, 0)

    pltpu.sync_copy(ex_v, ex_out.at[pl.ds(base, EC)])
    pltpu.sync_copy(den_v, den_out.at[pl.ds(g * NP, NP)])


def _stage2a(s1, s2, src, dst):
    mesh = plsc.VectorSubcoreMesh(core_axis_name="c", subcore_axis_name="s",
                                  num_cores=NC, num_subcores=NS)
    return pl.kernel(
        _sc_score_body,
        out_type=[
            jax.ShapeDtypeStruct((E,), jnp.float32),
            jax.ShapeDtypeStruct((NT * NP,), jnp.float32),
        ],
        mesh=mesh,
        compiler_params=pltpu.CompilerParams(needs_layout_passes=False),
        scratch_types=[
            pltpu.VMEM((N,), jnp.float32),
            pltpu.VMEM((N,), jnp.float32),
            pltpu.VMEM((EC,), jnp.int32),
            pltpu.VMEM((EC,), jnp.int32),
            pltpu.VMEM((EC,), jnp.float32),
            pltpu.VMEM((NP,), jnp.float32),
        ],
    )(s1, s2, src, dst)


CH = 2000
NCH = EC // CH
NBC = CH // B


def _sc_rows_body(wh_hbm, src_hbm, dstw_hbm, ex_hbm,
                  acc_out,
                  src_c, dstw_c, ex_c, rows_bf, rows_v, sems, ssems,
                  acc_s):
    c = lax.axis_index("c")
    s = lax.axis_index("s")
    g = c * NS + s
    base = g * EC

    zv = jnp.zeros((16,), jnp.float32)

    def _zrow(r, _):
        for f in range(F // 16):
            rows_v[0, r, pl.ds(f * 16, 16)] = zv
        return 0
    lax.fori_loop(0, B, _zrow, 0)
    row0 = s * ROWS_PER_TILE
    for t in range(ROWS_PER_TILE // B):
        pltpu.sync_copy(rows_v.at[0], acc_s.at[pl.ds(row0 + t * B, B)])

    plsc.subcore_barrier()

    def _issue(b, k):
        idx = src_c.at[pl.ds(b * B, B)]
        pltpu.async_copy(wh_hbm.at[idx], rows_bf.at[k], sems.at[k])

    def _scale_rows(kb, ks, b):
        @plsc.parallel_loop(0, B, unroll=8)
        def _edge(kk):
            eidx = b * B + kk
            exb = plsc.load_gather(ex_c, [jnp.full((16,), eidx, jnp.int32)])
            for f in range(F // 32):
                x = plsc.bitcast(rows_bf[kb, kk, pl.ds(f * 16, 16)],
                                 jnp.bfloat16)
                lo, hi = plsc.unpack(x, format=plsc.PackFormat.INTERLEAVED)
                rows_v[ks, kk, pl.ds(f * 32, 16)] = lo * exb
                rows_v[ks, kk, pl.ds(f * 32 + 16, 16)] = hi * exb

    def _scatter(k, b):
        return pltpu.make_async_copy(rows_v.at[k], acc_s.at[dstw_c.at[b]],
                                     ssems.at[k])

    def _chunk(ch, _):
        pltpu.sync_copy(src_hbm.at[pl.ds(base + ch * CH, CH)], src_c)
        pltpu.sync_copy(ex_hbm.at[pl.ds(base + ch * CH, CH)], ex_c)
        pltpu.sync_copy(dstw_hbm.at[g, ch], dstw_c)

        for k in range(NBUF):
            _issue(k, k)

        LCM = NBUF * NBUFS if NBUF % NBUFS else NBUF

        def _outer(bb, _):
            for k in range(LCM):
                b = bb * LCM + k
                kb = k % NBUF
                ks = k % NBUFS

                @pl.when(b < NBC)
                def _():
                    pltpu.make_async_copy(
                        wh_hbm.at[src_c.at[pl.ds(b * B, B)]],
                        rows_bf.at[kb], sems.at[kb]).wait()

                    @pl.when(b >= NBUFS)
                    def _():
                        _scatter(ks, b - NBUFS).wait()
                    _scale_rows(kb, ks, b)
                    _scatter(ks, b).start(add=True)

                    @pl.when(b + NBUF < NBC)
                    def _():
                        _issue(b + NBUF, kb)
            return 0
        lax.fori_loop(0, (NBC + LCM - 1) // LCM, _outer, 0)
        for d in range(NBUFS):
            _scatter((NBC - NBUFS + d) % NBUFS, NBC - NBUFS + d).wait()
        return 0
    lax.fori_loop(0, NCH, _chunk, 0)

    plsc.subcore_barrier()
    pltpu.sync_copy(acc_s.at[pl.ds(row0, ROWS_PER_TILE)],
                    acc_out.at[c, pl.ds(row0, ROWS_PER_TILE)])


def _stage2b(wh, src, dstw, ex):
    mesh = plsc.VectorSubcoreMesh(core_axis_name="c", subcore_axis_name="s",
                                  num_cores=NC, num_subcores=NS)
    return pl.kernel(
        _sc_rows_body,
        out_type=jax.ShapeDtypeStruct((NC, NP, F), jnp.float32),
        mesh=mesh,
        compiler_params=pltpu.CompilerParams(needs_layout_passes=False,
                                             use_tc_tiling_on_sc=False),
        scratch_types=[
            pltpu.VMEM((CH,), jnp.int32),
            pltpu.VMEM((NBC, B), jnp.int32),
            pltpu.VMEM((CH,), jnp.float32),
            pltpu.VMEM((NBUF, B, F // 2), jnp.int32),
            pltpu.VMEM((NBUFS, B, F), jnp.float32),
            pltpu.SemaphoreType.DMA((NBUF,)),
            pltpu.SemaphoreType.DMA((NBUFS,)),
            pltpu.VMEM_SHARED((NP, F), jnp.float32),
        ],
    )(wh, src, dstw, ex)


def _fin_body(acc_ref, den_ref, out_ref):
    i = pl.program_id(0)
    acc = acc_ref[0] + acc_ref[1]
    den = jnp.sum(den_ref[:, pl.ds(i * ROW_BLK, ROW_BLK)], axis=0)
    o = acc / (den[:, None] + 1e-16)
    out_ref[...] = jnp.where(o > 0.0, o, jnp.exp(jnp.minimum(o, 0.0)) - 1.0)


def _stage3(acc, den):
    return pl.pallas_call(
        _fin_body,
        grid=(GRID,),
        in_specs=[
            pl.BlockSpec((NC, ROW_BLK, F), lambda i: (0, i, 0)),
            pl.BlockSpec((NT, NP), lambda i: (0, 0)),
        ],
        out_specs=pl.BlockSpec((ROW_BLK, F), lambda i: (i, 0)),
        out_shape=jax.ShapeDtypeStruct((NP, F), jnp.float32),
    )(acc, den)


def kernel(x, edge_index, W, a):
    src = edge_index[0]
    dst = edge_index[1]
    wh_bf, s1, s2 = _stage1(x, W, a)
    wh_bf = (wh_bf.reshape(N, F // 32, 2, 16)
             .transpose(0, 1, 3, 2).reshape(N, F))
    wh_bf = lax.bitcast_convert_type(wh_bf.reshape(N, F // 2, 2),
                                     jnp.int32)
    ex, den_parts = _stage2a(s1.reshape(N), s2.reshape(N), src, dst)
    dstw = dst.reshape(NT, NCH, NBC, B)
    acc = _stage2b(wh_bf, src, dstw, ex)
    return _stage3(acc, den_parts.reshape(NT, NP))[:N]

# --- scband reference (transcript-rebuilt; emitter-appended) ---
"""Pipeline reference for scband-gatconv-sgrace-70222715289885 (READ-ONLY COPY).

The authoritative reference and input builder live on the scoring server;
editing this copy changes nothing except your own understanding.
"""

import jax, jax.numpy as jnp
import numpy as np

N = 10000
E = 320000
IN_FEATURES = 128
OUT_FEATURES = 128
ALPHA = 0.2  # LeakyReLU negative slope


def setup_inputs(seed: int = 0) -> dict:
    key = jax.random.key(seed)
    k1, k2, k3, k4 = jax.random.split(key, 4)
    x = jax.random.normal(k1, (N, IN_FEATURES), dtype=jnp.float32)
    edge_index = jax.random.randint(k2, (2, E), 0, N, dtype=jnp.int32)
    # learned parameters per init_kwargs (GAT: weight matrix W and attention vector a)
    W = (jax.random.normal(k3, (IN_FEATURES, OUT_FEATURES), dtype=jnp.float32)
         * (1.0 / np.sqrt(IN_FEATURES)))
    a = jax.random.normal(k4, (2 * OUT_FEATURES, 1), dtype=jnp.float32) * 0.1
    return {"x": x, "edge_index": edge_index, "W": W, "a": a}


def reference(x, edge_index, W, a):
    # Faithful GAT layer (SGRACE variant), expressed edge-wise (equivalent to
    # the dense masked formulation e = Wh1 + Wh2.T followed by adj-masked softmax):
    Wh = x @ W                                  # [N, OUT]
    src = edge_index[0]
    dst = edge_index[1]
    # prepare_attentional_mechanism_input: e[i, j] = Wh1[i] + Wh2[j]
    Wh1 = (Wh @ a[:OUT_FEATURES]).squeeze(-1)   # [N]
    Wh2 = (Wh @ a[OUT_FEATURES:]).squeeze(-1)   # [N]
    e = Wh1[dst] + Wh2[src]                     # [E]
    e = jax.nn.leaky_relu(e, negative_slope=ALPHA)
    # masked softmax over incoming neighbors of each dst node
    seg_max = jax.ops.segment_max(e, dst, num_segments=N)
    seg_max = jnp.where(jnp.isfinite(seg_max), seg_max, 0.0)
    ex = jnp.exp(e - seg_max[dst])
    denom = jax.ops.segment_sum(ex, dst, num_segments=N)
    att = ex / (denom[dst] + 1e-16)             # [E]
    # h' = attention @ Wh  ->  scatter-add of att_ij * Wh_j into dst i
    out = jax.ops.segment_sum(att[:, None] * Wh[src], dst, num_segments=N)
    # concat=True branch applies ELU nonlinearity
    return jax.nn.elu(out)

if __name__ == "__main__":
    import jax
    _d = setup_inputs()
    print(jax.jit(kernel)(*tuple(_d.values())))

</pallas_src>

<mosaic_0001>
#map = affine_map<(d0, d1) -> (0, 0)>
#map1 = affine_map<(d0, d1) -> (0)>
#map2 = affine_map<(d0, d1) -> (0, 0, 0, 0)>
#map3 = affine_map<(d0, d1) -> (0, 0, 0)>
module attributes {stable_mosaic.version = 14 : i64} {
  func.func @_sc_rows_body(%arg0: i32, %arg1: i32, %arg2: memref<10000x64xi32, #tpu.memory_space<hbm>>, %arg3: memref<320000xi32, #tpu.memory_space<hbm>>, %arg4: memref<32x5x25x80xi32, #tpu.memory_space<hbm>>, %arg5: memref<320000xf32, #tpu.memory_space<hbm>>, %arg6: memref<2x10240x128xf32, #tpu.memory_space<hbm>>, %arg7: memref<2000xi32, #tpu.memory_space<vmem>>, %arg8: memref<25x80xi32, #tpu.memory_space<vmem>>, %arg9: memref<2000xf32, #tpu.memory_space<vmem>>, %arg10: memref<3x80x64xi32, #tpu.memory_space<vmem>>, %arg11: memref<2x80x128xf32, #tpu.memory_space<vmem>>, %arg12: memref<3x!tpu.dma_semaphore, #tpu.memory_space<semaphore_mem>>, %arg13: memref<2x!tpu.dma_semaphore, #tpu.memory_space<semaphore_mem>>, %arg14: memref<10240x128xf32, #tpu.memory_space<vmem_shared>>) attributes {dimension_semantics = [#tpu.dimension_semantics<core_parallel>, #tpu.dimension_semantics<subcore_parallel>], iteration_bounds = array<i64: 2, 16>, scalar_prefetch = 0 : i64, scratch_operands = 8 : i64, tpu.core_type = #tpu.core_type<sc_vector_subcore>, window_params = [{transform_indices = #map}, {transform_indices = #map1}, {transform_indices = #map2}, {transform_indices = #map1}, {transform_indices = #map3}]} {
    %mul3A = arith.constant 16 : i32
    %mul3A_0 = arith.muli %arg0, %mul3A : i32
    %add3A = arith.addi %mul3A_0, %arg1 : i32
    %mul3A_1 = arith.constant 10000 : i32
    %mul3A_2 = arith.muli %add3A, %mul3A_1 : i32
    %broadcast_in_dim3A = arith.constant 0.000000e+00 : f32
    %broadcast_in_dim3A_3 = vector.broadcast %broadcast_in_dim3A : f32 to vector<16xf32>
    %scan3A = arith.constant 0 : i32
    %scan3A_4 = arith.constant 0 : i32
    %scan3A_5 = arith.constant 80 : i32
    %scan3A_6 = arith.addi %scan3A_4, %scan3A_5 : i32
    %scan3A_7 = arith.constant 1 : i32
    %scan3A_8 = scf.for %scan3A_43 = %scan3A_4 to %scan3A_6 step %scan3A_7 iter_args(%scan3A_44 = %scan3A) -> (i32)  : i32 {
      %swap3A = arith.constant 0 : i32
      %swap3A_45 = arith.index_cast %swap3A : i32 to index
      %swap3A_46 = arith.index_cast %scan3A_43 : i32 to index
      %swap3A_47 = arith.constant 0 : index
      %swap3A_48 = tpu.vector_load %arg11[%swap3A_45, %swap3A_46, %swap3A_47] {strides = array<i32>} : memref<2x80x128xf32, #tpu.memory_space<vmem>>, vector<16xf32>,
      tpu.vector_store %arg11[%swap3A_45, %swap3A_46, %swap3A_47], %broadcast_in_dim3A_3 {strides = array<i32>} : memref<2x80x128xf32, #tpu.memory_space<vmem>>, vector<16xf32>,
      %swap3A_49 = arith.constant 0 : i32
      %swap3A_50 = arith.index_cast %swap3A_49 : i32 to index
      %swap3A_51 = arith.index_cast %scan3A_43 : i32 to index
      %swap3A_52 = arith.constant 16 : index
      %swap3A_53 = tpu.vector_load %arg11[%swap3A_50, %swap3A_51, %swap3A_52] {strides = array<i32>} : memref<2x80x128xf32, #tpu.memory_space<vmem>>, vector<16xf32>,
      tpu.vector_store %arg11[%swap3A_50, %swap3A_51, %swap3A_52], %broadcast_in_dim3A_3 {strides = array<i32>} : memref<2x80x128xf32, #tpu.memory_space<vmem>>, vector<16xf32>,
      %swap3A_54 = arith.constant 0 : i32
      %swap3A_55 = arith.index_cast %swap3A_54 : i32 to index
      %swap3A_56 = arith.index_cast %scan3A_43 : i32 to index
      %swap3A_57 = arith.constant 32 : index
      %swap3A_58 = tpu.vector_load %arg11[%swap3A_55, %swap3A_56, %swap3A_57] {strides = array<i32>} : memref<2x80x128xf32, #tpu.memory_space<vmem>>, vector<16xf32>,
      tpu.vector_store %arg11[%swap3A_55, %swap3A_56, %swap3A_57], %broadcast_in_dim3A_3 {strides = array<i32>} : memref<2x80x128xf32, #tpu.memory_space<vmem>>, vector<16xf32>,
      %swap3A_59 = arith.constant 0 : i32
      %swap3A_60 = arith.index_cast %swap3A_59 : i32 to index
      %swap3A_61 = arith.index_cast %scan3A_43 : i32 to index
      %swap3A_62 = arith.constant 48 : index
      %swap3A_63 = tpu.vector_load %arg11[%swap3A_60, %swap3A_61, %swap3A_62] {strides = array<i32>} : memref<2x80x128xf32, #tpu.memory_space<vmem>>, vector<16xf32>,
      tpu.vector_store %arg11[%swap3A_60, %swap3A_61, %swap3A_62], %broadcast_in_dim3A_3 {strides = array<i32>} : memref<2x80x128xf32, #tpu.memory_space<vmem>>, vector<16xf32>,
      %swap3A_64 = arith.constant 0 : i32
      %swap3A_65 = arith.index_cast %swap3A_64 : i32 to index
      %swap3A_66 = arith.index_cast %scan3A_43 : i32 to index
      %swap3A_67 = arith.constant 64 : index
      %swap3A_68 = tpu.vector_load %arg11[%swap3A_65, %swap3A_66, %swap3A_67] {strides = array<i32>} : memref<2x80x128xf32, #tpu.memory_space<vmem>>, vector<16xf32>,
      tpu.vector_store %arg11[%swap3A_65, %swap3A_66, %swap3A_67], %broadcast_in_dim3A_3 {strides = array<i32>} : memref<2x80x128xf32, #tpu.memory_space<vmem>>, vector<16xf32>,
      %swap3A_69 = arith.constant 0 : i32
      %swap3A_70 = arith.index_cast %swap3A_69 : i32 to index
      %swap3A_71 = arith.index_cast %scan3A_43 : i32 to index
      %swap3A_72 = arith.constant 80 : index
      %swap3A_73 = tpu.vector_load %arg11[%swap3A_70, %swap3A_71, %swap3A_72] {strides = array<i32>} : memref<2x80x128xf32, #tpu.memory_space<vmem>>, vector<16xf32>,
      tpu.vector_store %arg11[%swap3A_70, %swap3A_71, %swap3A_72], %broadcast_in_dim3A_3 {strides = array<i32>} : memref<2x80x128xf32, #tpu.memory_space<vmem>>, vector<16xf32>,
      %swap3A_74 = arith.constant 0 : i32
      %swap3A_75 = arith.index_cast %swap3A_74 : i32 to index
      %swap3A_76 = arith.index_cast %scan3A_43 : i32 to index
      %swap3A_77 = arith.constant 96 : index
      %swap3A_78 = tpu.vector_load %arg11[%swap3A_75, %swap3A_76, %swap3A_77] {strides = array<i32>} : memref<2x80x128xf32, #tpu.memory_space<vmem>>, vector<16xf32>,
      tpu.vector_store %arg11[%swap3A_75, %swap3A_76, %swap3A_77], %broadcast_in_dim3A_3 {strides = array<i32>} : memref<2x80x128xf32, #tpu.memory_space<vmem>>, vector<16xf32>,
      %swap3A_79 = arith.constant 0 : i32
      %swap3A_80 = arith.index_cast %swap3A_79 : i32 to index
      %swap3A_81 = arith.index_cast %scan3A_43 : i32 to index
      %swap3A_82 = arith.constant 112 : index
      %swap3A_83 = tpu.vector_load %arg11[%swap3A_80, %swap3A_81, %swap3A_82] {strides = array<i32>} : memref<2x80x128xf32, #tpu.memory_space<vmem>>, vector<16xf32>,
      tpu.vector_store %arg11[%swap3A_80, %swap3A_81, %swap3A_82], %broadcast_in_dim3A_3 {strides = array<i32>} : memref<2x80x128xf32, #tpu.memory_space<vmem>>, vector<16xf32>,
      %scan3A_84 = arith.constant 0 : i32
      scf.yield %scan3A_84 : i32
    }
    %scan3A_9 = arith.constant 80 : i32
    %mul3A_10 = arith.constant 640 : i32
    %mul3A_11 = arith.muli %arg1, %mul3A_10 : i32
    %add3A_12 = arith.constant 0 : i32
    %add3A_13 = arith.addi %mul3A_11, %add3A_12 : i32
    %run_scoped3A = arith.constant 0 : i32
    "tpu.region"() ({
      %run_scoped3A_43 = tpu.sem_alloc : memref<!tpu.dma_semaphore, #tpu.memory_space<semaphore_mem>>
      %dma_start3A = arith.constant 0 : i32
      %dma_start3A_44 = arith.constant 0 : i32
      %dma_start3A_45 = tpu.memref_slice %arg11[%run_scoped3A, %dma_start3A, %dma_start3A_44] : memref<2x80x128xf32, #tpu.memory_space<vmem>> -> memref<1x80x128xf32, #tpu.memory_space<vmem>>
      %dma_start3A_46 = tpu.memref_squeeze %dma_start3A_45 : memref<1x80x128xf32, #tpu.memory_space<vmem>> -> memref<80x128xf32, #tpu.memory_space<vmem>>
      %dma_start3A_47 = arith.constant 0 : i32
      %dma_start3A_48 = tpu.memref_slice %arg14[%add3A_13, %dma_start3A_47] : memref<10240x128xf32, #tpu.memory_space<vmem_shared>> -> memref<80x128xf32, #tpu.memory_space<vmem_shared>>
      %dma_start3A_49 = arith.constant 0 : i32
      %dma_start3A_50 = tpu.memref_slice %arg14[%add3A_13, %dma_start3A_49] : memref<10240x128xf32, #tpu.memory_space<vmem_shared>> -> memref<80x128xf32, #tpu.memory_space<vmem_shared>>
      %dma_start3A_51 = arith.constant 0 : i32
      %dma_start3A_52 = arith.constant 0 : i32
      %dma_start3A_53 = tpu.memref_slice %arg11[%run_scoped3A, %dma_start3A_51, %dma_start3A_52] : memref<2x80x128xf32, #tpu.memory_space<vmem>> -> memref<1x80x128xf32, #tpu.memory_space<vmem>>
      %dma_start3A_54 = tpu.memref_squeeze %dma_start3A_53 : memref<1x80x128xf32, #tpu.memory_space<vmem>> -> memref<80x128xf32, #tpu.memory_space<vmem>>
      tpu.enqueue_dma source(%dma_start3A_54 : memref<80x128xf32, #tpu.memory_space<vmem>>) target(%dma_start3A_50 : memref<80x128xf32, #tpu.memory_space<vmem_shared>>) target_semaphore(%run_scoped3A_43 : memref<!tpu.dma_semaphore, #tpu.memory_space<semaphore_mem>>)
      %dma_wait3A = arith.constant 0 : i32
      %dma_wait3A_55 = arith.constant 0 : i32
      %dma_wait3A_56 = tpu.memref_slice %arg11[%run_scoped3A, %dma_wait3A, %dma_wait3A_55] : memref<2x80x128xf32, #tpu.memory_space<vmem>> -> memref<1x80x128xf32, #tpu.memory_space<vmem>>
      %dma_wait3A_57 = tpu.memref_squeeze %dma_wait3A_56 : memref<1x80x128xf32, #tpu.memory_space<vmem>> -> memref<80x128xf32, #tpu.memory_space<vmem>>
      %dma_wait3A_58 = arith.constant 0 : i32
      %dma_wait3A_59 = tpu.memref_slice %arg14[%add3A_13, %dma_wait3A_58] : memref<10240x128xf32, #tpu.memory_space<vmem_shared>> -> memref<80x128xf32, #tpu.memory_space<vmem_shared>>
      %dma_wait3A_60 = arith.constant 0 : i32
      %dma_wait3A_61 = tpu.memref_slice %arg14[%add3A_13, %dma_wait3A_60] : memref<10240x128xf32, #tpu.memory_space<vmem_shared>> -> memref<80x128xf32, #tpu.memory_space<vmem_shared>>
      %dma_wait3A_62 = arith.constant 0 : i32
      %dma_wait3A_63 = arith.constant 0 : i32
      %dma_wait3A_64 = tpu.memref_slice %arg11[%run_scoped3A, %dma_wait3A_62, %dma_wait3A_63] : memref<2x80x128xf32, #tpu.memory_space<vmem>> -> memref<1x80x128xf32, #tpu.memory_space<vmem>>
      %dma_wait3A_65 = tpu.memref_squeeze %dma_wait3A_64 : memref<1x80x128xf32, #tpu.memory_space<vmem>> -> memref<80x128xf32, #tpu.memory_space<vmem>>
      tpu.wait_dma2 semaphore(%run_scoped3A_43 : memref<!tpu.dma_semaphore, #tpu.memory_space<semaphore_mem>>) src(%dma_wait3A_65 : memref<80x128xf32, #tpu.memory_space<vmem>>) dst(%dma_wait3A_61 : memref<80x128xf32, #tpu.memory_space<vmem_shared>>)
      tpu.yield
    }) : () -> ()
    %add3A_14 = arith.constant 80 : i32
    %add3A_15 = arith.addi %mul3A_11, %add3A_14 : i32
    %run_scoped3A_16 = arith.constant 0 : i32
    "tpu.region"() ({
      %run_scoped3A_43 = tpu.sem_alloc : memref<!tpu.dma_semaphore, #tpu.memory_space<semaphore_mem>>
      %dma_start3A = arith.constant 0 : i32
      %dma_start3A_44 = arith.constant 0 : i32
      %dma_start3A_45 = tpu.memref_slice %arg11[%run_scoped3A_16, %dma_start3A, %dma_start3A_44] : memref<2x80x128xf32, #tpu.memory_space<vmem>> -> memref<1x80x128xf32, #tpu.memory_space<vmem>>
      %dma_start3A_46 = tpu.memref_squeeze %dma_start3A_45 : memref<1x80x128xf32, #tpu.memory_space<vmem>> -> memref<80x128xf32, #tpu.memory_space<vmem>>
      %dma_start3A_47 = arith.constant 0 : i32
      %dma_start3A_48 = tpu.memref_slice %arg14[%add3A_15, %dma_start3A_47] : memref<10240x128xf32, #tpu.memory_space<vmem_shared>> -> memref<80x128xf32, #tpu.memory_space<vmem_shared>>
      %dma_start3A_49 = arith.constant 0 : i32
      %dma_start3A_50 = tpu.memref_slice %arg14[%add3A_15, %dma_start3A_49] : memref<10240x128xf32, #tpu.memory_space<vmem_shared>> -> memref<80x128xf32, #tpu.memory_space<vmem_shared>>
      %dma_start3A_51 = arith.constant 0 : i32
      %dma_start3A_52 = arith.constant 0 : i32
      %dma_start3A_53 = tpu.memref_slice %arg11[%run_scoped3A_16, %dma_start3A_51, %dma_start3A_52] : memref<2x80x128xf32, #tpu.memory_space<vmem>> -> memref<1x80x128xf32, #tpu.memory_space<vmem>>
      %dma_start3A_54 = tpu.memref_squeeze %dma_start3A_53 : memref<1x80x128xf32, #tpu.memory_space<vmem>> -> memref<80x128xf32, #tpu.memory_space<vmem>>
      tpu.enqueue_dma source(%dma_start3A_54 : memref<80x128xf32, #tpu.memory_space<vmem>>) target(%dma_start3A_50 : memref<80x128xf32, #tpu.memory_space<vmem_shared>>) target_semaphore(%run_scoped3A_43 : memref<!tpu.dma_semaphore, #tpu.memory_space<semaphore_mem>>)
      %dma_wait3A = arith.constant 0 : i32
      %dma_wait3A_55 = arith.constant 0 : i32
      %dma_wait3A_56 = tpu.memref_slice %arg11[%run_scoped3A_16, %dma_wait3A, %dma_wait3A_55] : memref<2x80x128xf32, #tpu.memory_space<vmem>> -> memref<1x80x128xf32, #tpu.memory_space<vmem>>
      %dma_wait3A_57 = tpu.memref_squeeze %dma_wait3A_56 : memref<1x80x128xf32, #tpu.memory_space<vmem>> -> memref<80x128xf32, #tpu.memory_space<vmem>>
      %dma_wait3A_58 = arith.constant 0 : i32
      %dma_wait3A_59 = tpu.memref_slice %arg14[%add3A_15, %dma_wait3A_58] : memref<10240x128xf32, #tpu.memory_space<vmem_shared>> -> memref<80x128xf32, #tpu.memory_space<vmem_shared>>
      %dma_wait3A_60 = arith.constant 0 : i32
      %dma_wait3A_61 = tpu.memref_slice %arg14[%add3A_15, %dma_wait3A_60] : memref<10240x128xf32, #tpu.memory_space<vmem_shared>> -> memref<80x128xf32, #tpu.memory_space<vmem_shared>>
      %dma_wait3A_62 = arith.constant 0 : i32
      %dma_wait3A_63 = arith.constant 0 : i32
      %dma_wait3A_64 = tpu.memref_slice %arg11[%run_scoped3A_16, %dma_wait3A_62, %dma_wait3A_63] : memref<2x80x128xf32, #tpu.memory_space<vmem>> -> memref<1x80x128xf32, #tpu.memory_space<vmem>>
      %dma_wait3A_65 = tpu.memref_squeeze %dma_wait3A_64 : memref<1x80x128xf32, #tpu.memory_space<vmem>> -> memref<80x128xf32, #tpu.memory_space<vmem>>
      tpu.wait_dma2 semaphore(%run_scoped3A_43 : memref<!tpu.dma_semaphore, #tpu.memory_space<semaphore_mem>>) src(%dma_wait3A_65 : memref<80x128xf32, #tpu.memory_space<vmem>>) dst(%dma_wait3A_61 : memref<80x128xf32, #tpu.memory_space<vmem_shared>>)
      tpu.yield
    }) : () -> ()
    %add3A_17 = arith.constant 160 : i32
    %add3A_18 = arith.addi %mul3A_11, %add3A_17 : i32
    %run_scoped3A_19 = arith.constant 0 : i32
    "tpu.region"() ({
      %run_scoped3A_43 = tpu.sem_alloc : memref<!tpu.dma_semaphore, #tpu.memory_space<semaphore_mem>>
      %dma_start3A = arith.constant 0 : i32
      %dma_start3A_44 = arith.constant 0 : i32
      %dma_start3A_45 = tpu.memref_slice %arg11[%run_scoped3A_19, %dma_start3A, %dma_start3A_44] : memref<2x80x128xf32, #tpu.memory_space<vmem>> -> memref<1x80x128xf32, #tpu.memory_space<vmem>>
      %dma_start3A_46 = tpu.memref_squeeze %dma_start3A_45 : memref<1x80x128xf32, #tpu.memory_space<vmem>> -> memref<80x128xf32, #tpu.memory_space<vmem>>
      %dma_start3A_47 = arith.constant 0 : i32
      %dma_start3A_48 = tpu.memref_slice %arg14[%add3A_18, %dma_start3A_47] : memref<10240x128xf32, #tpu.memory_space<vmem_shared>> -> memref<80x128xf32, #tpu.memory_space<vmem_shared>>
      %dma_start3A_49 = arith.constant 0 : i32
      %dma_start3A_50 = tpu.memref_slice %arg14[%add3A_18, %dma_start3A_49] : memref<10240x128xf32, #tpu.memory_space<vmem_shared>> -> memref<80x128xf32, #tpu.memory_space<vmem_shared>>
      %dma_start3A_51 = arith.constant 0 : i32
      %dma_start3A_52 = arith.constant 0 : i32
      %dma_start3A_53 = tpu.memref_slice %arg11[%run_scoped3A_19, %dma_start3A_51, %dma_start3A_52] : memref<2x80x128xf32, #tpu.memory_space<vmem>> -> memref<1x80x128xf32, #tpu.memory_space<vmem>>
      %dma_start3A_54 = tpu.memref_squeeze %dma_start3A_53 : memref<1x80x128xf32, #tpu.memory_space<vmem>> -> memref<80x128xf32, #tpu.memory_space<vmem>>
      tpu.enqueue_dma source(%dma_start3A_54 : memref<80x128xf32, #tpu.memory_space<vmem>>) target(%dma_start3A_50 : memref<80x128xf32, #tpu.memory_space<vmem_shared>>) target_semaphore(%run_scoped3A_43 : memref<!tpu.dma_semaphore, #tpu.memory_space<semaphore_mem>>)
      %dma_wait3A = arith.constant 0 : i32
      %dma_wait3A_55 = arith.constant 0 : i32
      %dma_wait3A_56 = tpu.memref_slice %arg11[%run_scoped3A_19, %dma_wait3A, %dma_wait3A_55] : memref<2x80x128xf32, #tpu.memory_space<vmem>> -> memref<1x80x128xf32, #tpu.memory_space<vmem>>
      %dma_wait3A_57 = tpu.memref_squeeze %dma_wait3A_56 : memref<1x80x128xf32, #tpu.memory_space<vmem>> -> memref<80x128xf32, #tpu.memory_space<vmem>>
      %dma_wait3A_58 = arith.constant 0 : i32
      %dma_wait3A_59 = tpu.memref_slice %arg14[%add3A_18, %dma_wait3A_58] : memref<10240x128xf32, #tpu.memory_space<vmem_shared>> -> memref<80x128xf32, #tpu.memory_space<vmem_shared>>
      %dma_wait3A_60 = arith.constant 0 : i32
      %dma_wait3A_61 = tpu.memref_slice %arg14[%add3A_18, %dma_wait3A_60] : memref<10240x128xf32, #tpu.memory_space<vmem_shared>> -> memref<80x128xf32, #tpu.memory_space<vmem_shared>>
      %dma_wait3A_62 = arith.constant 0 : i32
      %dma_wait3A_63 = arith.constant 0 : i32
      %dma_wait3A_64 = tpu.memref_slice %arg11[%run_scoped3A_19, %dma_wait3A_62, %dma_wait3A_63] : memref<2x80x128xf32, #tpu.memory_space<vmem>> -> memref<1x80x128xf32, #tpu.memory_space<vmem>>
      %dma_wait3A_65 = tpu.memref_squeeze %dma_wait3A_64 : memref<1x80x128xf32, #tpu.memory_space<vmem>> -> memref<80x128xf32, #tpu.memory_space<vmem>>
      tpu.wait_dma2 semaphore(%run_scoped3A_43 : memref<!tpu.dma_semaphore, #tpu.memory_space<semaphore_mem>>) src(%dma_wait3A_65 : memref<80x128xf32, #tpu.memory_space<vmem>>) dst(%dma_wait3A_61 : memref<80x128xf32, #tpu.memory_space<vmem_shared>>)
      tpu.yield
    }) : () -> ()
    %add3A_20 = arith.constant 240 : i32
    %add3A_21 = arith.addi %mul3A_11, %add3A_20 : i32
    %run_scoped3A_22 = arith.constant 0 : i32
    "tpu.region"() ({
      %run_scoped3A_43 = tpu.sem_alloc : memref<!tpu.dma_semaphore, #tpu.memory_space<semaphore_mem>>
      %dma_start3A = arith.constant 0 : i32
      %dma_start3A_44 = arith.constant 0 : i32
      %dma_start3A_45 = tpu.memref_slice %arg11[%run_scoped3A_22, %dma_start3A, %dma_start3A_44] : memref<2x80x128xf32, #tpu.memory_space<vmem>> -> memref<1x80x128xf32, #tpu.memory_space<vmem>>
      %dma_start3A_46 = tpu.memref_squeeze %dma_start3A_45 : memref<1x80x128xf32, #tpu.memory_space<vmem>> -> memref<80x128xf32, #tpu.memory_space<vmem>>
      %dma_start3A_47 = arith.constant 0 : i32
      %dma_start3A_48 = tpu.memref_slice %arg14[%add3A_21, %dma_start3A_47] : memref<10240x128xf32, #tpu.memory_space<vmem_shared>> -> memref<80x128xf32, #tpu.memory_space<vmem_shared>>
      %dma_start3A_49 = arith.constant 0 : i32
      %dma_start3A_50 = tpu.memref_slice %arg14[%add3A_21, %dma_start3A_49] : memref<10240x128xf32, #tpu.memory_space<vmem_shared>> -> memref<80x128xf32, #tpu.memory_space<vmem_shared>>
      %dma_start3A_51 = arith.constant 0 : i32
      %dma_start3A_52 = arith.constant 0 : i32
      %dma_start3A_53 = tpu.memref_slice %arg11[%run_scoped3A_22, %dma_start3A_51, %dma_start3A_52] : memref<2x80x128xf32, #tpu.memory_space<vmem>> -> memref<1x80x128xf32, #tpu.memory_space<vmem>>
      %dma_start3A_54 = tpu.memref_squeeze %dma_start3A_53 : memref<1x80x128xf32, #tpu.memory_space<vmem>> -> memref<80x128xf32, #tpu.memory_space<vmem>>
      tpu.enqueue_dma source(%dma_start3A_54 : memref<80x128xf32, #tpu.memory_space<vmem>>) target(%dma_start3A_50 : memref<80x128xf32, #tpu.memory_space<vmem_shared>>) target_semaphore(%run_scoped3A_43 : memref<!tpu.dma_semaphore, #tpu.memory_space<semaphore_mem>>)
      %dma_wait3A = arith.constant 0 : i32
      %dma_wait3A_55 = arith.constant 0 : i32
      %dma_wait3A_56 = tpu.memref_slice %arg11[%run_scoped3A_22, %dma_wait3A, %dma_wait3A_55] : memref<2x80x128xf32, #tpu.memory_space<vmem>> -> memref<1x80x128xf32, #tpu.memory_space<vmem>>
      %dma_wait3A_57 = tpu.memref_squeeze %dma_wait3A_56 : memref<1x80x128xf32, #tpu.memory_space<vmem>> -> memref<80x128xf32, #tpu.memory_space<vmem>>
      %dma_wait3A_58 = arith.constant 0 : i32
      %dma_wait3A_59 = tpu.memref_slice %arg14[%add3A_21, %dma_wait3A_58] : memref<10240x128xf32, #tpu.memory_space<vmem_shared>> -> memref<80x128xf32, #tpu.memory_space<vmem_shared>>
      %dma_wait3A_60 = arith.constant 0 : i32
      %dma_wait3A_61 = tpu.memref_slice %arg14[%add3A_21, %dma_wait3A_60] : memref<10240x128xf32, #tpu.memory_space<vmem_shared>> -> memref<80x128xf32, #tpu.memory_space<vmem_shared>>
      %dma_wait3A_62 = arith.constant 0 : i32
      %dma_wait3A_63 = arith.constant 0 : i32
      %dma_wait3A_64 = tpu.memref_slice %arg11[%run_scoped3A_22, %dma_wait3A_62, %dma_wait3A_63] : memref<2x80x128xf32, #tpu.memory_space<vmem>> -> memref<1x80x128xf32, #tpu.memory_space<vmem>>
      %dma_wait3A_65 = tpu.memref_squeeze %dma_wait3A_64 : memref<1x80x128xf32, #tpu.memory_space<vmem>> -> memref<80x128xf32, #tpu.memory_space<vmem>>
      tpu.wait_dma2 semaphore(%run_scoped3A_43 : memref<!tpu.dma_semaphore, #tpu.memory_space<semaphore_mem>>) src(%dma_wait3A_65 : memref<80x128xf32, #tpu.memory_space<vmem>>) dst(%dma_wait3A_61 : memref<80x128xf32, #tpu.memory_space<vmem_shared>>)
      tpu.yield
    }) : () -> ()
    %add3A_23 = arith.constant 320 : i32
    %add3A_24 = arith.addi %mul3A_11, %add3A_23 : i32
    %run_scoped3A_25 = arith.constant 0 : i32
    "tpu.region"() ({
      %run_scoped3A_43 = tpu.sem_alloc : memref<!tpu.dma_semaphore, #tpu.memory_space<semaphore_mem>>
      %dma_start3A = arith.constant 0 : i32
      %dma_start3A_44 = arith.constant 0 : i32
      %dma_start3A_45 = tpu.memref_slice %arg11[%run_scoped3A_25, %dma_start3A, %dma_start3A_44] : memref<2x80x128xf32, #tpu.memory_space<vmem>> -> memref<1x80x128xf32, #tpu.memory_space<vmem>>
      %dma_start3A_46 = tpu.memref_squeeze %dma_start3A_45 : memref<1x80x128xf32, #tpu.memory_space<vmem>> -> memref<80x128xf32, #tpu.memory_space<vmem>>
      %dma_start3A_47 = arith.constant 0 : i32
      %dma_start3A_48 = tpu.memref_slice %arg14[%add3A_24, %dma_start3A_47] : memref<10240x128xf32, #tpu.memory_space<vmem_shared>> -> memref<80x128xf32, #tpu.memory_space<vmem_shared>>
      %dma_start3A_49 = arith.constant 0 : i32
      %dma_start3A_50 = tpu.memref_slice %arg14[%add3A_24, %dma_start3A_49] : memref<10240x128xf32, #tpu.memory_space<vmem_shared>> -> memref<80x128xf32, #tpu.memory_space<vmem_shared>>
      %dma_start3A_51 = arith.constant 0 : i32
      %dma_start3A_52 = arith.constant 0 : i32
      %dma_start3A_53 = tpu.memref_slice %arg11[%run_scoped3A_25, %dma_start3A_51, %dma_start3A_52] : memref<2x80x128xf32, #tpu.memory_space<vmem>> -> memref<1x80x128xf32, #tpu.memory_space<vmem>>
      %dma_start3A_54 = tpu.memref_squeeze %dma_start3A_53 : memref<1x80x128xf32, #tpu.memory_space<vmem>> -> memref<80x128xf32, #tpu.memory_space<vmem>>
      tpu.enqueue_dma source(%dma_start3A_54 : memref<80x128xf32, #tpu.memory_space<vmem>>) target(%dma_start3A_50 : memref<80x128xf32, #tpu.memory_space<vmem_shared>>) target_semaphore(%run_scoped3A_43 : memref<!tpu.dma_semaphore, #tpu.memory_space<semaphore_mem>>)
      %dma_wait3A = arith.constant 0 : i32
      %dma_wait3A_55 = arith.constant 0 : i32
      %dma_wait3A_56 = tpu.memref_slice %arg11[%run_scoped3A_25, %dma_wait3A, %dma_wait3A_55] : memref<2x80x128xf32, #tpu.memory_space<vmem>> -> memref<1x80x128xf32, #tpu.memory_space<vmem>>
      %dma_wait3A_57 = tpu.memref_squeeze %dma_wait3A_56 : memref<1x80x128xf32, #tpu.memory_space<vmem>> -> memref<80x128xf32, #tpu.memory_space<vmem>>
      %dma_wait3A_58 = arith.constant 0 : i32
      %dma_wait3A_59 = tpu.memref_slice %arg14[%add3A_24, %dma_wait3A_58] : memref<10240x128xf32, #tpu.memory_space<vmem_shared>> -> memref<80x128xf32, #tpu.memory_space<vmem_shared>>
      %dma_wait3A_60 = arith.constant 0 : i32
      %dma_wait3A_61 = tpu.memref_slice %arg14[%add3A_24, %dma_wait3A_60] : memref<10240x128xf32, #tpu.memory_space<vmem_shared>> -> memref<80x128xf32, #tpu.memory_space<vmem_shared>>
      %dma_wait3A_62 = arith.constant 0 : i32
      %dma_wait3A_63 = arith.constant 0 : i32
      %dma_wait3A_64 = tpu.memref_slice %arg11[%run_scoped3A_25, %dma_wait3A_62, %dma_wait3A_63] : memref<2x80x128xf32, #tpu.memory_space<vmem>> -> memref<1x80x128xf32, #tpu.memory_space<vmem>>
      %dma_wait3A_65 = tpu.memref_squeeze %dma_wait3A_64 : memref<1x80x128xf32, #tpu.memory_space<vmem>> -> memref<80x128xf32, #tpu.memory_space<vmem>>
      tpu.wait_dma2 semaphore(%run_scoped3A_43 : memref<!tpu.dma_semaphore, #tpu.memory_space<semaphore_mem>>) src(%dma_wait3A_65 : memref<80x128xf32, #tpu.memory_space<vmem>>) dst(%dma_wait3A_61 : memref<80x128xf32, #tpu.memory_space<vmem_shared>>)
      tpu.yield
    }) : () -> ()
    %add3A_26 = arith.constant 400 : i32
    %add3A_27 = arith.addi %mul3A_11, %add3A_26 : i32
    %run_scoped3A_28 = arith.constant 0 : i32
    "tpu.region"() ({
      %run_scoped3A_43 = tpu.sem_alloc : memref<!tpu.dma_semaphore, #tpu.memory_space<semaphore_mem>>
      %dma_start3A = arith.constant 0 : i32
      %dma_start3A_44 = arith.constant 0 : i32
      %dma_start3A_45 = tpu.memref_slice %arg11[%run_scoped3A_28, %dma_start3A, %dma_start3A_44] : memref<2x80x128xf32, #tpu.memory_space<vmem>> -> memref<1x80x128xf32, #tpu.memory_space<vmem>>
      %dma_start3A_46 = tpu.memref_squeeze %dma_start3A_45 : memref<1x80x128xf32, #tpu.memory_space<vmem>> -> memref<80x128xf32, #tpu.memory_space<vmem>>
      %dma_start3A_47 = arith.constant 0 : i32
      %dma_start3A_48 = tpu.memref_slice %arg14[%add3A_27, %dma_start3A_47] : memref<10240x128xf32, #tpu.memory_space<vmem_shared>> -> memref<80x128xf32, #tpu.memory_space<vmem_shared>>
      %dma_start3A_49 = arith.constant 0 : i32
      %dma_start3A_50 = tpu.memref_slice %arg14[%add3A_27, %dma_start3A_49] : memref<10240x128xf32, #tpu.memory_space<vmem_shared>> -> memref<80x128xf32, #tpu.memory_space<vmem_shared>>
      %dma_start3A_51 = arith.constant 0 : i32
      %dma_start3A_52 = arith.constant 0 : i32
      %dma_start3A_53 = tpu.memref_slice %arg11[%run_scoped3A_28, %dma_start3A_51, %dma_start3A_52] : memref<2x80x128xf32, #tpu.memory_space<vmem>> -> memref<1x80x128xf32, #tpu.memory_space<vmem>>
      %dma_start3A_54 = tpu.memref_squeeze %dma_start3A_53 : memref<1x80x128xf32, #tpu.memory_space<vmem>> -> memref<80x128xf32, #tpu.memory_space<vmem>>
      tpu.enqueue_dma source(%dma_start3A_54 : memref<80x128xf32, #tpu.memory_space<vmem>>) target(%dma_start3A_50 : memref<80x128xf32, #tpu.memory_space<vmem_shared>>) target_semaphore(%run_scoped3A_43 : memref<!tpu.dma_semaphore, #tpu.memory_space<semaphore_mem>>)
      %dma_wait3A = arith.constant 0 : i32
      %dma_wait3A_55 = arith.constant 0 : i32
      %dma_wait3A_56 = tpu.memref_slice %arg11[%run_scoped3A_28, %dma_wait3A, %dma_wait3A_55] : memref<2x80x128xf32, #tpu.memory_space<vmem>> -> memref<1x80x128xf32, #tpu.memory_space<vmem>>
      %dma_wait3A_57 = tpu.memref_squeeze %dma_wait3A_56 : memref<1x80x128xf32, #tpu.memory_space<vmem>> -> memref<80x128xf32, #tpu.memory_space<vmem>>
      %dma_wait3A_58 = arith.constant 0 : i32
      %dma_wait3A_59 = tpu.memref_slice %arg14[%add3A_27, %dma_wait3A_58] : memref<10240x128xf32, #tpu.memory_space<vmem_shared>> -> memref<80x128xf32, #tpu.memory_space<vmem_shared>>
      %dma_wait3A_60 = arith.constant 0 : i32
      %dma_wait3A_61 = tpu.memref_slice %arg14[%add3A_27, %dma_wait3A_60] : memref<10240x128xf32, #tpu.memory_space<vmem_shared>> -> memref<80x128xf32, #tpu.memory_space<vmem_shared>>
      %dma_wait3A_62 = arith.constant 0 : i32
      %dma_wait3A_63 = arith.constant 0 : i32
      %dma_wait3A_64 = tpu.memref_slice %arg11[%run_scoped3A_28, %dma_wait3A_62, %dma_wait3A_63] : memref<2x80x128xf32, #tpu.memory_space<vmem>> -> memref<1x80x128xf32, #tpu.memory_space<vmem>>
      %dma_wait3A_65 = tpu.memref_squeeze %dma_wait3A_64 : memref<1x80x128xf32, #tpu.memory_space<vmem>> -> memref<80x128xf32, #tpu.memory_space<vmem>>
      tpu.wait_dma2 semaphore(%run_scoped3A_43 : memref<!tpu.dma_semaphore, #tpu.memory_space<semaphore_mem>>) src(%dma_wait3A_65 : memref<80x128xf32, #tpu.memory_space<vmem>>) dst(%dma_wait3A_61 : memref<80x128xf32, #tpu.memory_space<vmem_shared>>)
      tpu.yield
    }) : () -> ()
    %add3A_29 = arith.constant 480 : i32
    %add3A_30 = arith.addi %mul3A_11, %add3A_29 : i32
    %run_scoped3A_31 = arith.constant 0 : i32
    "tpu.region"() ({
      %run_scoped3A_43 = tpu.sem_alloc : memref<!tpu.dma_semaphore, #tpu.memory_space<semaphore_mem>>
      %dma_start3A = arith.constant 0 : i32
      %dma_start3A_44 = arith.constant 0 : i32
      %dma_start3A_45 = tpu.memref_slice %arg11[%run_scoped3A_31, %dma_start3A, %dma_start3A_44] : memref<2x80x128xf32, #tpu.memory_space<vmem>> -> memref<1x80x128xf32, #tpu.memory_space<vmem>>
      %dma_start3A_46 = tpu.memref_squeeze %dma_start3A_45 : memref<1x80x128xf32, #tpu.memory_space<vmem>> -> memref<80x128xf32, #tpu.memory_space<vmem>>
      %dma_start3A_47 = arith.constant 0 : i32
      %dma_start3A_48 = tpu.memref_slice %arg14[%add3A_30, %dma_start3A_47] : memref<10240x128xf32, #tpu.memory_space<vmem_shared>> -> memref<80x128xf32, #tpu.memory_space<vmem_shared>>
      %dma_start3A_49 = arith.constant 0 : i32
      %dma_start3A_50 = tpu.memref_slice %arg14[%add3A_30, %dma_start3A_49] : memref<10240x128xf32, #tpu.memory_space<vmem_shared>> -> memref<80x128xf32, #tpu.memory_space<vmem_shared>>
      %dma_start3A_51 = arith.constant 0 : i32
      %dma_start3A_52 = arith.constant 0 : i32
      %dma_start3A_53 = tpu.memref_slice %arg11[%run_scoped3A_31, %dma_start3A_51, %dma_start3A_52] : memref<2x80x128xf32, #tpu.memory_space<vmem>> -> memref<1x80x128xf32, #tpu.memory_space<vmem>>
      %dma_start3A_54 = tpu.memref_squeeze %dma_start3A_53 : memref<1x80x128xf32, #tpu.memory_space<vmem>> -> memref<80x128xf32, #tpu.memory_space<vmem>>
      tpu.enqueue_dma source(%dma_start3A_54 : memref<80x128xf32, #tpu.memory_space<vmem>>) target(%dma_start3A_50 : memref<80x128xf32, #tpu.memory_space<vmem_shared>>) target_semaphore(%run_scoped3A_43 : memref<!tpu.dma_semaphore, #tpu.memory_space<semaphore_mem>>)
      %dma_wait3A = arith.constant 0 : i32
      %dma_wait3A_55 = arith.constant 0 : i32
      %dma_wait3A_56 = tpu.memref_slice %arg11[%run_scoped3A_31, %dma_wait3A, %dma_wait3A_55] : memref<2x80x128xf32, #tpu.memory_space<vmem>> -> memref<1x80x128xf32, #tpu.memory_space<vmem>>
      %dma_wait3A_57 = tpu.memref_squeeze %dma_wait3A_56 : memref<1x80x128xf32, #tpu.memory_space<vmem>> -> memref<80x128xf32, #tpu.memory_space<vmem>>
      %dma_wait3A_58 = arith.constant 0 : i32
      %dma_wait3A_59 = tpu.memref_slice %arg14[%add3A_30, %dma_wait3A_58] : memref<10240x128xf32, #tpu.memory_space<vmem_shared>> -> memref<80x128xf32, #tpu.memory_space<vmem_shared>>
      %dma_wait3A_60 = arith.constant 0 : i32
      %dma_wait3A_61 = tpu.memref_slice %arg14[%add3A_30, %dma_wait3A_60] : memref<10240x128xf32, #tpu.memory_space<vmem_shared>> -> memref<80x128xf32, #tpu.memory_space<vmem_shared>>
      %dma_wait3A_62 = arith.constant 0 : i32
      %dma_wait3A_63 = arith.constant 0 : i32
      %dma_wait3A_64 = tpu.memref_slice %arg11[%run_scoped3A_31, %dma_wait3A_62, %dma_wait3A_63] : memref<2x80x128xf32, #tpu.memory_space<vmem>> -> memref<1x80x128xf32, #tpu.memory_space<vmem>>
      %dma_wait3A_65 = tpu.memref_squeeze %dma_wait3A_64 : memref<1x80x128xf32, #tpu.memory_space<vmem>> -> memref<80x128xf32, #tpu.memory_space<vmem>>
      tpu.wait_dma2 semaphore(%run_scoped3A_43 : memref<!tpu.dma_semaphore, #tpu.memory_space<semaphore_mem>>) src(%dma_wait3A_65 : memref<80x128xf32, #tpu.memory_space<vmem>>) dst(%dma_wait3A_61 : memref<80x128xf32, #tpu.memory_space<vmem_shared>>)
      tpu.yield
    }) : () -> ()
    %add3A_32 = arith.constant 560 : i32
    %add3A_33 = arith.addi %mul3A_11, %add3A_32 : i32
    %run_scoped3A_34 = arith.constant 0 : i32
    "tpu.region"() ({
      %run_scoped3A_43 = tpu.sem_alloc : memref<!tpu.dma_semaphore, #tpu.memory_space<semaphore_mem>>
      %dma_start3A = arith.constant 0 : i32
      %dma_start3A_44 = arith.constant 0 : i32
      %dma_start3A_45 = tpu.memref_slice %arg11[%run_scoped3A_34, %dma_start3A, %dma_start3A_44] : memref<2x80x128xf32, #tpu.memory_space<vmem>> -> memref<1x80x128xf32, #tpu.memory_space<vmem>>
      %dma_start3A_46 = tpu.memref_squeeze %dma_start3A_45 : memref<1x80x128xf32, #tpu.memory_space<vmem>> -> memref<80x128xf32, #tpu.memory_space<vmem>>
      %dma_start3A_47 = arith.constant 0 : i32
      %dma_start3A_48 = tpu.memref_slice %arg14[%add3A_33, %dma_start3A_47] : memref<10240x128xf32, #tpu.memory_space<vmem_shared>> -> memref<80x128xf32, #tpu.memory_space<vmem_shared>>
      %dma_start3A_49 = arith.constant 0 : i32
      %dma_start3A_50 = tpu.memref_slice %arg14[%add3A_33, %dma_start3A_49] : memref<10240x128xf32, #tpu.memory_space<vmem_shared>> -> memref<80x128xf32, #tpu.memory_space<vmem_shared>>
      %dma_start3A_51 = arith.constant 0 : i32
      %dma_start3A_52 = arith.constant 0 : i32
      %dma_start3A_53 = tpu.memref_slice %arg11[%run_scoped3A_34, %dma_start3A_51, %dma_start3A_52] : memref<2x80x128xf32, #tpu.memory_space<vmem>> -> memref<1x80x128xf32, #tpu.memory_space<vmem>>
      %dma_start3A_54 = tpu.memref_squeeze %dma_start3A_53 : memref<1x80x128xf32, #tpu.memory_space<vmem>> -> memref<80x128xf32, #tpu.memory_space<vmem>>
      tpu.enqueue_dma source(%dma_start3A_54 : memref<80x128xf32, #tpu.memory_space<vmem>>) target(%dma_start3A_50 : memref<80x128xf32, #tpu.memory_space<vmem_shared>>) target_semaphore(%run_scoped3A_43 : memref<!tpu.dma_semaphore, #tpu.memory_space<semaphore_mem>>)
      %dma_wait3A = arith.constant 0 : i32
      %dma_wait3A_55 = arith.constant 0 : i32
      %dma_wait3A_56 = tpu.memref_slice %arg11[%run_scoped3A_34, %dma_wait3A, %dma_wait3A_55] : memref<2x80x128xf32, #tpu.memory_space<vmem>> -> memref<1x80x128xf32, #tpu.memory_space<vmem>>
      %dma_wait3A_57 = tpu.memref_squeeze %dma_wait3A_56 : memref<1x80x128xf32, #tpu.memory_space<vmem>> -> memref<80x128xf32, #tpu.memory_space<vmem>>
      %dma_wait3A_58 = arith.constant 0 : i32
      %dma_wait3A_59 = tpu.memref_slice %arg14[%add3A_33, %dma_wait3A_58] : memref<10240x128xf32, #tpu.memory_space<vmem_shared>> -> memref<80x128xf32, #tpu.memory_space<vmem_shared>>
      %dma_wait3A_60 = arith.constant 0 : i32
      %dma_wait3A_61 = tpu.memref_slice %arg14[%add3A_33, %dma_wait3A_60] : memref<10240x128xf32, #tpu.memory_space<vmem_shared>> -> memref<80x128xf32, #tpu.memory_space<vmem_shared>>
      %dma_wait3A_62 = arith.constant 0 : i32
      %dma_wait3A_63 = arith.constant 0 : i32
      %dma_wait3A_64 = tpu.memref_slice %arg11[%run_scoped3A_34, %dma_wait3A_62, %dma_wait3A_63] : memref<2x80x128xf32, #tpu.memory_space<vmem>> -> memref<1x80x128xf32, #tpu.memory_space<vmem>>
      %dma_wait3A_65 = tpu.memref_squeeze %dma_wait3A_64 : memref<1x80x128xf32, #tpu.memory_space<vmem>> -> memref<80x128xf32, #tpu.memory_space<vmem>>
      tpu.wait_dma2 semaphore(%run_scoped3A_43 : memref<!tpu.dma_semaphore, #tpu.memory_space<semaphore_mem>>) src(%dma_wait3A_65 : memref<80x128xf32, #tpu.memory_space<vmem>>) dst(%dma_wait3A_61 : memref<80x128xf32, #tpu.memory_space<vmem_shared>>)
      tpu.yield
    }) : () -> ()
    %barrier3A = arith.constant 0 : index
    tpu.barrier barrier_id(%barrier3A)
    %scan3A_35 = arith.constant 0 : i32
    %scan3A_36 = arith.constant 0 : i32
    %scan3A_37 = arith.constant 5 : i32
    %scan3A_38 = arith.addi %scan3A_36, %scan3A_37 : i32
    %scan3A_39 = arith.constant 1 : i32
    %scan3A_40 = scf.for %scan3A_43 = %scan3A_36 to %scan3A_38 step %scan3A_39 iter_args(%scan3A_44 = %scan3A_35) -> (i32)  : i32 {
      %mul3A_45 = arith.constant 2000 : i32
      %mul3A_46 = arith.muli %scan3A_43, %mul3A_45 : i32
      %add3A_47 = arith.addi %mul3A_2, %mul3A_46 : i32
      "tpu.region"() ({
        %run_scoped3A_126 = tpu.sem_alloc : memref<!tpu.dma_semaphore, #tpu.memory_space<semaphore_mem>>
        %dma_start3A_127 = tpu.memref_slice %arg3[%add3A_47] : memref<320000xi32, #tpu.memory_space<hbm>> -> memref<2000xi32, #tpu.memory_space<hbm>>
        %dma_start3A_128 = tpu.memref_slice %arg3[%add3A_47] : memref<320000xi32, #tpu.memory_space<hbm>> -> memref<2000xi32, #tpu.memory_space<hbm>>
        tpu.enqueue_dma source(%dma_start3A_128 : memref<2000xi32, #tpu.memory_space<hbm>>) target(%arg7 : memref<2000xi32, #tpu.memory_space<vmem>>) target_semaphore(%run_scoped3A_126 : memref<!tpu.dma_semaphore, #tpu.memory_space<semaphore_mem>>)
        %dma_wait3A_129 = tpu.memref_slice %arg3[%add3A_47] : memref<320000xi32, #tpu.memory_space<hbm>> -> memref<2000xi32, #tpu.memory_space<hbm>>
        %dma_wait3A_130 = tpu.memref_slice %arg3[%add3A_47] : memref<320000xi32, #tpu.memory_space<hbm>> -> memref<2000xi32, #tpu.memory_space<hbm>>
        tpu.wait_dma2 semaphore(%run_scoped3A_126 : memref<!tpu.dma_semaphore, #tpu.memory_space<semaphore_mem>>) src(%dma_wait3A_130 : memref<2000xi32, #tpu.memory_space<hbm>>) dst(%arg7 : memref<2000xi32, #tpu.memory_space<vmem>>)
        tpu.yield
      }) : () -> ()
      %mul3A_48 = arith.constant 2000 : i32
      %mul3A_49 = arith.muli %scan3A_43, %mul3A_48 : i32
      %add3A_50 = arith.addi %mul3A_2, %mul3A_49 : i32
      "tpu.region"() ({
        %run_scoped3A_126 = tpu.sem_alloc : memref<!tpu.dma_semaphore, #tpu.memory_space<semaphore_mem>>
        %dma_start3A_127 = tpu.memref_slice %arg5[%add3A_50] : memref<320000xf32, #tpu.memory_space<hbm>> -> memref<2000xf32, #tpu.memory_space<hbm>>
        %dma_start3A_128 = tpu.memref_slice %arg5[%add3A_50] : memref<320000xf32, #tpu.memory_space<hbm>> -> memref<2000xf32, #tpu.memory_space<hbm>>
        tpu.enqueue_dma source(%dma_start3A_128 : memref<2000xf32, #tpu.memory_space<hbm>>) target(%arg9 : memref<2000xf32, #tpu.memory_space<vmem>>) target_semaphore(%run_scoped3A_126 : memref<!tpu.dma_semaphore, #tpu.memory_space<semaphore_mem>>)
        %dma_wait3A_129 = tpu.memref_slice %arg5[%add3A_50] : memref<320000xf32, #tpu.memory_space<hbm>> -> memref<2000xf32, #tpu.memory_space<hbm>>
        %dma_wait3A_130 = tpu.memref_slice %arg5[%add3A_50] : memref<320000xf32, #tpu.memory_space<hbm>> -> memref<2000xf32, #tpu.memory_space<hbm>>
        tpu.wait_dma2 semaphore(%run_scoped3A_126 : memref<!tpu.dma_semaphore, #tpu.memory_space<semaphore_mem>>) src(%dma_wait3A_130 : memref<2000xf32, #tpu.memory_space<hbm>>) dst(%arg9 : memref<2000xf32, #tpu.memory_space<vmem>>)
        tpu.yield
      }) : () -> ()
      "tpu.region"() ({
        %run_scoped3A_126 = tpu.sem_alloc : memref<!tpu.dma_semaphore, #tpu.memory_space<semaphore_mem>>
        %dma_start3A_127 = arith.constant 0 : i32
        %dma_start3A_128 = arith.constant 0 : i32
        %dma_start3A_129 = tpu.memref_slice %arg4[%add3A, %scan3A_43, %dma_start3A_127, %dma_start3A_128] : memref<32x5x25x80xi32, #tpu.memory_space<hbm>> -> memref<1x1x25x80xi32, #tpu.memory_space<hbm>>
        %dma_start3A_130 = tpu.memref_squeeze %dma_start3A_129 : memref<1x1x25x80xi32, #tpu.memory_space<hbm>> -> memref<25x80xi32, #tpu.memory_space<hbm>>
        %dma_start3A_131 = arith.constant 0 : i32
        %dma_start3A_132 = arith.constant 0 : i32
        %dma_start3A_133 = tpu.memref_slice %arg4[%add3A, %scan3A_43, %dma_start3A_131, %dma_start3A_132] : memref<32x5x25x80xi32, #tpu.memory_space<hbm>> -> memref<1x1x25x80xi32, #tpu.memory_space<hbm>>
        %dma_start3A_134 = tpu.memref_squeeze %dma_start3A_133 : memref<1x1x25x80xi32, #tpu.memory_space<hbm>> -> memref<25x80xi32, #tpu.memory_space<hbm>>
        tpu.enqueue_dma source(%dma_start3A_134 : memref<25x80xi32, #tpu.memory_space<hbm>>) target(%arg8 : memref<25x80xi32, #tpu.memory_space<vmem>>) target_semaphore(%run_scoped3A_126 : memref<!tpu.dma_semaphore, #tpu.memory_space<semaphore_mem>>)
        %dma_wait3A_135 = arith.constant 0 : i32
        %dma_wait3A_136 = arith.constant 0 : i32
        %dma_wait3A_137 = tpu.memref_slice %arg4[%add3A, %scan3A_43, %dma_wait3A_135, %dma_wait3A_136] : memref<32x5x25x80xi32, #tpu.memory_space<hbm>> -> memref<1x1x25x80xi32, #tpu.memory_space<hbm>>
        %dma_wait3A_138 = tpu.memref_squeeze %dma_wait3A_137 : memref<1x1x25x80xi32, #tpu.memory_space<hbm>> -> memref<25x80xi32, #tpu.memory_space<hbm>>
        %dma_wait3A_139 = arith.constant 0 : i32
        %dma_wait3A_140 = arith.constant 0 : i32
        %dma_wait3A_141 = tpu.memref_slice %arg4[%add3A, %scan3A_43, %dma_wait3A_139, %dma_wait3A_140] : memref<32x5x25x80xi32, #tpu.memory_space<hbm>> -> memref<1x1x25x80xi32, #tpu.memory_space<hbm>>
        %dma_wait3A_142 = tpu.memref_squeeze %dma_wait3A_141 : memref<1x1x25x80xi32, #tpu.memory_space<hbm>> -> memref<25x80xi32, #tpu.memory_space<hbm>>
        tpu.wait_dma2 semaphore(%run_scoped3A_126 : memref<!tpu.dma_semaphore, #tpu.memory_space<semaphore_mem>>) src(%dma_wait3A_142 : memref<25x80xi32, #tpu.memory_space<hbm>>) dst(%arg8 : memref<25x80xi32, #tpu.memory_space<vmem>>)
        tpu.yield
      }) : () -> ()
      %dma_start3A = arith.constant 0 : i32
      %dma_start3A_51 = arith.constant 0 : i32
      %dma_start3A_52 = arith.constant 0 : i32
      %dma_start3A_53 = arith.constant 0 : i32
      %dma_start3A_54 = tpu.memref_slice %arg10[%dma_start3A, %dma_start3A_52, %dma_start3A_53] : memref<3x80x64xi32, #tpu.memory_space<vmem>> -> memref<1x80x64xi32, #tpu.memory_space<vmem>>
      %dma_start3A_55 = tpu.memref_squeeze %dma_start3A_54 : memref<1x80x64xi32, #tpu.memory_space<vmem>> -> memref<80x64xi32, #tpu.memory_space<vmem>>
      %dma_start3A_56 = arith.constant 0 : i32
      %dma_start3A_57 = tpu.memref_slice %arg7[%dma_start3A_56] : memref<2000xi32, #tpu.memory_space<vmem>> -> memref<80xi32, #tpu.memory_space<vmem>>
      %dma_start3A_58 = arith.constant 0 : i32
      %dma_start3A_59 = arith.constant 0 : i32
      %dma_start3A_60 = tpu.memref_slice %arg2[%dma_start3A_58, %dma_start3A_59] : memref<10000x64xi32, #tpu.memory_space<hbm>> -> memref<10000x64xi32, #tpu.memory_space<hbm>>
      %dma_start3A_61 = tpu.memref_slice %arg12[%dma_start3A_51] : memref<3x!tpu.dma_semaphore, #tpu.memory_space<semaphore_mem>> -> memref<1x!tpu.dma_semaphore, #tpu.memory_space<semaphore_mem>>
      %dma_start3A_62 = tpu.memref_squeeze %dma_start3A_61 : memref<1x!tpu.dma_semaphore, #tpu.memory_space<semaphore_mem>> -> memref<!tpu.dma_semaphore, #tpu.memory_space<semaphore_mem>>
      tpu.enqueue_indirect_dma source(%dma_start3A_60 : memref<10000x64xi32, #tpu.memory_space<hbm>>) target(%dma_start3A_55 : memref<80x64xi32, #tpu.memory_space<vmem>>) offsets(%dma_start3A_57 : memref<80xi32, #tpu.memory_space<vmem>>) semaphore(%dma_start3A_62 : memref<!tpu.dma_semaphore, #tpu.memory_space<semaphore_mem>>)
      %dma_start3A_63 = arith.constant 1 : i32
      %dma_start3A_64 = arith.constant 1 : i32
      %dma_start3A_65 = arith.constant 0 : i32
      %dma_start3A_66 = arith.constant 0 : i32
      %dma_start3A_67 = tpu.memref_slice %arg10[%dma_start3A_63, %dma_start3A_65, %dma_start3A_66] : memref<3x80x64xi32, #tpu.memory_space<vmem>> -> memref<1x80x64xi32, #tpu.memory_space<vmem>>
      %dma_start3A_68 = tpu.memref_squeeze %dma_start3A_67 : memref<1x80x64xi32, #tpu.memory_space<vmem>> -> memref<80x64xi32, #tpu.memory_space<vmem>>
      %dma_start3A_69 = arith.constant 80 : i32
      %dma_start3A_70 = tpu.memref_slice %arg7[%dma_start3A_69] : memref<2000xi32, #tpu.memory_space<vmem>> -> memref<80xi32, #tpu.memory_space<vmem>>
      %dma_start3A_71 = arith.constant 0 : i32
      %dma_start3A_72 = arith.constant 0 : i32
      %dma_start3A_73 = tpu.memref_slice %arg2[%dma_start3A_71, %dma_start3A_72] : memref<10000x64xi32, #tpu.memory_space<hbm>> -> memref<10000x64xi32, #tpu.memory_space<hbm>>
      %dma_start3A_74 = tpu.memref_slice %arg12[%dma_start3A_64] : memref<3x!tpu.dma_semaphore, #tpu.memory_space<semaphore_mem>> -> memref<1x!tpu.dma_semaphore, #tpu.memory_space<semaphore_mem>>
      %dma_start3A_75 = tpu.memref_squeeze %dma_start3A_74 : memref<1x!tpu.dma_semaphore, #tpu.memory_space<semaphore_mem>> -> memref<!tpu.dma_semaphore, #tpu.memory_space<semaphore_mem>>
      tpu.enqueue_indirect_dma source(%dma_start3A_73 : memref<10000x64xi32, #tpu.memory_space<hbm>>) target(%dma_start3A_68 : memref<80x64xi32, #tpu.memory_space<vmem>>) offsets(%dma_start3A_70 : memref<80xi32, #tpu.memory_space<vmem>>) semaphore(%dma_start3A_75 : memref<!tpu.dma_semaphore, #tpu.memory_space<semaphore_mem>>)
      %dma_start3A_76 = arith.constant 2 : i32
      %dma_start3A_77 = arith.constant 2 : i32
      %dma_start3A_78 = arith.constant 0 : i32
      %dma_start3A_79 = arith.constant 0 : i32
      %dma_start3A_80 = tpu.memref_slice %arg10[%dma_start3A_76, %dma_start3A_78, %dma_start3A_79] : memref<3x80x64xi32, #tpu.memory_space<vmem>> -> memref<1x80x64xi32, #tpu.memory_space<vmem>>
      %dma_start3A_81 = tpu.memref_squeeze %dma_start3A_80 : memref<1x80x64xi32, #tpu.memory_space<vmem>> -> memref<80x64xi32, #tpu.memory_space<vmem>>
      %dma_start3A_82 = arith.constant 160 : i32
      %dma_start3A_83 = tpu.memref_slice %arg7[%dma_start3A_82] : memref<2000xi32, #tpu.memory_space<vmem>> -> memref<80xi32, #tpu.memory_space<vmem>>
      %dma_start3A_84 = arith.constant 0 : i32
      %dma_start3A_85 = arith.constant 0 : i32
      %dma_start3A_86 = tpu.memref_slice %arg2[%dma_start3A_84, %dma_start3A_85] : memref<10000x64xi32, #tpu.memory_space<hbm>> -> memref<10000x64xi32, #tpu.memory_space<hbm>>
      %dma_start3A_87 = tpu.memref_slice %arg12[%dma_start3A_77] : memref<3x!tpu.dma_semaphore, #tpu.memory_space<semaphore_mem>> -> memref<1x!tpu.dma_semaphore, #tpu.memory_space<semaphore_mem>>
      %dma_start3A_88 = tpu.memref_squeeze %dma_start3A_87 : memref<1x!tpu.dma_semaphore, #tpu.memory_space<semaphore_mem>> -> memref<!tpu.dma_semaphore, #tpu.memory_space<semaphore_mem>>
      tpu.enqueue_indirect_dma source(%dma_start3A_86 : memref<10000x64xi32, #tpu.memory_space<hbm>>) target(%dma_start3A_81 : memref<80x64xi32, #tpu.memory_space<vmem>>) offsets(%dma_start3A_83 : memref<80xi32, #tpu.memory_space<vmem>>) semaphore(%dma_start3A_88 : memref<!tpu.dma_semaphore, #tpu.memory_space<semaphore_mem>>)
      %scan3A_89 = arith.constant 0 : i32
      %scan3A_90 = arith.constant 0 : i32
      %scan3A_91 = arith.constant 5 : i32
      %scan3A_92 = arith.addi %scan3A_90, %scan3A_91 : i32
      %scan3A_93 = arith.constant 1 : i32
      %scan3A_94 = scf.for %scan3A_126 = %scan3A_90 to %scan3A_92 step %scan3A_93 iter_args(%scan3A_127 = %scan3A_89) -> (i32)  : i32 {
        %mul3A_128 = arith.constant 6 : i32
        %mul3A_129 = arith.muli %scan3A_126, %mul3A_128 : i32
        %add3A_130 = arith.constant 0 : i32
        %add3A_131 = arith.addi %mul3A_129, %add3A_130 : i32
        %lt3A = arith.constant 25 : i32
        %lt3A_132 = arith.cmpi slt, %add3A_131, %lt3A : i32
        %convert_element_type3A = arith.extui %lt3A_132 : i1 to i32
        %cond3A = arith.constant 0 : i32
        %cond3A_133 = arith.cmpi ne, %convert_element_type3A, %cond3A : i32
        scf.if %cond3A_133 {
          %mul3A_180 = arith.constant 80 : i32
          %mul3A_181 = arith.muli %add3A_131, %mul3A_180 : i32
          %dma_wait3A_182 = arith.constant 0 : i32
          %dma_wait3A_183 = arith.constant 0 : i32
          %dma_wait3A_184 = arith.constant 0 : i32
          %dma_wait3A_185 = arith.constant 0 : i32
          %dma_wait3A_186 = tpu.memref_slice %arg10[%dma_wait3A_182, %dma_wait3A_184, %dma_wait3A_185] : memref<3x80x64xi32, #tpu.memory_space<vmem>> -> memref<1x80x64xi32, #tpu.memory_space<vmem>>
          %dma_wait3A_187 = tpu.memref_squeeze %dma_wait3A_186 : memref<1x80x64xi32, #tpu.memory_space<vmem>> -> memref<80x64xi32, #tpu.memory_space<vmem>>
          %dma_wait3A_188 = tpu.memref_slice %arg7[%mul3A_181] : memref<2000xi32, #tpu.memory_space<vmem>> -> memref<80xi32, #tpu.memory_space<vmem>>
          %dma_wait3A_189 = arith.constant 0 : i32
          %dma_wait3A_190 = arith.constant 0 : i32
          %dma_wait3A_191 = tpu.memref_slice %arg2[%dma_wait3A_189, %dma_wait3A_190] : memref<10000x64xi32, #tpu.memory_space<hbm>> -> memref<10000x64xi32, #tpu.memory_space<hbm>>
          %dma_wait3A_192 = tpu.memref_slice %arg12[%dma_wait3A_183] : memref<3x!tpu.dma_semaphore, #tpu.memory_space<semaphore_mem>> -> memref<1x!tpu.dma_semaphore, #tpu.memory_space<semaphore_mem>>
          %dma_wait3A_193 = tpu.memref_squeeze %dma_wait3A_192 : memref<1x!tpu.dma_semaphore, #tpu.memory_space<semaphore_mem>> -> memref<!tpu.dma_semaphore, #tpu.memory_space<semaphore_mem>>
          tpu.wait_indirect_dma semaphore(%dma_wait3A_193 : memref<!tpu.dma_semaphore, #tpu.memory_space<semaphore_mem>>) src(%dma_wait3A_191 : memref<10000x64xi32, #tpu.memory_space<hbm>>) dst(%dma_wait3A_187 : memref<80x64xi32, #tpu.memory_space<vmem>>)
          %ge3A = arith.constant 2 : i32
          %ge3A_194 = arith.cmpi sge, %add3A_131, %ge3A : i32
          %convert_element_type3A_195 = arith.extui %ge3A_194 : i1 to i32
          %cond3A_196 = arith.constant 0 : i32
          %cond3A_197 = arith.cmpi ne, %convert_element_type3A_195, %cond3A_196 : i32
          scf.if %cond3A_197 {
            %sub3A = arith.constant 2 : i32
            %sub3A_221 = arith.subi %add3A_131, %sub3A : i32
            %dma_wait3A_222 = arith.constant 0 : i32
            %dma_wait3A_223 = arith.constant 0 : i32
            %dma_wait3A_224 = arith.constant 0 : i32
            %dma_wait3A_225 = arith.constant 0 : i32
            %dma_wait3A_226 = tpu.memref_slice %arg11[%dma_wait3A_222, %dma_wait3A_224, %dma_wait3A_225] : memref<2x80x128xf32, #tpu.memory_space<vmem>> -> memref<1x80x128xf32, #tpu.memory_space<vmem>>
            %dma_wait3A_227 = tpu.memref_squeeze %dma_wait3A_226 : memref<1x80x128xf32, #tpu.memory_space<vmem>> -> memref<80x128xf32, #tpu.memory_space<vmem>>
            %dma_wait3A_228 = arith.constant 0 : i32
            %dma_wait3A_229 = tpu.memref_slice %arg8[%sub3A_221, %dma_wait3A_228] : memref<25x80xi32, #tpu.memory_space<vmem>> -> memref<1x80xi32, #tpu.memory_space<vmem>>
            %dma_wait3A_230 = tpu.memref_squeeze %dma_wait3A_229 : memref<1x80xi32, #tpu.memory_space<vmem>> -> memref<80xi32, #tpu.memory_space<vmem>>
            %dma_wait3A_231 = arith.constant 0 : i32
            %dma_wait3A_232 = arith.constant 0 : i32
            %dma_wait3A_233 = tpu.memref_slice %arg14[%dma_wait3A_231, %dma_wait3A_232] : memref<10240x128xf32, #tpu.memory_space<vmem_shared>> -> memref<10240x128xf32, #tpu.memory_space<vmem_shared>>
            %dma_wait3A_234 = tpu.memref_slice %arg13[%dma_wait3A_223] : memref<2x!tpu.dma_semaphore, #tpu.memory_space<semaphore_mem>> -> memref<1x!tpu.dma_semaphore, #tpu.memory_space<semaphore_mem>>
            %dma_wait3A_235 = tpu.memref_squeeze %dma_wait3A_234 : memref<1x!tpu.dma_semaphore, #tpu.memory_space<semaphore_mem>> -> memref<!tpu.dma_semaphore, #tpu.memory_space<semaphore_mem>>
            tpu.wait_indirect_dma semaphore(%dma_wait3A_235 : memref<!tpu.dma_semaphore, #tpu.memory_space<semaphore_mem>>) src(%dma_wait3A_227 : memref<80x128xf32, #tpu.memory_space<vmem>>) dst(%dma_wait3A_233 : memref<10240x128xf32, #tpu.memory_space<vmem_shared>>)
          } else {
          }
          %parallel_loop3A = arith.constant 0 : i32
          %parallel_loop3A_198 = arith.constant 80 : i32
          %parallel_loop3A_199 = arith.constant 1 : i32
          scf.for %parallel_loop3A_221 = %parallel_loop3A to %parallel_loop3A_198 step %parallel_loop3A_199  : i32 {
            %parallel_loop3A_222 = arith.constant 80 : i32
            %parallel_loop3A_223 = arith.muli %add3A_131, %parallel_loop3A_222 : i32
            %parallel_loop3A_224 = arith.addi %parallel_loop3A_223, %parallel_loop3A_221 : i32
            %parallel_loop3A_225 = vector.broadcast %parallel_loop3A_224 : i32 to vector<16xi32>
            %parallel_loop3A_226 = tpu.vector_load_idx %arg9[%parallel_loop3A_225] : memref<2000xf32, #tpu.memory_space<vmem>>[vector<16xi32>], vector<16xf32>,
            %parallel_loop3A_227 = arith.constant 0 : i32
            %parallel_loop3A_228 = arith.index_cast %parallel_loop3A_227 : i32 to index
            %parallel_loop3A_229 = arith.index_cast %parallel_loop3A_221 : i32 to index
            %parallel_loop3A_230 = arith.constant 0 : index
            %parallel_loop3A_231 = tpu.vector_load %arg10[%parallel_loop3A_228, %parallel_loop3A_229, %parallel_loop3A_230] {strides = array<i32>} : memref<3x80x64xi32, #tpu.memory_space<vmem>>, vector<16xi32>,
            %parallel_loop3A_232 = vector.bitcast %parallel_loop3A_231 : vector<16xi32> to vector<32xbf16>
            %parallel_loop3A_233 = tpu.unpack_subelements %parallel_loop3A_232, 0 {pack_format = #tpu.pack_format<interleaved>} : vector<32xbf16> -> vector<16xf32>
            %parallel_loop3A_234 = tpu.unpack_subelements %parallel_loop3A_232, 1 {pack_format = #tpu.pack_format<interleaved>} : vector<32xbf16> -> vector<16xf32>
            %parallel_loop3A_235 = arith.mulf %parallel_loop3A_233, %parallel_loop3A_226 : vector<16xf32>
            %parallel_loop3A_236 = arith.constant 0 : i32
            %parallel_loop3A_237 = arith.index_cast %parallel_loop3A_236 : i32 to index
            %parallel_loop3A_238 = arith.index_cast %parallel_loop3A_221 : i32 to index
            %parallel_loop3A_239 = arith.constant 0 : index
            %parallel_loop3A_240 = tpu.vector_load %arg11[%parallel_loop3A_237, %parallel_loop3A_238, %parallel_loop3A_239] {strides = array<i32>} : memref<2x80x128xf32, #tpu.memory_space<vmem>>, vector<16xf32>,
            tpu.vector_store %arg11[%parallel_loop3A_237, %parallel_loop3A_238, %parallel_loop3A_239], %parallel_loop3A_235 {strides = array<i32>} : memref<2x80x128xf32, #tpu.memory_space<vmem>>, vector<16xf32>,
            %parallel_loop3A_241 = arith.mulf %parallel_loop3A_234, %parallel_loop3A_226 : vector<16xf32>
            %parallel_loop3A_242 = arith.constant 0 : i32
            %parallel_loop3A_243 = arith.index_cast %parallel_loop3A_242 : i32 to index
            %parallel_loop3A_244 = arith.index_cast %parallel_loop3A_221 : i32 to index
            %parallel_loop3A_245 = arith.constant 16 : index
            %parallel_loop3A_246 = tpu.vector_load %arg11[%parallel_loop3A_243, %parallel_loop3A_244, %parallel_loop3A_245] {strides = array<i32>} : memref<2x80x128xf32, #tpu.memory_space<vmem>>, vector<16xf32>,
            tpu.vector_store %arg11[%parallel_loop3A_243, %parallel_loop3A_244, %parallel_loop3A_245], %parallel_loop3A_241 {strides = array<i32>} : memref<2x80x128xf32, #tpu.memory_space<vmem>>, vector<16xf32>,
            %parallel_loop3A_247 = arith.constant 0 : i32
            %parallel_loop3A_248 = arith.index_cast %parallel_loop3A_247 : i32 to index
            %parallel_loop3A_249 = arith.index_cast %parallel_loop3A_221 : i32 to index
            %parallel_loop3A_250 = arith.constant 16 : index
            %parallel_loop3A_251 = tpu.vector_load %arg10[%parallel_loop3A_248, %parallel_loop3A_249, %parallel_loop3A_250] {strides = array<i32>} : memref<3x80x64xi32, #tpu.memory_space<vmem>>, vector<16xi32>,
            %parallel_loop3A_252 = vector.bitcast %parallel_loop3A_251 : vector<16xi32> to vector<32xbf16>
            %parallel_loop3A_253 = tpu.unpack_subelements %parallel_loop3A_252, 0 {pack_format = #tpu.pack_format<interleaved>} : vector<32xbf16> -> vector<16xf32>
            %parallel_loop3A_254 = tpu.unpack_subelements %parallel_loop3A_252, 1 {pack_format = #tpu.pack_format<interleaved>} : vector<32xbf16> -> vector<16xf32>
            %parallel_loop3A_255 = arith.mulf %parallel_loop3A_253, %parallel_loop3A_226 : vector<16xf32>
            %parallel_loop3A_256 = arith.constant 0 : i32
            %parallel_loop3A_257 = arith.index_cast %parallel_loop3A_256 : i32 to index
            %parallel_loop3A_258 = arith.index_cast %parallel_loop3A_221 : i32 to index
            %parallel_loop3A_259 = arith.constant 32 : index
            %parallel_loop3A_260 = tpu.vector_load %arg11[%parallel_loop3A_257, %parallel_loop3A_258, %parallel_loop3A_259] {strides = array<i32>} : memref<2x80x128xf32, #tpu.memory_space<vmem>>, vector<16xf32>,
            tpu.vector_store %arg11[%parallel_loop3A_257, %parallel_loop3A_258, %parallel_loop3A_259], %parallel_loop3A_255 {strides = array<i32>} : memref<2x80x128xf32, #tpu.memory_space<vmem>>, vector<16xf32>,
            %parallel_loop3A_261 = arith.mulf %parallel_loop3A_254, %parallel_loop3A_226 : vector<16xf32>
            %parallel_loop3A_262 = arith.constant 0 : i32
            %parallel_loop3A_263 = arith.index_cast %parallel_loop3A_262 : i32 to index
            %parallel_loop3A_264 = arith.index_cast %parallel_loop3A_221 : i32 to index
            %parallel_loop3A_265 = arith.constant 48 : index
            %parallel_loop3A_266 = tpu.vector_load %arg11[%parallel_loop3A_263, %parallel_loop3A_264, %parallel_loop3A_265] {strides = array<i32>} : memref<2x80x128xf32, #tpu.memory_space<vmem>>, vector<16xf32>,
            tpu.vector_store %arg11[%parallel_loop3A_263, %parallel_loop3A_264, %parallel_loop3A_265], %parallel_loop3A_261 {strides = array<i32>} : memref<2x80x128xf32, #tpu.memory_space<vmem>>, vector<16xf32>,
            %parallel_loop3A_267 = arith.constant 0 : i32
            %parallel_loop3A_268 = arith.index_cast %parallel_loop3A_267 : i32 to index
            %parallel_loop3A_269 = arith.index_cast %parallel_loop3A_221 : i32 to index
            %parallel_loop3A_270 = arith.constant 32 : index
            %parallel_loop3A_271 = tpu.vector_load %arg10[%parallel_loop3A_268, %parallel_loop3A_269, %parallel_loop3A_270] {strides = array<i32>} : memref<3x80x64xi32, #tpu.memory_space<vmem>>, vector<16xi32>,
            %parallel_loop3A_272 = vector.bitcast %parallel_loop3A_271 : vector<16xi32> to vector<32xbf16>
            %parallel_loop3A_273 = tpu.unpack_subelements %parallel_loop3A_272, 0 {pack_format = #tpu.pack_format<interleaved>} : vector<32xbf16> -> vector<16xf32>
            %parallel_loop3A_274 = tpu.unpack_subelements %parallel_loop3A_272, 1 {pack_format = #tpu.pack_format<interleaved>} : vector<32xbf16> -> vector<16xf32>
            %parallel_loop3A_275 = arith.mulf %parallel_loop3A_273, %parallel_loop3A_226 : vector<16xf32>
            %parallel_loop3A_276 = arith.constant 0 : i32
            %parallel_loop3A_277 = arith.index_cast %parallel_loop3A_276 : i32 to index
            %parallel_loop3A_278 = arith.index_cast %parallel_loop3A_221 : i32 to index
            %parallel_loop3A_279 = arith.constant 64 : index
            %parallel_loop3A_280 = tpu.vector_load %arg11[%parallel_loop3A_277, %parallel_loop3A_278, %parallel_loop3A_279] {strides = array<i32>} : memref<2x80x128xf32, #tpu.memory_space<vmem>>, vector<16xf32>,
            tpu.vector_store %arg11[%parallel_loop3A_277, %parallel_loop3A_278, %parallel_loop3A_279], %parallel_loop3A_275 {strides = array<i32>} : memref<2x80x128xf32, #tpu.memory_space<vmem>>, vector<16xf32>,
            %parallel_loop3A_281 = arith.mulf %parallel_loop3A_274, %parallel_loop3A_226 : vector<16xf32>
            %parallel_loop3A_282 = arith.constant 0 : i32
            %parallel_loop3A_283 = arith.index_cast %parallel_loop3A_282 : i32 to index
            %parallel_loop3A_284 = arith.index_cast %parallel_loop3A_221 : i32 to index
            %parallel_loop3A_285 = arith.constant 80 : index
            %parallel_loop3A_286 = tpu.vector_load %arg11[%parallel_loop3A_283, %parallel_loop3A_284, %parallel_loop3A_285] {strides = array<i32>} : memref<2x80x128xf32, #tpu.memory_space<vmem>>, vector<16xf32>,
            tpu.vector_store %arg11[%parallel_loop3A_283, %parallel_loop3A_284, %parallel_loop3A_285], %parallel_loop3A_281 {strides = array<i32>} : memref<2x80x128xf32, #tpu.memory_space<vmem>>, vector<16xf32>,
            %parallel_loop3A_287 = arith.constant 0 : i32
            %parallel_loop3A_288 = arith.index_cast %parallel_loop3A_287 : i32 to index
            %parallel_loop3A_289 = arith.index_cast %parallel_loop3A_221 : i32 to index
            %parallel_loop3A_290 = arith.constant 48 : index
            %parallel_loop3A_291 = tpu.vector_load %arg10[%parallel_loop3A_288, %parallel_loop3A_289, %parallel_loop3A_290] {strides = array<i32>} : memref<3x80x64xi32, #tpu.memory_space<vmem>>, vector<16xi32>,
            %parallel_loop3A_292 = vector.bitcast %parallel_loop3A_291 : vector<16xi32> to vector<32xbf16>
            %parallel_loop3A_293 = tpu.unpack_subelements %parallel_loop3A_292, 0 {pack_format = #tpu.pack_format<interleaved>} : vector<32xbf16> -> vector<16xf32>
            %parallel_loop3A_294 = tpu.unpack_subelements %parallel_loop3A_292, 1 {pack_format = #tpu.pack_format<interleaved>} : vector<32xbf16> -> vector<16xf32>
            %parallel_loop3A_295 = arith.mulf %parallel_loop3A_293, %parallel_loop3A_226 : vector<16xf32>
            %parallel_loop3A_296 = arith.constant 0 : i32
            %parallel_loop3A_297 = arith.index_cast %parallel_loop3A_296 : i32 to index
            %parallel_loop3A_298 = arith.index_cast %parallel_loop3A_221 : i32 to index
            %parallel_loop3A_299 = arith.constant 96 : index
            %parallel_loop3A_300 = tpu.vector_load %arg11[%parallel_loop3A_297, %parallel_loop3A_298, %parallel_loop3A_299] {strides = array<i32>} : memref<2x80x128xf32, #tpu.memory_space<vmem>>, vector<16xf32>,
            tpu.vector_store %arg11[%parallel_loop3A_297, %parallel_loop3A_298, %parallel_loop3A_299], %parallel_loop3A_295 {strides = array<i32>} : memref<2x80x128xf32, #tpu.memory_space<vmem>>, vector<16xf32>,
            %parallel_loop3A_301 = arith.mulf %parallel_loop3A_294, %parallel_loop3A_226 : vector<16xf32>
            %parallel_loop3A_302 = arith.constant 0 : i32
            %parallel_loop3A_303 = arith.index_cast %parallel_loop3A_302 : i32 to index
            %parallel_loop3A_304 = arith.index_cast %parallel_loop3A_221 : i32 to index
            %parallel_loop3A_305 = arith.constant 112 : index
            %parallel_loop3A_306 = tpu.vector_load %arg11[%parallel_loop3A_303, %parallel_loop3A_304, %parallel_loop3A_305] {strides = array<i32>} : memref<2x80x128xf32, #tpu.memory_space<vmem>>, vector<16xf32>,
            tpu.vector_store %arg11[%parallel_loop3A_303, %parallel_loop3A_304, %parallel_loop3A_305], %parallel_loop3A_301 {strides = array<i32>} : memref<2x80x128xf32, #tpu.memory_space<vmem>>, vector<16xf32>,
          } {sc.loop_unroll_factor = 8 : i64, sc.parallel_access}
          %dma_start3A_200 = arith.constant 0 : i32
          %dma_start3A_201 = arith.constant 0 : i32
          %dma_start3A_202 = arith.constant 0 : i32
          %dma_start3A_203 = arith.constant 0 : i32
          %dma_start3A_204 = tpu.memref_slice %arg11[%dma_start3A_200, %dma_start3A_202, %dma_start3A_203] : memref<2x80x128xf32, #tpu.memory_space<vmem>> -> memref<1x80x128xf32, #tpu.memory_space<vmem>>
          %dma_start3A_205 = tpu.memref_squeeze %dma_start3A_204 : memref<1x80x128xf32, #tpu.memory_space<vmem>> -> memref<80x128xf32, #tpu.memory_space<vmem>>
          %dma_start3A_206 = arith.constant 0 : i32
          %dma_start3A_207 = tpu.memref_slice %arg8[%add3A_131, %dma_start3A_206] : memref<25x80xi32, #tpu.memory_space<vmem>> -> memref<1x80xi32, #tpu.memory_space<vmem>>
          %dma_start3A_208 = tpu.memref_squeeze %dma_start3A_207 : memref<1x80xi32, #tpu.memory_space<vmem>> -> memref<80xi32, #tpu.memory_space<vmem>>
          %dma_start3A_209 = arith.constant 0 : i32
          %dma_start3A_210 = arith.constant 0 : i32
          %dma_start3A_211 = tpu.memref_slice %arg14[%dma_start3A_209, %dma_start3A_210] : memref<10240x128xf32, #tpu.memory_space<vmem_shared>> -> memref<10240x128xf32, #tpu.memory_space<vmem_shared>>
          %dma_start3A_212 = tpu.memref_slice %arg13[%dma_start3A_201] : memref<2x!tpu.dma_semaphore, #tpu.memory_space<semaphore_mem>> -> memref<1x!tpu.dma_semaphore, #tpu.memory_space<semaphore_mem>>
          %dma_start3A_213 = tpu.memref_squeeze %dma_start3A_212 : memref<1x!tpu.dma_semaphore, #tpu.memory_space<semaphore_mem>> -> memref<!tpu.dma_semaphore, #tpu.memory_space<semaphore_mem>>
          tpu.enqueue_indirect_dma source(%dma_start3A_205 : memref<80x128xf32, #tpu.memory_space<vmem>>) target(%dma_start3A_211 : memref<10240x128xf32, #tpu.memory_space<vmem_shared>>) offsets(%dma_start3A_208 : memref<80xi32, #tpu.memory_space<vmem>>) semaphore(%dma_start3A_213 : memref<!tpu.dma_semaphore, #tpu.memory_space<semaphore_mem>>) {add = true}
          %add3A_214 = arith.constant 3 : i32
          %add3A_215 = arith.addi %add3A_131, %add3A_214 : i32
          %lt3A_216 = arith.constant 25 : i32
          %lt3A_217 = arith.cmpi slt, %add3A_215, %lt3A_216 : i32
          %convert_element_type3A_218 = arith.extui %lt3A_217 : i1 to i32
          %cond3A_219 = arith.constant 0 : i32
          %cond3A_220 = arith.cmpi ne, %convert_element_type3A_218, %cond3A_219 : i32
          scf.if %cond3A_220 {
            %add3A_221 = arith.constant 3 : i32
            %add3A_222 = arith.addi %add3A_131, %add3A_221 : i32
            %mul3A_223 = arith.constant 80 : i32
            %mul3A_224 = arith.muli %add3A_222, %mul3A_223 : i32
            %dma_start3A_225 = arith.constant 0 : i32
            %dma_start3A_226 = arith.constant 0 : i32
            %dma_start3A_227 = arith.constant 0 : i32
            %dma_start3A_228 = arith.constant 0 : i32
            %dma_start3A_229 = tpu.memref_slice %arg10[%dma_start3A_225, %dma_start3A_227, %dma_start3A_228] : memref<3x80x64xi32, #tpu.memory_space<vmem>> -> memref<1x80x64xi32, #tpu.memory_space<vmem>>
            %dma_start3A_230 = tpu.memref_squeeze %dma_start3A_229 : memref<1x80x64xi32, #tpu.memory_space<vmem>> -> memref<80x64xi32, #tpu.memory_space<vmem>>
            %dma_start3A_231 = tpu.memref_slice %arg7[%mul3A_224] : memref<2000xi32, #tpu.memory_space<vmem>> -> memref<80xi32, #tpu.memory_space<vmem>>
            %dma_start3A_232 = arith.constant 0 : i32
            %dma_start3A_233 = arith.constant 0 : i32
            %dma_start3A_234 = tpu.memref_slice %arg2[%dma_start3A_232, %dma_start3A_233] : memref<10000x64xi32, #tpu.memory_space<hbm>> -> memref<10000x64xi32, #tpu.memory_space<hbm>>
            %dma_start3A_235 = tpu.memref_slice %arg12[%dma_start3A_226] : memref<3x!tpu.dma_semaphore, #tpu.memory_space<semaphore_mem>> -> memref<1x!tpu.dma_semaphore, #tpu.memory_space<semaphore_mem>>
            %dma_start3A_236 = tpu.memref_squeeze %dma_start3A_235 : memref<1x!tpu.dma_semaphore, #tpu.memory_space<semaphore_mem>> -> memref<!tpu.dma_semaphore, #tpu.memory_space<semaphore_mem>>
            tpu.enqueue_indirect_dma source(%dma_start3A_234 : memref<10000x64xi32, #tpu.memory_space<hbm>>) target(%dma_start3A_230 : memref<80x64xi32, #tpu.memory_space<vmem>>) offsets(%dma_start3A_231 : memref<80xi32, #tpu.memory_space<vmem>>) semaphore(%dma_start3A_236 : memref<!tpu.dma_semaphore, #tpu.memory_space<semaphore_mem>>)
          } else {
          }
        } else {
        }
        %mul3A_134 = arith.constant 6 : i32
        %mul3A_135 = arith.muli %scan3A_126, %mul3A_134 : i32
        %add3A_136 = arith.constant 1 : i32
        %add3A_137 = arith.addi %mul3A_135, %add3A_136 : i32
        %lt3A_138 = arith.constant 25 : i32
        %lt3A_139 = arith.cmpi slt, %add3A_137, %lt3A_138 : i32
        %convert_element_type3A_140 = arith.extui %lt3A_139 : i1 to i32
        %cond3A_141 = arith.constant 0 : i32
        %cond3A_142 = arith.cmpi ne, %convert_element_type3A_140, %cond3A_141 : i32
        scf.if %cond3A_142 {
          %mul3A_180 = arith.constant 80 : i32
          %mul3A_181 = arith.muli %add3A_137, %mul3A_180 : i32
          %dma_wait3A_182 = arith.constant 1 : i32
          %dma_wait3A_183 = arith.constant 1 : i32
          %dma_wait3A_184 = arith.constant 0 : i32
          %dma_wait3A_185 = arith.constant 0 : i32
          %dma_wait3A_186 = tpu.memref_slice %arg10[%dma_wait3A_182, %dma_wait3A_184, %dma_wait3A_185] : memref<3x80x64xi32, #tpu.memory_space<vmem>> -> memref<1x80x64xi32, #tpu.memory_space<vmem>>
          %dma_wait3A_187 = tpu.memref_squeeze %dma_wait3A_186 : memref<1x80x64xi32, #tpu.memory_space<vmem>> -> memref<80x64xi32, #tpu.memory_space<vmem>>
          %dma_wait3A_188 = tpu.memref_slice %arg7[%mul3A_181] : memref<2000xi32, #tpu.memory_space<vmem>> -> memref<80xi32, #tpu.memory_space<vmem>>
          %dma_wait3A_189 = arith.constant 0 : i32
          %dma_wait3A_190 = arith.constant 0 : i32
          %dma_wait3A_191 = tpu.memref_slice %arg2[%dma_wait3A_189, %dma_wait3A_190] : memref<10000x64xi32, #tpu.memory_space<hbm>> -> memref<10000x64xi32, #tpu.memory_space<hbm>>
          %dma_wait3A_192 = tpu.memref_slice %arg12[%dma_wait3A_183] : memref<3x!tpu.dma_semaphore, #tpu.memory_space<semaphore_mem>> -> memref<1x!tpu.dma_semaphore, #tpu.memory_space<semaphore_mem>>
          %dma_wait3A_193 = tpu.memref_squeeze %dma_wait3A_192 : memref<1x!tpu.dma_semaphore, #tpu.memory_space<semaphore_mem>> -> memref<!tpu.dma_semaphore, #tpu.memory_space<semaphore_mem>>
          tpu.wait_indirect_dma semaphore(%dma_wait3A_193 : memref<!tpu.dma_semaphore, #tpu.memory_space<semaphore_mem>>) src(%dma_wait3A_191 : memref<10000x64xi32, #tpu.memory_space<hbm>>) dst(%dma_wait3A_187 : memref<80x64xi32, #tpu.memory_space<vmem>>)
          %ge3A = arith.constant 2 : i32
          %ge3A_194 = arith.cmpi sge, %add3A_137, %ge3A : i32
          %convert_element_type3A_195 = arith.extui %ge3A_194 : i1 to i32
          %cond3A_196 = arith.constant 0 : i32
          %cond3A_197 = arith.cmpi ne, %convert_element_type3A_195, %cond3A_196 : i32
          scf.if %cond3A_197 {
            %sub3A = arith.constant 2 : i32
            %sub3A_221 = arith.subi %add3A_137, %sub3A : i32
            %dma_wait3A_222 = arith.constant 1 : i32
            %dma_wait3A_223 = arith.constant 1 : i32
            %dma_wait3A_224 = arith.constant 0 : i32
            %dma_wait3A_225 = arith.constant 0 : i32
            %dma_wait3A_226 = tpu.memref_slice %arg11[%dma_wait3A_222, %dma_wait3A_224, %dma_wait3A_225] : memref<2x80x128xf32, #tpu.memory_space<vmem>> -> memref<1x80x128xf32, #tpu.memory_space<vmem>>
            %dma_wait3A_227 = tpu.memref_squeeze %dma_wait3A_226 : memref<1x80x128xf32, #tpu.memory_space<vmem>> -> memref<80x128xf32, #tpu.memory_space<vmem>>
            %dma_wait3A_228 = arith.constant 0 : i32
            %dma_wait3A_229 = tpu.memref_slice %arg8[%sub3A_221, %dma_wait3A_228] : memref<25x80xi32, #tpu.memory_space<vmem>> -> memref<1x80xi32, #tpu.memory_space<vmem>>
            %dma_wait3A_230 = tpu.memref_squeeze %dma_wait3A_229 : memref<1x80xi32, #tpu.memory_space<vmem>> -> memref<80xi32, #tpu.memory_space<vmem>>
            %dma_wait3A_231 = arith.constant 0 : i32
            %dma_wait3A_232 = arith.constant 0 : i32
            %dma_wait3A_233 = tpu.memref_slice %arg14[%dma_wait3A_231, %dma_wait3A_232] : memref<10240x128xf32, #tpu.memory_space<vmem_shared>> -> memref<10240x128xf32, #tpu.memory_space<vmem_shared>>
            %dma_wait3A_234 = tpu.memref_slice %arg13[%dma_wait3A_223] : memref<2x!tpu.dma_semaphore, #tpu.memory_space<semaphore_mem>> -> memref<1x!tpu.dma_semaphore, #tpu.memory_space<semaphore_mem>>
            %dma_wait3A_235 = tpu.memref_squeeze %dma_wait3A_234 : memref<1x!tpu.dma_semaphore, #tpu.memory_space<semaphore_mem>> -> memref<!tpu.dma_semaphore, #tpu.memory_space<semaphore_mem>>
            tpu.wait_indirect_dma semaphore(%dma_wait3A_235 : memref<!tpu.dma_semaphore, #tpu.memory_space<semaphore_mem>>) src(%dma_wait3A_227 : memref<80x128xf32, #tpu.memory_space<vmem>>) dst(%dma_wait3A_233 : memref<10240x128xf32, #tpu.memory_space<vmem_shared>>)
          } else {
          }
          %parallel_loop3A = arith.constant 0 : i32
          %parallel_loop3A_198 = arith.constant 80 : i32
          %parallel_loop3A_199 = arith.constant 1 : i32
          scf.for %parallel_loop3A_221 = %parallel_loop3A to %parallel_loop3A_198 step %parallel_loop3A_199  : i32 {
            %parallel_loop3A_222 = arith.constant 80 : i32
            %parallel_loop3A_223 = arith.muli %add3A_137, %parallel_loop3A_222 : i32
            %parallel_loop3A_224 = arith.addi %parallel_loop3A_223, %parallel_loop3A_221 : i32
            %parallel_loop3A_225 = vector.broadcast %parallel_loop3A_224 : i32 to vector<16xi32>
            %parallel_loop3A_226 = tpu.vector_load_idx %arg9[%parallel_loop3A_225] : memref<2000xf32, #tpu.memory_space<vmem>>[vector<16xi32>], vector<16xf32>,
            %parallel_loop3A_227 = arith.constant 1 : i32
            %parallel_loop3A_228 = arith.index_cast %parallel_loop3A_227 : i32 to index
            %parallel_loop3A_229 = arith.index_cast %parallel_loop3A_221 : i32 to index
            %parallel_loop3A_230 = arith.constant 0 : index
            %parallel_loop3A_231 = tpu.vector_load %arg10[%parallel_loop3A_228, %parallel_loop3A_229, %parallel_loop3A_230] {strides = array<i32>} : memref<3x80x64xi32, #tpu.memory_space<vmem>>, vector<16xi32>,
            %parallel_loop3A_232 = vector.bitcast %parallel_loop3A_231 : vector<16xi32> to vector<32xbf16>
            %parallel_loop3A_233 = tpu.unpack_subelements %parallel_loop3A_232, 0 {pack_format = #tpu.pack_format<interleaved>} : vector<32xbf16> -> vector<16xf32>
            %parallel_loop3A_234 = tpu.unpack_subelements %parallel_loop3A_232, 1 {pack_format = #tpu.pack_format<interleaved>} : vector<32xbf16> -> vector<16xf32>
            %parallel_loop3A_235 = arith.mulf %parallel_loop3A_233, %parallel_loop3A_226 : vector<16xf32>
            %parallel_loop3A_236 = arith.constant 1 : i32
            %parallel_loop3A_237 = arith.index_cast %parallel_loop3A_236 : i32 to index
            %parallel_loop3A_238 = arith.index_cast %parallel_loop3A_221 : i32 to index
            %parallel_loop3A_239 = arith.constant 0 : index
            %parallel_loop3A_240 = tpu.vector_load %arg11[%parallel_loop3A_237, %parallel_loop3A_238, %parallel_loop3A_239] {strides = array<i32>} : memref<2x80x128xf32, #tpu.memory_space<vmem>>, vector<16xf32>,
            tpu.vector_store %arg11[%parallel_loop3A_237, %parallel_loop3A_238, %parallel_loop3A_239], %parallel_loop3A_235 {strides = array<i32>} : memref<2x80x128xf32, #tpu.memory_space<vmem>>, vector<16xf32>,
            %parallel_loop3A_241 = arith.mulf %parallel_loop3A_234, %parallel_loop3A_226 : vector<16xf32>
            %parallel_loop3A_242 = arith.constant 1 : i32
            %parallel_loop3A_243 = arith.index_cast %parallel_loop3A_242 : i32 to index
            %parallel_loop3A_244 = arith.index_cast %parallel_loop3A_221 : i32 to index
            %parallel_loop3A_245 = arith.constant 16 : index
            %parallel_loop3A_246 = tpu.vector_load %arg11[%parallel_loop3A_243, %parallel_loop3A_244, %parallel_loop3A_245] {strides = array<i32>} : memref<2x80x128xf32, #tpu.memory_space<vmem>>, vector<16xf32>,
            tpu.vector_store %arg11[%parallel_loop3A_243, %parallel_loop3A_244, %parallel_loop3A_245], %parallel_loop3A_241 {strides = array<i32>} : memref<2x80x128xf32, #tpu.memory_space<vmem>>, vector<16xf32>,
            %parallel_loop3A_247 = arith.constant 1 : i32
            %parallel_loop3A_248 = arith.index_cast %parallel_loop3A_247 : i32 to index
            %parallel_loop3A_249 = arith.index_cast %parallel_loop3A_221 : i32 to index
            %parallel_loop3A_250 = arith.constant 16 : index
            %parallel_loop3A_251 = tpu.vector_load %arg10[%parallel_loop3A_248, %parallel_loop3A_249, %parallel_loop3A_250] {strides = array<i32>} : memref<3x80x64xi32, #tpu.memory_space<vmem>>, vector<16xi32>,
            %parallel_loop3A_252 = vector.bitcast %parallel_loop3A_251 : vector<16xi32> to vector<32xbf16>
            %parallel_loop3A_253 = tpu.unpack_subelements %parallel_loop3A_252, 0 {pack_format = #tpu.pack_format<interleaved>} : vector<32xbf16> -> vector<16xf32>
            %parallel_loop3A_254 = tpu.unpack_subelements %parallel_loop3A_252, 1 {pack_format = #tpu.pack_format<interleaved>} : vector<32xbf16> -> vector<16xf32>
            %parallel_loop3A_255 = arith.mulf %parallel_loop3A_253, %parallel_loop3A_226 : vector<16xf32>
            %parallel_loop3A_256 = arith.constant 1 : i32
            %parallel_loop3A_257 = arith.index_cast %parallel_loop3A_256 : i32 to index
            %parallel_loop3A_258 = arith.index_cast %parallel_loop3A_221 : i32 to index
            %parallel_loop3A_259 = arith.constant 32 : index
            %parallel_loop3A_260 = tpu.vector_load %arg11[%parallel_loop3A_257, %parallel_loop3A_258, %parallel_loop3A_259] {strides = array<i32>} : memref<2x80x128xf32, #tpu.memory_space<vmem>>, vector<16xf32>,
            tpu.vector_store %arg11[%parallel_loop3A_257, %parallel_loop3A_258, %parallel_loop3A_259], %parallel_loop3A_255 {strides = array<i32>} : memref<2x80x128xf32, #tpu.memory_space<vmem>>, vector<16xf32>,
            %parallel_loop3A_261 = arith.mulf %parallel_loop3A_254, %parallel_loop3A_226 : vector<16xf32>
            %parallel_loop3A_262 = arith.constant 1 : i32
            %parallel_loop3A_263 = arith.index_cast %parallel_loop3A_262 : i32 to index
            %parallel_loop3A_264 = arith.index_cast %parallel_loop3A_221 : i32 to index
            %parallel_loop3A_265 = arith.constant 48 : index
            %parallel_loop3A_266 = tpu.vector_load %arg11[%parallel_loop3A_263, %parallel_loop3A_264, %parallel_loop3A_265] {strides = array<i32>} : memref<2x80x128xf32, #tpu.memory_space<vmem>>, vector<16xf32>,
            tpu.vector_store %arg11[%parallel_loop3A_263, %parallel_loop3A_264, %parallel_loop3A_265], %parallel_loop3A_261 {strides = array<i32>} : memref<2x80x128xf32, #tpu.memory_space<vmem>>, vector<16xf32>,
            %parallel_loop3A_267 = arith.constant 1 : i32
            %parallel_loop3A_268 = arith.index_cast %parallel_loop3A_267 : i32 to index
            %parallel_loop3A_269 = arith.index_cast %parallel_loop3A_221 : i32 to index
            %parallel_loop3A_270 = arith.constant 32 : index
            %parallel_loop3A_271 = tpu.vector_load %arg10[%parallel_loop3A_268, %parallel_loop3A_269, %parallel_loop3A_270] {strides = array<i32>} : memref<3x80x64xi32, #tpu.memory_space<vmem>>, vector<16xi32>,
            %parallel_loop3A_272 = vector.bitcast %parallel_loop3A_271 : vector<16xi32> to vector<32xbf16>
            %parallel_loop3A_273 = tpu.unpack_subelements %parallel_loop3A_272, 0 {pack_format = #tpu.pack_format<interleaved>} : vector<32xbf16> -> vector<16xf32>
            %parallel_loop3A_274 = tpu.unpack_subelements %parallel_loop3A_272, 1 {pack_format = #tpu.pack_format<interleaved>} : vector<32xbf16> -> vector<16xf32>
            %parallel_loop3A_275 = arith.mulf %parallel_loop3A_273, %parallel_loop3A_226 : vector<16xf32>
            %parallel_loop3A_276 = arith.constant 1 : i32
            %parallel_loop3A_277 = arith.index_cast %parallel_loop3A_276 : i32 to index
            %parallel_loop3A_278 = arith.index_cast %parallel_loop3A_221 : i32 to index
            %parallel_loop3A_279 = arith.constant 64 : index
            %parallel_loop3A_280 = tpu.vector_load %arg11[%parallel_loop3A_277, %parallel_loop3A_278, %parallel_loop3A_279] {strides = array<i32>} : memref<2x80x128xf32, #tpu.memory_space<vmem>>, vector<16xf32>,
            tpu.vector_store %arg11[%parallel_loop3A_277, %parallel_loop3A_278, %parallel_loop3A_279], %parallel_loop3A_275 {strides = array<i32>} : memref<2x80x128xf32, #tpu.memory_space<vmem>>, vector<16xf32>,
            %parallel_loop3A_281 = arith.mulf %parallel_loop3A_274, %parallel_loop3A_226 : vector<16xf32>
            %parallel_loop3A_282 = arith.constant 1 : i32
            %parallel_loop3A_283 = arith.index_cast %parallel_loop3A_282 : i32 to index
            %parallel_loop3A_284 = arith.index_cast %parallel_loop3A_221 : i32 to index
            %parallel_loop3A_285 = arith.constant 80 : index
            %parallel_loop3A_286 = tpu.vector_load %arg11[%parallel_loop3A_283, %parallel_loop3A_284, %parallel_loop3A_285] {strides = array<i32>} : memref<2x80x128xf32, #tpu.memory_space<vmem>>, vector<16xf32>,
            tpu.vector_store %arg11[%parallel_loop3A_283, %parallel_loop3A_284, %parallel_loop3A_285], %parallel_loop3A_281 {strides = array<i32>} : memref<2x80x128xf32, #tpu.memory_space<vmem>>, vector<16xf32>,
            %parallel_loop3A_287 = arith.constant 1 : i32
            %parallel_loop3A_288 = arith.index_cast %parallel_loop3A_287 : i32 to index
            %parallel_loop3A_289 = arith.index_cast %parallel_loop3A_221 : i32 to index
            %parallel_loop3A_290 = arith.constant 48 : index
            %parallel_loop3A_291 = tpu.vector_load %arg10[%parallel_loop3A_288, %parallel_loop3A_289, %parallel_loop3A_290] {strides = array<i32>} : memref<3x80x64xi32, #tpu.memory_space<vmem>>, vector<16xi32>,
            %parallel_loop3A_292 = vector.bitcast %parallel_loop3A_291 : vector<16xi32> to vector<32xbf16>
            %parallel_loop3A_293 = tpu.unpack_subelements %parallel_loop3A_292, 0 {pack_format = #tpu.pack_format<interleaved>} : vector<32xbf16> -> vector<16xf32>
            %parallel_loop3A_294 = tpu.unpack_subelements %parallel_loop3A_292, 1 {pack_format = #tpu.pack_format<interleaved>} : vector<32xbf16> -> vector<16xf32>
            %parallel_loop3A_295 = arith.mulf %parallel_loop3A_293, %parallel_loop3A_226 : vector<16xf32>
            %parallel_loop3A_296 = arith.constant 1 : i32
            %parallel_loop3A_297 = arith.index_cast %parallel_loop3A_296 : i32 to index
            %parallel_loop3A_298 = arith.index_cast %parallel_loop3A_221 : i32 to index
            %parallel_loop3A_299 = arith.constant 96 : index
            %parallel_loop3A_300 = tpu.vector_load %arg11[%parallel_loop3A_297, %parallel_loop3A_298, %parallel_loop3A_299] {strides = array<i32>} : memref<2x80x128xf32, #tpu.memory_space<vmem>>, vector<16xf32>,
            tpu.vector_store %arg11[%parallel_loop3A_297, %parallel_loop3A_298, %parallel_loop3A_299], %parallel_loop3A_295 {strides = array<i32>} : memref<2x80x128xf32, #tpu.memory_space<vmem>>, vector<16xf32>,
            %parallel_loop3A_301 = arith.mulf %parallel_loop3A_294, %parallel_loop3A_226 : vector<16xf32>
            %parallel_loop3A_302 = arith.constant 1 : i32
            %parallel_loop3A_303 = arith.index_cast %parallel_loop3A_302 : i32 to index
            %parallel_loop3A_304 = arith.index_cast %parallel_loop3A_221 : i32 to index
            %parallel_loop3A_305 = arith.constant 112 : index
            %parallel_loop3A_306 = tpu.vector_load %arg11[%parallel_loop3A_303, %parallel_loop3A_304, %parallel_loop3A_305] {strides = array<i32>} : memref<2x80x128xf32, #tpu.memory_space<vmem>>, vector<16xf32>,
            tpu.vector_store %arg11[%parallel_loop3A_303, %parallel_loop3A_304, %parallel_loop3A_305], %parallel_loop3A_301 {strides = array<i32>} : memref<2x80x128xf32, #tpu.memory_space<vmem>>, vector<16xf32>,
          } {sc.loop_unroll_factor = 8 : i64, sc.parallel_access}
          %dma_start3A_200 = arith.constant 1 : i32
          %dma_start3A_201 = arith.constant 1 : i32
          %dma_start3A_202 = arith.constant 0 : i32
          %dma_start3A_203 = arith.constant 0 : i32
          %dma_start3A_204 = tpu.memref_slice %arg11[%dma_start3A_200, %dma_start3A_202, %dma_start3A_203] : memref<2x80x128xf32, #tpu.memory_space<vmem>> -> memref<1x80x128xf32, #tpu.memory_space<vmem>>
          %dma_start3A_205 = tpu.memref_squeeze %dma_start3A_204 : memref<1x80x128xf32, #tpu.memory_space<vmem>> -> memref<80x128xf32, #tpu.memory_space<vmem>>
          %dma_start3A_206 = arith.constant 0 : i32
          %dma_start3A_207 = tpu.memref_slice %arg8[%add3A_137, %dma_start3A_206] : memref<25x80xi32, #tpu.memory_space<vmem>> -> memref<1x80xi32, #tpu.memory_space<vmem>>
          %dma_start3A_208 = tpu.memref_squeeze %dma_start3A_207 : memref<1x80xi32, #tpu.memory_space<vmem>> -> memref<80xi32, #tpu.memory_space<vmem>>
          %dma_start3A_209 = arith.constant 0 : i32
          %dma_start3A_210 = arith.constant 0 : i32
          %dma_start3A_211 = tpu.memref_slice %arg14[%dma_start3A_209, %dma_start3A_210] : memref<10240x128xf32, #tpu.memory_space<vmem_shared>> -> memref<10240x128xf32, #tpu.memory_space<vmem_shared>>
          %dma_start3A_212 = tpu.memref_slice %arg13[%dma_start3A_201] : memref<2x!tpu.dma_semaphore, #tpu.memory_space<semaphore_mem>> -> memref<1x!tpu.dma_semaphore, #tpu.memory_space<semaphore_mem>>
          %dma_start3A_213 = tpu.memref_squeeze %dma_start3A_212 : memref<1x!tpu.dma_semaphore, #tpu.memory_space<semaphore_mem>> -> memref<!tpu.dma_semaphore, #tpu.memory_space<semaphore_mem>>
          tpu.enqueue_indirect_dma source(%dma_start3A_205 : memref<80x128xf32, #tpu.memory_space<vmem>>) target(%dma_start3A_211 : memref<10240x128xf32, #tpu.memory_space<vmem_shared>>) offsets(%dma_start3A_208 : memref<80xi32, #tpu.memory_space<vmem>>) semaphore(%dma_start3A_213 : memref<!tpu.dma_semaphore, #tpu.memory_space<semaphore_mem>>) {add = true}
          %add3A_214 = arith.constant 3 : i32
          %add3A_215 = arith.addi %add3A_137, %add3A_214 : i32
          %lt3A_216 = arith.constant 25 : i32
          %lt3A_217 = arith.cmpi slt, %add3A_215, %lt3A_216 : i32
          %convert_element_type3A_218 = arith.extui %lt3A_217 : i1 to i32
          %cond3A_219 = arith.constant 0 : i32
          %cond3A_220 = arith.cmpi ne, %convert_element_type3A_218, %cond3A_219 : i32
          scf.if %cond3A_220 {
            %add3A_221 = arith.constant 3 : i32
            %add3A_222 = arith.addi %add3A_137, %add3A_221 : i32
            %mul3A_223 = arith.constant 80 : i32
            %mul3A_224 = arith.muli %add3A_222, %mul3A_223 : i32
            %dma_start3A_225 = arith.constant 1 : i32
            %dma_start3A_226 = arith.constant 1 : i32
            %dma_start3A_227 = arith.constant 0 : i32
            %dma_start3A_228 = arith.constant 0 : i32
            %dma_start3A_229 = tpu.memref_slice %arg10[%dma_start3A_225, %dma_start3A_227, %dma_start3A_228] : memref<3x80x64xi32, #tpu.memory_space<vmem>> -> memref<1x80x64xi32, #tpu.memory_space<vmem>>
            %dma_start3A_230 = tpu.memref_squeeze %dma_start3A_229 : memref<1x80x64xi32, #tpu.memory_space<vmem>> -> memref<80x64xi32, #tpu.memory_space<vmem>>
            %dma_start3A_231 = tpu.memref_slice %arg7[%mul3A_224] : memref<2000xi32, #tpu.memory_space<vmem>> -> memref<80xi32, #tpu.memory_space<vmem>>
            %dma_start3A_232 = arith.constant 0 : i32
            %dma_start3A_233 = arith.constant 0 : i32
            %dma_start3A_234 = tpu.memref_slice %arg2[%dma_start3A_232, %dma_start3A_233] : memref<10000x64xi32, #tpu.memory_space<hbm>> -> memref<10000x64xi32, #tpu.memory_space<hbm>>
            %dma_start3A_235 = tpu.memref_slice %arg12[%dma_start3A_226] : memref<3x!tpu.dma_semaphore, #tpu.memory_space<semaphore_mem>> -> memref<1x!tpu.dma_semaphore, #tpu.memory_space<semaphore_mem>>
            %dma_start3A_236 = tpu.memref_squeeze %dma_start3A_235 : memref<1x!tpu.dma_semaphore, #tpu.memory_space<semaphore_mem>> -> memref<!tpu.dma_semaphore, #tpu.memory_space<semaphore_mem>>
            tpu.enqueue_indirect_dma source(%dma_start3A_234 : memref<10000x64xi32, #tpu.memory_space<hbm>>) target(%dma_start3A_230 : memref<80x64xi32, #tpu.memory_space<vmem>>) offsets(%dma_start3A_231 : memref<80xi32, #tpu.memory_space<vmem>>) semaphore(%dma_start3A_236 : memref<!tpu.dma_semaphore, #tpu.memory_space<semaphore_mem>>)
          } else {
          }
        } else {
        }
        %mul3A_143 = arith.constant 6 : i32
        %mul3A_144 = arith.muli %scan3A_126, %mul3A_143 : i32
        %add3A_145 = arith.constant 2 : i32
        %add3A_146 = arith.addi %mul3A_144, %add3A_145 : i32
        %lt3A_147 = arith.constant 25 : i32
        %lt3A_148 = arith.cmpi slt, %add3A_146, %lt3A_147 : i32
        %convert_element_type3A_149 = arith.extui %lt3A_148 : i1 to i32
        %cond3A_150 = arith.constant 0 : i32
        %cond3A_151 = arith.cmpi ne, %convert_element_type3A_149, %cond3A_150 : i32
        scf.if %cond3A_151 {
          %mul3A_180 = arith.constant 80 : i32
          %mul3A_181 = arith.muli %add3A_146, %mul3A_180 : i32
          %dma_wait3A_182 = arith.constant 2 : i32
          %dma_wait3A_183 = arith.constant 2 : i32
          %dma_wait3A_184 = arith.constant 0 : i32
          %dma_wait3A_185 = arith.constant 0 : i32
          %dma_wait3A_186 = tpu.memref_slice %arg10[%dma_wait3A_182, %dma_wait3A_184, %dma_wait3A_185] : memref<3x80x64xi32, #tpu.memory_space<vmem>> -> memref<1x80x64xi32, #tpu.memory_space<vmem>>
          %dma_wait3A_187 = tpu.memref_squeeze %dma_wait3A_186 : memref<1x80x64xi32, #tpu.memory_space<vmem>> -> memref<80x64xi32, #tpu.memory_space<vmem>>
          %dma_wait3A_188 = tpu.memref_slice %arg7[%mul3A_181] : memref<2000xi32, #tpu.memory_space<vmem>> -> memref<80xi32, #tpu.memory_space<vmem>>
          %dma_wait3A_189 = arith.constant 0 : i32
          %dma_wait3A_190 = arith.constant 0 : i32
          %dma_wait3A_191 = tpu.memref_slice %arg2[%dma_wait3A_189, %dma_wait3A_190] : memref<10000x64xi32, #tpu.memory_space<hbm>> -> memref<10000x64xi32, #tpu.memory_space<hbm>>
          %dma_wait3A_192 = tpu.memref_slice %arg12[%dma_wait3A_183] : memref<3x!tpu.dma_semaphore, #tpu.memory_space<semaphore_mem>> -> memref<1x!tpu.dma_semaphore, #tpu.memory_space<semaphore_mem>>
          %dma_wait3A_193 = tpu.memref_squeeze %dma_wait3A_192 : memref<1x!tpu.dma_semaphore, #tpu.memory_space<semaphore_mem>> -> memref<!tpu.dma_semaphore, #tpu.memory_space<semaphore_mem>>
          tpu.wait_indirect_dma semaphore(%dma_wait3A_193 : memref<!tpu.dma_semaphore, #tpu.memory_space<semaphore_mem>>) src(%dma_wait3A_191 : memref<10000x64xi32, #tpu.memory_space<hbm>>) dst(%dma_wait3A_187 : memref<80x64xi32, #tpu.memory_space<vmem>>)
          %ge3A = arith.constant 2 : i32
          %ge3A_194 = arith.cmpi sge, %add3A_146, %ge3A : i32
          %convert_element_type3A_195 = arith.extui %ge3A_194 : i1 to i32
          %cond3A_196 = arith.constant 0 : i32
          %cond3A_197 = arith.cmpi ne, %convert_element_type3A_195, %cond3A_196 : i32
          scf.if %cond3A_197 {
            %sub3A = arith.constant 2 : i32
            %sub3A_221 = arith.subi %add3A_146, %sub3A : i32
            %dma_wait3A_222 = arith.constant 0 : i32
            %dma_wait3A_223 = arith.constant 0 : i32
            %dma_wait3A_224 = arith.constant 0 : i32
            %dma_wait3A_225 = arith.constant 0 : i32
            %dma_wait3A_226 = tpu.memref_slice %arg11[%dma_wait3A_222, %dma_wait3A_224, %dma_wait3A_225] : memref<2x80x128xf32, #tpu.memory_space<vmem>> -> memref<1x80x128xf32, #tpu.memory_space<vmem>>
            %dma_wait3A_227 = tpu.memref_squeeze %dma_wait3A_226 : memref<1x80x128xf32, #tpu.memory_space<vmem>> -> memref<80x128xf32, #tpu.memory_space<vmem>>
            %dma_wait3A_228 = arith.constant 0 : i32
            %dma_wait3A_229 = tpu.memref_slice %arg8[%sub3A_221, %dma_wait3A_228] : memref<25x80xi32, #tpu.memory_space<vmem>> -> memref<1x80xi32, #tpu.memory_space<vmem>>
            %dma_wait3A_230 = tpu.memref_squeeze %dma_wait3A_229 : memref<1x80xi32, #tpu.memory_space<vmem>> -> memref<80xi32, #tpu.memory_space<vmem>>
            %dma_wait3A_231 = arith.constant 0 : i32
            %dma_wait3A_232 = arith.constant 0 : i32
            %dma_wait3A_233 = tpu.memref_slice %arg14[%dma_wait3A_231, %dma_wait3A_232] : memref<10240x128xf32, #tpu.memory_space<vmem_shared>> -> memref<10240x128xf32, #tpu.memory_space<vmem_shared>>
            %dma_wait3A_234 = tpu.memref_slice %arg13[%dma_wait3A_223] : memref<2x!tpu.dma_semaphore, #tpu.memory_space<semaphore_mem>> -> memref<1x!tpu.dma_semaphore, #tpu.memory_space<semaphore_mem>>
            %dma_wait3A_235 = tpu.memref_squeeze %dma_wait3A_234 : memref<1x!tpu.dma_semaphore, #tpu.memory_space<semaphore_mem>> -> memref<!tpu.dma_semaphore, #tpu.memory_space<semaphore_mem>>
            tpu.wait_indirect_dma semaphore(%dma_wait3A_235 : memref<!tpu.dma_semaphore, #tpu.memory_space<semaphore_mem>>) src(%dma_wait3A_227 : memref<80x128xf32, #tpu.memory_space<vmem>>) dst(%dma_wait3A_233 : memref<10240x128xf32, #tpu.memory_space<vmem_shared>>)
          } else {
          }
          %parallel_loop3A = arith.constant 0 : i32
          %parallel_loop3A_198 = arith.constant 80 : i32
          %parallel_loop3A_199 = arith.constant 1 : i32
          scf.for %parallel_loop3A_221 = %parallel_loop3A to %parallel_loop3A_198 step %parallel_loop3A_199  : i32 {
            %parallel_loop3A_222 = arith.constant 80 : i32
            %parallel_loop3A_223 = arith.muli %add3A_146, %parallel_loop3A_222 : i32
            %parallel_loop3A_224 = arith.addi %parallel_loop3A_223, %parallel_loop3A_221 : i32
            %parallel_loop3A_225 = vector.broadcast %parallel_loop3A_224 : i32 to vector<16xi32>
            %parallel_loop3A_226 = tpu.vector_load_idx %arg9[%parallel_loop3A_225] : memref<2000xf32, #tpu.memory_space<vmem>>[vector<16xi32>], vector<16xf32>,
            %parallel_loop3A_227 = arith.constant 2 : i32
            %parallel_loop3A_228 = arith.index_cast %parallel_loop3A_227 : i32 to index
            %parallel_loop3A_229 = arith.index_cast %parallel_loop3A_221 : i32 to index
            %parallel_loop3A_230 = arith.constant 0 : index
            %parallel_loop3A_231 = tpu.vector_load %arg10[%parallel_loop3A_228, %parallel_loop3A_229, %parallel_loop3A_230] {strides = array<i32>} : memref<3x80x64xi32, #tpu.memory_space<vmem>>, vector<16xi32>,
            %parallel_loop3A_232 = vector.bitcast %parallel_loop3A_231 : vector<16xi32> to vector<32xbf16>
            %parallel_loop3A_233 = tpu.unpack_subelements %parallel_loop3A_232, 0 {pack_format = #tpu.pack_format<interleaved>} : vector<32xbf16> -> vector<16xf32>
            %parallel_loop3A_234 = tpu.unpack_subelements %parallel_loop3A_232, 1 {pack_format = #tpu.pack_format<interleaved>} : vector<32xbf16> -> vector<16xf32>
            %parallel_loop3A_235 = arith.mulf %parallel_loop3A_233, %parallel_loop3A_226 : vector<16xf32>
            %parallel_loop3A_236 = arith.constant 0 : i32
            %parallel_loop3A_237 = arith.index_cast %parallel_loop3A_236 : i32 to index
            %parallel_loop3A_238 = arith.index_cast %parallel_loop3A_221 : i32 to index
            %parallel_loop3A_239 = arith.constant 0 : index
            %parallel_loop3A_240 = tpu.vector_load %arg11[%parallel_loop3A_237, %parallel_loop3A_238, %parallel_loop3A_239] {strides = array<i32>} : memref<2x80x128xf32, #tpu.memory_space<vmem>>, vector<16xf32>,
            tpu.vector_store %arg11[%parallel_loop3A_237, %parallel_loop3A_238, %parallel_loop3A_239], %parallel_loop3A_235 {strides = array<i32>} : memref<2x80x128xf32, #tpu.memory_space<vmem>>, vector<16xf32>,
            %parallel_loop3A_241 = arith.mulf %parallel_loop3A_234, %parallel_loop3A_226 : vector<16xf32>
            %parallel_loop3A_242 = arith.constant 0 : i32
            %parallel_loop3A_243 = arith.index_cast %parallel_loop3A_242 : i32 to index
            %parallel_loop3A_244 = arith.index_cast %parallel_loop3A_221 : i32 to index
            %parallel_loop3A_245 = arith.constant 16 : index
            %parallel_loop3A_246 = tpu.vector_load %arg11[%parallel_loop3A_243, %parallel_loop3A_244, %parallel_loop3A_245] {strides = array<i32>} : memref<2x80x128xf32, #tpu.memory_space<vmem>>, vector<16xf32>,
            tpu.vector_store %arg11[%parallel_loop3A_243, %parallel_loop3A_244, %parallel_loop3A_245], %parallel_loop3A_241 {strides = array<i32>} : memref<2x80x128xf32, #tpu.memory_space<vmem>>, vector<16xf32>,
            %parallel_loop3A_247 = arith.constant 2 : i32
            %parallel_loop3A_248 = arith.index_cast %parallel_loop3A_247 : i32 to index
            %parallel_loop3A_249 = arith.index_cast %parallel_loop3A_221 : i32 to index
            %parallel_loop3A_250 = arith.constant 16 : index
            %parallel_loop3A_251 = tpu.vector_load %arg10[%parallel_loop3A_248, %parallel_loop3A_249, %parallel_loop3A_250] {strides = array<i32>} : memref<3x80x64xi32, #tpu.memory_space<vmem>>, vector<16xi32>,
            %parallel_loop3A_252 = vector.bitcast %parallel_loop3A_251 : vector<16xi32> to vector<32xbf16>
            %parallel_loop3A_253 = tpu.unpack_subelements %parallel_loop3A_252, 0 {pack_format = #tpu.pack_format<interleaved>} : vector<32xbf16> -> vector<16xf32>
            %parallel_loop3A_254 = tpu.unpack_subelements %parallel_loop3A_252, 1 {pack_format = #tpu.pack_format<interleaved>} : vector<32xbf16> -> vector<16xf32>
            %parallel_loop3A_255 = arith.mulf %parallel_loop3A_253, %parallel_loop3A_226 : vector<16xf32>
            %parallel_loop3A_256 = arith.constant 0 : i32
            %parallel_loop3A_257 = arith.index_cast %parallel_loop3A_256 : i32 to index
            %parallel_loop3A_258 = arith.index_cast %parallel_loop3A_221 : i32 to index
            %parallel_loop3A_259 = arith.constant 32 : index
            %parallel_loop3A_260 = tpu.vector_load %arg11[%parallel_loop3A_257, %parallel_loop3A_258, %parallel_loop3A_259] {strides = array<i32>} : memref<2x80x128xf32, #tpu.memory_space<vmem>>, vector<16xf32>,
            tpu.vector_store %arg11[%parallel_loop3A_257, %parallel_loop3A_258, %parallel_loop3A_259], %parallel_loop3A_255 {strides = array<i32>} : memref<2x80x128xf32, #tpu.memory_space<vmem>>, vector<16xf32>,
            %parallel_loop3A_261 = arith.mulf %parallel_loop3A_254, %parallel_loop3A_226 : vector<16xf32>
            %parallel_loop3A_262 = arith.constant 0 : i32
            %parallel_loop3A_263 = arith.index_cast %parallel_loop3A_262 : i32 to index
            %parallel_loop3A_264 = arith.index_cast %parallel_loop3A_221 : i32 to index
            %parallel_loop3A_265 = arith.constant 48 : index
            %parallel_loop3A_266 = tpu.vector_load %arg11[%parallel_loop3A_263, %parallel_loop3A_264, %parallel_loop3A_265] {strides = array<i32>} : memref<2x80x128xf32, #tpu.memory_space<vmem>>, vector<16xf32>,
            tpu.vector_store %arg11[%parallel_loop3A_263, %parallel_loop3A_264, %parallel_loop3A_265], %parallel_loop3A_261 {strides = array<i32>} : memref<2x80x128xf32, #tpu.memory_space<vmem>>, vector<16xf32>,
            %parallel_loop3A_267 = arith.constant 2 : i32
            %parallel_loop3A_268 = arith.index_cast %parallel_loop3A_267 : i32 to index
            %parallel_loop3A_269 = arith.index_cast %parallel_loop3A_221 : i32 to index
            %parallel_loop3A_270 = arith.constant 32 : index
            %parallel_loop3A_271 = tpu.vector_load %arg10[%parallel_loop3A_268, %parallel_loop3A_269, %parallel_loop3A_270] {strides = array<i32>} : memref<3x80x64xi32, #tpu.memory_space<vmem>>, vector<16xi32>,
            %parallel_loop3A_272 = vector.bitcast %parallel_loop3A_271 : vector<16xi32> to vector<32xbf16>
            %parallel_loop3A_273 = tpu.unpack_subelements %parallel_loop3A_272, 0 {pack_format = #tpu.pack_format<interleaved>} : vector<32xbf16> -> vector<16xf32>
            %parallel_loop3A_274 = tpu.unpack_subelements %parallel_loop3A_272, 1 {pack_format = #tpu.pack_format<interleaved>} : vector<32xbf16> -> vector<16xf32>
            %parallel_loop3A_275 = arith.mulf %parallel_loop3A_273, %parallel_loop3A_226 : vector<16xf32>
            %parallel_loop3A_276 = arith.constant 0 : i32
            %parallel_loop3A_277 = arith.index_cast %parallel_loop3A_276 : i32 to index
            %parallel_loop3A_278 = arith.index_cast %parallel_loop3A_221 : i32 to index
            %parallel_loop3A_279 = arith.constant 64 : index
            %parallel_loop3A_280 = tpu.vector_load %arg11[%parallel_loop3A_277, %parallel_loop3A_278, %parallel_loop3A_279] {strides = array<i32>} : memref<2x80x128xf32, #tpu.memory_space<vmem>>, vector<16xf32>,
            tpu.vector_store %arg11[%parallel_loop3A_277, %parallel_loop3A_278, %parallel_loop3A_279], %parallel_loop3A_275 {strides = array<i32>} : memref<2x80x128xf32, #tpu.memory_space<vmem>>, vector<16xf32>,
            %parallel_loop3A_281 = arith.mulf %parallel_loop3A_274, %parallel_loop3A_226 : vector<16xf32>
            %parallel_loop3A_282 = arith.constant 0 : i32
            %parallel_loop3A_283 = arith.index_cast %parallel_loop3A_282 : i32 to index
            %parallel_loop3A_284 = arith.index_cast %parallel_loop3A_221 : i32 to index
            %parallel_loop3A_285 = arith.constant 80 : index
            %parallel_loop3A_286 = tpu.vector_load %arg11[%parallel_loop3A_283, %parallel_loop3A_284, %parallel_loop3A_285] {strides = array<i32>} : memref<2x80x128xf32, #tpu.memory_space<vmem>>, vector<16xf32>,
            tpu.vector_store %arg11[%parallel_loop3A_283, %parallel_loop3A_284, %parallel_loop3A_285], %parallel_loop3A_281 {strides = array<i32>} : memref<2x80x128xf32, #tpu.memory_space<vmem>>, vector<16xf32>,
            %parallel_loop3A_287 = arith.constant 2 : i32
            %parallel_loop3A_288 = arith.index_cast %parallel_loop3A_287 : i32 to index
            %parallel_loop3A_289 = arith.index_cast %parallel_loop3A_221 : i32 to index
            %parallel_loop3A_290 = arith.constant 48 : index
            %parallel_loop3A_291 = tpu.vector_load %arg10[%parallel_loop3A_288, %parallel_loop3A_289, %parallel_loop3A_290] {strides = array<i32>} : memref<3x80x64xi32, #tpu.memory_space<vmem>>, vector<16xi32>,
            %parallel_loop3A_292 = vector.bitcast %parallel_loop3A_291 : vector<16xi32> to vector<32xbf16>
            %parallel_loop3A_293 = tpu.unpack_subelements %parallel_loop3A_292, 0 {pack_format = #tpu.pack_format<interleaved>} : vector<32xbf16> -> vector<16xf32>
            %parallel_loop3A_294 = tpu.unpack_subelements %parallel_loop3A_292, 1 {pack_format = #tpu.pack_format<interleaved>} : vector<32xbf16> -> vector<16xf32>
            %parallel_loop3A_295 = arith.mulf %parallel_loop3A_293, %parallel_loop3A_226 : vector<16xf32>
            %parallel_loop3A_296 = arith.constant 0 : i32
            %parallel_loop3A_297 = arith.index_cast %parallel_loop3A_296 : i32 to index
            %parallel_loop3A_298 = arith.index_cast %parallel_loop3A_221 : i32 to index
            %parallel_loop3A_299 = arith.constant 96 : index
            %parallel_loop3A_300 = tpu.vector_load %arg11[%parallel_loop3A_297, %parallel_loop3A_298, %parallel_loop3A_299] {strides = array<i32>} : memref<2x80x128xf32, #tpu.memory_space<vmem>>, vector<16xf32>,
            tpu.vector_store %arg11[%parallel_loop3A_297, %parallel_loop3A_298, %parallel_loop3A_299], %parallel_loop3A_295 {strides = array<i32>} : memref<2x80x128xf32, #tpu.memory_space<vmem>>, vector<16xf32>,
            %parallel_loop3A_301 = arith.mulf %parallel_loop3A_294, %parallel_loop3A_226 : vector<16xf32>
            %parallel_loop3A_302 = arith.constant 0 : i32
            %parallel_loop3A_303 = arith.index_cast %parallel_loop3A_302 : i32 to index
            %parallel_loop3A_304 = arith.index_cast %parallel_loop3A_221 : i32 to index
            %parallel_loop3A_305 = arith.constant 112 : index
            %parallel_loop3A_306 = tpu.vector_load %arg11[%parallel_loop3A_303, %parallel_loop3A_304, %parallel_loop3A_305] {strides = array<i32>} : memref<2x80x128xf32, #tpu.memory_space<vmem>>, vector<16xf32>,
            tpu.vector_store %arg11[%parallel_loop3A_303, %parallel_loop3A_304, %parallel_loop3A_305], %parallel_loop3A_301 {strides = array<i32>} : memref<2x80x128xf32, #tpu.memory_space<vmem>>, vector<16xf32>,
          } {sc.loop_unroll_factor = 8 : i64, sc.parallel_access}
          %dma_start3A_200 = arith.constant 0 : i32
          %dma_start3A_201 = arith.constant 0 : i32
          %dma_start3A_202 = arith.constant 0 : i32
          %dma_start3A_203 = arith.constant 0 : i32
          %dma_start3A_204 = tpu.memref_slice %arg11[%dma_start3A_200, %dma_start3A_202, %dma_start3A_203] : memref<2x80x128xf32, #tpu.memory_space<vmem>> -> memref<1x80x128xf32, #tpu.memory_space<vmem>>
          %dma_start3A_205 = tpu.memref_squeeze %dma_start3A_204 : memref<1x80x128xf32, #tpu.memory_space<vmem>> -> memref<80x128xf32, #tpu.memory_space<vmem>>
          %dma_start3A_206 = arith.constant 0 : i32
          %dma_start3A_207 = tpu.memref_slice %arg8[%add3A_146, %dma_start3A_206] : memref<25x80xi32, #tpu.memory_space<vmem>> -> memref<1x80xi32, #tpu.memory_space<vmem>>
          %dma_start3A_208 = tpu.memref_squeeze %dma_start3A_207 : memref<1x80xi32, #tpu.memory_space<vmem>> -> memref<80xi32, #tpu.memory_space<vmem>>
          %dma_start3A_209 = arith.constant 0 : i32
          %dma_start3A_210 = arith.constant 0 : i32
          %dma_start3A_211 = tpu.memref_slice %arg14[%dma_start3A_209, %dma_start3A_210] : memref<10240x128xf32, #tpu.memory_space<vmem_shared>> -> memref<10240x128xf32, #tpu.memory_space<vmem_shared>>
          %dma_start3A_212 = tpu.memref_slice %arg13[%dma_start3A_201] : memref<2x!tpu.dma_semaphore, #tpu.memory_space<semaphore_mem>> -> memref<1x!tpu.dma_semaphore, #tpu.memory_space<semaphore_mem>>
          %dma_start3A_213 = tpu.memref_squeeze %dma_start3A_212 : memref<1x!tpu.dma_semaphore, #tpu.memory_space<semaphore_mem>> -> memref<!tpu.dma_semaphore, #tpu.memory_space<semaphore_mem>>
          tpu.enqueue_indirect_dma source(%dma_start3A_205 : memref<80x128xf32, #tpu.memory_space<vmem>>) target(%dma_start3A_211 : memref<10240x128xf32, #tpu.memory_space<vmem_shared>>) offsets(%dma_start3A_208 : memref<80xi32, #tpu.memory_space<vmem>>) semaphore(%dma_start3A_213 : memref<!tpu.dma_semaphore, #tpu.memory_space<semaphore_mem>>) {add = true}
          %add3A_214 = arith.constant 3 : i32
          %add3A_215 = arith.addi %add3A_146, %add3A_214 : i32
          %lt3A_216 = arith.constant 25 : i32
          %lt3A_217 = arith.cmpi slt, %add3A_215, %lt3A_216 : i32
          %convert_element_type3A_218 = arith.extui %lt3A_217 : i1 to i32
          %cond3A_219 = arith.constant 0 : i32
          %cond3A_220 = arith.cmpi ne, %convert_element_type3A_218, %cond3A_219 : i32
          scf.if %cond3A_220 {
            %add3A_221 = arith.constant 3 : i32
            %add3A_222 = arith.addi %add3A_146, %add3A_221 : i32
            %mul3A_223 = arith.constant 80 : i32
            %mul3A_224 = arith.muli %add3A_222, %mul3A_223 : i32
            %dma_start3A_225 = arith.constant 2 : i32
            %dma_start3A_226 = arith.constant 2 : i32
            %dma_start3A_227 = arith.constant 0 : i32
            %dma_start3A_228 = arith.constant 0 : i32
            %dma_start3A_229 = tpu.memref_slice %arg10[%dma_start3A_225, %dma_start3A_227, %dma_start3A_228] : memref<3x80x64xi32, #tpu.memory_space<vmem>> -> memref<1x80x64xi32, #tpu.memory_space<vmem>>
            %dma_start3A_230 = tpu.memref_squeeze %dma_start3A_229 : memref<1x80x64xi32, #tpu.memory_space<vmem>> -> memref<80x64xi32, #tpu.memory_space<vmem>>
            %dma_start3A_231 = tpu.memref_slice %arg7[%mul3A_224] : memref<2000xi32, #tpu.memory_space<vmem>> -> memref<80xi32, #tpu.memory_space<vmem>>
            %dma_start3A_232 = arith.constant 0 : i32
            %dma_start3A_233 = arith.constant 0 : i32
            %dma_start3A_234 = tpu.memref_slice %arg2[%dma_start3A_232, %dma_start3A_233] : memref<10000x64xi32, #tpu.memory_space<hbm>> -> memref<10000x64xi32, #tpu.memory_space<hbm>>
            %dma_start3A_235 = tpu.memref_slice %arg12[%dma_start3A_226] : memref<3x!tpu.dma_semaphore, #tpu.memory_space<semaphore_mem>> -> memref<1x!tpu.dma_semaphore, #tpu.memory_space<semaphore_mem>>
            %dma_start3A_236 = tpu.memref_squeeze %dma_start3A_235 : memref<1x!tpu.dma_semaphore, #tpu.memory_space<semaphore_mem>> -> memref<!tpu.dma_semaphore, #tpu.memory_space<semaphore_mem>>
            tpu.enqueue_indirect_dma source(%dma_start3A_234 : memref<10000x64xi32, #tpu.memory_space<hbm>>) target(%dma_start3A_230 : memref<80x64xi32, #tpu.memory_space<vmem>>) offsets(%dma_start3A_231 : memref<80xi32, #tpu.memory_space<vmem>>) semaphore(%dma_start3A_236 : memref<!tpu.dma_semaphore, #tpu.memory_space<semaphore_mem>>)
          } else {
          }
        } else {
        }
        %mul3A_152 = arith.constant 6 : i32
        %mul3A_153 = arith.muli %scan3A_126, %mul3A_152 : i32
        %add3A_154 = arith.constant 3 : i32
        %add3A_155 = arith.addi %mul3A_153, %add3A_154 : i32
        %lt3A_156 = arith.constant 25 : i32
        %lt3A_157 = arith.cmpi slt, %add3A_155, %lt3A_156 : i32
        %convert_element_type3A_158 = arith.extui %lt3A_157 : i1 to i32
        %cond3A_159 = arith.constant 0 : i32
        %cond3A_160 = arith.cmpi ne, %convert_element_type3A_158, %cond3A_159 : i32
        scf.if %cond3A_160 {
          %mul3A_180 = arith.constant 80 : i32
          %mul3A_181 = arith.muli %add3A_155, %mul3A_180 : i32
          %dma_wait3A_182 = arith.constant 0 : i32
          %dma_wait3A_183 = arith.constant 0 : i32
          %dma_wait3A_184 = arith.constant 0 : i32
          %dma_wait3A_185 = arith.constant 0 : i32
          %dma_wait3A_186 = tpu.memref_slice %arg10[%dma_wait3A_182, %dma_wait3A_184, %dma_wait3A_185] : memref<3x80x64xi32, #tpu.memory_space<vmem>> -> memref<1x80x64xi32, #tpu.memory_space<vmem>>
          %dma_wait3A_187 = tpu.memref_squeeze %dma_wait3A_186 : memref<1x80x64xi32, #tpu.memory_space<vmem>> -> memref<80x64xi32, #tpu.memory_space<vmem>>
          %dma_wait3A_188 = tpu.memref_slice %arg7[%mul3A_181] : memref<2000xi32, #tpu.memory_space<vmem>> -> memref<80xi32, #tpu.memory_space<vmem>>
          %dma_wait3A_189 = arith.constant 0 : i32
          %dma_wait3A_190 = arith.constant 0 : i32
          %dma_wait3A_191 = tpu.memref_slice %arg2[%dma_wait3A_189, %dma_wait3A_190] : memref<10000x64xi32, #tpu.memory_space<hbm>> -> memref<10000x64xi32, #tpu.memory_space<hbm>>
          %dma_wait3A_192 = tpu.memref_slice %arg12[%dma_wait3A_183] : memref<3x!tpu.dma_semaphore, #tpu.memory_space<semaphore_mem>> -> memref<1x!tpu.dma_semaphore, #tpu.memory_space<semaphore_mem>>
          %dma_wait3A_193 = tpu.memref_squeeze %dma_wait3A_192 : memref<1x!tpu.dma_semaphore, #tpu.memory_space<semaphore_mem>> -> memref<!tpu.dma_semaphore, #tpu.memory_space<semaphore_mem>>
          tpu.wait_indirect_dma semaphore(%dma_wait3A_193 : memref<!tpu.dma_semaphore, #tpu.memory_space<semaphore_mem>>) src(%dma_wait3A_191 : memref<10000x64xi32, #tpu.memory_space<hbm>>) dst(%dma_wait3A_187 : memref<80x64xi32, #tpu.memory_space<vmem>>)
          %ge3A = arith.constant 2 : i32
          %ge3A_194 = arith.cmpi sge, %add3A_155, %ge3A : i32
          %convert_element_type3A_195 = arith.extui %ge3A_194 : i1 to i32
          %cond3A_196 = arith.constant 0 : i32
          %cond3A_197 = arith.cmpi ne, %convert_element_type3A_195, %cond3A_196 : i32
          scf.if %cond3A_197 {
            %sub3A = arith.constant 2 : i32
            %sub3A_221 = arith.subi %add3A_155, %sub3A : i32
            %dma_wait3A_222 = arith.constant 1 : i32
            %dma_wait3A_223 = arith.constant 1 : i32
            %dma_wait3A_224 = arith.constant 0 : i32
            %dma_wait3A_225 = arith.constant 0 : i32
            %dma_wait3A_226 = tpu.memref_slice %arg11[%dma_wait3A_222, %dma_wait3A_224, %dma_wait3A_225] : memref<2x80x128xf32, #tpu.memory_space<vmem>> -> memref<1x80x128xf32, #tpu.memory_space<vmem>>
            %dma_wait3A_227 = tpu.memref_squeeze %dma_wait3A_226 : memref<1x80x128xf32, #tpu.memory_space<vmem>> -> memref<80x128xf32, #tpu.memory_space<vmem>>
            %dma_wait3A_228 = arith.constant 0 : i32
            %dma_wait3A_229 = tpu.memref_slice %arg8[%sub3A_221, %dma_wait3A_228] : memref<25x80xi32, #tpu.memory_space<vmem>> -> memref<1x80xi32, #tpu.memory_space<vmem>>
            %dma_wait3A_230 = tpu.memref_squeeze %dma_wait3A_229 : memref<1x80xi32, #tpu.memory_space<vmem>> -> memref<80xi32, #tpu.memory_space<vmem>>
            %dma_wait3A_231 = arith.constant 0 : i32
            %dma_wait3A_232 = arith.constant 0 : i32
            %dma_wait3A_233 = tpu.memref_slice %arg14[%dma_wait3A_231, %dma_wait3A_232] : memref<10240x128xf32, #tpu.memory_space<vmem_shared>> -> memref<10240x128xf32, #tpu.memory_space<vmem_shared>>
            %dma_wait3A_234 = tpu.memref_slice %arg13[%dma_wait3A_223] : memref<2x!tpu.dma_semaphore, #tpu.memory_space<semaphore_mem>> -> memref<1x!tpu.dma_semaphore, #tpu.memory_space<semaphore_mem>>
            %dma_wait3A_235 = tpu.memref_squeeze %dma_wait3A_234 : memref<1x!tpu.dma_semaphore, #tpu.memory_space<semaphore_mem>> -> memref<!tpu.dma_semaphore, #tpu.memory_space<semaphore_mem>>
            tpu.wait_indirect_dma semaphore(%dma_wait3A_235 : memref<!tpu.dma_semaphore, #tpu.memory_space<semaphore_mem>>) src(%dma_wait3A_227 : memref<80x128xf32, #tpu.memory_space<vmem>>) dst(%dma_wait3A_233 : memref<10240x128xf32, #tpu.memory_space<vmem_shared>>)
          } else {
          }
          %parallel_loop3A = arith.constant 0 : i32
          %parallel_loop3A_198 = arith.constant 80 : i32
          %parallel_loop3A_199 = arith.constant 1 : i32
          scf.for %parallel_loop3A_221 = %parallel_loop3A to %parallel_loop3A_198 step %parallel_loop3A_199  : i32 {
            %parallel_loop3A_222 = arith.constant 80 : i32
            %parallel_loop3A_223 = arith.muli %add3A_155, %parallel_loop3A_222 : i32
            %parallel_loop3A_224 = arith.addi %parallel_loop3A_223, %parallel_loop3A_221 : i32
            %parallel_loop3A_225 = vector.broadcast %parallel_loop3A_224 : i32 to vector<16xi32>
            %parallel_loop3A_226 = tpu.vector_load_idx %arg9[%parallel_loop3A_225] : memref<2000xf32, #tpu.memory_space<vmem>>[vector<16xi32>], vector<16xf32>,
            %parallel_loop3A_227 = arith.constant 0 : i32
            %parallel_loop3A_228 = arith.index_cast %parallel_loop3A_227 : i32 to index
            %parallel_loop3A_229 = arith.index_cast %parallel_loop3A_221 : i32 to index
            %parallel_loop3A_230 = arith.constant 0 : index
            %parallel_loop3A_231 = tpu.vector_load %arg10[%parallel_loop3A_228, %parallel_loop3A_229, %parallel_loop3A_230] {strides = array<i32>} : memref<3x80x64xi32, #tpu.memory_space<vmem>>, vector<16xi32>,
            %parallel_loop3A_232 = vector.bitcast %parallel_loop3A_231 : vector<16xi32> to vector<32xbf16>
            %parallel_loop3A_233 = tpu.unpack_subelements %parallel_loop3A_232, 0 {pack_format = #tpu.pack_format<interleaved>} : vector<32xbf16> -> vector<16xf32>
            %parallel_loop3A_234 = tpu.unpack_subelements %parallel_loop3A_232, 1 {pack_format = #tpu.pack_format<interleaved>} : vector<32xbf16> -> vector<16xf32>
            %parallel_loop3A_235 = arith.mulf %parallel_loop3A_233, %parallel_loop3A_226 : vector<16xf32>
            %parallel_loop3A_236 = arith.constant 1 : i32
            %parallel_loop3A_237 = arith.index_cast %parallel_loop3A_236 : i32 to index
            %parallel_loop3A_238 = arith.index_cast %parallel_loop3A_221 : i32 to index
            %parallel_loop3A_239 = arith.constant 0 : index
            %parallel_loop3A_240 = tpu.vector_load %arg11[%parallel_loop3A_237, %parallel_loop3A_238, %parallel_loop3A_239] {strides = array<i32>} : memref<2x80x128xf32, #tpu.memory_space<vmem>>, vector<16xf32>,
            tpu.vector_store %arg11[%parallel_loop3A_237, %parallel_loop3A_238, %parallel_loop3A_239], %parallel_loop3A_235 {strides = array<i32>} : memref<2x80x128xf32, #tpu.memory_space<vmem>>, vector<16xf32>,
            %parallel_loop3A_241 = arith.mulf %parallel_loop3A_234, %parallel_loop3A_226 : vector<16xf32>
            %parallel_loop3A_242 = arith.constant 1 : i32
            %parallel_loop3A_243 = arith.index_cast %parallel_loop3A_242 : i32 to index
            %parallel_loop3A_244 = arith.index_cast %parallel_loop3A_221 : i32 to index
            %parallel_loop3A_245 = arith.constant 16 : index
            %parallel_loop3A_246 = tpu.vector_load %arg11[%parallel_loop3A_243, %parallel_loop3A_244, %parallel_loop3A_245] {strides = array<i32>} : memref<2x80x128xf32, #tpu.memory_space<vmem>>, vector<16xf32>,
            tpu.vector_store %arg11[%parallel_loop3A_243, %parallel_loop3A_244, %parallel_loop3A_245], %parallel_loop3A_241 {strides = array<i32>} : memref<2x80x128xf32, #tpu.memory_space<vmem>>, vector<16xf32>,
            %parallel_loop3A_247 = arith.constant 0 : i32
            %parallel_loop3A_248 = arith.index_cast %parallel_loop3A_247 : i32 to index
            %parallel_loop3A_249 = arith.index_cast %parallel_loop3A_221 : i32 to index
            %parallel_loop3A_250 = arith.constant 16 : index
            %parallel_loop3A_251 = tpu.vector_load %arg10[%parallel_loop3A_248, %parallel_loop3A_249, %parallel_loop3A_250] {strides = array<i32>} : memref<3x80x64xi32, #tpu.memory_space<vmem>>, vector<16xi32>,
            %parallel_loop3A_252 = vector.bitcast %parallel_loop3A_251 : vector<16xi32> to vector<32xbf16>
            %parallel_loop3A_253 = tpu.unpack_subelements %parallel_loop3A_252, 0 {pack_format = #tpu.pack_format<interleaved>} : vector<32xbf16> -> vector<16xf32>
            %parallel_loop3A_254 = tpu.unpack_subelements %parallel_loop3A_252, 1 {pack_format = #tpu.pack_format<interleaved>} : vector<32xbf16> -> vector<16xf32>
            %parallel_loop3A_255 = arith.mulf %parallel_loop3A_253, %parallel_loop3A_226 : vector<16xf32>
            %parallel_loop3A_256 = arith.constant 1 : i32
            %parallel_loop3A_257 = arith.index_cast %parallel_loop3A_256 : i32 to index
            %parallel_loop3A_258 = arith.index_cast %parallel_loop3A_221 : i32 to index
            %parallel_loop3A_259 = arith.constant 32 : index
            %parallel_loop3A_260 = tpu.vector_load %arg11[%parallel_loop3A_257, %parallel_loop3A_258, %parallel_loop3A_259] {strides = array<i32>} : memref<2x80x128xf32, #tpu.memory_space<vmem>>, vector<16xf32>,
            tpu.vector_store %arg11[%parallel_loop3A_257, %parallel_loop3A_258, %parallel_loop3A_259], %parallel_loop3A_255 {strides = array<i32>} : memref<2x80x128xf32, #tpu.memory_space<vmem>>, vector<16xf32>,
            %parallel_loop3A_261 = arith.mulf %parallel_loop3A_254, %parallel_loop3A_226 : vector<16xf32>
            %parallel_loop3A_262 = arith.constant 1 : i32
            %parallel_loop3A_263 = arith.index_cast %parallel_loop3A_262 : i32 to index
            %parallel_loop3A_264 = arith.index_cast %parallel_loop3A_221 : i32 to index
            %parallel_loop3A_265 = arith.constant 48 : index
            %parallel_loop3A_266 = tpu.vector_load %arg11[%parallel_loop3A_263, %parallel_loop3A_264, %parallel_loop3A_265] {strides = array<i32>} : memref<2x80x128xf32, #tpu.memory_space<vmem>>, vector<16xf32>,
            tpu.vector_store %arg11[%parallel_loop3A_263, %parallel_loop3A_264, %parallel_loop3A_265], %parallel_loop3A_261 {strides = array<i32>} : memref<2x80x128xf32, #tpu.memory_space<vmem>>, vector<16xf32>,
            %parallel_loop3A_267 = arith.constant 0 : i32
            %parallel_loop3A_268 = arith.index_cast %parallel_loop3A_267 : i32 to index
            %parallel_loop3A_269 = arith.index_cast %parallel_loop3A_221 : i32 to index
            %parallel_loop3A_270 = arith.constant 32 : index
            %parallel_loop3A_271 = tpu.vector_load %arg10[%parallel_loop3A_268, %parallel_loop3A_269, %parallel_loop3A_270] {strides = array<i32>} : memref<3x80x64xi32, #tpu.memory_space<vmem>>, vector<16xi32>,
            %parallel_loop3A_272 = vector.bitcast %parallel_loop3A_271 : vector<16xi32> to vector<32xbf16>
            %parallel_loop3A_273 = tpu.unpack_subelements %parallel_loop3A_272, 0 {pack_format = #tpu.pack_format<interleaved>} : vector<32xbf16> -> vector<16xf32>
            %parallel_loop3A_274 = tpu.unpack_subelements %parallel_loop3A_272, 1 {pack_format = #tpu.pack_format<interleaved>} : vector<32xbf16> -> vector<16xf32>
            %parallel_loop3A_275 = arith.mulf %parallel_loop3A_273, %parallel_loop3A_226 : vector<16xf32>
            %parallel_loop3A_276 = arith.constant 1 : i32
            %parallel_loop3A_277 = arith.index_cast %parallel_loop3A_276 : i32 to index
            %parallel_loop3A_278 = arith.index_cast %parallel_loop3A_221 : i32 to index
            %parallel_loop3A_279 = arith.constant 64 : index
            %parallel_loop3A_280 = tpu.vector_load %arg11[%parallel_loop3A_277, %parallel_loop3A_278, %parallel_loop3A_279] {strides = array<i32>} : memref<2x80x128xf32, #tpu.memory_space<vmem>>, vector<16xf32>,
            tpu.vector_store %arg11[%parallel_loop3A_277, %parallel_loop3A_278, %parallel_loop3A_279], %parallel_loop3A_275 {strides = array<i32>} : memref<2x80x128xf32, #tpu.memory_space<vmem>>, vector<16xf32>,
            %parallel_loop3A_281 = arith.mulf %parallel_loop3A_274, %parallel_loop3A_226 : vector<16xf32>
            %parallel_loop3A_282 = arith.constant 1 : i32
            %parallel_loop3A_283 = arith.index_cast %parallel_loop3A_282 : i32 to index
            %parallel_loop3A_284 = arith.index_cast %parallel_loop3A_221 : i32 to index
            %parallel_loop3A_285 = arith.constant 80 : index
            %parallel_loop3A_286 = tpu.vector_load %arg11[%parallel_loop3A_283, %parallel_loop3A_284, %parallel_loop3A_285] {strides = array<i32>} : memref<2x80x128xf32, #tpu.memory_space<vmem>>, vector<16xf32>,
            tpu.vector_store %arg11[%parallel_loop3A_283, %parallel_loop3A_284, %parallel_loop3A_285], %parallel_loop3A_281 {strides = array<i32>} : memref<2x80x128xf32, #tpu.memory_space<vmem>>, vector<16xf32>,
            %parallel_loop3A_287 = arith.constant 0 : i32
            %parallel_loop3A_288 = arith.index_cast %parallel_loop3A_287 : i32 to index
            %parallel_loop3A_289 = arith.index_cast %parallel_loop3A_221 : i32 to index
            %parallel_loop3A_290 = arith.constant 48 : index
            %parallel_loop3A_291 = tpu.vector_load %arg10[%parallel_loop3A_288, %parallel_loop3A_289, %parallel_loop3A_290] {strides = array<i32>} : memref<3x80x64xi32, #tpu.memory_space<vmem>>, vector<16xi32>,
            %parallel_loop3A_292 = vector.bitcast %parallel_loop3A_291 : vector<16xi32> to vector<32xbf16>
            %parallel_loop3A_293 = tpu.unpack_subelements %parallel_loop3A_292, 0 {pack_format = #tpu.pack_format<interleaved>} : vector<32xbf16> -> vector<16xf32>
            %parallel_loop3A_294 = tpu.unpack_subelements %parallel_loop3A_292, 1 {pack_format = #tpu.pack_format<interleaved>} : vector<32xbf16> -> vector<16xf32>
            %parallel_loop3A_295 = arith.mulf %parallel_loop3A_293, %parallel_loop3A_226 : vector<16xf32>
            %parallel_loop3A_296 = arith.constant 1 : i32
            %parallel_loop3A_297 = arith.index_cast %parallel_loop3A_296 : i32 to index
            %parallel_loop3A_298 = arith.index_cast %parallel_loop3A_221 : i32 to index
            %parallel_loop3A_299 = arith.constant 96 : index
            %parallel_loop3A_300 = tpu.vector_load %arg11[%parallel_loop3A_297, %parallel_loop3A_298, %parallel_loop3A_299] {strides = array<i32>} : memref<2x80x128xf32, #tpu.memory_space<vmem>>, vector<16xf32>,
            tpu.vector_store %arg11[%parallel_loop3A_297, %parallel_loop3A_298, %parallel_loop3A_299], %parallel_loop3A_295 {strides = array<i32>} : memref<2x80x128xf32, #tpu.memory_space<vmem>>, vector<16xf32>,
            %parallel_loop3A_301 = arith.mulf %parallel_loop3A_294, %parallel_loop3A_226 : vector<16xf32>
            %parallel_loop3A_302 = arith.constant 1 : i32
            %parallel_loop3A_303 = arith.index_cast %parallel_loop3A_302 : i32 to index
            %parallel_loop3A_304 = arith.index_cast %parallel_loop3A_221 : i32 to index
            %parallel_loop3A_305 = arith.constant 112 : index
            %parallel_loop3A_306 = tpu.vector_load %arg11[%parallel_loop3A_303, %parallel_loop3A_304, %parallel_loop3A_305] {strides = array<i32>} : memref<2x80x128xf32, #tpu.memory_space<vmem>>, vector<16xf32>,
            tpu.vector_store %arg11[%parallel_loop3A_303, %parallel_loop3A_304, %parallel_loop3A_305], %parallel_loop3A_301 {strides = array<i32>} : memref<2x80x128xf32, #tpu.memory_space<vmem>>, vector<16xf32>,
          } {sc.loop_unroll_factor = 8 : i64, sc.parallel_access}
          %dma_start3A_200 = arith.constant 1 : i32
          %dma_start3A_201 = arith.constant 1 : i32
          %dma_start3A_202 = arith.constant 0 : i32
          %dma_start3A_203 = arith.constant 0 : i32
          %dma_start3A_204 = tpu.memref_slice %arg11[%dma_start3A_200, %dma_start3A_202, %dma_start3A_203] : memref<2x80x128xf32, #tpu.memory_space<vmem>> -> memref<1x80x128xf32, #tpu.memory_space<vmem>>
          %dma_start3A_205 = tpu.memref_squeeze %dma_start3A_204 : memref<1x80x128xf32, #tpu.memory_space<vmem>> -> memref<80x128xf32, #tpu.memory_space<vmem>>
          %dma_start3A_206 = arith.constant 0 : i32
          %dma_start3A_207 = tpu.memref_slice %arg8[%add3A_155, %dma_start3A_206] : memref<25x80xi32, #tpu.memory_space<vmem>> -> memref<1x80xi32, #tpu.memory_space<vmem>>
          %dma_start3A_208 = tpu.memref_squeeze %dma_start3A_207 : memref<1x80xi32, #tpu.memory_space<vmem>> -> memref<80xi32, #tpu.memory_space<vmem>>
          %dma_start3A_209 = arith.constant 0 : i32
          %dma_start3A_210 = arith.constant 0 : i32
          %dma_start3A_211 = tpu.memref_slice %arg14[%dma_start3A_209, %dma_start3A_210] : memref<10240x128xf32, #tpu.memory_space<vmem_shared>> -> memref<10240x128xf32, #tpu.memory_space<vmem_shared>>
          %dma_start3A_212 = tpu.memref_slice %arg13[%dma_start3A_201] : memref<2x!tpu.dma_semaphore, #tpu.memory_space<semaphore_mem>> -> memref<1x!tpu.dma_semaphore, #tpu.memory_space<semaphore_mem>>
          %dma_start3A_213 = tpu.memref_squeeze %dma_start3A_212 : memref<1x!tpu.dma_semaphore, #tpu.memory_space<semaphore_mem>> -> memref<!tpu.dma_semaphore, #tpu.memory_space<semaphore_mem>>
          tpu.enqueue_indirect_dma source(%dma_start3A_205 : memref<80x128xf32, #tpu.memory_space<vmem>>) target(%dma_start3A_211 : memref<10240x128xf32, #tpu.memory_space<vmem_shared>>) offsets(%dma_start3A_208 : memref<80xi32, #tpu.memory_space<vmem>>) semaphore(%dma_start3A_213 : memref<!tpu.dma_semaphore, #tpu.memory_space<semaphore_mem>>) {add = true}
          %add3A_214 = arith.constant 3 : i32
          %add3A_215 = arith.addi %add3A_155, %add3A_214 : i32
          %lt3A_216 = arith.constant 25 : i32
          %lt3A_217 = arith.cmpi slt, %add3A_215, %lt3A_216 : i32
          %convert_element_type3A_218 = arith.extui %lt3A_217 : i1 to i32
          %cond3A_219 = arith.constant 0 : i32
          %cond3A_220 = arith.cmpi ne, %convert_element_type3A_218, %cond3A_219 : i32
          scf.if %cond3A_220 {
            %add3A_221 = arith.constant 3 : i32
            %add3A_222 = arith.addi %add3A_155, %add3A_221 : i32
            %mul3A_223 = arith.constant 80 : i32
            %mul3A_224 = arith.muli %add3A_222, %mul3A_223 : i32
            %dma_start3A_225 = arith.constant 0 : i32
            %dma_start3A_226 = arith.constant 0 : i32
            %dma_start3A_227 = arith.constant 0 : i32
            %dma_start3A_228 = arith.constant 0 : i32
            %dma_start3A_229 = tpu.memref_slice %arg10[%dma_start3A_225, %dma_start3A_227, %dma_start3A_228] : memref<3x80x64xi32, #tpu.memory_space<vmem>> -> memref<1x80x64xi32, #tpu.memory_space<vmem>>
            %dma_start3A_230 = tpu.memref_squeeze %dma_start3A_229 : memref<1x80x64xi32, #tpu.memory_space<vmem>> -> memref<80x64xi32, #tpu.memory_space<vmem>>
            %dma_start3A_231 = tpu.memref_slice %arg7[%mul3A_224] : memref<2000xi32, #tpu.memory_space<vmem>> -> memref<80xi32, #tpu.memory_space<vmem>>
            %dma_start3A_232 = arith.constant 0 : i32
            %dma_start3A_233 = arith.constant 0 : i32
            %dma_start3A_234 = tpu.memref_slice %arg2[%dma_start3A_232, %dma_start3A_233] : memref<10000x64xi32, #tpu.memory_space<hbm>> -> memref<10000x64xi32, #tpu.memory_space<hbm>>
            %dma_start3A_235 = tpu.memref_slice %arg12[%dma_start3A_226] : memref<3x!tpu.dma_semaphore, #tpu.memory_space<semaphore_mem>> -> memref<1x!tpu.dma_semaphore, #tpu.memory_space<semaphore_mem>>
            %dma_start3A_236 = tpu.memref_squeeze %dma_start3A_235 : memref<1x!tpu.dma_semaphore, #tpu.memory_space<semaphore_mem>> -> memref<!tpu.dma_semaphore, #tpu.memory_space<semaphore_mem>>
            tpu.enqueue_indirect_dma source(%dma_start3A_234 : memref<10000x64xi32, #tpu.memory_space<hbm>>) target(%dma_start3A_230 : memref<80x64xi32, #tpu.memory_space<vmem>>) offsets(%dma_start3A_231 : memref<80xi32, #tpu.memory_space<vmem>>) semaphore(%dma_start3A_236 : memref<!tpu.dma_semaphore, #tpu.memory_space<semaphore_mem>>)
          } else {
          }
        } else {
        }
        %mul3A_161 = arith.constant 6 : i32
        %mul3A_162 = arith.muli %scan3A_126, %mul3A_161 : i32
        %add3A_163 = arith.constant 4 : i32
        %add3A_164 = arith.addi %mul3A_162, %add3A_163 : i32
        %lt3A_165 = arith.constant 25 : i32
        %lt3A_166 = arith.cmpi slt, %add3A_164, %lt3A_165 : i32
        %convert_element_type3A_167 = arith.extui %lt3A_166 : i1 to i32
        %cond3A_168 = arith.constant 0 : i32
        %cond3A_169 = arith.cmpi ne, %convert_element_type3A_167, %cond3A_168 : i32
        scf.if %cond3A_169 {
          %mul3A_180 = arith.constant 80 : i32
          %mul3A_181 = arith.muli %add3A_164, %mul3A_180 : i32
          %dma_wait3A_182 = arith.constant 1 : i32
          %dma_wait3A_183 = arith.constant 1 : i32
          %dma_wait3A_184 = arith.constant 0 : i32
          %dma_wait3A_185 = arith.constant 0 : i32
          %dma_wait3A_186 = tpu.memref_slice %arg10[%dma_wait3A_182, %dma_wait3A_184, %dma_wait3A_185] : memref<3x80x64xi32, #tpu.memory_space<vmem>> -> memref<1x80x64xi32, #tpu.memory_space<vmem>>
          %dma_wait3A_187 = tpu.memref_squeeze %dma_wait3A_186 : memref<1x80x64xi32, #tpu.memory_space<vmem>> -> memref<80x64xi32, #tpu.memory_space<vmem>>
          %dma_wait3A_188 = tpu.memref_slice %arg7[%mul3A_181] : memref<2000xi32, #tpu.memory_space<vmem>> -> memref<80xi32, #tpu.memory_space<vmem>>
          %dma_wait3A_189 = arith.constant 0 : i32
          %dma_wait3A_190 = arith.constant 0 : i32
          %dma_wait3A_191 = tpu.memref_slice %arg2[%dma_wait3A_189, %dma_wait3A_190] : memref<10000x64xi32, #tpu.memory_space<hbm>> -> memref<10000x64xi32, #tpu.memory_space<hbm>>
          %dma_wait3A_192 = tpu.memref_slice %arg12[%dma_wait3A_183] : memref<3x!tpu.dma_semaphore, #tpu.memory_space<semaphore_mem>> -> memref<1x!tpu.dma_semaphore, #tpu.memory_space<semaphore_mem>>
          %dma_wait3A_193 = tpu.memref_squeeze %dma_wait3A_192 : memref<1x!tpu.dma_semaphore, #tpu.memory_space<semaphore_mem>> -> memref<!tpu.dma_semaphore, #tpu.memory_space<semaphore_mem>>
          tpu.wait_indirect_dma semaphore(%dma_wait3A_193 : memref<!tpu.dma_semaphore, #tpu.memory_space<semaphore_mem>>) src(%dma_wait3A_191 : memref<10000x64xi32, #tpu.memory_space<hbm>>) dst(%dma_wait3A_187 : memref<80x64xi32, #tpu.memory_space<vmem>>)
          %ge3A = arith.constant 2 : i32
          %ge3A_194 = arith.cmpi sge, %add3A_164, %ge3A : i32
          %convert_element_type3A_195 = arith.extui %ge3A_194 : i1 to i32
          %cond3A_196 = arith.constant 0 : i32
          %cond3A_197 = arith.cmpi ne, %convert_element_type3A_195, %cond3A_196 : i32
          scf.if %cond3A_197 {
            %sub3A = arith.constant 2 : i32
            %sub3A_221 = arith.subi %add3A_164, %sub3A : i32
            %dma_wait3A_222 = arith.constant 0 : i32
            %dma_wait3A_223 = arith.constant 0 : i32
            %dma_wait3A_224 = arith.constant 0 : i32
            %dma_wait3A_225 = arith.constant 0 : i32
            %dma_wait3A_226 = tpu.memref_slice %arg11[%dma_wait3A_222, %dma_wait3A_224, %dma_wait3A_225] : memref<2x80x128xf32, #tpu.memory_space<vmem>> -> memref<1x80x128xf32, #tpu.memory_space<vmem>>
            %dma_wait3A_227 = tpu.memref_squeeze %dma_wait3A_226 : memref<1x80x128xf32, #tpu.memory_space<vmem>> -> memref<80x128xf32, #tpu.memory_space<vmem>>
            %dma_wait3A_228 = arith.constant 0 : i32
            %dma_wait3A_229 = tpu.memref_slice %arg8[%sub3A_221, %dma_wait3A_228] : memref<25x80xi32, #tpu.memory_space<vmem>> -> memref<1x80xi32, #tpu.memory_space<vmem>>
            %dma_wait3A_230 = tpu.memref_squeeze %dma_wait3A_229 : memref<1x80xi32, #tpu.memory_space<vmem>> -> memref<80xi32, #tpu.memory_space<vmem>>
            %dma_wait3A_231 = arith.constant 0 : i32
            %dma_wait3A_232 = arith.constant 0 : i32
            %dma_wait3A_233 = tpu.memref_slice %arg14[%dma_wait3A_231, %dma_wait3A_232] : memref<10240x128xf32, #tpu.memory_space<vmem_shared>> -> memref<10240x128xf32, #tpu.memory_space<vmem_shared>>
            %dma_wait3A_234 = tpu.memref_slice %arg13[%dma_wait3A_223] : memref<2x!tpu.dma_semaphore, #tpu.memory_space<semaphore_mem>> -> memref<1x!tpu.dma_semaphore, #tpu.memory_space<semaphore_mem>>
            %dma_wait3A_235 = tpu.memref_squeeze %dma_wait3A_234 : memref<1x!tpu.dma_semaphore, #tpu.memory_space<semaphore_mem>> -> memref<!tpu.dma_semaphore, #tpu.memory_space<semaphore_mem>>
            tpu.wait_indirect_dma semaphore(%dma_wait3A_235 : memref<!tpu.dma_semaphore, #tpu.memory_space<semaphore_mem>>) src(%dma_wait3A_227 : memref<80x128xf32, #tpu.memory_space<vmem>>) dst(%dma_wait3A_233 : memref<10240x128xf32, #tpu.memory_space<vmem_shared>>)
          } else {
          }
          %parallel_loop3A = arith.constant 0 : i32
          %parallel_loop3A_198 = arith.constant 80 : i32
          %parallel_loop3A_199 = arith.constant 1 : i32
          scf.for %parallel_loop3A_221 = %parallel_loop3A to %parallel_loop3A_198 step %parallel_loop3A_199  : i32 {
            %parallel_loop3A_222 = arith.constant 80 : i32
            %parallel_loop3A_223 = arith.muli %add3A_164, %parallel_loop3A_222 : i32
            %parallel_loop3A_224 = arith.addi %parallel_loop3A_223, %parallel_loop3A_221 : i32
            %parallel_loop3A_225 = vector.broadcast %parallel_loop3A_224 : i32 to vector<16xi32>
            %parallel_loop3A_226 = tpu.vector_load_idx %arg9[%parallel_loop3A_225] : memref<2000xf32, #tpu.memory_space<vmem>>[vector<16xi32>], vector<16xf32>,
            %parallel_loop3A_227 = arith.constant 1 : i32
            %parallel_loop3A_228 = arith.index_cast %parallel_loop3A_227 : i32 to index
            %parallel_loop3A_229 = arith.index_cast %parallel_loop3A_221 : i32 to index
            %parallel_loop3A_230 = arith.constant 0 : index
            %parallel_loop3A_231 = tpu.vector_load %arg10[%parallel_loop3A_228, %parallel_loop3A_229, %parallel_loop3A_230] {strides = array<i32>} : memref<3x80x64xi32, #tpu.memory_space<vmem>>, vector<16xi32>,
            %parallel_loop3A_232 = vector.bitcast %parallel_loop3A_231 : vector<16xi32> to vector<32xbf16>
            %parallel_loop3A_233 = tpu.unpack_subelements %parallel_loop3A_232, 0 {pack_format = #tpu.pack_format<interleaved>} : vector<32xbf16> -> vector<16xf32>
            %parallel_loop3A_234 = tpu.unpack_subelements %parallel_loop3A_232, 1 {pack_format = #tpu.pack_format<interleaved>} : vector<32xbf16> -> vector<16xf32>
            %parallel_loop3A_235 = arith.mulf %parallel_loop3A_233, %parallel_loop3A_226 : vector<16xf32>
            %parallel_loop3A_236 = arith.constant 0 : i32
            %parallel_loop3A_237 = arith.index_cast %parallel_loop3A_236 : i32 to index
            %parallel_loop3A_238 = arith.index_cast %parallel_loop3A_221 : i32 to index
            %parallel_loop3A_239 = arith.constant 0 : index
            %parallel_loop3A_240 = tpu.vector_load %arg11[%parallel_loop3A_237, %parallel_loop3A_238, %parallel_loop3A_239] {strides = array<i32>} : memref<2x80x128xf32, #tpu.memory_space<vmem>>, vector<16xf32>,
            tpu.vector_store %arg11[%parallel_loop3A_237, %parallel_loop3A_238, %parallel_loop3A_239], %parallel_loop3A_235 {strides = array<i32>} : memref<2x80x128xf32, #tpu.memory_space<vmem>>, vector<16xf32>,
            %parallel_loop3A_241 = arith.mulf %parallel_loop3A_234, %parallel_loop3A_226 : vector<16xf32>
            %parallel_loop3A_242 = arith.constant 0 : i32
            %parallel_loop3A_243 = arith.index_cast %parallel_loop3A_242 : i32 to index
            %parallel_loop3A_244 = arith.index_cast %parallel_loop3A_221 : i32 to index
            %parallel_loop3A_245 = arith.constant 16 : index
            %parallel_loop3A_246 = tpu.vector_load %arg11[%parallel_loop3A_243, %parallel_loop3A_244, %parallel_loop3A_245] {strides = array<i32>} : memref<2x80x128xf32, #tpu.memory_space<vmem>>, vector<16xf32>,
            tpu.vector_store %arg11[%parallel_loop3A_243, %parallel_loop3A_244, %parallel_loop3A_245], %parallel_loop3A_241 {strides = array<i32>} : memref<2x80x128xf32, #tpu.memory_space<vmem>>, vector<16xf32>,
            %parallel_loop3A_247 = arith.constant 1 : i32
            %parallel_loop3A_248 = arith.index_cast %parallel_loop3A_247 : i32 to index
            %parallel_loop3A_249 = arith.index_cast %parallel_loop3A_221 : i32 to index
            %parallel_loop3A_250 = arith.constant 16 : index
            %parallel_loop3A_251 = tpu.vector_load %arg10[%parallel_loop3A_248, %parallel_loop3A_249, %parallel_loop3A_250] {strides = array<i32>} : memref<3x80x64xi32, #tpu.memory_space<vmem>>, vector<16xi32>,
            %parallel_loop3A_252 = vector.bitcast %parallel_loop3A_251 : vector<16xi32> to vector<32xbf16>
            %parallel_loop3A_253 = tpu.unpack_subelements %parallel_loop3A_252, 0 {pack_format = #tpu.pack_format<interleaved>} : vector<32xbf16> -> vector<16xf32>
            %parallel_loop3A_254 = tpu.unpack_subelements %parallel_loop3A_252, 1 {pack_format = #tpu.pack_format<interleaved>} : vector<32xbf16> -> vector<16xf32>
            %parallel_loop3A_255 = arith.mulf %parallel_loop3A_253, %parallel_loop3A_226 : vector<16xf32>
            %parallel_loop3A_256 = arith.constant 0 : i32
            %parallel_loop3A_257 = arith.index_cast %parallel_loop3A_256 : i32 to index
            %parallel_loop3A_258 = arith.index_cast %parallel_loop3A_221 : i32 to index
            %parallel_loop3A_259 = arith.constant 32 : index
            %parallel_loop3A_260 = tpu.vector_load %arg11[%parallel_loop3A_257, %parallel_loop3A_258, %parallel_loop3A_259] {strides = array<i32>} : memref<2x80x128xf32, #tpu.memory_space<vmem>>, vector<16xf32>,
            tpu.vector_store %arg11[%parallel_loop3A_257, %parallel_loop3A_258, %parallel_loop3A_259], %parallel_loop3A_255 {strides = array<i32>} : memref<2x80x128xf32, #tpu.memory_space<vmem>>, vector<16xf32>,
            %parallel_loop3A_261 = arith.mulf %parallel_loop3A_254, %parallel_loop3A_226 : vector<16xf32>
            %parallel_loop3A_262 = arith.constant 0 : i32
            %parallel_loop3A_263 = arith.index_cast %parallel_loop3A_262 : i32 to index
            %parallel_loop3A_264 = arith.index_cast %parallel_loop3A_221 : i32 to index
            %parallel_loop3A_265 = arith.constant 48 : index
            %parallel_loop3A_266 = tpu.vector_load %arg11[%parallel_loop3A_263, %parallel_loop3A_264, %parallel_loop3A_265] {strides = array<i32>} : memref<2x80x128xf32, #tpu.memory_space<vmem>>, vector<16xf32>,
            tpu.vector_store %arg11[%parallel_loop3A_263, %parallel_loop3A_264, %parallel_loop3A_265], %parallel_loop3A_261 {strides = array<i32>} : memref<2x80x128xf32, #tpu.memory_space<vmem>>, vector<16xf32>,
            %parallel_loop3A_267 = arith.constant 1 : i32
            %parallel_loop3A_268 = arith.index_cast %parallel_loop3A_267 : i32 to index
            %parallel_loop3A_269 = arith.index_cast %parallel_loop3A_221 : i32 to index
            %parallel_loop3A_270 = arith.constant 32 : index
            %parallel_loop3A_271 = tpu.vector_load %arg10[%parallel_loop3A_268, %parallel_loop3A_269, %parallel_loop3A_270] {strides = array<i32>} : memref<3x80x64xi32, #tpu.memory_space<vmem>>, vector<16xi32>,
            %parallel_loop3A_272 = vector.bitcast %parallel_loop3A_271 : vector<16xi32> to vector<32xbf16>
            %parallel_loop3A_273 = tpu.unpack_subelements %parallel_loop3A_272, 0 {pack_format = #tpu.pack_format<interleaved>} : vector<32xbf16> -> vector<16xf32>
            %parallel_loop3A_274 = tpu.unpack_subelements %parallel_loop3A_272, 1 {pack_format = #tpu.pack_format<interleaved>} : vector<32xbf16> -> vector<16xf32>
            %parallel_loop3A_275 = arith.mulf %parallel_loop3A_273, %parallel_loop3A_226 : vector<16xf32>
            %parallel_loop3A_276 = arith.constant 0 : i32
            %parallel_loop3A_277 = arith.index_cast %parallel_loop3A_276 : i32 to index
            %parallel_loop3A_278 = arith.index_cast %parallel_loop3A_221 : i32 to index
            %parallel_loop3A_279 = arith.constant 64 : index
            %parallel_loop3A_280 = tpu.vector_load %arg11[%parallel_loop3A_277, %parallel_loop3A_278, %parallel_loop3A_279] {strides = array<i32>} : memref<2x80x128xf32, #tpu.memory_space<vmem>>, vector<16xf32>,
            tpu.vector_store %arg11[%parallel_loop3A_277, %parallel_loop3A_278, %parallel_loop3A_279], %parallel_loop3A_275 {strides = array<i32>} : memref<2x80x128xf32, #tpu.memory_space<vmem>>, vector<16xf32>,
            %parallel_loop3A_281 = arith.mulf %parallel_loop3A_274, %parallel_loop3A_226 : vector<16xf32>
            %parallel_loop3A_282 = arith.constant 0 : i32
            %parallel_loop3A_283 = arith.index_cast %parallel_loop3A_282 : i32 to index
            %parallel_loop3A_284 = arith.index_cast %parallel_loop3A_221 : i32 to index
            %parallel_loop3A_285 = arith.constant 80 : index
            %parallel_loop3A_286 = tpu.vector_load %arg11[%parallel_loop3A_283, %parallel_loop3A_284, %parallel_loop3A_285] {strides = array<i32>} : memref<2x80x128xf32, #tpu.memory_space<vmem>>, vector<16xf32>,
            tpu.vector_store %arg11[%parallel_loop3A_283, %parallel_loop3A_284, %parallel_loop3A_285], %parallel_loop3A_281 {strides = array<i32>} : memref<2x80x128xf32, #tpu.memory_space<vmem>>, vector<16xf32>,
            %parallel_loop3A_287 = arith.constant 1 : i32
            %parallel_loop3A_288 = arith.index_cast %parallel_loop3A_287 : i32 to index
            %parallel_loop3A_289 = arith.index_cast %parallel_loop3A_221 : i32 to index
            %parallel_loop3A_290 = arith.constant 48 : index
            %parallel_loop3A_291 = tpu.vector_load %arg10[%parallel_loop3A_288, %parallel_loop3A_289, %parallel_loop3A_290] {strides = array<i32>} : memref<3x80x64xi32, #tpu.memory_space<vmem>>, vector<16xi32>,
            %parallel_loop3A_292 = vector.bitcast %parallel_loop3A_291 : vector<16xi32> to vector<32xbf16>
            %parallel_loop3A_293 = tpu.unpack_subelements %parallel_loop3A_292, 0 {pack_format = #tpu.pack_format<interleaved>} : vector<32xbf16> -> vector<16xf32>
            %parallel_loop3A_294 = tpu.unpack_subelements %parallel_loop3A_292, 1 {pack_format = #tpu.pack_format<interleaved>} : vector<32xbf16> -> vector<16xf32>
            %parallel_loop3A_295 = arith.mulf %parallel_loop3A_293, %parallel_loop3A_226 : vector<16xf32>
            %parallel_loop3A_296 = arith.constant 0 : i32
            %parallel_loop3A_297 = arith.index_cast %parallel_loop3A_296 : i32 to index
            %parallel_loop3A_298 = arith.index_cast %parallel_loop3A_221 : i32 to index
            %parallel_loop3A_299 = arith.constant 96 : index
            %parallel_loop3A_300 = tpu.vector_load %arg11[%parallel_loop3A_297, %parallel_loop3A_298, %parallel_loop3A_299] {strides = array<i32>} : memref<2x80x128xf32, #tpu.memory_space<vmem>>, vector<16xf32>,
            tpu.vector_store %arg11[%parallel_loop3A_297, %parallel_loop3A_298, %parallel_loop3A_299], %parallel_loop3A_295 {strides = array<i32>} : memref<2x80x128xf32, #tpu.memory_space<vmem>>, vector<16xf32>,
            %parallel_loop3A_301 = arith.mulf %parallel_loop3A_294, %parallel_loop3A_226 : vector<16xf32>
            %parallel_loop3A_302 = arith.constant 0 : i32
            %parallel_loop3A_303 = arith.index_cast %parallel_loop3A_302 : i32 to index
            %parallel_loop3A_304 = arith.index_cast %parallel_loop3A_221 : i32 to index
            %parallel_loop3A_305 = arith.constant 112 : index
            %parallel_loop3A_306 = tpu.vector_load %arg11[%parallel_loop3A_303, %parallel_loop3A_304, %parallel_loop3A_305] {strides = array<i32>} : memref<2x80x128xf32, #tpu.memory_space<vmem>>, vector<16xf32>,
            tpu.vector_store %arg11[%parallel_loop3A_303, %parallel_loop3A_304, %parallel_loop3A_305], %parallel_loop3A_301 {strides = array<i32>} : memref<2x80x128xf32, #tpu.memory_space<vmem>>, vector<16xf32>,
          } {sc.loop_unroll_factor = 8 : i64, sc.parallel_access}
          %dma_start3A_200 = arith.constant 0 : i32
          %dma_start3A_201 = arith.constant 0 : i32
          %dma_start3A_202 = arith.constant 0 : i32
          %dma_start3A_203 = arith.constant 0 : i32
          %dma_start3A_204 = tpu.memref_slice %arg11[%dma_start3A_200, %dma_start3A_202, %dma_start3A_203] : memref<2x80x128xf32, #tpu.memory_space<vmem>> -> memref<1x80x128xf32, #tpu.memory_space<vmem>>
          %dma_start3A_205 = tpu.memref_squeeze %dma_start3A_204 : memref<1x80x128xf32, #tpu.memory_space<vmem>> -> memref<80x128xf32, #tpu.memory_space<vmem>>
          %dma_start3A_206 = arith.constant 0 : i32
          %dma_start3A_207 = tpu.memref_slice %arg8[%add3A_164, %dma_start3A_206] : memref<25x80xi32, #tpu.memory_space<vmem>> -> memref<1x80xi32, #tpu.memory_space<vmem>>
          %dma_start3A_208 = tpu.memref_squeeze %dma_start3A_207 : memref<1x80xi32, #tpu.memory_space<vmem>> -> memref<80xi32, #tpu.memory_space<vmem>>
          %dma_start3A_209 = arith.constant 0 : i32
          %dma_start3A_210 = arith.constant 0 : i32
          %dma_start3A_211 = tpu.memref_slice %arg14[%dma_start3A_209, %dma_start3A_210] : memref<10240x128xf32, #tpu.memory_space<vmem_shared>> -> memref<10240x128xf32, #tpu.memory_space<vmem_shared>>
          %dma_start3A_212 = tpu.memref_slice %arg13[%dma_start3A_201] : memref<2x!tpu.dma_semaphore, #tpu.memory_space<semaphore_mem>> -> memref<1x!tpu.dma_semaphore, #tpu.memory_space<semaphore_mem>>
          %dma_start3A_213 = tpu.memref_squeeze %dma_start3A_212 : memref<1x!tpu.dma_semaphore, #tpu.memory_space<semaphore_mem>> -> memref<!tpu.dma_semaphore, #tpu.memory_space<semaphore_mem>>
          tpu.enqueue_indirect_dma source(%dma_start3A_205 : memref<80x128xf32, #tpu.memory_space<vmem>>) target(%dma_start3A_211 : memref<10240x128xf32, #tpu.memory_space<vmem_shared>>) offsets(%dma_start3A_208 : memref<80xi32, #tpu.memory_space<vmem>>) semaphore(%dma_start3A_213 : memref<!tpu.dma_semaphore, #tpu.memory_space<semaphore_mem>>) {add = true}
          %add3A_214 = arith.constant 3 : i32
          %add3A_215 = arith.addi %add3A_164, %add3A_214 : i32
          %lt3A_216 = arith.constant 25 : i32
          %lt3A_217 = arith.cmpi slt, %add3A_215, %lt3A_216 : i32
          %convert_element_type3A_218 = arith.extui %lt3A_217 : i1 to i32
          %cond3A_219 = arith.constant 0 : i32
          %cond3A_220 = arith.cmpi ne, %convert_element_type3A_218, %cond3A_219 : i32
          scf.if %cond3A_220 {
            %add3A_221 = arith.constant 3 : i32
            %add3A_222 = arith.addi %add3A_164, %add3A_221 : i32
            %mul3A_223 = arith.constant 80 : i32
            %mul3A_224 = arith.muli %add3A_222, %mul3A_223 : i32
            %dma_start3A_225 = arith.constant 1 : i32
            %dma_start3A_226 = arith.constant 1 : i32
            %dma_start3A_227 = arith.constant 0 : i32
            %dma_start3A_228 = arith.constant 0 : i32
            %dma_start3A_229 = tpu.memref_slice %arg10[%dma_start3A_225, %dma_start3A_227, %dma_start3A_228] : memref<3x80x64xi32, #tpu.memory_space<vmem>> -> memref<1x80x64xi32, #tpu.memory_space<vmem>>
            %dma_start3A_230 = tpu.memref_squeeze %dma_start3A_229 : memref<1x80x64xi32, #tpu.memory_space<vmem>> -> memref<80x64xi32, #tpu.memory_space<vmem>>
            %dma_start3A_231 = tpu.memref_slice %arg7[%mul3A_224] : memref<2000xi32, #tpu.memory_space<vmem>> -> memref<80xi32, #tpu.memory_space<vmem>>
            %dma_start3A_232 = arith.constant 0 : i32
            %dma_start3A_233 = arith.constant 0 : i32
            %dma_start3A_234 = tpu.memref_slice %arg2[%dma_start3A_232, %dma_start3A_233] : memref<10000x64xi32, #tpu.memory_space<hbm>> -> memref<10000x64xi32, #tpu.memory_space<hbm>>
            %dma_start3A_235 = tpu.memref_slice %arg12[%dma_start3A_226] : memref<3x!tpu.dma_semaphore, #tpu.memory_space<semaphore_mem>> -> memref<1x!tpu.dma_semaphore, #tpu.memory_space<semaphore_mem>>
            %dma_start3A_236 = tpu.memref_squeeze %dma_start3A_235 : memref<1x!tpu.dma_semaphore, #tpu.memory_space<semaphore_mem>> -> memref<!tpu.dma_semaphore, #tpu.memory_space<semaphore_mem>>
            tpu.enqueue_indirect_dma source(%dma_start3A_234 : memref<10000x64xi32, #tpu.memory_space<hbm>>) target(%dma_start3A_230 : memref<80x64xi32, #tpu.memory_space<vmem>>) offsets(%dma_start3A_231 : memref<80xi32, #tpu.memory_space<vmem>>) semaphore(%dma_start3A_236 : memref<!tpu.dma_semaphore, #tpu.memory_space<semaphore_mem>>)
          } else {
          }
        } else {
        }
        %mul3A_170 = arith.constant 6 : i32
        %mul3A_171 = arith.muli %scan3A_126, %mul3A_170 : i32
        %add3A_172 = arith.constant 5 : i32
        %add3A_173 = arith.addi %mul3A_171, %add3A_172 : i32
        %lt3A_174 = arith.constant 25 : i32
        %lt3A_175 = arith.cmpi slt, %add3A_173, %lt3A_174 : i32
        %convert_element_type3A_176 = arith.extui %lt3A_175 : i1 to i32
        %cond3A_177 = arith.constant 0 : i32
        %cond3A_178 = arith.cmpi ne, %convert_element_type3A_176, %cond3A_177 : i32
        scf.if %cond3A_178 {
          %mul3A_180 = arith.constant 80 : i32
          %mul3A_181 = arith.muli %add3A_173, %mul3A_180 : i32
          %dma_wait3A_182 = arith.constant 2 : i32
          %dma_wait3A_183 = arith.constant 2 : i32
          %dma_wait3A_184 = arith.constant 0 : i32
          %dma_wait3A_185 = arith.constant 0 : i32
          %dma_wait3A_186 = tpu.memref_slice %arg10[%dma_wait3A_182, %dma_wait3A_184, %dma_wait3A_185] : memref<3x80x64xi32, #tpu.memory_space<vmem>> -> memref<1x80x64xi32, #tpu.memory_space<vmem>>
          %dma_wait3A_187 = tpu.memref_squeeze %dma_wait3A_186 : memref<1x80x64xi32, #tpu.memory_space<vmem>> -> memref<80x64xi32, #tpu.memory_space<vmem>>
          %dma_wait3A_188 = tpu.memref_slice %arg7[%mul3A_181] : memref<2000xi32, #tpu.memory_space<vmem>> -> memref<80xi32, #tpu.memory_space<vmem>>
          %dma_wait3A_189 = arith.constant 0 : i32
          %dma_wait3A_190 = arith.constant 0 : i32
          %dma_wait3A_191 = tpu.memref_slice %arg2[%dma_wait3A_189, %dma_wait3A_190] : memref<10000x64xi32, #tpu.memory_space<hbm>> -> memref<10000x64xi32, #tpu.memory_space<hbm>>
          %dma_wait3A_192 = tpu.memref_slice %arg12[%dma_wait3A_183] : memref<3x!tpu.dma_semaphore, #tpu.memory_space<semaphore_mem>> -> memref<1x!tpu.dma_semaphore, #tpu.memory_space<semaphore_mem>>
          %dma_wait3A_193 = tpu.memref_squeeze %dma_wait3A_192 : memref<1x!tpu.dma_semaphore, #tpu.memory_space<semaphore_mem>> -> memref<!tpu.dma_semaphore, #tpu.memory_space<semaphore_mem>>
          tpu.wait_indirect_dma semaphore(%dma_wait3A_193 : memref<!tpu.dma_semaphore, #tpu.memory_space<semaphore_mem>>) src(%dma_wait3A_191 : memref<10000x64xi32, #tpu.memory_space<hbm>>) dst(%dma_wait3A_187 : memref<80x64xi32, #tpu.memory_space<vmem>>)
          %ge3A = arith.constant 2 : i32
          %ge3A_194 = arith.cmpi sge, %add3A_173, %ge3A : i32
          %convert_element_type3A_195 = arith.extui %ge3A_194 : i1 to i32
          %cond3A_196 = arith.constant 0 : i32
          %cond3A_197 = arith.cmpi ne, %convert_element_type3A_195, %cond3A_196 : i32
          scf.if %cond3A_197 {
            %sub3A = arith.constant 2 : i32
            %sub3A_221 = arith.subi %add3A_173, %sub3A : i32
            %dma_wait3A_222 = arith.constant 1 : i32
            %dma_wait3A_223 = arith.constant 1 : i32
            %dma_wait3A_224 = arith.constant 0 : i32
            %dma_wait3A_225 = arith.constant 0 : i32
            %dma_wait3A_226 = tpu.memref_slice %arg11[%dma_wait3A_222, %dma_wait3A_224, %dma_wait3A_225] : memref<2x80x128xf32, #tpu.memory_space<vmem>> -> memref<1x80x128xf32, #tpu.memory_space<vmem>>
            %dma_wait3A_227 = tpu.memref_squeeze %dma_wait3A_226 : memref<1x80x128xf32, #tpu.memory_space<vmem>> -> memref<80x128xf32, #tpu.memory_space<vmem>>
            %dma_wait3A_228 = arith.constant 0 : i32
            %dma_wait3A_229 = tpu.memref_slice %arg8[%sub3A_221, %dma_wait3A_228] : memref<25x80xi32, #tpu.memory_space<vmem>> -> memref<1x80xi32, #tpu.memory_space<vmem>>
            %dma_wait3A_230 = tpu.memref_squeeze %dma_wait3A_229 : memref<1x80xi32, #tpu.memory_space<vmem>> -> memref<80xi32, #tpu.memory_space<vmem>>
            %dma_wait3A_231 = arith.constant 0 : i32
            %dma_wait3A_232 = arith.constant 0 : i32
            %dma_wait3A_233 = tpu.memref_slice %arg14[%dma_wait3A_231, %dma_wait3A_232] : memref<10240x128xf32, #tpu.memory_space<vmem_shared>> -> memref<10240x128xf32, #tpu.memory_space<vmem_shared>>
            %dma_wait3A_234 = tpu.memref_slice %arg13[%dma_wait3A_223] : memref<2x!tpu.dma_semaphore, #tpu.memory_space<semaphore_mem>> -> memref<1x!tpu.dma_semaphore, #tpu.memory_space<semaphore_mem>>
            %dma_wait3A_235 = tpu.memref_squeeze %dma_wait3A_234 : memref<1x!tpu.dma_semaphore, #tpu.memory_space<semaphore_mem>> -> memref<!tpu.dma_semaphore, #tpu.memory_space<semaphore_mem>>
            tpu.wait_indirect_dma semaphore(%dma_wait3A_235 : memref<!tpu.dma_semaphore, #tpu.memory_space<semaphore_mem>>) src(%dma_wait3A_227 : memref<80x128xf32, #tpu.memory_space<vmem>>) dst(%dma_wait3A_233 : memref<10240x128xf32, #tpu.memory_space<vmem_shared>>)
          } else {
          }
          %parallel_loop3A = arith.constant 0 : i32
          %parallel_loop3A_198 = arith.constant 80 : i32
          %parallel_loop3A_199 = arith.constant 1 : i32
          scf.for %parallel_loop3A_221 = %parallel_loop3A to %parallel_loop3A_198 step %parallel_loop3A_199  : i32 {
            %parallel_loop3A_222 = arith.constant 80 : i32
            %parallel_loop3A_223 = arith.muli %add3A_173, %parallel_loop3A_222 : i32
            %parallel_loop3A_224 = arith.addi %parallel_loop3A_223, %parallel_loop3A_221 : i32
            %parallel_loop3A_225 = vector.broadcast %parallel_loop3A_224 : i32 to vector<16xi32>
            %parallel_loop3A_226 = tpu.vector_load_idx %arg9[%parallel_loop3A_225] : memref<2000xf32, #tpu.memory_space<vmem>>[vector<16xi32>], vector<16xf32>,
            %parallel_loop3A_227 = arith.constant 2 : i32
            %parallel_loop3A_228 = arith.index_cast %parallel_loop3A_227 : i32 to index
            %parallel_loop3A_229 = arith.index_cast %parallel_loop3A_221 : i32 to index
            %parallel_loop3A_230 = arith.constant 0 : index
            %parallel_loop3A_231 = tpu.vector_load %arg10[%parallel_loop3A_228, %parallel_loop3A_229, %parallel_loop3A_230] {strides = array<i32>} : memref<3x80x64xi32, #tpu.memory_space<vmem>>, vector<16xi32>,
            %parallel_loop3A_232 = vector.bitcast %parallel_loop3A_231 : vector<16xi32> to vector<32xbf16>
            %parallel_loop3A_233 = tpu.unpack_subelements %parallel_loop3A_232, 0 {pack_format = #tpu.pack_format<interleaved>} : vector<32xbf16> -> vector<16xf32>
            %parallel_loop3A_234 = tpu.unpack_subelements %parallel_loop3A_232, 1 {pack_format = #tpu.pack_format<interleaved>} : vector<32xbf16> -> vector<16xf32>
            %parallel_loop3A_235 = arith.mulf %parallel_loop3A_233, %parallel_loop3A_226 : vector<16xf32>
            %parallel_loop3A_236 = arith.constant 1 : i32
            %parallel_loop3A_237 = arith.index_cast %parallel_loop3A_236 : i32 to index
            %parallel_loop3A_238 = arith.index_cast %parallel_loop3A_221 : i32 to index
            %parallel_loop3A_239 = arith.constant 0 : index
            %parallel_loop3A_240 = tpu.vector_load %arg11[%parallel_loop3A_237, %parallel_loop3A_238, %parallel_loop3A_239] {strides = array<i32>} : memref<2x80x128xf32, #tpu.memory_space<vmem>>, vector<16xf32>,
            tpu.vector_store %arg11[%parallel_loop3A_237, %parallel_loop3A_238, %parallel_loop3A_239], %parallel_loop3A_235 {strides = array<i32>} : memref<2x80x128xf32, #tpu.memory_space<vmem>>, vector<16xf32>,
            %parallel_loop3A_241 = arith.mulf %parallel_loop3A_234, %parallel_loop3A_226 : vector<16xf32>
            %parallel_loop3A_242 = arith.constant 1 : i32
            %parallel_loop3A_243 = arith.index_cast %parallel_loop3A_242 : i32 to index
            %parallel_loop3A_244 = arith.index_cast %parallel_loop3A_221 : i32 to index
            %parallel_loop3A_245 = arith.constant 16 : index
            %parallel_loop3A_246 = tpu.vector_load %arg11[%parallel_loop3A_243, %parallel_loop3A_244, %parallel_loop3A_245] {strides = array<i32>} : memref<2x80x128xf32, #tpu.memory_space<vmem>>, vector<16xf32>,
            tpu.vector_store %arg11[%parallel_loop3A_243, %parallel_loop3A_244, %parallel_loop3A_245], %parallel_loop3A_241 {strides = array<i32>} : memref<2x80x128xf32, #tpu.memory_space<vmem>>, vector<16xf32>,
            %parallel_loop3A_247 = arith.constant 2 : i32
            %parallel_loop3A_248 = arith.index_cast %parallel_loop3A_247 : i32 to index
            %parallel_loop3A_249 = arith.index_cast %parallel_loop3A_221 : i32 to index
            %parallel_loop3A_250 = arith.constant 16 : index
            %parallel_loop3A_251 = tpu.vector_load %arg10[%parallel_loop3A_248, %parallel_loop3A_249, %parallel_loop3A_250] {strides = array<i32>} : memref<3x80x64xi32, #tpu.memory_space<vmem>>, vector<16xi32>,
            %parallel_loop3A_252 = vector.bitcast %parallel_loop3A_251 : vector<16xi32> to vector<32xbf16>
            %parallel_loop3A_253 = tpu.unpack_subelements %parallel_loop3A_252, 0 {pack_format = #tpu.pack_format<interleaved>} : vector<32xbf16> -> vector<16xf32>
            %parallel_loop3A_254 = tpu.unpack_subelements %parallel_loop3A_252, 1 {pack_format = #tpu.pack_format<interleaved>} : vector<32xbf16> -> vector<16xf32>
            %parallel_loop3A_255 = arith.mulf %parallel_loop3A_253, %parallel_loop3A_226 : vector<16xf32>
            %parallel_loop3A_256 = arith.constant 1 : i32
            %parallel_loop3A_257 = arith.index_cast %parallel_loop3A_256 : i32 to index
            %parallel_loop3A_258 = arith.index_cast %parallel_loop3A_221 : i32 to index
            %parallel_loop3A_259 = arith.constant 32 : index
            %parallel_loop3A_260 = tpu.vector_load %arg11[%parallel_loop3A_257, %parallel_loop3A_258, %parallel_loop3A_259] {strides = array<i32>} : memref<2x80x128xf32, #tpu.memory_space<vmem>>, vector<16xf32>,
            tpu.vector_store %arg11[%parallel_loop3A_257, %parallel_loop3A_258, %parallel_loop3A_259], %parallel_loop3A_255 {strides = array<i32>} : memref<2x80x128xf32, #tpu.memory_space<vmem>>, vector<16xf32>,
            %parallel_loop3A_261 = arith.mulf %parallel_loop3A_254, %parallel_loop3A_226 : vector<16xf32>
            %parallel_loop3A_262 = arith.constant 1 : i32
            %parallel_loop3A_263 = arith.index_cast %parallel_loop3A_262 : i32 to index
            %parallel_loop3A_264 = arith.index_cast %parallel_loop3A_221 : i32 to index
            %parallel_loop3A_265 = arith.constant 48 : index
            %parallel_loop3A_266 = tpu.vector_load %arg11[%parallel_loop3A_263, %parallel_loop3A_264, %parallel_loop3A_265] {strides = array<i32>} : memref<2x80x128xf32, #tpu.memory_space<vmem>>, vector<16xf32>,
            tpu.vector_store %arg11[%parallel_loop3A_263, %parallel_loop3A_264, %parallel_loop3A_265], %parallel_loop3A_261 {strides = array<i32>} : memref<2x80x128xf32, #tpu.memory_space<vmem>>, vector<16xf32>,
            %parallel_loop3A_267 = arith.constant 2 : i32
            %parallel_loop3A_268 = arith.index_cast %parallel_loop3A_267 : i32 to index
            %parallel_loop3A_269 = arith.index_cast %parallel_loop3A_221 : i32 to index
            %parallel_loop3A_270 = arith.constant 32 : index
            %parallel_loop3A_271 = tpu.vector_load %arg10[%parallel_loop3A_268, %parallel_loop3A_269, %parallel_loop3A_270] {strides = array<i32>} : memref<3x80x64xi32, #tpu.memory_space<vmem>>, vector<16xi32>,
            %parallel_loop3A_272 = vector.bitcast %parallel_loop3A_271 : vector<16xi32> to vector<32xbf16>
            %parallel_loop3A_273 = tpu.unpack_subelements %parallel_loop3A_272, 0 {pack_format = #tpu.pack_format<interleaved>} : vector<32xbf16> -> vector<16xf32>
            %parallel_loop3A_274 = tpu.unpack_subelements %parallel_loop3A_272, 1 {pack_format = #tpu.pack_format<interleaved>} : vector<32xbf16> -> vector<16xf32>
            %parallel_loop3A_275 = arith.mulf %parallel_loop3A_273, %parallel_loop3A_226 : vector<16xf32>
            %parallel_loop3A_276 = arith.constant 1 : i32
            %parallel_loop3A_277 = arith.index_cast %parallel_loop3A_276 : i32 to index
            %parallel_loop3A_278 = arith.index_cast %parallel_loop3A_221 : i32 to index
            %parallel_loop3A_279 = arith.constant 64 : index
            %parallel_loop3A_280 = tpu.vector_load %arg11[%parallel_loop3A_277, %parallel_loop3A_278, %parallel_loop3A_279] {strides = array<i32>} : memref<2x80x128xf32, #tpu.memory_space<vmem>>, vector<16xf32>,
            tpu.vector_store %arg11[%parallel_loop3A_277, %parallel_loop3A_278, %parallel_loop3A_279], %parallel_loop3A_275 {strides = array<i32>} : memref<2x80x128xf32, #tpu.memory_space<vmem>>, vector<16xf32>,
            %parallel_loop3A_281 = arith.mulf %parallel_loop3A_274, %parallel_loop3A_226 : vector<16xf32>
            %parallel_loop3A_282 = arith.constant 1 : i32
            %parallel_loop3A_283 = arith.index_cast %parallel_loop3A_282 : i32 to index
            %parallel_loop3A_284 = arith.index_cast %parallel_loop3A_221 : i32 to index
            %parallel_loop3A_285 = arith.constant 80 : index
            %parallel_loop3A_286 = tpu.vector_load %arg11[%parallel_loop3A_283, %parallel_loop3A_284, %parallel_loop3A_285] {strides = array<i32>} : memref<2x80x128xf32, #tpu.memory_space<vmem>>, vector<16xf32>,
            tpu.vector_store %arg11[%parallel_loop3A_283, %parallel_loop3A_284, %parallel_loop3A_285], %parallel_loop3A_281 {strides = array<i32>} : memref<2x80x128xf32, #tpu.memory_space<vmem>>, vector<16xf32>,
            %parallel_loop3A_287 = arith.constant 2 : i32
            %parallel_loop3A_288 = arith.index_cast %parallel_loop3A_287 : i32 to index
            %parallel_loop3A_289 = arith.index_cast %parallel_loop3A_221 : i32 to index
            %parallel_loop3A_290 = arith.constant 48 : index
            %parallel_loop3A_291 = tpu.vector_load %arg10[%parallel_loop3A_288, %parallel_loop3A_289, %parallel_loop3A_290] {strides = array<i32>} : memref<3x80x64xi32, #tpu.memory_space<vmem>>, vector<16xi32>,
            %parallel_loop3A_292 = vector.bitcast %parallel_loop3A_291 : vector<16xi32> to vector<32xbf16>
            %parallel_loop3A_293 = tpu.unpack_subelements %parallel_loop3A_292, 0 {pack_format = #tpu.pack_format<interleaved>} : vector<32xbf16> -> vector<16xf32>
            %parallel_loop3A_294 = tpu.unpack_subelements %parallel_loop3A_292, 1 {pack_format = #tpu.pack_format<interleaved>} : vector<32xbf16> -> vector<16xf32>
            %parallel_loop3A_295 = arith.mulf %parallel_loop3A_293, %parallel_loop3A_226 : vector<16xf32>
            %parallel_loop3A_296 = arith.constant 1 : i32
            %parallel_loop3A_297 = arith.index_cast %parallel_loop3A_296 : i32 to index
            %parallel_loop3A_298 = arith.index_cast %parallel_loop3A_221 : i32 to index
            %parallel_loop3A_299 = arith.constant 96 : index
            %parallel_loop3A_300 = tpu.vector_load %arg11[%parallel_loop3A_297, %parallel_loop3A_298, %parallel_loop3A_299] {strides = array<i32>} : memref<2x80x128xf32, #tpu.memory_space<vmem>>, vector<16xf32>,
            tpu.vector_store %arg11[%parallel_loop3A_297, %parallel_loop3A_298, %parallel_loop3A_299], %parallel_loop3A_295 {strides = array<i32>} : memref<2x80x128xf32, #tpu.memory_space<vmem>>, vector<16xf32>,
            %parallel_loop3A_301 = arith.mulf %parallel_loop3A_294, %parallel_loop3A_226 : vector<16xf32>
            %parallel_loop3A_302 = arith.constant 1 : i32
            %parallel_loop3A_303 = arith.index_cast %parallel_loop3A_302 : i32 to index
            %parallel_loop3A_304 = arith.index_cast %parallel_loop3A_221 : i32 to index
            %parallel_loop3A_305 = arith.constant 112 : index
            %parallel_loop3A_306 = tpu.vector_load %arg11[%parallel_loop3A_303, %parallel_loop3A_304, %parallel_loop3A_305] {strides = array<i32>} : memref<2x80x128xf32, #tpu.memory_space<vmem>>, vector<16xf32>,
            tpu.vector_store %arg11[%parallel_loop3A_303, %parallel_loop3A_304, %parallel_loop3A_305], %parallel_loop3A_301 {strides = array<i32>} : memref<2x80x128xf32, #tpu.memory_space<vmem>>, vector<16xf32>,
          } {sc.loop_unroll_factor = 8 : i64, sc.parallel_access}
          %dma_start3A_200 = arith.constant 1 : i32
          %dma_start3A_201 = arith.constant 1 : i32
          %dma_start3A_202 = arith.constant 0 : i32
          %dma_start3A_203 = arith.constant 0 : i32
          %dma_start3A_204 = tpu.memref_slice %arg11[%dma_start3A_200, %dma_start3A_202, %dma_start3A_203] : memref<2x80x128xf32, #tpu.memory_space<vmem>> -> memref<1x80x128xf32, #tpu.memory_space<vmem>>
          %dma_start3A_205 = tpu.memref_squeeze %dma_start3A_204 : memref<1x80x128xf32, #tpu.memory_space<vmem>> -> memref<80x128xf32, #tpu.memory_space<vmem>>
          %dma_start3A_206 = arith.constant 0 : i32
          %dma_start3A_207 = tpu.memref_slice %arg8[%add3A_173, %dma_start3A_206] : memref<25x80xi32, #tpu.memory_space<vmem>> -> memref<1x80xi32, #tpu.memory_space<vmem>>
          %dma_start3A_208 = tpu.memref_squeeze %dma_start3A_207 : memref<1x80xi32, #tpu.memory_space<vmem>> -> memref<80xi32, #tpu.memory_space<vmem>>
          %dma_start3A_209 = arith.constant 0 : i32
          %dma_start3A_210 = arith.constant 0 : i32
          %dma_start3A_211 = tpu.memref_slice %arg14[%dma_start3A_209, %dma_start3A_210] : memref<10240x128xf32, #tpu.memory_space<vmem_shared>> -> memref<10240x128xf32, #tpu.memory_space<vmem_shared>>
          %dma_start3A_212 = tpu.memref_slice %arg13[%dma_start3A_201] : memref<2x!tpu.dma_semaphore, #tpu.memory_space<semaphore_mem>> -> memref<1x!tpu.dma_semaphore, #tpu.memory_space<semaphore_mem>>
          %dma_start3A_213 = tpu.memref_squeeze %dma_start3A_212 : memref<1x!tpu.dma_semaphore, #tpu.memory_space<semaphore_mem>> -> memref<!tpu.dma_semaphore, #tpu.memory_space<semaphore_mem>>
          tpu.enqueue_indirect_dma source(%dma_start3A_205 : memref<80x128xf32, #tpu.memory_space<vmem>>) target(%dma_start3A_211 : memref<10240x128xf32, #tpu.memory_space<vmem_shared>>) offsets(%dma_start3A_208 : memref<80xi32, #tpu.memory_space<vmem>>) semaphore(%dma_start3A_213 : memref<!tpu.dma_semaphore, #tpu.memory_space<semaphore_mem>>) {add = true}
          %add3A_214 = arith.constant 3 : i32
          %add3A_215 = arith.addi %add3A_173, %add3A_214 : i32
          %lt3A_216 = arith.constant 25 : i32
          %lt3A_217 = arith.cmpi slt, %add3A_215, %lt3A_216 : i32
          %convert_element_type3A_218 = arith.extui %lt3A_217 : i1 to i32
          %cond3A_219 = arith.constant 0 : i32
          %cond3A_220 = arith.cmpi ne, %convert_element_type3A_218, %cond3A_219 : i32
          scf.if %cond3A_220 {
            %add3A_221 = arith.constant 3 : i32
            %add3A_222 = arith.addi %add3A_173, %add3A_221 : i32
            %mul3A_223 = arith.constant 80 : i32
            %mul3A_224 = arith.muli %add3A_222, %mul3A_223 : i32
            %dma_start3A_225 = arith.constant 2 : i32
            %dma_start3A_226 = arith.constant 2 : i32
            %dma_start3A_227 = arith.constant 0 : i32
            %dma_start3A_228 = arith.constant 0 : i32
            %dma_start3A_229 = tpu.memref_slice %arg10[%dma_start3A_225, %dma_start3A_227, %dma_start3A_228] : memref<3x80x64xi32, #tpu.memory_space<vmem>> -> memref<1x80x64xi32, #tpu.memory_space<vmem>>
            %dma_start3A_230 = tpu.memref_squeeze %dma_start3A_229 : memref<1x80x64xi32, #tpu.memory_space<vmem>> -> memref<80x64xi32, #tpu.memory_space<vmem>>
            %dma_start3A_231 = tpu.memref_slice %arg7[%mul3A_224] : memref<2000xi32, #tpu.memory_space<vmem>> -> memref<80xi32, #tpu.memory_space<vmem>>
            %dma_start3A_232 = arith.constant 0 : i32
            %dma_start3A_233 = arith.constant 0 : i32
            %dma_start3A_234 = tpu.memref_slice %arg2[%dma_start3A_232, %dma_start3A_233] : memref<10000x64xi32, #tpu.memory_space<hbm>> -> memref<10000x64xi32, #tpu.memory_space<hbm>>
            %dma_start3A_235 = tpu.memref_slice %arg12[%dma_start3A_226] : memref<3x!tpu.dma_semaphore, #tpu.memory_space<semaphore_mem>> -> memref<1x!tpu.dma_semaphore, #tpu.memory_space<semaphore_mem>>
            %dma_start3A_236 = tpu.memref_squeeze %dma_start3A_235 : memref<1x!tpu.dma_semaphore, #tpu.memory_space<semaphore_mem>> -> memref<!tpu.dma_semaphore, #tpu.memory_space<semaphore_mem>>
            tpu.enqueue_indirect_dma source(%dma_start3A_234 : memref<10000x64xi32, #tpu.memory_space<hbm>>) target(%dma_start3A_230 : memref<80x64xi32, #tpu.memory_space<vmem>>) offsets(%dma_start3A_231 : memref<80xi32, #tpu.memory_space<vmem>>) semaphore(%dma_start3A_236 : memref<!tpu.dma_semaphore, #tpu.memory_space<semaphore_mem>>)
          } else {
          }
        } else {
        }
        %scan3A_179 = arith.constant 0 : i32
        scf.yield %scan3A_179 : i32
      }
      %scan3A_95 = arith.constant 5 : i32
      %dma_wait3A = arith.constant 1 : i32
      %dma_wait3A_96 = arith.constant 23 : i32
      %dma_wait3A_97 = arith.constant 1 : i32
      %dma_wait3A_98 = arith.constant 0 : i32
      %dma_wait3A_99 = arith.constant 0 : i32
      %dma_wait3A_100 = tpu.memref_slice %arg11[%dma_wait3A, %dma_wait3A_98, %dma_wait3A_99] : memref<2x80x128xf32, #tpu.memory_space<vmem>> -> memref<1x80x128xf32, #tpu.memory_space<vmem>>
      %dma_wait3A_101 = tpu.memref_squeeze %dma_wait3A_100 : memref<1x80x128xf32, #tpu.memory_space<vmem>> -> memref<80x128xf32, #tpu.memory_space<vmem>>
      %dma_wait3A_102 = arith.constant 0 : i32
      %dma_wait3A_103 = tpu.memref_slice %arg8[%dma_wait3A_96, %dma_wait3A_102] : memref<25x80xi32, #tpu.memory_space<vmem>> -> memref<1x80xi32, #tpu.memory_space<vmem>>
      %dma_wait3A_104 = tpu.memref_squeeze %dma_wait3A_103 : memref<1x80xi32, #tpu.memory_space<vmem>> -> memref<80xi32, #tpu.memory_space<vmem>>
      %dma_wait3A_105 = arith.constant 0 : i32
      %dma_wait3A_106 = arith.constant 0 : i32
      %dma_wait3A_107 = tpu.memref_slice %arg14[%dma_wait3A_105, %dma_wait3A_106] : memref<10240x128xf32, #tpu.memory_space<vmem_shared>> -> memref<10240x128xf32, #tpu.memory_space<vmem_shared>>
      %dma_wait3A_108 = tpu.memref_slice %arg13[%dma_wait3A_97] : memref<2x!tpu.dma_semaphore, #tpu.memory_space<semaphore_mem>> -> memref<1x!tpu.dma_semaphore, #tpu.memory_space<semaphore_mem>>
      %dma_wait3A_109 = tpu.memref_squeeze %dma_wait3A_108 : memref<1x!tpu.dma_semaphore, #tpu.memory_space<semaphore_mem>> -> memref<!tpu.dma_semaphore, #tpu.memory_space<semaphore_mem>>
      tpu.wait_indirect_dma semaphore(%dma_wait3A_109 : memref<!tpu.dma_semaphore, #tpu.memory_space<semaphore_mem>>) src(%dma_wait3A_101 : memref<80x128xf32, #tpu.memory_space<vmem>>) dst(%dma_wait3A_107 : memref<10240x128xf32, #tpu.memory_space<vmem_shared>>)
      %dma_wait3A_110 = arith.constant 0 : i32
      %dma_wait3A_111 = arith.constant 24 : i32
      %dma_wait3A_112 = arith.constant 0 : i32
      %dma_wait3A_113 = arith.constant 0 : i32
      %dma_wait3A_114 = arith.constant 0 : i32
      %dma_wait3A_115 = tpu.memref_slice %arg11[%dma_wait3A_110, %dma_wait3A_113, %dma_wait3A_114] : memref<2x80x128xf32, #tpu.memory_space<vmem>> -> memref<1x80x128xf32, #tpu.memory_space<vmem>>
      %dma_wait3A_116 = tpu.memref_squeeze %dma_wait3A_115 : memref<1x80x128xf32, #tpu.memory_space<vmem>> -> memref<80x128xf32, #tpu.memory_space<vmem>>
      %dma_wait3A_117 = arith.constant 0 : i32
      %dma_wait3A_118 = tpu.memref_slice %arg8[%dma_wait3A_111, %dma_wait3A_117] : memref<25x80xi32, #tpu.memory_space<vmem>> -> memref<1x80xi32, #tpu.memory_space<vmem>>
      %dma_wait3A_119 = tpu.memref_squeeze %dma_wait3A_118 : memref<1x80xi32, #tpu.memory_space<vmem>> -> memref<80xi32, #tpu.memory_space<vmem>>
      %dma_wait3A_120 = arith.constant 0 : i32
      %dma_wait3A_121 = arith.constant 0 : i32
      %dma_wait3A_122 = tpu.memref_slice %arg14[%dma_wait3A_120, %dma_wait3A_121] : memref<10240x128xf32, #tpu.memory_space<vmem_shared>> -> memref<10240x128xf32, #tpu.memory_space<vmem_shared>>
      %dma_wait3A_123 = tpu.memref_slice %arg13[%dma_wait3A_112] : memref<2x!tpu.dma_semaphore, #tpu.memory_space<semaphore_mem>> -> memref<1x!tpu.dma_semaphore, #tpu.memory_space<semaphore_mem>>
      %dma_wait3A_124 = tpu.memref_squeeze %dma_wait3A_123 : memref<1x!tpu.dma_semaphore, #tpu.memory_space<semaphore_mem>> -> memref<!tpu.dma_semaphore, #tpu.memory_space<semaphore_mem>>
      tpu.wait_indirect_dma semaphore(%dma_wait3A_124 : memref<!tpu.dma_semaphore, #tpu.memory_space<semaphore_mem>>) src(%dma_wait3A_116 : memref<80x128xf32, #tpu.memory_space<vmem>>) dst(%dma_wait3A_122 : memref<10240x128xf32, #tpu.memory_space<vmem_shared>>)
      %scan3A_125 = arith.constant 0 : i32
      scf.yield %scan3A_125 : i32
    }
    %scan3A_41 = arith.constant 5 : i32
    %barrier3A_42 = arith.constant 0 : index
    tpu.barrier barrier_id(%barrier3A_42)
    "tpu.region"() ({
      %run_scoped3A_43 = tpu.sem_alloc : memref<!tpu.dma_semaphore, #tpu.memory_space<semaphore_mem>>
      %dma_start3A = arith.constant 0 : i32
      %dma_start3A_44 = tpu.memref_slice %arg6[%arg0, %mul3A_11, %dma_start3A] : memref<2x10240x128xf32, #tpu.memory_space<hbm>> -> memref<1x640x128xf32, #tpu.memory_space<hbm>>
      %dma_start3A_45 = tpu.memref_squeeze %dma_start3A_44 : memref<1x640x128xf32, #tpu.memory_space<hbm>> -> memref<640x128xf32, #tpu.memory_space<hbm>>
      %dma_start3A_46 = arith.constant 0 : i32
      %dma_start3A_47 = tpu.memref_slice %arg14[%mul3A_11, %dma_start3A_46] : memref<10240x128xf32, #tpu.memory_space<vmem_shared>> -> memref<640x128xf32, #tpu.memory_space<vmem_shared>>
      tpu.enqueue_dma source(%dma_start3A_47 : memref<640x128xf32, #tpu.memory_space<vmem_shared>>) target(%dma_start3A_45 : memref<640x128xf32, #tpu.memory_space<hbm>>) target_semaphore(%run_scoped3A_43 : memref<!tpu.dma_semaphore, #tpu.memory_space<semaphore_mem>>)
      %dma_wait3A = arith.constant 0 : i32
      %dma_wait3A_48 = tpu.memref_slice %arg6[%arg0, %mul3A_11, %dma_wait3A] : memref<2x10240x128xf32, #tpu.memory_space<hbm>> -> memref<1x640x128xf32, #tpu.memory_space<hbm>>
      %dma_wait3A_49 = tpu.memref_squeeze %dma_wait3A_48 : memref<1x640x128xf32, #tpu.memory_space<hbm>> -> memref<640x128xf32, #tpu.memory_space<hbm>>
      %dma_wait3A_50 = arith.constant 0 : i32
      %dma_wait3A_51 = tpu.memref_slice %arg14[%mul3A_11, %dma_wait3A_50] : memref<10240x128xf32, #tpu.memory_space<vmem_shared>> -> memref<640x128xf32, #tpu.memory_space<vmem_shared>>
      tpu.wait_dma2 semaphore(%run_scoped3A_43 : memref<!tpu.dma_semaphore, #tpu.memory_space<semaphore_mem>>) src(%dma_wait3A_51 : memref<640x128xf32, #tpu.memory_space<vmem_shared>>) dst(%dma_wait3A_49 : memref<640x128xf32, #tpu.memory_space<hbm>>)
      tpu.yield
    }) : () -> ()
    return
  }
}

#map = affine_map<(d0, d1) -> (0)>
module attributes {stable_mosaic.version = 14 : i64} {
  func.func @_sc_score_body(%arg0: i32, %arg1: i32, %arg2: memref<10000xf32, #tpu.memory_space<hbm>>, %arg3: memref<10000xf32, #tpu.memory_space<hbm>>, %arg4: memref<320000xi32, #tpu.memory_space<hbm>>, %arg5: memref<320000xi32, #tpu.memory_space<hbm>>, %arg6: memref<320000xf32, #tpu.memory_space<hbm>>, %arg7: memref<327680xf32, #tpu.memory_space<hbm>>, %arg8: memref<10000xf32, #tpu.memory_space<vmem>>, %arg9: memref<10000xf32, #tpu.memory_space<vmem>>, %arg10: memref<10000xi32, #tpu.memory_space<vmem>>, %arg11: memref<10000xi32, #tpu.memory_space<vmem>>, %arg12: memref<10000xf32, #tpu.memory_space<vmem>>, %arg13: memref<10240xf32, #tpu.memory_space<vmem>>) attributes {dimension_semantics = [#tpu.dimension_semantics<core_parallel>, #tpu.dimension_semantics<subcore_parallel>], iteration_bounds = array<i64: 2, 16>, scalar_prefetch = 0 : i64, scratch_operands = 6 : i64, tpu.core_type = #tpu.core_type<sc_vector_subcore>, window_params = [{transform_indices = #map}, {transform_indices = #map}, {transform_indices = #map}, {transform_indices = #map}, {transform_indices = #map}, {transform_indices = #map}]} {
    %mul3A = arith.constant 16 : i32
    %mul3A_0 = arith.muli %arg0, %mul3A : i32
    %add3A = arith.addi %mul3A_0, %arg1 : i32
    %mul3A_1 = arith.constant 10000 : i32
    %mul3A_2 = arith.muli %add3A, %mul3A_1 : i32
    "tpu.region"() ({
      %run_scoped3A = tpu.sem_alloc : memref<!tpu.dma_semaphore, #tpu.memory_space<semaphore_mem>>
      tpu.enqueue_dma source(%arg2 : memref<10000xf32, #tpu.memory_space<hbm>>) target(%arg8 : memref<10000xf32, #tpu.memory_space<vmem>>) target_semaphore(%run_scoped3A : memref<!tpu.dma_semaphore, #tpu.memory_space<semaphore_mem>>)
      tpu.wait_dma2 semaphore(%run_scoped3A : memref<!tpu.dma_semaphore, #tpu.memory_space<semaphore_mem>>) src(%arg2 : memref<10000xf32, #tpu.memory_space<hbm>>) dst(%arg8 : memref<10000xf32, #tpu.memory_space<vmem>>)
      tpu.yield
    }) : () -> ()
    "tpu.region"() ({
      %run_scoped3A = tpu.sem_alloc : memref<!tpu.dma_semaphore, #tpu.memory_space<semaphore_mem>>
      tpu.enqueue_dma source(%arg3 : memref<10000xf32, #tpu.memory_space<hbm>>) target(%arg9 : memref<10000xf32, #tpu.memory_space<vmem>>) target_semaphore(%run_scoped3A : memref<!tpu.dma_semaphore, #tpu.memory_space<semaphore_mem>>)
      tpu.wait_dma2 semaphore(%run_scoped3A : memref<!tpu.dma_semaphore, #tpu.memory_space<semaphore_mem>>) src(%arg3 : memref<10000xf32, #tpu.memory_space<hbm>>) dst(%arg9 : memref<10000xf32, #tpu.memory_space<vmem>>)
      tpu.yield
    }) : () -> ()
    "tpu.region"() ({
      %run_scoped3A = tpu.sem_alloc : memref<!tpu.dma_semaphore, #tpu.memory_space<semaphore_mem>>
      %dma_start3A = tpu.memref_slice %arg4[%mul3A_2] : memref<320000xi32, #tpu.memory_space<hbm>> -> memref<10000xi32, #tpu.memory_space<hbm>>
      %dma_start3A_19 = tpu.memref_slice %arg4[%mul3A_2] : memref<320000xi32, #tpu.memory_space<hbm>> -> memref<10000xi32, #tpu.memory_space<hbm>>
      tpu.enqueue_dma source(%dma_start3A_19 : memref<10000xi32, #tpu.memory_space<hbm>>) target(%arg10 : memref<10000xi32, #tpu.memory_space<vmem>>) target_semaphore(%run_scoped3A : memref<!tpu.dma_semaphore, #tpu.memory_space<semaphore_mem>>)
      %dma_wait3A = tpu.memref_slice %arg4[%mul3A_2] : memref<320000xi32, #tpu.memory_space<hbm>> -> memref<10000xi32, #tpu.memory_space<hbm>>
      %dma_wait3A_20 = tpu.memref_slice %arg4[%mul3A_2] : memref<320000xi32, #tpu.memory_space<hbm>> -> memref<10000xi32, #tpu.memory_space<hbm>>
      tpu.wait_dma2 semaphore(%run_scoped3A : memref<!tpu.dma_semaphore, #tpu.memory_space<semaphore_mem>>) src(%dma_wait3A_20 : memref<10000xi32, #tpu.memory_space<hbm>>) dst(%arg10 : memref<10000xi32, #tpu.memory_space<vmem>>)
      tpu.yield
    }) : () -> ()
    "tpu.region"() ({
      %run_scoped3A = tpu.sem_alloc : memref<!tpu.dma_semaphore, #tpu.memory_space<semaphore_mem>>
      %dma_start3A = tpu.memref_slice %arg5[%mul3A_2] : memref<320000xi32, #tpu.memory_space<hbm>> -> memref<10000xi32, #tpu.memory_space<hbm>>
      %dma_start3A_19 = tpu.memref_slice %arg5[%mul3A_2] : memref<320000xi32, #tpu.memory_space<hbm>> -> memref<10000xi32, #tpu.memory_space<hbm>>
      tpu.enqueue_dma source(%dma_start3A_19 : memref<10000xi32, #tpu.memory_space<hbm>>) target(%arg11 : memref<10000xi32, #tpu.memory_space<vmem>>) target_semaphore(%run_scoped3A : memref<!tpu.dma_semaphore, #tpu.memory_space<semaphore_mem>>)
      %dma_wait3A = tpu.memref_slice %arg5[%mul3A_2] : memref<320000xi32, #tpu.memory_space<hbm>> -> memref<10000xi32, #tpu.memory_space<hbm>>
      %dma_wait3A_20 = tpu.memref_slice %arg5[%mul3A_2] : memref<320000xi32, #tpu.memory_space<hbm>> -> memref<10000xi32, #tpu.memory_space<hbm>>
      tpu.wait_dma2 semaphore(%run_scoped3A : memref<!tpu.dma_semaphore, #tpu.memory_space<semaphore_mem>>) src(%dma_wait3A_20 : memref<10000xi32, #tpu.memory_space<hbm>>) dst(%arg11 : memref<10000xi32, #tpu.memory_space<vmem>>)
      tpu.yield
    }) : () -> ()
    %broadcast_in_dim3A = arith.constant 0.000000e+00 : f32
    %broadcast_in_dim3A_3 = vector.broadcast %broadcast_in_dim3A : f32 to vector<16xf32>
    %scan3A = arith.constant 0 : i32
    %scan3A_4 = arith.constant 0 : i32
    %scan3A_5 = arith.constant 640 : i32
    %scan3A_6 = arith.addi %scan3A_4, %scan3A_5 : i32
    %scan3A_7 = arith.constant 1 : i32
    %scan3A_8 = scf.for %scan3A_19 = %scan3A_4 to %scan3A_6 step %scan3A_7 iter_args(%scan3A_20 = %scan3A) -> (i32)  : i32 {
      %mul3A_21 = arith.constant 16 : i32
      %mul3A_22 = arith.muli %scan3A_19, %mul3A_21 : i32
      %swap3A = arith.index_cast %mul3A_22 : i32 to index
      %swap3A_23 = tpu.vector_load %arg13[%swap3A] {strides = array<i32>} : memref<10240xf32, #tpu.memory_space<vmem>>, vector<16xf32>,
      tpu.vector_store %arg13[%swap3A], %broadcast_in_dim3A_3 {strides = array<i32>} : memref<10240xf32, #tpu.memory_space<vmem>>, vector<16xf32>,
      %scan3A_24 = arith.constant 0 : i32
      scf.yield %scan3A_24 : i32
    }
    %scan3A_9 = arith.constant 640 : i32
    %scan3A_10 = arith.constant 0 : i32
    %scan3A_11 = arith.constant 0 : i32
    %scan3A_12 = arith.constant 625 : i32
    %scan3A_13 = arith.addi %scan3A_11, %scan3A_12 : i32
    %scan3A_14 = arith.constant 1 : i32
    %scan3A_15 = scf.for %scan3A_19 = %scan3A_11 to %scan3A_13 step %scan3A_14 iter_args(%scan3A_20 = %scan3A_10) -> (i32)  : i32 {
      %mul3A_21 = arith.constant 16 : i32
      %mul3A_22 = arith.muli %scan3A_19, %mul3A_21 : i32
      %get3A = arith.index_cast %mul3A_22 : i32 to index
      %get3A_23 = tpu.vector_load %arg11[%get3A] {strides = array<i32>} : memref<10000xi32, #tpu.memory_space<vmem>>, vector<16xi32>,
      %mul3A_24 = arith.constant 16 : i32
      %mul3A_25 = arith.muli %scan3A_19, %mul3A_24 : i32
      %get3A_26 = arith.index_cast %mul3A_25 : i32 to index
      %get3A_27 = tpu.vector_load %arg10[%get3A_26] {strides = array<i32>} : memref<10000xi32, #tpu.memory_space<vmem>>, vector<16xi32>,
      %gather3A = tpu.vector_load_idx %arg8[%get3A_23] : memref<10000xf32, #tpu.memory_space<vmem>>[vector<16xi32>], vector<16xf32>,
      %gather3A_28 = tpu.vector_load_idx %arg9[%get3A_27] : memref<10000xf32, #tpu.memory_space<vmem>>[vector<16xi32>], vector<16xf32>,
      %add3A_29 = arith.addf %gather3A, %gather3A_28 : vector<16xf32>
      %ge3A = arith.constant 0.000000e+00 : f32
      %ge3A_30 = vector.broadcast %ge3A : f32 to vector<16xf32>
      %ge3A_31 = arith.cmpf oge, %add3A_29, %ge3A_30 : vector<16xf32>
      %mul3A_32 = arith.constant 2.000000e-01 : f32
      %mul3A_33 = vector.broadcast %mul3A_32 : f32 to vector<16xf32>
      %mul3A_34 = arith.mulf %mul3A_33, %add3A_29 : vector<16xf32>
      %select_n3A = arith.select %ge3A_31, %add3A_29, %mul3A_34 : vector<16xi1>, vector<16xf32>
      %exp3A = math.exp %select_n3A : vector<16xf32>
      %mul3A_35 = arith.constant 16 : i32
      %mul3A_36 = arith.muli %scan3A_19, %mul3A_35 : i32
      %swap3A = arith.index_cast %mul3A_36 : i32 to index
      %swap3A_37 = tpu.vector_load %arg12[%swap3A] {strides = array<i32>} : memref<10000xf32, #tpu.memory_space<vmem>>, vector<16xf32>,
      tpu.vector_store %arg12[%swap3A], %exp3A {strides = array<i32>} : memref<10000xf32, #tpu.memory_space<vmem>>, vector<16xf32>,
      tpu.vector_store_idx %arg13[%get3A_23], %exp3A {add = true} : memref<10240xf32, #tpu.memory_space<vmem>>[vector<16xi32>], vector<16xf32>,
      %scan3A_38 = arith.constant 0 : i32
      scf.yield %scan3A_38 : i32
    }
    %scan3A_16 = arith.constant 625 : i32
    "tpu.region"() ({
      %run_scoped3A = tpu.sem_alloc : memref<!tpu.dma_semaphore, #tpu.memory_space<semaphore_mem>>
      %dma_start3A = tpu.memref_slice %arg6[%mul3A_2] : memref<320000xf32, #tpu.memory_space<hbm>> -> memref<10000xf32, #tpu.memory_space<hbm>>
      %dma_start3A_19 = tpu.memref_slice %arg6[%mul3A_2] : memref<320000xf32, #tpu.memory_space<hbm>> -> memref<10000xf32, #tpu.memory_space<hbm>>
      tpu.enqueue_dma source(%arg12 : memref<10000xf32, #tpu.memory_space<vmem>>) target(%dma_start3A_19 : memref<10000xf32, #tpu.memory_space<hbm>>) target_semaphore(%run_scoped3A : memref<!tpu.dma_semaphore, #tpu.memory_space<semaphore_mem>>)
      %dma_wait3A = tpu.memref_slice %arg6[%mul3A_2] : memref<320000xf32, #tpu.memory_space<hbm>> -> memref<10000xf32, #tpu.memory_space<hbm>>
      %dma_wait3A_20 = tpu.memref_slice %arg6[%mul3A_2] : memref<320000xf32, #tpu.memory_space<hbm>> -> memref<10000xf32, #tpu.memory_space<hbm>>
      tpu.wait_dma2 semaphore(%run_scoped3A : memref<!tpu.dma_semaphore, #tpu.memory_space<semaphore_mem>>) src(%arg12 : memref<10000xf32, #tpu.memory_space<vmem>>) dst(%dma_wait3A_20 : memref<10000xf32, #tpu.memory_space<hbm>>)
      tpu.yield
    }) : () -> ()
    %mul3A_17 = arith.constant 10240 : i32
    %mul3A_18 = arith.muli %add3A, %mul3A_17 : i32
    "tpu.region"() ({
      %run_scoped3A = tpu.sem_alloc : memref<!tpu.dma_semaphore, #tpu.memory_space<semaphore_mem>>
      %dma_start3A = tpu.memref_slice %arg7[%mul3A_18] : memref<327680xf32, #tpu.memory_space<hbm>> -> memref<10240xf32, #tpu.memory_space<hbm>>
      %dma_start3A_19 = tpu.memref_slice %arg7[%mul3A_18] : memref<327680xf32, #tpu.memory_space<hbm>> -> memref<10240xf32, #tpu.memory_space<hbm>>
      tpu.enqueue_dma source(%arg13 : memref<10240xf32, #tpu.memory_space<vmem>>) target(%dma_start3A_19 : memref<10240xf32, #tpu.memory_space<hbm>>) target_semaphore(%run_scoped3A : memref<!tpu.dma_semaphore, #tpu.memory_space<semaphore_mem>>)
      %dma_wait3A = tpu.memref_slice %arg7[%mul3A_18] : memref<327680xf32, #tpu.memory_space<hbm>> -> memref<10240xf32, #tpu.memory_space<hbm>>
      %dma_wait3A_20 = tpu.memref_slice %arg7[%mul3A_18] : memref<327680xf32, #tpu.memory_space<hbm>> -> memref<10240xf32, #tpu.memory_space<hbm>>
      tpu.wait_dma2 semaphore(%run_scoped3A : memref<!tpu.dma_semaphore, #tpu.memory_space<semaphore_mem>>) src(%arg13 : memref<10240xf32, #tpu.memory_space<vmem>>) dst(%dma_wait3A_20 : memref<10240xf32, #tpu.memory_space<hbm>>)
      tpu.yield
    }) : () -> ()
    return
  }
}

module attributes {stable_mosaic.version = 14 : i64} {
  func.func @_mm_body(%arg0: i32, %arg1: memref<1000x128xf32, #tpu.memory_space<vmem>>, %arg2: memref<128x128xf32, #tpu.memory_space<vmem>>, %arg3: memref<256x1xf32, #tpu.memory_space<vmem>>, %arg4: memref<1000x128xbf16, #tpu.memory_space<vmem>>, %arg5: memref<1000x1xf32, #tpu.memory_space<vmem>>, %arg6: memref<1000x1xf32, #tpu.memory_space<vmem>>) attributes {dimension_semantics = [#tpu.dimension_semantics<arbitrary>], iteration_bounds = array<i64: 10>, scalar_prefetch = 0 : i64, scratch_operands = 0 : i64, tpu.core_type = #tpu.core_type<tc>, window_params = [{transform_indices = @transform_0, window_bounds = array<i64: 1000, 128>}, {pipeline_mode = #tpu.pipeline_mode<synchronous>, transform_indices = @transform_1, window_bounds = array<i64: 128, 128>}, {pipeline_mode = #tpu.pipeline_mode<synchronous>, transform_indices = @transform_2, window_bounds = array<i64: 256, 1>}, {transform_indices = @transform_3, window_bounds = array<i64: 1000, 128>}, {transform_indices = @transform_4, window_bounds = array<i64: 1000, 1>}, {transform_indices = @transform_5, window_bounds = array<i64: 1000, 1>}]} {
    %get3A = arith.constant 0 : index
    %get3A_0 = arith.constant 0 : index
    %get3A_1 = vector.load %arg1[%get3A, %get3A_0] : memref<1000x128xf32, #tpu.memory_space<vmem>>, vector<1000x128xf32>
    %get3A_2 = arith.constant 0 : index
    %get3A_3 = arith.constant 0 : index
    %get3A_4 = vector.load %arg2[%get3A_2, %get3A_3] : memref<128x128xf32, #tpu.memory_space<vmem>>, vector<128x128xf32>
    %dot_general3A = arith.constant dense<0.000000e+00> : vector<1000x128xf32>
    %dot_general3A_5 = tpu.matmul %get3A_1, %get3A_4, %dot_general3A {dimension_numbers = #tpu.dot_dimension_numbers<[1], [0], [0], [1], [0, 0, 1, 1], [], []>, transpose_lhs_hint = false} : vector<1000x128xf32>, vector<128x128xf32>, vector<1000x128xf32> -> vector<1000x128xf32>
    %convert_element_type3A = arith.truncf %dot_general3A_5 : vector<1000x128xf32> to vector<1000x128xbf16>
    %swap3A = arith.constant 0 : index
    %swap3A_6 = arith.constant 0 : index
    %swap3A_7 = vector.load %arg4[%swap3A, %swap3A_6] : memref<1000x128xbf16, #tpu.memory_space<vmem>>, vector<1000x128xbf16>
    tpu.vector_store %arg4[%swap3A, %swap3A_6], %convert_element_type3A {strides = array<i32>} : memref<1000x128xbf16, #tpu.memory_space<vmem>>, vector<1000x128xbf16>,
    %get3A_8 = arith.constant 0 : index
    %get3A_9 = arith.constant 0 : index
    %get3A_10 = vector.load %arg3[%get3A_8, %get3A_9] : memref<256x1xf32, #tpu.memory_space<vmem>>, vector<128x1xf32>
    %dot_general3A_11 = arith.constant dense<0.000000e+00> : vector<1000x1xf32>
    %dot_general3A_12 = tpu.matmul %dot_general3A_5, %get3A_10, %dot_general3A_11 {dimension_numbers = #tpu.dot_dimension_numbers<[1], [0], [0], [1], [0, 0, 1, 1], [], []>, transpose_lhs_hint = false} : vector<1000x128xf32>, vector<128x1xf32>, vector<1000x1xf32> -> vector<1000x1xf32>
    %swap3A_13 = arith.constant 0 : index
    %swap3A_14 = arith.constant 0 : index
    %swap3A_15 = vector.load %arg5[%swap3A_13, %swap3A_14] : memref<1000x1xf32, #tpu.memory_space<vmem>>, vector<1000x1xf32>
    tpu.vector_store %arg5[%swap3A_13, %swap3A_14], %dot_general3A_12 {strides = array<i32>} : memref<1000x1xf32, #tpu.memory_space<vmem>>, vector<1000x1xf32>,
    %get3A_16 = arith.constant 128 : index
    %get3A_17 = arith.constant 0 : index
    %get3A_18 = vector.load %arg3[%get3A_16, %get3A_17] : memref<256x1xf32, #tpu.memory_space<vmem>>, vector<128x1xf32>
    %dot_general3A_19 = arith.constant dense<0.000000e+00> : vector<1000x1xf32>
    %dot_general3A_20 = tpu.matmul %dot_general3A_5, %get3A_18, %dot_general3A_19 {dimension_numbers = #tpu.dot_dimension_numbers<[1], [0], [0], [1], [0, 0, 1, 1], [], []>, transpose_lhs_hint = false} : vector<1000x128xf32>, vector<128x1xf32>, vector<1000x1xf32> -> vector<1000x1xf32>
    %swap3A_21 = arith.constant 0 : index
    %swap3A_22 = arith.constant 0 : index
    %swap3A_23 = vector.load %arg6[%swap3A_21, %swap3A_22] : memref<1000x1xf32, #tpu.memory_space<vmem>>, vector<1000x1xf32>
    tpu.vector_store %arg6[%swap3A_21, %swap3A_22], %dot_general3A_20 {strides = array<i32>} : memref<1000x1xf32, #tpu.memory_space<vmem>>, vector<1000x1xf32>,
    return
  }
  func.func @transform_0(%arg0: i32) -> (i32, i32) {
    %c0_i32 = arith.constant 0 : i32
    %c0_i32_0 = arith.constant 0 : i32
    return %arg0, %c0_i32 : i32, i32
  }
  func.func @transform_1(%arg0: i32) -> (i32, i32) {
    %c0_i32 = arith.constant 0 : i32
    %c0_i32_0 = arith.constant 0 : i32
    %c0_i32_1 = arith.constant 0 : i32
    return %c0_i32, %c0_i32_0 : i32, i32
  }
  func.func @transform_2(%arg0: i32) -> (i32, i32) {
    %c0_i32 = arith.constant 0 : i32
    %c0_i32_0 = arith.constant 0 : i32
    %c0_i32_1 = arith.constant 0 : i32
    return %c0_i32, %c0_i32_0 : i32, i32
  }
  func.func @transform_3(%arg0: i32) -> (i32, i32) {
    %c0_i32 = arith.constant 0 : i32
    %c0_i32_0 = arith.constant 0 : i32
    return %arg0, %c0_i32 : i32, i32
  }
  func.func @transform_4(%arg0: i32) -> (i32, i32) {
    %c0_i32 = arith.constant 0 : i32
    %c0_i32_0 = arith.constant 0 : i32
    return %arg0, %c0_i32 : i32, i32
  }
  func.func @transform_5(%arg0: i32) -> (i32, i32) {
    %c0_i32 = arith.constant 0 : i32
    %c0_i32_0 = arith.constant 0 : i32
    return %arg0, %c0_i32 : i32, i32
  }
}

module attributes {stable_mosaic.version = 14 : i64} {
  func.func @_fin_body(%arg0: i32, %arg1: memref<2x1024x128xf32, #tpu.memory_space<vmem>>, %arg2: memref<32x10240xf32, #tpu.memory_space<vmem>>, %arg3: memref<1024x128xf32, #tpu.memory_space<vmem>>) attributes {dimension_semantics = [#tpu.dimension_semantics<arbitrary>], iteration_bounds = array<i64: 10>, scalar_prefetch = 0 : i64, scratch_operands = 0 : i64, tpu.core_type = #tpu.core_type<tc>, window_params = [{transform_indices = @transform_0, window_bounds = array<i64: 2, 1024, 128>}, {pipeline_mode = #tpu.pipeline_mode<synchronous>, transform_indices = @transform_1, window_bounds = array<i64: 32, 10240>}, {transform_indices = @transform_2, window_bounds = array<i64: 1024, 128>}]} {
    %get3A = arith.constant 0 : index
    %get3A_0 = arith.constant 0 : index
    %get3A_1 = arith.constant 0 : index
    %get3A_2 = vector.load %arg1[%get3A, %get3A_0, %get3A_1] : memref<2x1024x128xf32, #tpu.memory_space<vmem>>, vector<1x1024x128xf32>
    %get3A_3 = vector.shape_cast %get3A_2 : vector<1x1024x128xf32> to vector<1024x128xf32>
    %get3A_4 = arith.constant 1 : index
    %get3A_5 = arith.constant 0 : index
    %get3A_6 = arith.constant 0 : index
    %get3A_7 = vector.load %arg1[%get3A_4, %get3A_5, %get3A_6] : memref<2x1024x128xf32, #tpu.memory_space<vmem>>, vector<1x1024x128xf32>
    %get3A_8 = vector.shape_cast %get3A_7 : vector<1x1024x128xf32> to vector<1024x128xf32>
    %add3A = arith.addf %get3A_3, %get3A_8 : vector<1024x128xf32>
    %mul3A = arith.constant 1024 : i32
    %mul3A_9 = arith.muli %arg0, %mul3A : i32
    %get3A_10 = arith.constant 0 : index
    %get3A_11 = arith.index_cast %mul3A_9 : i32 to index
    %get3A_12 = vector.load %arg2[%get3A_10, %get3A_11] : memref<32x10240xf32, #tpu.memory_space<vmem>>, vector<32x1024xf32>
    %reduce_sum3A = arith.constant dense<0.000000e+00> : vector<1024xf32>
    %reduce_sum3A_13 = vector.multi_reduction <add>, %get3A_12, %reduce_sum3A [0] : vector<32x1024xf32> to vector<1024xf32>
    %broadcast_in_dim3A = vector.shape_cast %reduce_sum3A_13 : vector<1024xf32> to vector<1024x1xf32>
    %add3A_14 = arith.constant 1.000000e-16 : f32
    %add3A_15 = vector.broadcast %add3A_14 : f32 to vector<1024x1xf32>
    %add3A_16 = arith.addf %broadcast_in_dim3A, %add3A_15 : vector<1024x1xf32>
    %div3A = vector.broadcast %add3A_16 : vector<1024x1xf32> to vector<1024x128xf32>
    %div3A_17 = arith.divf %add3A, %div3A : vector<1024x128xf32>
    %gt3A = arith.constant 0.000000e+00 : f32
    %gt3A_18 = vector.broadcast %gt3A : f32 to vector<1024x128xf32>
    %gt3A_19 = arith.cmpf ogt, %div3A_17, %gt3A_18 : vector<1024x128xf32>
    %min3A = arith.constant 0.000000e+00 : f32
    %min3A_20 = vector.broadcast %min3A : f32 to vector<1024x128xf32>
    %min3A_21 = arith.minimumf %div3A_17, %min3A_20 : vector<1024x128xf32>
    %exp3A = math.exp %min3A_21 : vector<1024x128xf32>
    %sub3A = arith.constant 1.000000e+00 : f32
    %sub3A_22 = vector.broadcast %sub3A : f32 to vector<1024x128xf32>
    %sub3A_23 = arith.subf %exp3A, %sub3A_22 : vector<1024x128xf32>
    %select_n3A = arith.select %gt3A_19, %div3A_17, %sub3A_23 : vector<1024x128xi1>, vector<1024x128xf32>
    %swap3A = arith.constant 0 : index
    %swap3A_24 = arith.constant 0 : index
    %swap3A_25 = vector.load %arg3[%swap3A, %swap3A_24] : memref<1024x128xf32, #tpu.memory_space<vmem>>, vector<1024x128xf32>
    tpu.vector_store %arg3[%swap3A, %swap3A_24], %select_n3A {strides = array<i32>} : memref<1024x128xf32, #tpu.memory_space<vmem>>, vector<1024x128xf32>,
    return
  }
  func.func @transform_0(%arg0: i32) -> (i32, i32, i32) {
    %c0_i32 = arith.constant 0 : i32
    %c0_i32_0 = arith.constant 0 : i32
    %c0_i32_1 = arith.constant 0 : i32
    return %c0_i32, %arg0, %c0_i32_0 : i32, i32, i32
  }
  func.func @transform_1(%arg0: i32) -> (i32, i32) {
    %c0_i32 = arith.constant 0 : i32
    %c0_i32_0 = arith.constant 0 : i32
    %c0_i32_1 = arith.constant 0 : i32
    return %c0_i32, %c0_i32_0 : i32, i32
  }
  func.func @transform_2(%arg0: i32) -> (i32, i32) {
    %c0_i32 = arith.constant 0 : i32
    %c0_i32_0 = arith.constant 0 : i32
    return %arg0, %c0_i32 : i32, i32
  }
}

</mosaic_0001>

<sc_bundles>
// kernel: kernel.6.cloned.1.call-start
scs
__scs_entry_jumppad:
0x0: {  	(pc) =	sbr.rel $0x88, $3  }
0x1: {  	(tag) =	ssettag $0x0;
	lr =	simm.s32 $0x1  }
0x2: {  	[smem:$0x3F9D] =	sst lr;
	_ =	strace $0xD0000000  }
0x3: {  	_ = 	snop  }
0x4: {  	_ = 	snop  }
0x5: {  	_ = 	snop  }
0x6: {  	_ = 	snop  }
0x7: {  	_ = 	snop  }
__scs_overlays_trampoline_lowered:
0x8: {  	[smem:$0x3FAC] =	sst s0  }
0x9: {  	[smem:$0x3FAD] =	sst s1  }
0xa: {  	[smem:$0x3FAE] =	sst s2  }
0xb: {  	[smem:$0x3FAF] =	sst s3  }
0xc: {  	[smem:$0x3FB0] =	sst s4  }
0xd: {  	[smem:$0x3FB1] =	sst s5  }
0xe: {  	[smem:$0x3FB2] =	sst s6  }
0xf: {  	[smem:$0x3FB3] =	sst s7  }
0x10: {  	[smem:$0x3FB4] =	sst s8  }
0x11: {  	[smem:$0x3FB5] =	sst s9;
	s0 =	simm.s32 @!p0 $0x0  }
0x12: {  	s1 =	sld [smem:$0x3F9B];
	s0 =	simm.s32 @p0 $0x1  }
0x13: {  	[smem:$0x3FB6] =	sst s0;
	s0 =	simm.s32 @!p1 $0x0  }
0x14: {  	s2 =	sld [smem:$0x3F9A];
	s0 =	simm.s32 @p1 $0x1  }
0x15: {  	[smem:$0x3FB7] =	sst s0;
	s0 =	simm.s32 @!p2 $0x0  }
0x16: {  	s3 =	sld [smem:$0x3FDB];
	s0 =	simm.s32 @p2 $0x1  }
0x17: {  	s4 =	simm.s32 $0x1BF5;
	[smem:$0x3FB9] =	sst s0  }
0x18: {  	s0 =	sld [smem:$0x3F9C];
	_ =	swait.ge [sflag:s4], $0x0  }
0x19: {  	s7 =	sld [smem:$0x3F9D]  }
0x1a: {  	s8 =	sadd.s32 $0xFFFFE003, lr  }
0x1b: {  	s9 =	sadd.s32 $0xFFFFFEF7, lr;
	s5 =	simm.s32 $0xFFFFFFFF;
	p2 =	slt.u32 s8, $0xFFFFF086  }
0x1c: {  	p1 =	slt.u32 s9, $0xF7A;
	s5 =	simm.s32 @!p2 $0x0  }
0x1d: {  	s5 =	simm.s32 @p1 $0x1;
	p0 =	seq.s32 s7, s2  }
0x1e: {  	s7 =	smul.u32 @!p0 $0xF7A, s2;
	p2 =	seq.s32 @!p0 s5, $0x0  }
0x1f: {  	s9 =	smul.u32 $0xF7A, s1;
	s8 =	simm.s32 @!p0 $0x1BF5;
	p2 =	por !p2, p0  }
0x20: {  	[sflag:s8] =	ssyncset.s32 @!p0 $0xFFFFF086;
	s6 =	sadd.s32 @!p0 s3, s7;
	s7 =	simm.s32 @!p0 $0x108  }
0x21: {  	s3 =	sadd.s32 s3, s9;
	s6 =	sadd.s32 @!p0 $0x88, s6;
	s7 =	simm.s32 @p2 $0x1082  }
0x22: {  	[simem:s7], [sflag:s8] =	dma.local @!p0 [hbm:s6], $0xF7A  }
0x23: {  	s9 =	sor.u32 $0xD0000000, s2;
	s6 =	simm.s32 $0x108;
	_ =	swait.ge @!p0 [sflag:s8], $0x0  }
0x24: {  	s3 =	sadd.s32 $0x88, s3;
	s6 =	simm.s32 @!p1 $0x1082;
	[sflag:s4] =	ssyncset.s32 $0xFFFFF086  }
0x25: {  	[simem:s6], [sflag:s4] =	dma.local [hbm:s3], $0xF7A  }
0x26: {  	[smem:$0x3F9D] =	sst s1;
	(tag) =	ssettag s2;
	_ =	strace s9  }
0x27: {  	s1 =	sld [smem:$0x3FAD]  }
0x28: {  	s2 =	sld [smem:$0x3FAE]  }
0x29: {  	s4 =	sld [smem:$0x3FB0]  }
0x2a: {  	p0 =	seq.s32 s5, $0x0;
	s5 =	sld [smem:$0x3FB1]  }
0x2b: {  	s6 =	sld [smem:$0x3FB2]  }
0x2c: {  	s7 =	sld [smem:$0x3FB3]  }
0x2d: {  	s3 =	simm.s32 $0x108;
	s8 =	sld [smem:$0x3FB4]  }
0x2e: {  	s3 =	simm.s32 @!p0 $0x1082;
	s9 =	sld [smem:$0x3FB5]  }
0x2f: {  	lr =	sadd.s32 s0, s3;
	s0 =	sld [smem:$0x3FAC]  }
0x30: {  	s3 =	sld [smem:$0x3FAF]  }
0x31: {  	[smem:$0x3FB8] =	sst s10  }
0x32: {  	s10 =	sld [smem:$0x3FB6];
	_ =	sdelay $0x3  }
0x33: {  	p0 =	seq.s32 s10, $0x1;
	s10 =	sld [smem:$0x3FB8];
	_ =	sdelay $0x3  }
0x34: {  	[smem:$0x3FB8] =	sst s10  }
0x35: {  	s10 =	sld [smem:$0x3FB7];
	_ =	sdelay $0x3  }
0x36: {  	p1 =	seq.s32 s10, $0x1;
	s10 =	sld [smem:$0x3FB8];
	_ =	sdelay $0x3  }
0x37: {  	[smem:$0x3FB8] =	sst s10  }
0x38: {  	s10 =	sld [smem:$0x3FB9]  }
0x39: {  	_ = 	snop;
	(pc) =	sbr.ind lr, $3  }
0x3a: {  	_ = 	snop  }
0x3b: {  	_ = 	snop  }
0x3c: {  	p2 =	seq.s32 s10, $0x1;
	s10 =	sld [smem:$0x3FB8]  }
0x3d: {  	_ =	shalt  }
0x3e: {  	_ =	shalt  }
0x3f: {  	_ =	shalt  }
0x40: {  	_ =	shalt  }
0x41: {  	_ =	shalt  }
0x42: {  	_ =	shalt  }
0x43: {  	_ =	shalt  }
0x44: {  	_ =	shalt  }
0x45: {  	_ =	shalt  }
0x46: {  	_ =	shalt  }
0x47: {  	_ =	shalt  }
0x48: {  	_ =	shalt  }
0x49: {  	_ =	shalt  }
0x4a: {  	_ =	shalt  }
0x4b: {  	_ =	shalt  }
0x4c: {  	_ =	shalt  }
0x4d: {  	_ =	shalt  }
0x4e: {  	_ =	shalt  }
0x4f: {  	_ =	shalt  }
0x50: {  	_ =	shalt  }
0x51: {  	_ =	shalt  }
0x52: {  	_ =	shalt  }
0x53: {  	_ =	shalt  }
0x54: {  	_ =	shalt  }
0x55: {  	_ =	shalt  }
0x56: {  	_ =	shalt  }
0x57: {  	_ =	shalt  }
0x58: {  	_ =	shalt  }
0x59: {  	_ =	shalt  }
0x5a: {  	_ =	shalt  }
0x5b: {  	_ =	shalt  }
0x5c: {  	_ =	shalt  }
0x5d: {  	_ =	shalt  }
0x5e: {  	_ =	shalt  }
0x5f: {  	_ =	shalt  }
0x60: {  	_ =	shalt  }
0x61: {  	_ =	shalt  }
0x62: {  	_ =	shalt  }
0x63: {  	_ =	shalt  }
0x64: {  	_ =	shalt  }
0x65: {  	_ =	shalt  }
0x66: {  	_ =	shalt  }
0x67: {  	_ =	shalt  }
0x68: {  	_ =	shalt  }
0x69: {  	_ =	shalt  }
0x6a: {  	_ =	shalt  }
0x6b: {  	_ =	shalt  }
0x6c: {  	_ =	shalt  }
0x6d: {  	_ =	shalt  }
0x6e: {  	_ =	shalt  }
0x6f: {  	_ =	shalt  }
0x70: {  	_ =	shalt  }
0x71: {  	_ =	shalt  }
0x72: {  	_ =	shalt  }
0x73: {  	_ =	shalt  }
0x74: {  	_ =	shalt  }
0x75: {  	_ =	shalt  }
0x76: {  	_ =	shalt  }
0x77: {  	_ =	shalt  }
0x78: {  	_ =	shalt  }
0x79: {  	_ =	shalt  }
0x7a: {  	_ =	shalt  }
0x7b: {  	_ =	shalt  }
0x7c: {  	_ =	shalt  }
0x7d: {  	_ =	shalt  }
0x7e: {  	_ =	shalt  }
0x7f: {  	_ =	shalt  }
0x80: {  	_ =	shalt  }
0x81: {  	_ =	shalt  }
0x82: {  	_ =	shalt  }
0x83: {  	_ =	shalt  }
0x84: {  	_ =	shalt  }
0x85: {  	_ =	shalt  }
0x86: {  	_ =	shalt  }
0x87: {  	_ =	shalt  }
.Lfunc_end0:
.L_simem_size_0:
called_computation_lowered:
.L_overlay_start_0:
0x88: {  	s2 =	sld [smem:$0x3FD9]  }
0x89: {  	s3 =	sld [smem:$0x3FFE];
	_ =	sdelay $0x1  }
0x8a: {  	s1 =	srdreg.scid  }
0x8b: {  	s0 =	sand.u32 $0x1, s1  }
0x8c: {  	s16 =	sshll.u32 s0, $0xA;
	s2 =	sadd.s32 s3, s2  }
0x8d: {  	s2 =	sadd.s32 s2, s16  }
0x8e: {  	[smem:$0x3FC4] =	sst s2  }
0x8f: {  	_ = 	snop  }
0x90: {  	(tm) =	ssettm $0x1  }
0x91: {  	s17 =	sld [smem:$0x3FFB];
	_ =	sdelay $0x3  }
0x92: {  	_ =	strace s17  }
0x93: {  	s2 =	sld [smem:$0x3FFC];
	_ =	sdelay $0x3  }
0x94: {  	_ =	strace s2  }
0x95: {  	s2 =	sld [smem:$0x3FFD];
	_ =	sdelay $0x3  }
0x96: {  	_ =	strace s2  }
0x97: {  	_ =	strace $0x8FFFFFFF  }
0x98: {  	s18 =	sld [smem:$0x3FDB];
	_ =	sdelay $0x1  }
0x99: {  	s19 =	simm.s32 $_scs_section_size  }
0x9a: {  	s4 =	simm.s32 $_size__tile_overlayer_lowered;
	s5 =	simm.s32 $_tile_overlayer_lowered  }
0x9b: {  	s22 =	simm.s32 $0x1BFF;
	s21 =	sshll.u32 s5, $0x1;
	s2 =	sadd.s32 s19, s18  }
0x9c: {  	s6 =	simm.s32 $0x0;
	s20 =	sshll.u32 s4, $0x1;
	s4 =	sadd.s32 s21, s2  }
0x9d: {  	[timem:s6], [sflag:s22] =	dma.local [hbm:s4], s20  }
0x9e: {  	_ =	swait.ge [sflag:s22], s20  }
0x9f: {  	s3 =	ssub.s32 $0x0, s20;
	[sflag:s22] =	ssyncset.done $0x0  }
0xa0: {  	[sflag:s22] =	ssyncadd.s32 s3;
	_ =	sdelay $0x1  }
0xa1: {  	s23 =	simm.s32 $0x1B8B  }
0xa2: {  	_ =	swait.ge [sflag:s23], $0x1  }
0xa3: {  	[sflag:s23] =	ssyncset.done $0x0  }
0xa4: {  	s25 =	simm.s32 $0x1B8E;
	s24 =	sld [smem:$0x3FFE];
	[sflag:s23] =	ssyncadd.s32 $0xFFFFFFFF  }
0xa5: {  	s26 =	simm.s32 $execute0_lowered;
	[smem:$0x3FD2] =	sst s25  }
0xa6: {  	s4 =	sshll.u32 s26, $0x1;
	_ =	strace $0x80000046;
	[dreg:$0x1] =	wrdreg $0xFFFFFFFF  }
0xa7: {  	s28 =	simm.s32 $_size_execute0_lowered;
	s2 =	sadd.s32 s2, s4;
	[dreg:$0x0] =	wrdreg $0x0  }
0xa8: {  	s4 =	sshll.u32 s28, $0x1;
	[dreg:$0x2] =	wrdreg s2  }
0xa9: {  	[dreg:$0x3] =	wrdreg s4  }
0xaa: {  	[dreg:$0x4] =	wrdreg $0xC0  }
0xab: {  	_ =	task [dreg:s6], $0x5FFFF  }
0xac: {  	[dreg:$0x1] =	wrdreg $0xFFFFFFFF  }
0xad: {  	[dreg:$0x0] =	wrdreg $0x60  }
0xae: {  	[dreg:$0x2] =	wrdreg s24  }
0xaf: {  	[dreg:$0x3] =	wrdreg $0x9  }
0xb0: {  	_ =	task.clear_ibuf [dreg:s6], $0x4FFFF;
	_ =	strace $0x90000046  }
0xb1: {  	s29 =	simm.s32 $0x9;
	_ =	strace $0x80000048  }
0xb2: {  	_ =	swait.ge [sflag:s29], $0x1  }
0xb3: {  	[sflag:s29] =	ssyncadd.s32 $0xFFFFFFFF  }
0xb4: {  	_ =	strace $0x90000048  }
0xb5: {  	_ =	sfence  }
0xb6: {  	s30 =	sld [smem:$0x0];
	_ =	sdelay $0x2  }
0xb7: {  	s31 =	sshll.u32 s1, $0xD;
	s1 =	sshrl.u32 s1, $0x2  }
0xb8: {  	s3 =	sand.u32 $0x4000, s31;
	s1 =	sadd.s32 s1, s30  }
0xb9: {  	s0 =	sor.u32 s3, s0;
	s1 =	sshll.u32 s1, $0x11  }
0xba: {  	s0 =	sor.u32 s1, s0  }
0xbb: {  	s0 =	sadd.s32 $0x8F2B, s0  }
0xbc: {  	[sflag:s0] =	ssyncadd.remote.s32 $0x1  }
0xbd: {  	_ =	sfence.sel $0xFFFF  }
0xbe: {  	[dreg:$0x0] =	wrdreg $0xFFFFFFFF;
	(pc) =	sbr.abs _section_cstart, $3  }
0xbf: {  	[dreg:$0x1] =	wrdreg $0xFFFFFFFF  }
0xc0: {  	_ =	task.clear_ibuf [dreg:s6], $0x2FFFF;
	_ =	strace $0x9FFFFFFF  }
0xc1: {  	(tm) =	ssettm $0x7FFFFFFF  }
tec
execute0_lowered:
.L_overlay_start_1:
0x0: {  	(tag) =	ssettag $0x1  }
0x1: {  	s0 =	srdreg.scid  }
0x2: {  	s6 =	rddreg [dreg:$0x0];
	s1 =	stileid.u32  }
0x3: {  	s2 =	simm.s32 $0x0;
	s11 =	simm.s32 $0x2780;
	s12 =	simm.s32 $0x4F00  }
0x4: {  	s13 =	simm.s32 $0x7680;
	s14 =	simm.s32 $0xC580;
	s5 =	sand.u32 $0x1, s0  }
0x5: {  	s15 =	simm.s32 $0x9E00;
	s0 =	rddreg [dreg:$0x1];
	s3 =	sshll.u32 s5, $0x4  }
0x6: {  	s16 =	simm.s32 $0x0;
	[smem:$0x7FF] =	sst s2;
	s3 =	sor.u32 s1, s3  }
0x7: {  	s4 =	sadd.s32 $0x14200, s6;
	s9 =	ssub.s32 $0x2, s5;
	s8 =	smul.u32 $0x4E2, s3  }
0x8: {  	_ =	strace $0x80000047;
	s31 =	sshrl.u32 s9, $0x1;
	s7 =	smul.u32 $0x500, s3  }
0x9: {  	s3 =	sadd.s32 $0x13C00, s6;
	s9 =	ssub.s32 s9, s31;
	s5 =	sadd.s32 s6, s8  }
0xa: {  	s9 =	smax.u32 s9, $0x1;
	s10 =	sadd.s32 s7, s6;
	s6 =	sadd.s32 $0x9E00, s5  }
0xb: {  	v0 =	vimm.f32 $0.0e+00;
	s7 =	sadd.s32 $0x1E800, s5;
	s8 =	sadd.s32 $0x14800, s10;
	s10 =	simm.s32 $0x1  }
.LBB2_1:
0xc: {  	[tilespmem:s2], [sflag:$0x1] =	stream.linear.gather [hbm4b:s3+s2], $0x2780, $0x38;
	[tilespmem:$0xED80] =	vst v63  }
0xd: {  	_ =	swait.ge [sflag:s10], $0x2780  }
0xe: {  	[sflag:s10] =	ssyncset.done $0x0  }
0xf: {  	[sflag:s10] =	ssyncadd.s32 $0xFFFFD880  }
0x10: {  	[tilespmem:s11], [sflag:$0x1] =	stream.linear.gather [hbm4b:s4+s2], $0x2780, $0x38;
	[tilespmem:$0xED80] =	vst v63  }
0x11: {  	_ =	swait.ge [sflag:s10], $0x2780  }
0x12: {  	[sflag:s10] =	ssyncset.done $0x0  }
0x13: {  	[sflag:s10] =	ssyncadd.s32 $0xFFFFD880  }
0x14: {  	[tilespmem:s12], [sflag:$0x1] =	stream.linear.gather [hbm4b:s6+s2], $0x2710, $0x38;
	[tilespmem:$0xED80] =	vst v63  }
0x15: {  	_ =	swait.ge [sflag:s10], $0x2710  }
0x16: {  	[sflag:s10] =	ssyncset.done $0x0  }
0x17: {  	[sflag:s10] =	ssyncadd.s32 $0xFFFFD8F0  }
0x18: {  	[tilespmem:s13], [sflag:$0x1] =	stream.linear.gather [hbm4b:s5+s2], $0x2710, $0x38;
	[tilespmem:$0xED80] =	vst v63  }
0x19: {  	_ =	swait.ge [sflag:s10], $0x2710  }
0x1a: {  	[sflag:s10] =	ssyncset.done $0x0  }
0x1b: {  	s17 =	simm.s32 $0x0;
	[sflag:s10] =	ssyncadd.s32 $0xFFFFD8F0  }
.LBB2_2:
0x1c: {  	p0 =	sne.s32 s17, $0x9FC0  }
.Ltmp0:
0x1d: {  	_ = 	snop;
	(pc) =	sbr.rel @p0 .LBB2_2-.Ltmp0, $3  }
0x1e: {  	_ =	sdelay $0x1  }
0x1f: {  	s18 =	sshra.s32 s17, $0x2  }
0x20: {  	s17 =	sadd.s32 $0x40, s17;
	[tilespmem:s18+$0xC580] =	vst v0  }
0x21: {  	s17 =	simm.s32 $0x0  }
0x22: {  	v2 =	vld [tilespmem:s17+$0x4F00]  }
0x23: {  	s18 =	simm.s32 $0x40;
	v1 =	vld [tilespmem:s17+$0x7680]  }
.LBB2_4:
0x24: {  	p0 =	sne.s32 s18, $0x9C00;
	_ =	sdelay $0x5  }
0x25: {  	v2 =	vld.idx.msk [tilespmem:v2+s11+$0x0], $0xffff  }
0x26: {  	v3 =	vld.idx.msk [tilespmem:v1+s2+$0x0], $0xffff;
	_ =	sdelay $0x5  }
0x27: {  	v2 =	vadd.f32 v2, v3;
	_ =	sdelay $0x1  }
0x28: {  	v3 =	vmul.f32 $2.000000030e-01, v2  }
0x29: {  	vm0 =	vge.f32 v2, $0.0e+00  }
0x2a: {  	v2 =	vsel vm0, v2, v3  }
0x2b: {  	v2 =	vmul.f32 $1.442695020e+00, v2;
	_ =	sdelay $0x1  }
0x2c: {  	(erf) = vpow2.f32 v2;
	_ =	sdelay $0x8  }
.Ltmp1:
0x2d: {  	v2 =	vpop (erf);
	(pc) =	sbr.rel @p0 .LBB2_4-.Ltmp1, $4  }
0x2e: {  	[tilespmem:s17+$0x9E00] =	vst v2  }
0x2f: {  	s17 =	sshra.s32 s18, $0x2;
	[tilespmem:v1+s14+$0x0] =	vst.idx.add.f32.msk $0xffff, v2  }
0x30: {  	v2 =	vld [tilespmem:s17+$0x4F00]  }
0x31: {  	s18 =	sadd.s32 $0x40, s18;
	v1 =	vld [tilespmem:s17+$0x7680]  }
0x32: {  	_ =	sdelay $0x6  }
0x33: {  	v2 =	vld.idx.msk [tilespmem:v2+s11+$0x0], $0xffff  }
0x34: {  	v3 =	vld.idx.msk [tilespmem:v1+s2+$0x0], $0xffff;
	_ =	sdelay $0x4  }
0x35: {  	v2 =	vadd.f32 v2, v3;
	_ =	sdelay $0x1  }
0x36: {  	v3 =	vmul.f32 $2.000000030e-01, v2  }
0x37: {  	vm0 =	vge.f32 v2, $0.0e+00  }
0x38: {  	v2 =	vsel vm0, v2, v3  }
0x39: {  	v2 =	vmul.f32 $1.442695020e+00, v2;
	_ =	sdelay $0x1  }
0x3a: {  	(erf) = vpow2.f32 v2;
	_ =	sdelay $0x8  }
0x3b: {  	v2 =	vpop (erf)  }
0x3c: {  	[tilespmem:s17+$0x9E00] =	vst v2  }
0x3d: {  	[tilespmem:v1+s14+$0x0] =	vst.idx.add.f32.msk $0xffff, v2  }
0x3e: {  	[hbm4b:s7+s2] =	stream.linear.scatter [tilespmem:s15], [sflag:$0x1], $0x2710, $0x38;
	[tilespmem:$0xED80] =	vst v63  }
0x3f: {  	s16 =	sadd.s32 $0x1, s16;
	_ =	swait.ge [sflag:s10], $0x2710  }
0x40: {  	p0 =	sne.s32 s16, s9;
	[sflag:s10] =	ssyncset.done $0x0  }
.Ltmp2:
0x41: {  	[sflag:s10] =	ssyncadd.s32 $0xFFFFD8F0;
	(pc) =	sbr.rel @p0 .LBB2_1-.Ltmp2, $4  }
0x42: {  	[hbm4b:s8+s2] =	stream.linear.scatter [tilespmem:s14], [sflag:$0x1], $0x2800, $0x38;
	[tilespmem:$0xED80] =	vst v63  }
0x43: {  	_ =	swait.ge [sflag:s10], $0x2800  }
0x44: {  	[sflag:s10] =	ssyncset.done $0x0  }
0x45: {  	[sflag:s10] =	ssyncadd.s32 $0xFFFFD800  }
0x46: {  	_ =	sfence.sel $0x180000  }
0x47: {  	[bflag:$0x0] =	sbarrier.arrive $0xFFFF  }
0x48: {  	p0 =	sne.s32 s1, $0x0;
	_ =	strace $0x90000047  }
0x49: {  	s0 =	sadd.s32 @!p0 $0x100000, s0;
	[bflag:$0x2] =	sbarrier.arrive $0xFFFF  }
0x4a: {  	[sflag:s0] =	ssyncadd.tile.s32 @!p0 $0x1;
	_ =	shalt  }
.Lfunc_end2:
_tile_overlayer_lowered:
.L_overlay_start_2:
0x4b: {  	(tag) =	ssettag $0x2  }
0x4c: {  	s0 =	rddreg [dreg:$0x0];
	s2 =	stileid.u32  }
0x4d: {  	s1 =	rddreg [dreg:$0x1];
	p0 =	sne.s32 s2, $0x0  }
0x4e: {  	s3 =	rddreg [dreg:$0x2];
	[bflag:$0x3] =	sbarrier.arrive $0xFFFF;
	s2 =	simm.s32 @!p0 $0x1C01  }
0x4f: {  	[timem:s3], [sflag:s2] =	dma.local @!p0 [hbm:s0], s1  }
0x50: {  	s0 =	simm.s32 @!p0 $0x1  }
0x51: {  	_ =	swait.ge @!p0 [sflag:s0], s1  }
0x52: {  	s1 =	ssub.s32 @!p0 $0x0, s1;
	[sflag:s0] =	ssyncset.done @!p0 $0x0  }
0x53: {  	[sflag:s0] =	ssyncadd.s32 @!p0 s1  }
0x54: {  	[bflag:$0x3] =	sbarrier.arrive $0xFFFF  }
0x55: {  	_ =	shalt  }

// kernel: kernel.9.cloned.1.call-start
scs
__scs_entry_jumppad:
0x0: {  	(pc) =	sbr.rel $0x88, $3  }
0x1: {  	(tag) =	ssettag $0x0;
	lr =	simm.s32 $0x1  }
0x2: {  	[smem:$0x3F9D] =	sst lr;
	_ =	strace $0xD0000000  }
0x3: {  	_ = 	snop  }
0x4: {  	_ = 	snop  }
0x5: {  	_ = 	snop  }
0x6: {  	_ = 	snop  }
0x7: {  	_ = 	snop  }
__scs_overlays_trampoline_lowered:
0x8: {  	[smem:$0x3FAC] =	sst s0  }
0x9: {  	[smem:$0x3FAD] =	sst s1  }
0xa: {  	[smem:$0x3FAE] =	sst s2  }
0xb: {  	[smem:$0x3FAF] =	sst s3  }
0xc: {  	[smem:$0x3FB0] =	sst s4  }
0xd: {  	[smem:$0x3FB1] =	sst s5  }
0xe: {  	[smem:$0x3FB2] =	sst s6  }
0xf: {  	[smem:$0x3FB3] =	sst s7  }
0x10: {  	[smem:$0x3FB4] =	sst s8  }
0x11: {  	[smem:$0x3FB5] =	sst s9;
	s0 =	simm.s32 @!p0 $0x0  }
0x12: {  	s1 =	sld [smem:$0x3F9B];
	s0 =	simm.s32 @p0 $0x1  }
0x13: {  	[smem:$0x3FB6] =	sst s0;
	s0 =	simm.s32 @!p1 $0x0  }
0x14: {  	s2 =	sld [smem:$0x3F9A];
	s0 =	simm.s32 @p1 $0x1  }
0x15: {  	[smem:$0x3FB7] =	sst s0;
	s0 =	simm.s32 @!p2 $0x0  }
0x16: {  	s3 =	sld [smem:$0x3FDB];
	s0 =	simm.s32 @p2 $0x1  }
0x17: {  	s4 =	simm.s32 $0x1BF5;
	[smem:$0x3FB9] =	sst s0  }
0x18: {  	s0 =	sld [smem:$0x3F9C];
	_ =	swait.ge [sflag:s4], $0x0  }
0x19: {  	s7 =	sld [smem:$0x3F9D]  }
0x1a: {  	s8 =	sadd.s32 $0xFFFFE003, lr  }
0x1b: {  	s9 =	sadd.s32 $0xFFFFFEF7, lr;
	s5 =	simm.s32 $0xFFFFFFFF;
	p2 =	slt.u32 s8, $0xFFFFF086  }
0x1c: {  	p1 =	slt.u32 s9, $0xF7A;
	s5 =	simm.s32 @!p2 $0x0  }
0x1d: {  	s5 =	simm.s32 @p1 $0x1;
	p0 =	seq.s32 s7, s2  }
0x1e: {  	s7 =	smul.u32 @!p0 $0xF7A, s2;
	p2 =	seq.s32 @!p0 s5, $0x0  }
0x1f: {  	s9 =	smul.u32 $0xF7A, s1;
	s8 =	simm.s32 @!p0 $0x1BF5;
	p2 =	por !p2, p0  }
0x20: {  	[sflag:s8] =	ssyncset.s32 @!p0 $0xFFFFF086;
	s6 =	sadd.s32 @!p0 s3, s7;
	s7 =	simm.s32 @!p0 $0x108  }
0x21: {  	s3 =	sadd.s32 s3, s9;
	s6 =	sadd.s32 @!p0 $0x88, s6;
	s7 =	simm.s32 @p2 $0x1082  }
0x22: {  	[simem:s7], [sflag:s8] =	dma.local @!p0 [hbm:s6], $0xF7A  }
0x23: {  	s9 =	sor.u32 $0xD0000000, s2;
	s6 =	simm.s32 $0x108;
	_ =	swait.ge @!p0 [sflag:s8], $0x0  }
0x24: {  	s3 =	sadd.s32 $0x88, s3;
	s6 =	simm.s32 @!p1 $0x1082;
	[sflag:s4] =	ssyncset.s32 $0xFFFFF086  }
0x25: {  	[simem:s6], [sflag:s4] =	dma.local [hbm:s3], $0xF7A  }
0x26: {  	[smem:$0x3F9D] =	sst s1;
	(tag) =	ssettag s2;
	_ =	strace s9  }
0x27: {  	s1 =	sld [smem:$0x3FAD]  }
0x28: {  	s2 =	sld [smem:$0x3FAE]  }
0x29: {  	s4 =	sld [smem:$0x3FB0]  }
0x2a: {  	p0 =	seq.s32 s5, $0x0;
	s5 =	sld [smem:$0x3FB1]  }
0x2b: {  	s6 =	sld [smem:$0x3FB2]  }
0x2c: {  	s7 =	sld [smem:$0x3FB3]  }
0x2d: {  	s3 =	simm.s32 $0x108;
	s8 =	sld [smem:$0x3FB4]  }
0x2e: {  	s3 =	simm.s32 @!p0 $0x1082;
	s9 =	sld [smem:$0x3FB5]  }
0x2f: {  	lr =	sadd.s32 s0, s3;
	s0 =	sld [smem:$0x3FAC]  }
0x30: {  	s3 =	sld [smem:$0x3FAF]  }
0x31: {  	[smem:$0x3FB8] =	sst s10  }
0x32: {  	s10 =	sld [smem:$0x3FB6];
	_ =	sdelay $0x3  }
0x33: {  	p0 =	seq.s32 s10, $0x1;
	s10 =	sld [smem:$0x3FB8];
	_ =	sdelay $0x3  }
0x34: {  	[smem:$0x3FB8] =	sst s10  }
0x35: {  	s10 =	sld [smem:$0x3FB7];
	_ =	sdelay $0x3  }
0x36: {  	p1 =	seq.s32 s10, $0x1;
	s10 =	sld [smem:$0x3FB8];
	_ =	sdelay $0x3  }
0x37: {  	[smem:$0x3FB8] =	sst s10  }
0x38: {  	s10 =	sld [smem:$0x3FB9]  }
0x39: {  	_ = 	snop;
	(pc) =	sbr.ind lr, $3  }
0x3a: {  	_ = 	snop  }
0x3b: {  	_ = 	snop  }
0x3c: {  	p2 =	seq.s32 s10, $0x1;
	s10 =	sld [smem:$0x3FB8]  }
0x3d: {  	_ =	shalt  }
0x3e: {  	_ =	shalt  }
0x3f: {  	_ =	shalt  }
0x40: {  	_ =	shalt  }
0x41: {  	_ =	shalt  }
0x42: {  	_ =	shalt  }
0x43: {  	_ =	shalt  }
0x44: {  	_ =	shalt  }
0x45: {  	_ =	shalt  }
0x46: {  	_ =	shalt  }
0x47: {  	_ =	shalt  }
0x48: {  	_ =	shalt  }
0x49: {  	_ =	shalt  }
0x4a: {  	_ =	shalt  }
0x4b: {  	_ =	shalt  }
0x4c: {  	_ =	shalt  }
0x4d: {  	_ =	shalt  }
0x4e: {  	_ =	shalt  }
0x4f: {  	_ =	shalt  }
0x50: {  	_ =	shalt  }
0x51: {  	_ =	shalt  }
0x52: {  	_ =	shalt  }
0x53: {  	_ =	shalt  }
0x54: {  	_ =	shalt  }
0x55: {  	_ =	shalt  }
0x56: {  	_ =	shalt  }
0x57: {  	_ =	shalt  }
0x58: {  	_ =	shalt  }
0x59: {  	_ =	shalt  }
0x5a: {  	_ =	shalt  }
0x5b: {  	_ =	shalt  }
0x5c: {  	_ =	shalt  }
0x5d: {  	_ =	shalt  }
0x5e: {  	_ =	shalt  }
0x5f: {  	_ =	shalt  }
0x60: {  	_ =	shalt  }
0x61: {  	_ =	shalt  }
0x62: {  	_ =	shalt  }
0x63: {  	_ =	shalt  }
0x64: {  	_ =	shalt  }
0x65: {  	_ =	shalt  }
0x66: {  	_ =	shalt  }
0x67: {  	_ =	shalt  }
0x68: {  	_ =	shalt  }
0x69: {  	_ =	shalt  }
0x6a: {  	_ =	shalt  }
0x6b: {  	_ =	shalt  }
0x6c: {  	_ =	shalt  }
0x6d: {  	_ =	shalt  }
0x6e: {  	_ =	shalt  }
0x6f: {  	_ =	shalt  }
0x70: {  	_ =	shalt  }
0x71: {  	_ =	shalt  }
0x72: {  	_ =	shalt  }
0x73: {  	_ =	shalt  }
0x74: {  	_ =	shalt  }
0x75: {  	_ =	shalt  }
0x76: {  	_ =	shalt  }
0x77: {  	_ =	shalt  }
0x78: {  	_ =	shalt  }
0x79: {  	_ =	shalt  }
0x7a: {  	_ =	shalt  }
0x7b: {  	_ =	shalt  }
0x7c: {  	_ =	shalt  }
0x7d: {  	_ =	shalt  }
0x7e: {  	_ =	shalt  }
0x7f: {  	_ =	shalt  }
0x80: {  	_ =	shalt  }
0x81: {  	_ =	shalt  }
0x82: {  	_ =	shalt  }
0x83: {  	_ =	shalt  }
0x84: {  	_ =	shalt  }
0x85: {  	_ =	shalt  }
0x86: {  	_ =	shalt  }
0x87: {  	_ =	shalt  }
.Lfunc_end0:
.L_simem_size_0:
called_computation.1_lowered:
.L_overlay_start_0:
0x88: {  	s2 =	sld [smem:$0x3FD9]  }
0x89: {  	s3 =	sld [smem:$0x3FFE];
	_ =	sdelay $0x1  }
0x8a: {  	s1 =	srdreg.scid  }
0x8b: {  	s0 =	sand.u32 $0x1, s1  }
0x8c: {  	s17 =	sshll.u32 s0, $0xA;
	s2 =	sadd.s32 s3, s2  }
0x8d: {  	s2 =	sadd.s32 s2, s17  }
0x8e: {  	[smem:$0x3FC4] =	sst s2  }
0x8f: {  	_ = 	snop  }
0x90: {  	s2 =	sld [smem:$0x3FD0];
	(tm) =	ssettm $0x1  }
0x91: {  	s18 =	sld [smem:$0x3FFB];
	_ =	sdelay $0x3  }
0x92: {  	_ =	strace s18  }
0x93: {  	s3 =	sld [smem:$0x3FFC];
	_ =	sdelay $0x3  }
0x94: {  	_ =	strace s3  }
0x95: {  	s3 =	sld [smem:$0x3FFD];
	_ =	sdelay $0x3  }
0x96: {  	_ =	strace s3  }
0x97: {  	_ =	strace $0x8FFFFFFF  }
0x98: {  	s19 =	sld [smem:$0x3FDB];
	_ =	sdelay $0x1  }
0x99: {  	s4 =	simm.s32 $_scs_section_size  }
0x9a: {  	s5 =	simm.s32 $_size__tile_overlayer_lowered;
	s6 =	simm.s32 $_tile_overlayer_lowered  }
0x9b: {  	s22 =	simm.s32 $0x1BFF;
	s21 =	sshll.u32 s6, $0x1;
	s3 =	sadd.s32 s4, s19  }
0x9c: {  	s7 =	simm.s32 $0x0;
	s20 =	sshll.u32 s5, $0x1;
	s5 =	sadd.s32 s21, s3  }
0x9d: {  	[timem:s7], [sflag:s22] =	dma.local [hbm:s5], s20  }
0x9e: {  	_ =	swait.ge [sflag:s22], s20  }
0x9f: {  	s4 =	ssub.s32 $0x0, s20;
	[sflag:s22] =	ssyncset.done $0x0  }
0xa0: {  	[sflag:s22] =	ssyncadd.s32 s4;
	_ =	sdelay $0x1  }
0xa1: {  	s23 =	simm.s32 $0x1B8B  }
0xa2: {  	_ =	swait.ge [sflag:s23], $0x1  }
0xa3: {  	[sflag:s23] =	ssyncset.done $0x0  }
0xa4: {  	s25 =	simm.s32 $0x1B8E;
	s24 =	sld [smem:$0x3FFE];
	[sflag:s23] =	ssyncadd.s32 $0xFFFFFFFF  }
0xa5: {  	s26 =	simm.s32 $execute0_lowered;
	[smem:$0x3FD2] =	sst s25  }
0xa6: {  	s5 =	sshll.u32 s26, $0x1;
	_ =	strace $0x80000049;
	[dreg:$0x1] =	wrdreg $0xFFFFFFFF  }
0xa7: {  	s28 =	simm.s32 $_size_execute0_lowered;
	s3 =	sadd.s32 s3, s5;
	[dreg:$0x0] =	wrdreg $0x0  }
0xa8: {  	s5 =	sshll.u32 s28, $0x1;
	[dreg:$0x2] =	wrdreg s3  }
0xa9: {  	[dreg:$0x3] =	wrdreg s5  }
0xaa: {  	[dreg:$0x4] =	wrdreg $0xC0  }
0xab: {  	_ =	task [dreg:s7], $0x5FFFF  }
0xac: {  	[dreg:$0x1] =	wrdreg $0xFFFFFFFF  }
0xad: {  	[dreg:$0x0] =	wrdreg $0x60  }
0xae: {  	[dreg:$0x2] =	wrdreg s2  }
0xaf: {  	[dreg:$0x3] =	wrdreg s24  }
0xb0: {  	[dreg:$0x4] =	wrdreg $0xA3700  }
0xb1: {  	[dreg:$0x5] =	wrdreg $0x9  }
0xb2: {  	_ =	task.clear_ibuf [dreg:s7], $0x6FFFF;
	_ =	strace $0x90000049  }
0xb3: {  	s29 =	simm.s32 $0x9;
	_ =	strace $0x8000004B  }
0xb4: {  	_ =	swait.ge [sflag:s29], $0x1  }
0xb5: {  	[sflag:s29] =	ssyncadd.s32 $0xFFFFFFFF  }
0xb6: {  	_ =	strace $0x9000004B  }
0xb7: {  	_ =	sfence  }
0xb8: {  	s30 =	sld [smem:$0x0];
	_ =	sdelay $0x2  }
0xb9: {  	s31 =	sshll.u32 s1, $0xD;
	s1 =	sshrl.u32 s1, $0x2  }
0xba: {  	s3 =	sand.u32 $0x4000, s31;
	s1 =	sadd.s32 s1, s30  }
0xbb: {  	s0 =	sor.u32 s3, s0;
	s1 =	sshll.u32 s1, $0x11  }
0xbc: {  	s0 =	sor.u32 s1, s0  }
0xbd: {  	s0 =	sadd.s32 $0x8F2B, s0  }
0xbe: {  	[sflag:s0] =	ssyncadd.remote.s32 $0x1  }
0xbf: {  	_ =	sfence.sel $0xFFFF  }
0xc0: {  	[dreg:$0x0] =	wrdreg $0xFFFFFFFF;
	(pc) =	sbr.abs _section_cstart, $3  }
0xc1: {  	[dreg:$0x1] =	wrdreg $0xFFFFFFFF  }
0xc2: {  	_ =	task.clear_ibuf [dreg:s7], $0x2FFFF;
	_ =	strace $0x9FFFFFFF  }
0xc3: {  	(tm) =	ssettm $0x7FFFFFFF  }
tec
execute0_lowered:
.L_overlay_start_1:
0x0: {  	(tag) =	ssettag $0x1  }
0x1: {  	s1 =	rddreg [dreg:$0x0]  }
0x2: {  	s7 =	rddreg [dreg:$0x1]  }
0x3: {  	s4 =	rddreg [dreg:$0x2];
	s0 =	srdreg.scid  }
0x4: {  	s6 =	stileid.u32;
	s11 =	simm.s32 $0x0;
	s28 =	simm.s32 $0x3F70  }
0x5: {  	s29 =	simm.s32 $0x1;
	s0 =	sand.u32 $0x1, s0;
	s2 =	smul.u32 $0x14000, s6  }
0x6: {  	[smem:$0x7FF] =	sst s11;
	s5 =	sadd.s32 $0x9E00, s7;
	s8 =	smul.u32 $0x50000, s6  }
0x7: {  	s15 =	sadd.s32 $0x1E800, s7;
	s3 =	smul.u32 $0x140000, s0;
	_ =	strace $0x8000004A  }
0x8: {  	[dreg:$0x5] =	wrdreg s5;
	s16 =	ssub.s32 $0x2, s0;
	s0 =	sshll.u32 s0, $0x4  }
0x9: {  	s30 =	simm.s32 $0x5;
	[dreg:$0x6] =	wrdreg s15;
	s0 =	sor.u32 s6, s0  }
0xa: {  	s17 =	sshrl.u32 s8, $0x2;
	s6 =	sadd.s32 s2, s4;
	s0 =	smul.u32 $0x2710, s0  }
0xb: {  	s31 =	simm.s32 $0x4;
	s18 =	sadd.s32 s17, s4;
	[dreg:$0x8] =	wrdreg s6  }
0xc: {  	s10 =	simm.s32 $0x3;
	s19 =	sadd.s32 $0x2800, s18;
	[dreg:$0x7] =	wrdreg s0  }
0xd: {  	s9 =	sshrl.u32 s16, $0x1;
	s20 =	sadd.s32 $0x5000, s18;
	[dreg:$0x9] =	wrdreg s19  }
0xe: {  	s3 =	sadd.s32 s2, s3;
	s21 =	sadd.s32 $0x7800, s18;
	[dreg:$0xa] =	wrdreg s20  }
0xf: {  	s5 =	ssub.s32 s16, s9;
	s22 =	sadd.s32 $0xA000, s18;
	[dreg:$0xb] =	wrdreg s21  }
0x10: {  	s2 =	simm.s32 $0x7B70;
	s23 =	sadd.s32 $0xC800, s18;
	[dreg:$0xc] =	wrdreg s22  }
0x11: {  	s3 =	sshrl.u32 s3, $0x3;
	s24 =	sadd.s32 $0xF000, s18;
	[dreg:$0xd] =	wrdreg s23  }
.Ltmp0:
0x12: {  	s26 =	smax.u32 s5, $0x1;
	[dreg:$0xe] =	wrdreg s24;
	(pc) =	sbr.rel .LBB2_1-.Ltmp0, $4  }
0x13: {  	s3 =	sadd.s32 s3, s7;
	s0 =	sadd.s32 $0x11800, s18;
	[dreg:$0x11] =	wrdreg s26  }
0x14: {  	s19 =	simm.s32 $0x5370;
	s20 =	simm.s32 $0x6;
	s21 =	simm.s32 $0xFA0  }
0x15: {  	v1 =	vimm.s32 $0x0;
	vm0 =	vcmask $0x300;
	s23 =	simm.s32 $0x50;
	[dreg:$0xf] =	wrdreg s0;
	s25 =	sadd.s32 $0x28600, s3  }
0x16: {  	v0 =	vimm.f32 $0.0e+00;
	v1 =	vsel vm0, $0x3, v1;
	s24 =	simm.s32 $0x1770;
	s0 =	simm.s32 $0x2;
	[dreg:$0x10] =	wrdreg s25  }
.LBB2_22:
0x17: {  	s3 =	stileid.u32;
	[bflag:$0x0] =	sbarrier.arrive $0xFFFF  }
0x18: {  	s3 =	sshll.u32 s3, $0x6;
	s6 =	rddreg [dreg:$0x8]  }
0x19: {  	s7 =	rddreg [dreg:$0x10];
	s3 =	sor.u32 $0x1C06, s3;
	s5 =	sshrl.u32 s6, $0x3  }
0x1a: {  	[hbm:s7], [sflag:s3] =	dma.local [spmem:s5], $0x2800  }
0x1b: {  	_ =	swait.ge [sflag:s20], $0x2800  }
0x1c: {  	s11 =	rddreg [dreg:$0x4]  }
0x1d: {  	s26 =	rddreg [dreg:$0x11];
	s11 =	sadd.s32 $0x1, s11  }
0x1e: {  	p0 =	sne.s32 s11, s26  }
.Ltmp1:
0x1f: {  	_ = 	snop;
	(pc) =	sbr.rel @!p0 .LBB2_23-.Ltmp1, $3  }
0x20: {  	_ =	sdelay $0x1  }
0x21: {  	[sflag:s20] =	ssyncset.done $0x0  }
0x22: {  	[sflag:s20] =	ssyncadd.s32 $0xFFFFD800  }
.LBB2_1:
0x23: {  	[dreg:$0x4] =	wrdreg s11;
	s3 =	simm.s32 $0x0;
	s5 =	simm.s32 $0x200  }
.LBB2_2:
0x24: {  	p0 =	sne.s32 s5, $0x9E00;
	[tilespmem:s3+$0x53E0] =	vst v0  }
0x25: {  	[tilespmem:s3+$0x5370] =	vst v0  }
0x26: {  	[tilespmem:s3+$0x5380] =	vst v0  }
.Ltmp2:
0x27: {  	[tilespmem:s3+$0x5390] =	vst v0;
	(pc) =	sbr.rel @p0 .LBB2_2-.Ltmp2, $4  }
0x28: {  	[tilespmem:s3+$0x53A0] =	vst v0  }
0x29: {  	[tilespmem:s3+$0x53B0] =	vst v0  }
0x2a: {  	[tilespmem:s3+$0x53C0] =	vst v0  }
0x2b: {  	[tilespmem:s3+$0x53D0] =	vst v0;
	s3 =	sshra.s32 s5, $0x2;
	s5 =	sadd.s32 $0x200, s5  }
0x2c: {  	[tilespmem:s3+$0x53E0] =	vst v0  }
0x2d: {  	[tilespmem:s3+$0x5370] =	vst v0  }
0x2e: {  	[tilespmem:s3+$0x5380] =	vst v0  }
0x2f: {  	[tilespmem:s3+$0x5390] =	vst v0  }
0x30: {  	[tilespmem:s3+$0x53A0] =	vst v0  }
0x31: {  	[tilespmem:s3+$0x53B0] =	vst v0  }
0x32: {  	[tilespmem:s3+$0x53C0] =	vst v0  }
0x33: {  	[tilespmem:s3+$0x53D0] =	vst v0  }
0x34: {  	[spmem:s6] =	stream.linear.scatter [tilespmem:s19], [sflag:$0x6], $0x2800, $0x38;
	[tilespmem:$0x1E370] =	vst v63  }
0x35: {  	_ =	swait.ge [sflag:s20], $0x2800  }
0x36: {  	[sflag:s20] =	ssyncset.done $0x0  }
0x37: {  	s15 =	rddreg [dreg:$0x9];
	[sflag:s20] =	ssyncadd.s32 $0xFFFFD800  }
0x38: {  	[spmem:s15] =	stream.linear.scatter [tilespmem:s19], [sflag:$0x6], $0x2800, $0x38;
	[tilespmem:$0x1E370] =	vst v63  }
0x39: {  	_ =	swait.ge [sflag:s20], $0x2800  }
0x3a: {  	[sflag:s20] =	ssyncset.done $0x0  }
0x3b: {  	s16 =	rddreg [dreg:$0xa];
	[sflag:s20] =	ssyncadd.s32 $0xFFFFD800  }
0x3c: {  	[spmem:s16] =	stream.linear.scatter [tilespmem:s19], [sflag:$0x6], $0x2800, $0x38;
	[tilespmem:$0x1E370] =	vst v63  }
0x3d: {  	_ =	swait.ge [sflag:s20], $0x2800  }
0x3e: {  	[sflag:s20] =	ssyncset.done $0x0  }
0x3f: {  	s17 =	rddreg [dreg:$0xb];
	[sflag:s20] =	ssyncadd.s32 $0xFFFFD800  }
0x40: {  	[spmem:s17] =	stream.linear.scatter [tilespmem:s19], [sflag:$0x6], $0x2800, $0x38;
	[tilespmem:$0x1E370] =	vst v63  }
0x41: {  	_ =	swait.ge [sflag:s20], $0x2800  }
0x42: {  	[sflag:s20] =	ssyncset.done $0x0  }
0x43: {  	s18 =	rddreg [dreg:$0xc];
	[sflag:s20] =	ssyncadd.s32 $0xFFFFD800  }
0x44: {  	[spmem:s18] =	stream.linear.scatter [tilespmem:s19], [sflag:$0x6], $0x2800, $0x38;
	[tilespmem:$0x1E370] =	vst v63  }
0x45: {  	_ =	swait.ge [sflag:s20], $0x2800  }
0x46: {  	[sflag:s20] =	ssyncset.done $0x0  }
0x47: {  	s22 =	rddreg [dreg:$0xd];
	[sflag:s20] =	ssyncadd.s32 $0xFFFFD800  }
0x48: {  	[spmem:s22] =	stream.linear.scatter [tilespmem:s19], [sflag:$0x6], $0x2800, $0x38;
	[tilespmem:$0x1E370] =	vst v63  }
0x49: {  	_ =	swait.ge [sflag:s20], $0x2800  }
0x4a: {  	[sflag:s20] =	ssyncset.done $0x0  }
0x4b: {  	s25 =	rddreg [dreg:$0xe];
	[sflag:s20] =	ssyncadd.s32 $0xFFFFD800  }
0x4c: {  	[spmem:s25] =	stream.linear.scatter [tilespmem:s19], [sflag:$0x6], $0x2800, $0x38;
	[tilespmem:$0x1E370] =	vst v63  }
0x4d: {  	_ =	swait.ge [sflag:s20], $0x2800  }
0x4e: {  	[sflag:s20] =	ssyncset.done $0x0  }
0x4f: {  	s26 =	rddreg [dreg:$0xf];
	[sflag:s20] =	ssyncadd.s32 $0xFFFFD800  }
0x50: {  	[spmem:s26] =	stream.linear.scatter [tilespmem:s19], [sflag:$0x6], $0x2800, $0x38;
	[tilespmem:$0x1E370] =	vst v63  }
.Ltmp3:
0x51: {  	_ =	swait.ge [sflag:s20], $0x2800;
	(pc) =	sbr.rel .LBB2_4-.Ltmp3, $4  }
0x52: {  	[sflag:s20] =	ssyncset.done $0x0  }
0x53: {  	[sflag:s20] =	ssyncadd.s32 $0xFFFFD800  }
0x54: {  	[bflag:$0x0] =	sbarrier.arrive $0xFFFF  }
0x55: {  	s12 =	simm.s32 $0x0  }
.LBB2_21:
0x56: {  	s12 =	sadd.s32 $0x1, s12  }
0x57: {  	_ =	swait.ge [sflag:s30], $0x2800;
	p0 =	sne.s32 s12, $0x5  }
.Ltmp4:
0x58: {  	[sflag:s30] =	ssyncset.done $0x0;
	(pc) =	sbr.rel @!p0 .LBB2_22-.Ltmp4, $4  }
0x59: {  	[sflag:s30] =	ssyncadd.s32 $0xFFFFD800  }
0x5a: {  	_ =	swait.ge [sflag:s31], $0x2800  }
0x5b: {  	[sflag:s31] =	ssyncset.done $0x0  }
0x5c: {  	[sflag:s31] =	ssyncadd.s32 $0xFFFFD800  }
.LBB2_4:
0x5d: {  	s3 =	smul.u32 $0x7D0, s12  }
0x5e: {  	s5 =	rddreg [dreg:$0x7]  }
0x5f: {  	s3 =	sadd.s32 s5, s3  }
0x60: {  	s16 =	rddreg [dreg:$0x5];
	s3 =	sshrl.u32 s3, $0x3  }
0x61: {  	s6 =	simm.s32 $0x0;
	s5 =	sadd.s32 s16, s3  }
0x62: {  	[tilespmem:s6], [sflag:$0x6] =	stream.linear.gather [hbm4b:s5+s6], $0x7D0, $0x38;
	[tilespmem:$0x1E370] =	vst v63  }
0x63: {  	_ =	swait.ge [sflag:s20], $0x7D0  }
0x64: {  	[sflag:s20] =	ssyncset.done $0x0;
	s17 =	rddreg [dreg:$0x6]  }
0x65: {  	[sflag:s20] =	ssyncadd.s32 $0xFFFFF830;
	s5 =	sadd.s32 s17, s3  }
0x66: {  	[tilespmem:s21], [sflag:$0x6] =	stream.linear.gather [hbm4b:s5+s6], $0x7D0, $0x38;
	[tilespmem:$0x1E370] =	vst v63  }
0x67: {  	_ =	swait.ge [sflag:s20], $0x7D0  }
0x68: {  	[sflag:s20] =	ssyncset.done $0x0  }
0x69: {  	[sflag:s20] =	ssyncadd.s32 $0xFFFFF830  }
0x6a: {  	s18 =	rddreg [dreg:$0x1]  }
0x6b: {  	s22 =	simm.s32 $0x7D0;
	s3 =	sadd.s32 s18, s3  }
0x6c: {  	[tilespmem:s22], [sflag:$0x6] =	stream.linear.gather [hbm4b:s3+s6], $0x7D0, $0x38;
	[tilespmem:$0x1E370] =	vst v63  }
0x6d: {  	_ =	swait.ge [sflag:s20], $0x7D0  }
0x6e: {  	[sflag:s20] =	ssyncset.done $0x0  }
0x6f: {  	[sflag:s20] =	ssyncadd.s32 $0xFFFFF830  }
0x70: {  	[tilespmem:s24], [sflag:$0x1] =	stream.indirect.gather [hbm4b:s1+s23], $0x40, s6, s23, $0xb8;
	[tilespmem:$0x1E370] =	vst v63  }
0x71: {  	s25 =	simm.s32 $0x2B70  }
0x72: {  	[tilespmem:s25], [sflag:$0x2] =	stream.indirect.gather [hbm4b:s1+s23], $0x40, s23, s23, $0xb8;
	[tilespmem:$0x1E370] =	vst v63  }
0x73: {  	s26 =	simm.s32 $0xA0;
	s13 =	simm.s32 $0x0;
	s14 =	simm.s32 $0x0  }
0x74: {  	[tilespmem:s28], [sflag:$0x3] =	stream.indirect.gather [hbm4b:s1+s23], $0x40, s26, s23, $0xb8;
	[tilespmem:$0x1E370] =	vst v63  }
.LBB2_5:
0x75: {  	s5 =	sadd.s32 $0xFFFFFFF8, s13  }
0x76: {  	s3 =	sadd.s32 $0xF, s5  }
0x77: {  	v2 =	vmov s3  }
0x78: {  	v2 =	vshrl.u32 v2, $0x3  }
0x79: {  	v2 =	vshll.u32 v2, v1  }
0x7a: {  	_ =	swait.ge [sflag:s29], $0x1400;
	v2 =	vadd.s32 $0x7, v2  }
0x7b: {  	p0 =	seq.s32 s14, $0x0;
	[sflag:s29] =	ssyncset.done $0x0;
	v2 =	vbroadcast v2, $0x0  }
0x7c: {  	[sflag:s29] =	ssyncadd.s32 $0xFFFFEC00;
	s3 =	simm.s32 @!p0 $0x4  }
0x7d: {  	_ =	swait.ge @!p0 [sflag:s3], $0x2800  }
0x7e: {  	s9 =	sadd.s32 $0x9, s5;
	[sflag:s3] =	ssyncset.done @!p0 $0x0  }
0x7f: {  	v3 =	vmov s9;
	[sflag:s3] =	ssyncadd.s32 @!p0 $0xFFFFD800;
	s3 =	simm.s32 $0x1870  }
0x80: {  	v3 =	vshrl.u32 v3, $0x3;
	v4 =	vld [tilespmem:s3+$0xC0]  }
0x81: {  	v3 =	vshll.u32 v3, v1;
	v2 =	vld.idx.msk [tilespmem:v2+s21+$0x0], $0xffff  }
0x82: {  	s26 =	sadd.s32 $0xA, s5;
	v3 =	vadd.s32 $0x1, v3  }
0x83: {  	s6 =	sadd.s32 $0xB, s5;
	s15 =	sadd.s32 $0xC, s5;
	v5 =	vmov s26;
	v3 =	vbroadcast v3, $0x0  }
0x84: {  	v6 =	vmov s6;
	v7 =	vmov s15;
	v5 =	vshrl.u32 v5, $0x3  }
0x85: {  	v6 =	vshrl.u32 v6, $0x3;
	v5 =	vshll.u32 v5, v1;
	v8 =	vunpack.i.l.bf16.f32 v4  }
0x86: {  	v5 =	vadd.s32 $0x2, v5;
	v4 =	vunpack.i.u.bf16.f32 v4;
	v8 =	vmul.f32 v8, v2  }
0x87: {  	s15 =	simm.s32 $0x5570;
	v6 =	vshll.u32 v6, v1;
	v5 =	vbroadcast v5, $0x0;
	v4 =	vmul.f32 v4, v2  }
0x88: {  	s7 =	sadd.s32 $0xD, s5;
	v7 =	vshrl.u32 v7, $0x3;
	v6 =	vadd.s32 $0x3, v6;
	v9 =	vld [tilespmem:s3+$0xFFFFFF40];
	[tilespmem:s15+$0x180] =	vst v8  }
0x89: {  	v7 =	vshll.u32 v7, v1;
	v6 =	vbroadcast v6, $0x0;
	v11 =	vld.idx.msk [tilespmem:v3+s21+$0x0], $0xffff;
	v8 =	vmov s7;
	[tilespmem:s15+$0x190] =	vst v4  }
0x8a: {  	v4 =	vadd.s32 $0x4, v7;
	v3 =	vshrl.u32 v8, $0x3;
	v7 =	vld [tilespmem:s3+$0xD0]  }
0x8b: {  	s8 =	sadd.s32 $0x8, s5;
	s5 =	sadd.s32 $0xE, s5;
	v4 =	vbroadcast v4, $0x0;
	v3 =	vshll.u32 v3, v1  }
0x8c: {  	v10 =	vmov s8;
	v12 =	vld [tilespmem:s3+$0xFFFFFF80];
	v8 =	vmov s5;
	v3 =	vadd.s32 $0x5, v3  }
0x8d: {  	v14 =	vunpack.i.l.bf16.f32 v9;
	v13 =	vld.idx.msk [tilespmem:v5+s21+$0x0], $0xffff;
	v8 =	vshrl.u32 v8, $0x3;
	v3 =	vbroadcast v3, $0x0  }
0x8e: {  	v9 =	vunpack.i.u.bf16.f32 v9;
	v14 =	vmul.f32 v14, v11;
	v5 =	vshll.u32 v8, v1;
	v8 =	vld [tilespmem:s3+$0xFFFFFFC0]  }
0x8f: {  	v10 =	vshrl.u32 v10, $0x3;
	v15 =	vld.idx.msk [tilespmem:v6+s21+$0x0], $0xffff;
	v6 =	vmul.f32 v9, v11;
	v9 =	vunpack.i.l.bf16.f32 v7  }
0x90: {  	v16 =	vld [tilespmem:s3+$0x0];
	[tilespmem:s15+$0xFFFFFE80] =	vst v14;
	v5 =	vadd.s32 $0x6, v5;
	v7 =	vunpack.i.u.bf16.f32 v7;
	v9 =	vmul.f32 v9, v2  }
0x91: {  	v14 =	vunpack.i.l.bf16.f32 v12;
	[tilespmem:s15+$0xFFFFFE90] =	vst v6;
	v5 =	vbroadcast v5, $0x0;
	v18 =	vld.idx.msk [tilespmem:v4+s21+$0x0], $0xffff;
	v4 =	vmul.f32 v7, v2  }
0x92: {  	v6 =	vshll.u32 v10, v1;
	v10 =	vunpack.i.u.bf16.f32 v12;
	v12 =	vmul.f32 v14, v13;
	v7 =	vld [tilespmem:s3+$0x40];
	[tilespmem:s15+$0x1A0] =	vst v9  }
0x93: {  	v6 =	vbroadcast v6, $0x0;
	v9 =	vunpack.i.l.bf16.f32 v8;
	[tilespmem:s15+$0x1B0] =	vst v4;
	v14 =	vld.idx.msk [tilespmem:v3+s21+$0x0], $0xffff;
	v3 =	vmul.f32 v10, v13  }
0x94: {  	[tilespmem:s15+$0xFFFFFF00] =	vst v12;
	v4 =	vunpack.i.u.bf16.f32 v8;
	v8 =	vmul.f32 v9, v15;
	v9 =	vld [tilespmem:s3+$0xE0]  }
0x95: {  	v10 =	vunpack.i.l.bf16.f32 v16;
	v4 =	vmul.f32 v4, v15;
	[tilespmem:s15+$0xFFFFFF10] =	vst v3  }
0x96: {  	v12 =	vunpack.i.u.bf16.f32 v16;
	v3 =	vld [tilespmem:s3+$0x80];
	v10 =	vmul.f32 v10, v18;
	[tilespmem:s15+$0xFFFFFF80] =	vst v8  }
0x97: {  	v17 =	vld.idx.msk [tilespmem:v5+s21+$0x0], $0xffff;
	v8 =	vunpack.i.l.bf16.f32 v7;
	v5 =	vmul.f32 v12, v18;
	[tilespmem:s15+$0xFFFFFF90] =	vst v4  }
0x98: {  	v4 =	vld [tilespmem:s3+$0xFFFFFF00];
	v7 =	vunpack.i.u.bf16.f32 v7;
	[tilespmem:s15+$0x0] =	vst v10;
	v8 =	vmul.f32 v8, v14  }
0x99: {  	v10 =	vld.idx.msk [tilespmem:v6+s21+$0x0], $0xffff;
	[tilespmem:s15+$0x10] =	vst v5;
	v6 =	vmul.f32 v7, v14;
	v5 =	vunpack.i.l.bf16.f32 v9  }
0x9a: {  	v7 =	vld [tilespmem:s3+$0xFFFFFF50];
	v5 =	vmul.f32 v5, v2;
	[tilespmem:s15+$0x80] =	vst v8;
	v8 =	vunpack.i.u.bf16.f32 v9  }
0x9b: {  	v9 =	vunpack.i.l.bf16.f32 v3;
	[tilespmem:s15+$0x90] =	vst v6;
	v6 =	vmul.f32 v8, v2  }
0x9c: {  	v3 =	vunpack.i.u.bf16.f32 v3;
	v8 =	vmul.f32 v9, v17;
	v9 =	vld [tilespmem:s3+$0xFFFFFF90];
	[tilespmem:s15+$0x1C0] =	vst v5  }
0x9d: {  	v12 =	vld [tilespmem:s3+$0xFFFFFFD0];
	v5 =	vunpack.i.l.bf16.f32 v4;
	v3 =	vmul.f32 v3, v17;
	[tilespmem:s15+$0x1D0] =	vst v6  }
0x9e: {  	v4 =	vunpack.i.u.bf16.f32 v4;
	v5 =	vmul.f32 v5, v10;
	[tilespmem:s15+$0x100] =	vst v8  }
0x9f: {  	v4 =	vmul.f32 v4, v10;
	v6 =	vld [tilespmem:s3+$0x10];
	v8 =	vunpack.i.l.bf16.f32 v7;
	[tilespmem:s15+$0x110] =	vst v3  }
0xa0: {  	s11 =	sadd.s32 $0x0, s13;
	v3 =	vunpack.i.u.bf16.f32 v7;
	v7 =	vmul.f32 v8, v11;
	v8 =	vld [tilespmem:s3+$0x50];
	[tilespmem:s15+$0xFFFFFE00] =	vst v5  }
0xa1: {  	s22 =	sadd.s32 $0xB, s11;
	v3 =	vmul.f32 v3, v11;
	[tilespmem:s15+$0xFFFFFE10] =	vst v4;
	v19 =	vld [tilespmem:s3+$0x90];
	v5 =	vunpack.i.u.bf16.f32 v9;
	v9 =	vunpack.i.l.bf16.f32 v9  }
0xa2: {  	v25 =	vmov s22;
	v16 =	vld [tilespmem:s3+$0xF0];
	[tilespmem:s15+$0xFFFFFEA0] =	vst v7;
	v7 =	vunpack.i.u.bf16.f32 v12;
	v4 =	vmul.f32 v9, v13  }
0xa3: {  	[tilespmem:s15+$0xFFFFFEB0] =	vst v3;
	v5 =	vmul.f32 v5, v13;
	v9 =	vunpack.i.l.bf16.f32 v12;
	v3 =	vmul.f32 v7, v15  }
0xa4: {  	s26 =	sadd.s32 $0xE, s11;
	v20 =	vld [tilespmem:s3+$0xFFFFFF60];
	v9 =	vmul.f32 v9, v15;
	v12 =	vunpack.i.l.bf16.f32 v6;
	v6 =	vunpack.i.u.bf16.f32 v6;
	[tilespmem:s15+$0xFFFFFF20] =	vst v4  }
0xa5: {  	v27 =	vmov s26;
	v7 =	vmul.f32 v12, v18;
	v4 =	vmul.f32 v6, v18;
	[tilespmem:s15+$0xFFFFFF30] =	vst v5  }
0xa6: {  	v12 =	vld [tilespmem:s3+$0xFFFFFF10];
	v6 =	vunpack.i.u.bf16.f32 v8;
	v8 =	vunpack.i.l.bf16.f32 v8;
	[tilespmem:s15+$0xFFFFFFB0] =	vst v3;
	v3 =	vunpack.i.u.bf16.f32 v19  }
0xa7: {  	v5 =	vmul.f32 v8, v14;
	v6 =	vmul.f32 v6, v14;
	[tilespmem:s15+$0xFFFFFFA0] =	vst v9;
	v8 =	vunpack.i.u.bf16.f32 v16  }
0xa8: {  	v9 =	vunpack.i.l.bf16.f32 v16;
	v16 =	vunpack.i.l.bf16.f32 v19;
	v21 =	vld [tilespmem:s3+$0xFFFFFFA0];
	v8 =	vmul.f32 v8, v2;
	[tilespmem:s15+$0x20] =	vst v7  }
0xa9: {  	v16 =	vmul.f32 v16, v17;
	v7 =	vmul.f32 v3, v17;
	[tilespmem:s15+$0x30] =	vst v4;
	v4 =	vunpack.i.l.bf16.f32 v20  }
0xaa: {  	s17 =	sadd.s32 $0xF, s11;
	v22 =	vld [tilespmem:s3+$0xFFFFFFE0];
	v3 =	vmul.f32 v9, v2;
	v9 =	vunpack.i.u.bf16.f32 v20;
	[tilespmem:s15+$0xB0] =	vst v6;
	v4 =	vmul.f32 v4, v11  }
0xab: {  	v6 =	vmul.f32 v9, v11;
	[tilespmem:s15+$0x130] =	vst v7;
	v7 =	vmov s17;
	s17 =	sadd.s32 $0xC, s11;
	v19 =	vunpack.i.u.bf16.f32 v12  }
0xac: {  	[tilespmem:s15+$0xA0] =	vst v5;
	v12 =	vunpack.i.l.bf16.f32 v12;
	v7 =	vshrl.u32 v7, $0x3;
	v26 =	vmov s17  }
0xad: {  	s16 =	sadd.s32 $0xA, s11;
	v20 =	vld [tilespmem:s3+$0x60];
	[tilespmem:s15+$0x120] =	vst v16;
	v2 =	vmul.f32 v12, v10;
	v5 =	vmul.f32 v19, v10;
	v9 =	vunpack.i.u.bf16.f32 v21  }
0xae: {  	v12 =	vld [tilespmem:s3+$0x20];
	v19 =	vunpack.i.l.bf16.f32 v21;
	v7 =	vshll.u32 v7, v1;
	[tilespmem:s15+$0xFFFFFED0] =	vst v6;
	v6 =	vmov s16  }
0xaf: {  	v16 =	vmul.f32 v19, v13;
	v19 =	vunpack.i.u.bf16.f32 v22;
	v21 =	vunpack.i.l.bf16.f32 v22;
	v22 =	vld [tilespmem:s3+$0xA0]  }
0xb0: {  	v9 =	vmul.f32 v9, v13;
	v7 =	vadd.s32 $0x7, v7;
	v23 =	vmul.f32 v21, v15  }
0xb1: {  	[tilespmem:s15+$0xFFFFFEC0] =	vst v4;
	v6 =	vshrl.u32 v6, $0x3;
	v19 =	vmul.f32 v19, v15;
	v7 =	vbroadcast v7, $0x0  }
0xb2: {  	s25 =	sadd.s32 $0xD, s11;
	v6 =	vshll.u32 v6, v1;
	v24 =	vunpack.i.l.bf16.f32 v20;
	v20 =	vunpack.i.u.bf16.f32 v20;
	[tilespmem:s15+$0xFFFFFF40] =	vst v16  }
0xb3: {  	s17 =	simm.s32 $0x1A70;
	v16 =	vmov s25;
	[tilespmem:s15+$0xFFFFFF50] =	vst v9;
	v9 =	vshrl.u32 v25, $0x3;
	v21 =	vunpack.i.u.bf16.f32 v12  }
0xb4: {  	s18 =	sadd.s32 $0x9, s11;
	v28 =	vld [tilespmem:s17+$0xC0];
	[tilespmem:s15+$0xFFFFFE20] =	vst v2;
	v24 =	vmul.f32 v24, v14;
	v2 =	vmul.f32 v21, v18;
	v21 =	vunpack.i.l.bf16.f32 v22  }
0xb5: {  	s5 =	sadd.s32 $0x8, s11;
	[tilespmem:s15+$0xFFFFFE30] =	vst v5;
	v5 =	vmul.f32 v20, v14;
	v4 =	vmul.f32 v21, v17;
	v21 =	vmov s18  }
0xb6: {  	v30 =	vld [tilespmem:s17+$0xFFFFFF80];
	[tilespmem:s15+$0xFFFFFFC0] =	vst v23;
	v23 =	vshrl.u32 v26, $0x3;
	v26 =	vmov s5;
	v21 =	vshrl.u32 v21, $0x3  }
0xb7: {  	[tilespmem:s15+$0xFFFFFFD0] =	vst v19;
	v16 =	vshrl.u32 v16, $0x3;
	v19 =	vshrl.u32 v27, $0x3;
	v25 =	vshll.u32 v21, v1;
	v21 =	vld.idx.msk [tilespmem:v7+s21+$0x0], $0xffff  }
0xb8: {  	[tilespmem:s15+$0x1F0] =	vst v8;
	v32 =	vld [tilespmem:s17+$0x80];
	v8 =	vshll.u32 v9, v1;
	v12 =	vunpack.i.l.bf16.f32 v12;
	v25 =	vadd.s32 $0x1, v25  }
0xb9: {  	v29 =	vld [tilespmem:s3+$0xFFFFFFB0];
	v9 =	vshll.u32 v23, v1;
	v23 =	vunpack.i.l.bf16.f32 v28;
	v25 =	vbroadcast v25, $0x0  }
0xba: {  	v28 =	vunpack.i.u.bf16.f32 v28;
	v12 =	vmul.f32 v12, v18;
	v20 =	vunpack.i.u.bf16.f32 v22;
	v22 =	vld [tilespmem:s3+$0xFFFFFF20];
	[tilespmem:s15+$0xC0] =	vst v24  }
0xbb: {  	v27 =	vld [tilespmem:s3+$0xFFFFFFF0];
	v24 =	vshrl.u32 v26, $0x3;
	v20 =	vmul.f32 v20, v17;
	[tilespmem:s15+$0x50] =	vst v2;
	v2 =	vadd.s32 $0x2, v6  }
0xbc: {  	[tilespmem:s15+$0x40] =	vst v12;
	v12 =	vshll.u32 v16, v1;
	v6 =	vld [tilespmem:s17+$0xFFFFFF40];
	v26 =	vbroadcast v2, $0x0;
	v23 =	vmul.f32 v23, v21  }
0xbd: {  	s9 =	simm.s32 $0x5970;
	[tilespmem:s15+$0xD0] =	vst v5;
	v7 =	vld [tilespmem:s3+$0xFFFFFF70];
	v2 =	vadd.s32 $0x3, v8;
	v8 =	vadd.s32 $0x4, v9;
	v28 =	vmul.f32 v28, v21  }
0xbe: {  	v16 =	vshll.u32 v19, v1;
	v9 =	vadd.s32 $0x5, v12;
	v12 =	vld [tilespmem:s17+$0xFFFFFFC0];
	v5 =	vbroadcast v8, $0x0;
	[tilespmem:s9+$0x180] =	vst v23  }
0xbf: {  	v8 =	vunpack.i.l.bf16.f32 v22;
	v23 =	vshll.u32 v24, v1;
	v24 =	vbroadcast v2, $0x0;
	[tilespmem:s9+$0x190] =	vst v28;
	v2 =	vld.idx.msk [tilespmem:v25+s21+$0x0], $0xffff  }
0xc0: {  	v16 =	vadd.s32 $0x6, v16;
	[tilespmem:s15+$0x140] =	vst v4;
	v8 =	vmul.f32 v8, v10;
	v25 =	vld [tilespmem:s17+$0xD0]  }
0xc1: {  	[tilespmem:s15+$0x150] =	vst v20;
	v20 =	vld [tilespmem:s17+$0x40];
	v9 =	vbroadcast v9, $0x0;
	v4 =	vunpack.i.u.bf16.f32 v22;
	v22 =	vbroadcast v23, $0x0  }
0xc2: {  	v16 =	vbroadcast v16, $0x0;
	v4 =	vmul.f32 v4, v10;
	[tilespmem:s15+$0xFFFFFE40] =	vst v8;
	v8 =	vld.idx.msk [tilespmem:v26+s21+$0x0], $0xffff  }
0xc3: {  	v19 =	vld [tilespmem:s17+$0xFFFFFF00];
	v31 =	vunpack.i.l.bf16.f32 v7;
	v28 =	vunpack.i.u.bf16.f32 v7;
	v7 =	vunpack.i.l.bf16.f32 v6  }
0xc4: {  	v33 =	vunpack.i.l.bf16.f32 v30;
	[tilespmem:s15+$0xFFFFFE50] =	vst v4;
	v6 =	vunpack.i.u.bf16.f32 v6;
	v23 =	vld [tilespmem:s17+$0x0];
	v4 =	vmul.f32 v7, v2  }
0xc5: {  	[tilespmem:s15+$0x1E0] =	vst v3;
	v30 =	vunpack.i.u.bf16.f32 v30;
	v7 =	vld.idx.msk [tilespmem:v24+s21+$0x0], $0xffff;
	v3 =	vmul.f32 v6, v2;
	v6 =	vunpack.i.l.bf16.f32 v25  }
0xc6: {  	v34 =	vunpack.i.u.bf16.f32 v12;
	v5 =	vld.idx.msk [tilespmem:v5+s21+$0x0], $0xffff;
	[tilespmem:s9+$0xFFFFFE80] =	vst v4;
	v4 =	vunpack.i.u.bf16.f32 v25;
	v25 =	vmul.f32 v6, v21  }
0xc7: {  	v12 =	vunpack.i.l.bf16.f32 v12;
	v53 =	vunpack.i.u.bf16.f32 v20;
	[tilespmem:s9+$0xFFFFFE90] =	vst v3;
	v3 =	vld.idx.msk [tilespmem:v22+s21+$0x0], $0xffff;
	v22 =	vmul.f32 v30, v8  }
0xc8: {  	v20 =	vunpack.i.l.bf16.f32 v20;
	v26 =	vunpack.i.u.bf16.f32 v29;
	v6 =	vld.idx.msk [tilespmem:v9+s21+$0x0], $0xffff;
	v9 =	vmul.f32 v4, v21;
	[tilespmem:s9+$0x1A0] =	vst v25  }
0xc9: {  	v29 =	vunpack.i.l.bf16.f32 v29;
	v24 =	vunpack.i.u.bf16.f32 v19;
	v4 =	vld.idx.msk [tilespmem:v16+s21+$0x0], $0xffff;
	v16 =	vmul.f32 v33, v8;
	[tilespmem:s9+$0xFFFFFF10] =	vst v22  }
0xca: {  	v58 =	vld [tilespmem:s3+$0xB0];
	v30 =	vunpack.i.u.bf16.f32 v23;
	v23 =	vunpack.i.l.bf16.f32 v23;
	[tilespmem:s9+$0x1B0] =	vst v9;
	v12 =	vmul.f32 v12, v7  }
0xcb: {  	v19 =	vunpack.i.l.bf16.f32 v19;
	v23 =	vmul.f32 v23, v5;
	[tilespmem:s9+$0xFFFFFF00] =	vst v16;
	v34 =	vmul.f32 v34, v7;
	v16 =	vld [tilespmem:s17+$0xE0]  }
0xcc: {  	v30 =	vmul.f32 v30, v5;
	v25 =	vunpack.i.u.bf16.f32 v27;
	v22 =	vld [tilespmem:s3+$0x30];
	v9 =	vmul.f32 v31, v11;
	[tilespmem:s9+$0xFFFFFF80] =	vst v12  }
0xcd: {  	v27 =	vunpack.i.l.bf16.f32 v27;
	v31 =	vld [tilespmem:s17+$0xFFFFFF50];
	v11 =	vmul.f32 v28, v11;
	v20 =	vmul.f32 v20, v6;
	[tilespmem:s9+$0xFFFFFF90] =	vst v34  }
0xce: {  	[tilespmem:s9+$0x0] =	vst v23;
	v12 =	vunpack.i.l.bf16.f32 v32;
	v33 =	vmul.f32 v53, v6;
	v19 =	vmul.f32 v19, v3;
	v28 =	vld [tilespmem:s17+$0xFFFFFFD0]  }
0xcf: {  	[tilespmem:s9+$0x10] =	vst v30;
	v32 =	vunpack.i.u.bf16.f32 v32;
	v24 =	vmul.f32 v24, v3;
	v54 =	vmul.f32 v12, v4  }
0xd0: {  	v34 =	vunpack.i.u.bf16.f32 v58;
	v32 =	vmul.f32 v32, v4;
	[tilespmem:s9+$0x80] =	vst v20;
	v12 =	vunpack.i.l.bf16.f32 v16  }
0xd1: {  	v30 =	vld [tilespmem:s17+$0xFFFFFF90];
	v35 =	vunpack.i.u.bf16.f32 v22;
	[tilespmem:s9+$0x100] =	vst v54;
	v16 =	vunpack.i.u.bf16.f32 v16;
	v20 =	vmul.f32 v12, v21  }
0xd2: {  	v23 =	vld [tilespmem:s3+$0x70];
	v55 =	vunpack.i.u.bf16.f32 v31;
	v31 =	vunpack.i.l.bf16.f32 v31;
	[tilespmem:s9+$0x110] =	vst v32;
	v16 =	vmul.f32 v16, v21  }
0xd3: {  	v12 =	vmul.f32 v29, v13;
	v29 =	vmul.f32 v55, v2;
	v57 =	vunpack.i.l.bf16.f32 v28;
	[tilespmem:s9+$0x1C0] =	vst v20  }
0xd4: {  	v59 =	vld [tilespmem:s17+$0x90];
	v20 =	vunpack.i.l.bf16.f32 v22;
	v22 =	vmul.f32 v31, v2;
	[tilespmem:s9+$0x1D0] =	vst v16;
	v16 =	vmul.f32 v26, v13  }
0xd5: {  	[tilespmem:s9+$0x90] =	vst v33;
	v28 =	vunpack.i.u.bf16.f32 v28;
	v31 =	vld [tilespmem:s17+$0x10];
	v13 =	vmul.f32 v27, v15;
	v15 =	vmul.f32 v25, v15  }
0xd6: {  	[tilespmem:s9+$0xFFFFFE00] =	vst v19;
	v25 =	vunpack.i.u.bf16.f32 v30;
	v27 =	vunpack.i.l.bf16.f32 v30;
	v30 =	vld [tilespmem:s17+$0x50];
	v32 =	vmul.f32 v57, v7  }
0xd7: {  	[tilespmem:s9+$0xFFFFFE10] =	vst v24;
	v56 =	vunpack.i.u.bf16.f32 v23;
	v24 =	vmul.f32 v28, v7;
	v26 =	vld [tilespmem:s17+$0xF0];
	v27 =	vmul.f32 v27, v8  }
0xd8: {  	v25 =	vmul.f32 v25, v8;
	v19 =	vmul.f32 v20, v18;
	[tilespmem:s9+$0xFFFFFEA0] =	vst v22;
	v22 =	vunpack.i.l.bf16.f32 v23  }
0xd9: {  	[tilespmem:s9+$0xFFFFFEB0] =	vst v29;
	v20 =	vmul.f32 v35, v18;
	v61 =	vunpack.i.l.bf16.f32 v59;
	v22 =	vmul.f32 v22, v14  }
0xda: {  	v29 =	vld [tilespmem:s17+$0xFFFFFF10];
	[tilespmem:s9+$0xFFFFFFA0] =	vst v32;
	v14 =	vmul.f32 v56, v14;
	v28 =	vunpack.i.u.bf16.f32 v31;
	v31 =	vunpack.i.l.bf16.f32 v31  }
0xdb: {  	[tilespmem:s9+$0xFFFFFF20] =	vst v27;
	v32 =	vmul.f32 v61, v4;
	v27 =	vunpack.i.u.bf16.f32 v30;
	v31 =	vmul.f32 v31, v5  }
0xdc: {  	[tilespmem:s9+$0xFFFFFFB0] =	vst v24;
	v60 =	vld [tilespmem:s17+$0xFFFFFF60];
	v18 =	vunpack.i.u.bf16.f32 v26;
	v23 =	vmul.f32 v28, v5;
	v28 =	vunpack.i.l.bf16.f32 v30  }
0xdd: {  	[tilespmem:s9+$0xFFFFFF30] =	vst v25;
	v30 =	vld [tilespmem:s3+$0xFFFFFF30];
	v27 =	vmul.f32 v27, v6;
	v24 =	vunpack.i.l.bf16.f32 v26;
	v18 =	vmul.f32 v18, v21  }
0xde: {  	v25 =	vunpack.i.l.bf16.f32 v58;
	v26 =	vld [tilespmem:s17+$0xFFFFFFA0];
	v28 =	vmul.f32 v28, v6;
	v21 =	vmul.f32 v24, v21;
	[tilespmem:s9+$0x20] =	vst v31  }
0xdf: {  	v31 =	vunpack.i.u.bf16.f32 v29;
	v29 =	vunpack.i.l.bf16.f32 v29;
	[tilespmem:s9+$0x1F0] =	vst v18;
	v18 =	vmul.f32 v25, v17  }
0xe0: {  	v24 =	vld [tilespmem:s17+$0xFFFFFFE0];
	[tilespmem:s9+$0x30] =	vst v23;
	v25 =	vunpack.i.u.bf16.f32 v59;
	v17 =	vmul.f32 v34, v17;
	v62 =	vmul.f32 v29, v3  }
0xe1: {  	v31 =	vmul.f32 v31, v3;
	v63 =	vld [tilespmem:s17+$0x20];
	[tilespmem:s9+$0xA0] =	vst v28;
	v28 =	vunpack.i.u.bf16.f32 v60;
	v29 =	vunpack.i.l.bf16.f32 v60  }
0xe2: {  	[tilespmem:s9+$0xB0] =	vst v27;
	v25 =	vmul.f32 v25, v4;
	v28 =	vmul.f32 v28, v2;
	v23 =	vunpack.i.l.bf16.f32 v30  }
0xe3: {  	[tilespmem:s9+$0x120] =	vst v32;
	v36 =	vld [tilespmem:s17+$0x60];
	v27 =	vunpack.i.u.bf16.f32 v30;
	v30 =	vmul.f32 v29, v2;
	v29 =	vunpack.i.u.bf16.f32 v26  }
0xe4: {  	v26 =	vunpack.i.l.bf16.f32 v26;
	v23 =	vmul.f32 v23, v10;
	v10 =	vmul.f32 v27, v10;
	[tilespmem:s9+$0x130] =	vst v25  }
0xe5: {  	[tilespmem:s9+$0xFFFFFE20] =	vst v62;
	v37 =	vmul.f32 v26, v8;
	v29 =	vmul.f32 v29, v8;
	v25 =	vunpack.i.l.bf16.f32 v24;
	v33 =	vld [tilespmem:s17+$0xA0]  }
0xe6: {  	[tilespmem:s9+$0xFFFFFE30] =	vst v31;
	v24 =	vunpack.i.u.bf16.f32 v24;
	v32 =	vmul.f32 v25, v7;
	v25 =	vunpack.i.l.bf16.f32 v63  }
0xe7: {  	v27 =	vmul.f32 v24, v7;
	[tilespmem:s9+$0xFFFFFEC0] =	vst v30;
	v24 =	vunpack.i.u.bf16.f32 v63;
	v30 =	vmul.f32 v25, v5  }
0xe8: {  	s16 =	smul.u32 $0x6, s14;
	v26 =	vld [tilespmem:s17+$0xFFFFFF20];
	[tilespmem:s9+$0xFFFFFED0] =	vst v28;
	v24 =	vmul.f32 v24, v5;
	v28 =	vunpack.i.u.bf16.f32 v36;
	v31 =	vunpack.i.l.bf16.f32 v36  }
0xe9: {  	s5 =	simm.s32 $0x1A70;
	s18 =	simm.s32 $0x8;
	s3 =	simm.s32 $0x5970;
	[tilespmem:s9+$0xFFFFFF40] =	vst v37;
	v25 =	vld [tilespmem:s17+$0xFFFFFF70];
	v31 =	vmul.f32 v31, v6;
	v28 =	vmul.f32 v28, v6  }
.LBB2_6:
0xea: {  	s22 =	sadd.s32 s18, s13;
	[tilespmem:s9+$0xFFFFFF50] =	vst v29;
	v29 =	vunpack.i.u.bf16.f32 v33;
	v33 =	vunpack.i.l.bf16.f32 v33  }
0xeb: {  	s26 =	sadd.s32 $0x9, s22;
	s6 =	sadd.s32 $0xA, s22;
	s7 =	sadd.s32 $0xF, s22;
	v34 =	vld [tilespmem:s17+$0xFFFFFFB0];
	[tilespmem:s9+$0xFFFFFFC0] =	vst v32;
	v32 =	vmul.f32 v33, v4;
	v29 =	vmul.f32 v29, v4  }
0xec: {  	s8 =	sadd.s32 $0xD, s22;
	v33 =	vmov s26;
	v35 =	vmov s6;
	s6 =	sadd.s32 $0xB, s22;
	s26 =	sadd.s32 $0xC, s22;
	v36 =	vmov s7;
	[tilespmem:s9+$0xFFFFFFD0] =	vst v27  }
0xed: {  	s18 =	sadd.s32 $0x8, s18;
	s7 =	sadd.s32 $0x8, s22;
	v27 =	vmov s6;
	v37 =	vmov s26;
	s6 =	sadd.s32 $0xE, s22;
	v36 =	vshrl.u32 v36, $0x3;
	v38 =	vld [tilespmem:s17+$0xFFFFFFF0];
	[tilespmem:s9+$0x40] =	vst v30  }
0xee: {  	p1 =	slt.u32 s18, $0x48;
	v30 =	vmov s8;
	v39 =	vmov s6;
	v36 =	vshll.u32 v36, v1;
	[tilespmem:s9+$0x50] =	vst v24  }
0xef: {  	v24 =	vshrl.u32 v33, $0x3;
	v33 =	vshrl.u32 v35, $0x3;
	v35 =	vadd.s32 $0x7, v36;
	v36 =	vld [tilespmem:s17+$0x30];
	[tilespmem:s9+$0xC0] =	vst v31  }
0xf0: {  	v27 =	vshrl.u32 v27, $0x3;
	v31 =	vshrl.u32 v37, $0x3;
	v35 =	vbroadcast v35, $0x0;
	[tilespmem:s9+$0xD0] =	vst v28  }
0xf1: {  	v30 =	vshrl.u32 v30, $0x3;
	v37 =	vshrl.u32 v39, $0x3;
	v28 =	vmov s7;
	v39 =	vld [tilespmem:s17+$0x70];
	[tilespmem:s9+$0x140] =	vst v32  }
0xf2: {  	v24 =	vshll.u32 v24, v1;
	v27 =	vshll.u32 v27, v1;
	v32 =	vshll.u32 v33, v1;
	[tilespmem:s9+$0x150] =	vst v29  }
0xf3: {  	v30 =	vshll.u32 v30, v1;
	v29 =	vshll.u32 v31, v1;
	v31 =	vshll.u32 v37, v1;
	v33 =	vld [tilespmem:s17+$0xB0];
	[tilespmem:s15+$0xFFFFFEE0] =	vst v9  }
0xf4: {  	v24 =	vadd.s32 $0x1, v24;
	v9 =	vshrl.u32 v28, $0x3;
	v28 =	vadd.s32 $0x2, v32;
	s17 =	sadd.s32 $0x200, s17;
	[tilespmem:s15+$0xFFFFFEF0] =	vst v11  }
0xf5: {  	v11 =	vadd.s32 $0x3, v27;
	v27 =	vadd.s32 $0x4, v29;
	v29 =	vadd.s32 $0x5, v30;
	v30 =	vld [tilespmem:s17+$0xC0];
	[tilespmem:s15+$0xFFFFFF60] =	vst v12  }
0xf6: {  	v31 =	vadd.s32 $0x6, v31;
	v9 =	vshll.u32 v9, v1;
	v12 =	vbroadcast v24, $0x0;
	v24 =	vld.idx.msk [tilespmem:v35+s21+$0x0], $0xffff;
	[tilespmem:s15+$0xFFFFFF70] =	vst v16  }
0xf7: {  	v32 =	vunpack.i.u.bf16.f32 v26;
	v28 =	vbroadcast v28, $0x0;
	v11 =	vbroadcast v11, $0x0;
	v16 =	vld [tilespmem:s17+$0xFFFFFF00];
	[tilespmem:s15+$0xFFFFFFE0] =	vst v13  }
0xf8: {  	v26 =	vunpack.i.l.bf16.f32 v26;
	v27 =	vbroadcast v27, $0x0;
	v29 =	vbroadcast v29, $0x0;
	v13 =	vld [tilespmem:s17+$0xFFFFFF40];
	[tilespmem:s15+$0xFFFFFFF0] =	vst v15  }
0xf9: {  	v31 =	vbroadcast v31, $0x0;
	v9 =	vbroadcast v9, $0x0;
	v35 =	vunpack.i.u.bf16.f32 v25;
	v15 =	vld [tilespmem:s17+$0xFFFFFF80];
	[tilespmem:s15+$0x60] =	vst v19  }
0xfa: {  	v37 =	vunpack.i.l.bf16.f32 v25;
	v26 =	vmul.f32 v26, v3;
	v32 =	vmul.f32 v32, v3;
	v19 =	vld [tilespmem:s17+$0xFFFFFFC0];
	[tilespmem:s15+$0x70] =	vst v20  }
0xfb: {  	v40 =	vunpack.i.u.bf16.f32 v34;
	v34 =	vunpack.i.l.bf16.f32 v34;
	v25 =	vunpack.i.l.bf16.f32 v30;
	v20 =	vld [tilespmem:s17+$0x0];
	[tilespmem:s15+$0xE0] =	vst v22  }
0xfc: {  	v30 =	vunpack.i.u.bf16.f32 v30;
	v25 =	vmul.f32 v25, v24;
	v22 =	vunpack.i.u.bf16.f32 v16;
	v41 =	vld [tilespmem:s17+$0x40];
	[tilespmem:s9+$0xFFFFFE40] =	vst v26  }
0xfd: {  	v30 =	vmul.f32 v30, v24;
	v16 =	vunpack.i.l.bf16.f32 v16;
	s9 =	sadd.s32 $0x400, s9;
	v26 =	vunpack.i.u.bf16.f32 v13;
	v42 =	vld [tilespmem:s17+$0x80];
	[tilespmem:s3+$0xFFFFFE50] =	vst v32  }
0xfe: {  	v13 =	vunpack.i.l.bf16.f32 v13;
	v12 =	vld.idx.msk [tilespmem:v12+s21+$0x0], $0xffff;
	v32 =	vunpack.i.u.bf16.f32 v15;
	v15 =	vunpack.i.l.bf16.f32 v15;
	[tilespmem:s9+$0x180] =	vst v25  }
0xff: {  	v28 =	vld.idx.msk [tilespmem:v28+s21+$0x0], $0xffff;
	v43 =	vunpack.i.u.bf16.f32 v19;
	v19 =	vunpack.i.l.bf16.f32 v19;
	[tilespmem:s9+$0x190] =	vst v30;
	v30 =	vunpack.i.u.bf16.f32 v38  }
0x100: {  	v38 =	vunpack.i.l.bf16.f32 v38;
	v44 =	vunpack.i.u.bf16.f32 v20;
	v20 =	vunpack.i.l.bf16.f32 v20;
	v45 =	vld [tilespmem:s17+$0xD0];
	[tilespmem:s15+$0xF0] =	vst v14  }
0x101: {  	v46 =	vunpack.i.u.bf16.f32 v36;
	v14 =	vld.idx.msk [tilespmem:v11+s21+$0x0], $0xffff;
	v11 =	vunpack.i.u.bf16.f32 v41;
	v41 =	vunpack.i.l.bf16.f32 v41;
	[tilespmem:s15+$0x160] =	vst v18  }
0x102: {  	v36 =	vunpack.i.l.bf16.f32 v36;
	v18 =	vld.idx.msk [tilespmem:v27+s21+$0x0], $0xffff;
	v27 =	vunpack.i.u.bf16.f32 v42;
	v42 =	vunpack.i.l.bf16.f32 v42;
	[tilespmem:s15+$0x170] =	vst v17  }
0x103: {  	v47 =	vunpack.i.u.bf16.f32 v39;
	v39 =	vunpack.i.l.bf16.f32 v39;
	v17 =	vunpack.i.u.bf16.f32 v33;
	v29 =	vld.idx.msk [tilespmem:v29+s21+$0x0], $0xffff;
	[tilespmem:s3+$0x1E0] =	vst v21  }
0x104: {  	v13 =	vmul.f32 v13, v12;
	v21 =	vmul.f32 v26, v12;
	v26 =	vld.idx.msk [tilespmem:v31+s21+$0x0], $0xffff;
	v31 =	vunpack.i.l.bf16.f32 v33;
	[tilespmem:s15+$0xFFFFFE60] =	vst v23  }
0x105: {  	v15 =	vmul.f32 v15, v28;
	v23 =	vmul.f32 v32, v28;
	v25 =	vld.idx.msk [tilespmem:v9+s21+$0x0], $0xffff;
	v9 =	vunpack.i.l.bf16.f32 v45;
	[tilespmem:s15+$0xFFFFFE70] =	vst v10;
	s15 =	smov.u32 s3;
	s3 =	smov.u32 s9  }
0x106: {  	v10 =	vunpack.i.u.bf16.f32 v45;
	[tilespmem:s9+$0xFFFFFE80] =	vst v13;
	v13 =	vmul.f32 v9, v24;
	v32 =	vld [tilespmem:s5+$0xFFFFFF30];
	v9 =	vmul.f32 v37, v2;
	s5 =	smov.u32 s17  }
0x107: {  	v19 =	vmul.f32 v19, v14;
	v10 =	vmul.f32 v10, v24;
	[tilespmem:s9+$0xFFFFFE90] =	vst v21  }
0x108: {  	v33 =	vmul.f32 v43, v14;
	v20 =	vmul.f32 v20, v18;
	v21 =	vld [tilespmem:s17+$0xFFFFFF50];
	[tilespmem:s9+$0x1A0] =	vst v13  }
0x109: {  	v13 =	vmul.f32 v44, v18;
	v37 =	vmul.f32 v41, v29;
	[tilespmem:s9+$0x1B0] =	vst v10  }
0x10a: {  	v10 =	vmul.f32 v11, v29;
	v41 =	vmul.f32 v42, v26;
	[tilespmem:s9+$0xFFFFFF00] =	vst v15;
	v15 =	vld [tilespmem:s17+$0xE0]  }
0x10b: {  	v42 =	vmul.f32 v16, v25;
	[tilespmem:s9+$0xFFFFFF10] =	vst v23;
	v23 =	vmul.f32 v27, v26;
	v27 =	vunpack.i.u.bf16.f32 v32  }
0x10c: {  	v11 =	vmul.f32 v35, v2;
	v2 =	vmovc v12;
	v22 =	vmul.f32 v22, v25;
	v32 =	vunpack.i.l.bf16.f32 v32;
	v43 =	vld [tilespmem:s17+$0xFFFFFF90];
	[tilespmem:s9+$0xFFFFFF80] =	vst v19  }
0x10d: {  	v12 =	vmul.f32 v34, v8;
	v16 =	vunpack.i.u.bf16.f32 v21;
	v19 =	vunpack.i.l.bf16.f32 v21;
	[tilespmem:s9+$0xFFFFFF90] =	vst v33  }
0x10e: {  	v21 =	vmul.f32 v19, v2;
	v33 =	vmul.f32 v16, v2;
	v19 =	vld [tilespmem:s17+$0xFFFFFFD0];
	[tilespmem:s9+$0x0] =	vst v20  }
0x10f: {  	v16 =	vmul.f32 v40, v8;
	v8 =	vmovc v28;
	[tilespmem:s9+$0x10] =	vst v13;
	v20 =	vunpack.i.l.bf16.f32 v15;
	v13 =	vmul.f32 v38, v7  }
0x110: {  	v34 =	vunpack.i.u.bf16.f32 v15;
	v15 =	vmul.f32 v30, v7;
	v7 =	vmovc v14;
	v28 =	vld [tilespmem:s17+$0x10];
	[tilespmem:s9+$0x80] =	vst v37;
	v20 =	vmul.f32 v20, v24  }
0x111: {  	v14 =	vunpack.i.u.bf16.f32 v43;
	v30 =	vunpack.i.l.bf16.f32 v43;
	[tilespmem:s9+$0x90] =	vst v10;
	v10 =	vmul.f32 v34, v24  }
0x112: {  	v30 =	vmul.f32 v30, v8;
	v34 =	vmul.f32 v14, v8;
	v14 =	vld [tilespmem:s17+$0x50];
	[tilespmem:s9+$0x1C0] =	vst v20  }
0x113: {  	v20 =	vunpack.i.u.bf16.f32 v19;
	v35 =	vunpack.i.l.bf16.f32 v19;
	[tilespmem:s9+$0x1D0] =	vst v10;
	v19 =	vmul.f32 v36, v5  }
0x114: {  	v10 =	vmul.f32 v35, v7;
	v35 =	vmul.f32 v20, v7;
	[tilespmem:s9+$0x100] =	vst v41;
	v36 =	vld [tilespmem:s17+$0xF0]  }
0x115: {  	v20 =	vmul.f32 v46, v5;
	v5 =	vmovc v18;
	v37 =	vunpack.i.u.bf16.f32 v28;
	v28 =	vunpack.i.l.bf16.f32 v28;
	[tilespmem:s9+$0x110] =	vst v23  }
0x116: {  	[tilespmem:s9+$0xFFFFFE00] =	vst v42;
	v23 =	vmul.f32 v28, v5;
	v28 =	vmul.f32 v37, v5;
	v37 =	vld [tilespmem:s17+$0x90]  }
0x117: {  	[tilespmem:s9+$0xFFFFFE10] =	vst v22;
	v18 =	vunpack.i.u.bf16.f32 v14;
	v14 =	vunpack.i.l.bf16.f32 v14;
	v22 =	vmul.f32 v39, v6  }
0x118: {  	v38 =	vld [tilespmem:s17+$0xFFFFFF10];
	[tilespmem:s9+$0xFFFFFEA0] =	vst v21;
	v39 =	vmul.f32 v14, v29;
	v40 =	vmul.f32 v18, v29  }
0x119: {  	v14 =	vmul.f32 v47, v6;
	v6 =	vmovc v29;
	[tilespmem:s9+$0xFFFFFEB0] =	vst v33;
	v18 =	vunpack.i.u.bf16.f32 v36;
	v21 =	vunpack.i.l.bf16.f32 v36  }
0x11a: {  	v29 =	vld [tilespmem:s17+$0xFFFFFF60];
	[tilespmem:s9+$0xFFFFFF20] =	vst v30;
	v30 =	vmul.f32 v18, v24;
	v18 =	vmul.f32 v31, v4  }
0x11b: {  	v17 =	vmul.f32 v17, v4;
	v4 =	vmovc v26;
	[tilespmem:s9+$0xFFFFFF30] =	vst v34;
	v31 =	vunpack.i.u.bf16.f32 v37;
	v33 =	vunpack.i.l.bf16.f32 v37  }
0x11c: {  	v26 =	vld [tilespmem:s17+$0xFFFFFFA0];
	v33 =	vmul.f32 v33, v4;
	v31 =	vmul.f32 v31, v4;
	[tilespmem:s9+$0x1F0] =	vst v30  }
0x11d: {  	v21 =	vmul.f32 v21, v24;
	v30 =	vunpack.i.u.bf16.f32 v38;
	v34 =	vunpack.i.l.bf16.f32 v38;
	[tilespmem:s9+$0xFFFFFFA0] =	vst v10  }
0x11e: {  	v24 =	vmul.f32 v34, v25;
	v30 =	vmul.f32 v30, v25;
	[tilespmem:s9+$0xFFFFFFB0] =	vst v35  }
0x11f: {  	v10 =	vunpack.i.u.bf16.f32 v29;
	v29 =	vunpack.i.l.bf16.f32 v29;
	v34 =	vld [tilespmem:s17+$0xFFFFFFE0];
	[tilespmem:s9+$0x20] =	vst v23;
	v23 =	vmul.f32 v32, v3  }
0x120: {  	v35 =	vmul.f32 v29, v2;
	v36 =	vmul.f32 v10, v2;
	[tilespmem:s9+$0x30] =	vst v28  }
0x121: {  	v10 =	vmul.f32 v27, v3;
	v3 =	vmovc v25;
	v28 =	vunpack.i.u.bf16.f32 v26;
	v26 =	vunpack.i.l.bf16.f32 v26;
	v37 =	vld [tilespmem:s17+$0x20];
	[tilespmem:s9+$0xA0] =	vst v39  }
0x122: {  	v38 =	vmul.f32 v26, v8;
	v29 =	vmul.f32 v28, v8;
	[tilespmem:s9+$0xB0] =	vst v40  }
0x123: {  	v25 =	vld [tilespmem:s17+$0x60];
	[tilespmem:s9+$0x120] =	vst v33  }
0x124: {  	v26 =	vunpack.i.u.bf16.f32 v34;
	v27 =	vunpack.i.l.bf16.f32 v34;
	[tilespmem:s9+$0x130] =	vst v31  }
.Ltmp5:
0x125: {  	[tilespmem:s9+$0xFFFFFE20] =	vst v24;
	v32 =	vmul.f32 v27, v7;
	v27 =	vmul.f32 v26, v7;
	v33 =	vld [tilespmem:s17+$0xA0];
	(pc) =	sbr.rel @p1 .LBB2_6-.Ltmp5, $4  }
0x126: {  	[tilespmem:s9+$0xFFFFFE30] =	vst v30;
	v24 =	vunpack.i.u.bf16.f32 v37;
	v28 =	vunpack.i.l.bf16.f32 v37  }
0x127: {  	v26 =	vld [tilespmem:s17+$0xFFFFFF20];
	[tilespmem:s9+$0xFFFFFEC0] =	vst v35;
	v30 =	vmul.f32 v28, v5;
	v24 =	vmul.f32 v24, v5  }
0x128: {  	[tilespmem:s9+$0xFFFFFED0] =	vst v36;
	v28 =	vunpack.i.u.bf16.f32 v25;
	v31 =	vunpack.i.l.bf16.f32 v25  }
0x129: {  	v25 =	vld [tilespmem:s17+$0xFFFFFF70];
	[tilespmem:s9+$0xFFFFFF40] =	vst v38;
	v31 =	vmul.f32 v31, v6;
	v28 =	vmul.f32 v28, v6  }
0x12a: {  	[tilespmem:s9+$0xFFFFFF50] =	vst v29  }
0x12b: {  	[tilespmem:s9+$0xFFFFFFC0] =	vst v32  }
0x12c: {  	[tilespmem:s9+$0xFFFFFFD0] =	vst v27  }
0x12d: {  	[tilespmem:s9+$0x40] =	vst v30  }
0x12e: {  	[tilespmem:s9+$0x50] =	vst v24  }
0x12f: {  	[tilespmem:s15+$0xFFFFFEE0] =	vst v9  }
0x130: {  	[tilespmem:s15+$0xFFFFFEF0] =	vst v11  }
0x131: {  	[tilespmem:s15+$0xFFFFFF60] =	vst v12  }
0x132: {  	[tilespmem:s15+$0xFFFFFF70] =	vst v16  }
0x133: {  	[tilespmem:s15+$0xFFFFFFE0] =	vst v13  }
0x134: {  	[tilespmem:s15+$0xFFFFFFF0] =	vst v15  }
0x135: {  	[tilespmem:s15+$0x60] =	vst v19  }
0x136: {  	[tilespmem:s15+$0x70] =	vst v20  }
0x137: {  	[tilespmem:s15+$0xE0] =	vst v22  }
0x138: {  	[tilespmem:s15+$0xF0] =	vst v14  }
0x139: {  	[tilespmem:s15+$0x160] =	vst v18  }
0x13a: {  	[tilespmem:s15+$0x170] =	vst v17  }
0x13b: {  	[tilespmem:s3+$0x1E0] =	vst v21  }
0x13c: {  	[tilespmem:s15+$0xFFFFFE60] =	vst v23  }
0x13d: {  	v34 =	vunpack.i.l.bf16.f32 v33;
	[tilespmem:s15+$0xFFFFFE70] =	vst v10  }
0x13e: {  	v35 =	vunpack.i.u.bf16.f32 v33;
	v27 =	vmul.f32 v34, v4;
	[tilespmem:s9+$0xC0] =	vst v31;
	v38 =	vld [tilespmem:s17+$0xFFFFFFB0]  }
0x13f: {  	v24 =	vmul.f32 v35, v4;
	[tilespmem:s9+$0xD0] =	vst v28;
	v36 =	vunpack.i.l.bf16.f32 v26  }
0x140: {  	v39 =	vld [tilespmem:s17+$0xFFFFFFF0];
	v37 =	vunpack.i.u.bf16.f32 v26;
	[tilespmem:s9+$0x140] =	vst v27;
	v9 =	vmul.f32 v36, v3  }
0x141: {  	[tilespmem:s9+$0x150] =	vst v24;
	v11 =	vmul.f32 v37, v3;
	v40 =	vunpack.i.l.bf16.f32 v25  }
0x142: {  	v41 =	vld [tilespmem:s17+$0x30];
	v42 =	vunpack.i.u.bf16.f32 v25;
	[tilespmem:s9+$0xFFFFFE40] =	vst v9;
	v12 =	vmul.f32 v40, v2  }
0x143: {  	v2 =	vmul.f32 v42, v2;
	[tilespmem:s3+$0xFFFFFE50] =	vst v11;
	v43 =	vunpack.i.l.bf16.f32 v38  }
0x144: {  	v44 =	vld [tilespmem:s17+$0x70];
	v9 =	vunpack.i.u.bf16.f32 v38;
	v45 =	vmul.f32 v43, v8;
	[tilespmem:s3+$0xFFFFFEE0] =	vst v12  }
0x145: {  	v46 =	vunpack.i.l.bf16.f32 v39;
	v47 =	vmul.f32 v9, v8;
	[tilespmem:s3+$0xFFFFFEF0] =	vst v2  }
0x146: {  	v48 =	vunpack.i.u.bf16.f32 v39;
	v2 =	vld [tilespmem:s17+$0xB0];
	v49 =	vmul.f32 v46, v7;
	[tilespmem:s3+$0xFFFFFF60] =	vst v45  }
0x147: {  	v50 =	vunpack.i.l.bf16.f32 v41;
	v51 =	vmul.f32 v48, v7;
	[tilespmem:s3+$0xFFFFFF70] =	vst v47  }
0x148: {  	v52 =	vunpack.i.u.bf16.f32 v41;
	v53 =	vld [tilespmem:s5+$0xFFFFFF30];
	v12 =	vmul.f32 v50, v5;
	[tilespmem:s3+$0xFFFFFFE0] =	vst v49  }
0x149: {  	v54 =	vunpack.i.l.bf16.f32 v44;
	v55 =	vmul.f32 v52, v5;
	[tilespmem:s3+$0xFFFFFFF0] =	vst v51  }
0x14a: {  	v56 =	vunpack.i.u.bf16.f32 v44;
	v57 =	vmul.f32 v54, v6;
	[tilespmem:s3+$0x60] =	vst v12  }
0x14b: {  	v59 =	vmul.f32 v56, v6;
	[tilespmem:s3+$0x70] =	vst v55;
	v58 =	vunpack.i.l.bf16.f32 v2  }
0x14c: {  	[tilespmem:s3+$0xE0] =	vst v57;
	v2 =	vunpack.i.u.bf16.f32 v2;
	v60 =	vmul.f32 v58, v4  }
0x14d: {  	s25 =	smul.u32 $0x780, s14;
	p1 =	seq.s32 s14, $0x4;
	[tilespmem:s3+$0xF0] =	vst v59;
	v61 =	vunpack.i.l.bf16.f32 v53;
	v2 =	vmul.f32 v2, v4  }
.Ltmp6:
0x14e: {  	v62 =	vunpack.i.u.bf16.f32 v53;
	v63 =	vmul.f32 v61, v3;
	[tilespmem:s3+$0x160] =	vst v60;
	(pc) =	sbr.rel @p1 .LBB2_21-.Ltmp6, $4  }
0x14f: {  	v3 =	vmul.f32 v62, v3;
	[tilespmem:s3+$0x170] =	vst v2  }
0x150: {  	s15 =	sshra.s32 s25, $0x2;
	[tilespmem:s3+$0xFFFFFE60] =	vst v63  }
0x151: {  	s26 =	sadd.s32 $0x7D0, s15;
	[tilespmem:s3+$0xFFFFFE70] =	vst v3  }
0x152: {  	[spmem:s4] =	stream.indirect.scatter.add.f32 [tilespmem:s19], [sflag:$0x4], $0x80, s26, s23, $0xb8;
	[tilespmem:$0x1E370] =	vst v63  }
0x153: {  	s17 =	sor.u32 $0x1, s16  }
0x154: {  	p1 =	sgt.u32 s17, $0x18  }
.Ltmp7:
0x155: {  	_ = 	snop;
	(pc) =	sbr.rel @p1 .LBB2_12-.Ltmp7, $3  }
0x156: {  	_ =	sdelay $0x1  }
0x157: {  	s3 =	sadd.s32 $0xF0, s15  }
0x158: {  	[tilespmem:s24], [sflag:$0x1] =	stream.indirect.gather [hbm4b:s1+s23], $0x40, s3, s23, $0xb8;
	[tilespmem:$0x1E370] =	vst v63  }
0x159: {  	s5 =	sadd.s32 $0xFFFFFFF8, s13  }
0x15a: {  	s3 =	sadd.s32 $0x5F, s5  }
0x15b: {  	v2 =	vmov s3  }
0x15c: {  	v2 =	vshrl.u32 v2, $0x3  }
0x15d: {  	v2 =	vshll.u32 v2, v1  }
0x15e: {  	_ =	swait.ge [sflag:s0], $0x1400;
	v2 =	vadd.s32 $0x7, v2  }
0x15f: {  	[sflag:s0] =	ssyncset.done $0x0;
	v2 =	vbroadcast v2, $0x0  }
0x160: {  	[sflag:s0] =	ssyncadd.s32 $0xFFFFEC00;
	s3 =	simm.s32 @!p0 $0x5  }
0x161: {  	_ =	swait.ge @!p0 [sflag:s3], $0x2800  }
0x162: {  	s6 =	sadd.s32 $0x59, s5;
	[sflag:s3] =	ssyncset.done @!p0 $0x0  }
0x163: {  	v3 =	vmov s6;
	[sflag:s3] =	ssyncadd.s32 @!p0 $0xFFFFD800;
	s3 =	simm.s32 $0x2D60  }
0x164: {  	v3 =	vshrl.u32 v3, $0x3;
	v4 =	vld [tilespmem:s3+$0xFFFFFFD0]  }
0x165: {  	v3 =	vshll.u32 v3, v1;
	v2 =	vld.idx.msk [tilespmem:v2+s21+$0x0], $0xffff  }
0x166: {  	s22 =	sadd.s32 $0x5A, s5;
	v3 =	vadd.s32 $0x1, v3  }
0x167: {  	s25 =	sadd.s32 $0x5B, s5;
	s7 =	sadd.s32 $0x5C, s5;
	v5 =	vmov s22;
	v3 =	vbroadcast v3, $0x0  }
0x168: {  	v6 =	vmov s25;
	v7 =	vmov s7;
	v5 =	vshrl.u32 v5, $0x3  }
0x169: {  	v6 =	vshrl.u32 v6, $0x3;
	v5 =	vshll.u32 v5, v1;
	v8 =	vunpack.i.l.bf16.f32 v4  }
0x16a: {  	v5 =	vadd.s32 $0x2, v5;
	v4 =	vunpack.i.u.bf16.f32 v4;
	v8 =	vmul.f32 v8, v2  }
0x16b: {  	s18 =	simm.s32 $0x7F60;
	v6 =	vshll.u32 v6, v1;
	v5 =	vbroadcast v5, $0x0;
	v4 =	vmul.f32 v4, v2  }
0x16c: {  	s26 =	sadd.s32 $0x5D, s5;
	v7 =	vshrl.u32 v7, $0x3;
	v6 =	vadd.s32 $0x3, v6;
	v9 =	vld [tilespmem:s3+$0xFFFFFE50];
	[tilespmem:s18+$0xFFFFFF90] =	vst v8  }
0x16d: {  	v7 =	vshll.u32 v7, v1;
	v6 =	vbroadcast v6, $0x0;
	v11 =	vld.idx.msk [tilespmem:v3+s21+$0x0], $0xffff;
	v8 =	vmov s26;
	[tilespmem:s18+$0xFFFFFFA0] =	vst v4  }
0x16e: {  	v4 =	vadd.s32 $0x4, v7;
	v3 =	vshrl.u32 v8, $0x3;
	v7 =	vld [tilespmem:s3+$0xFFFFFFE0]  }
0x16f: {  	s7 =	sadd.s32 $0x58, s5;
	s5 =	sadd.s32 $0x5E, s5;
	v4 =	vbroadcast v4, $0x0;
	v3 =	vshll.u32 v3, v1  }
0x170: {  	v10 =	vmov s7;
	v12 =	vld [tilespmem:s3+$0xFFFFFE90];
	v8 =	vmov s5;
	v3 =	vadd.s32 $0x5, v3  }
0x171: {  	v14 =	vunpack.i.l.bf16.f32 v9;
	v13 =	vld.idx.msk [tilespmem:v5+s21+$0x0], $0xffff;
	v8 =	vshrl.u32 v8, $0x3;
	v3 =	vbroadcast v3, $0x0  }
0x172: {  	v9 =	vunpack.i.u.bf16.f32 v9;
	v14 =	vmul.f32 v14, v11;
	v5 =	vshll.u32 v8, v1;
	v8 =	vld [tilespmem:s3+$0xFFFFFED0]  }
0x173: {  	v10 =	vshrl.u32 v10, $0x3;
	v15 =	vld.idx.msk [tilespmem:v6+s21+$0x0], $0xffff;
	v6 =	vmul.f32 v9, v11;
	v9 =	vunpack.i.l.bf16.f32 v7  }
0x174: {  	v16 =	vld [tilespmem:s3+$0xFFFFFF10];
	[tilespmem:s18+$0xFFFFFC90] =	vst v14;
	v5 =	vadd.s32 $0x6, v5;
	v7 =	vunpack.i.u.bf16.f32 v7;
	v9 =	vmul.f32 v9, v2  }
0x175: {  	v14 =	vunpack.i.l.bf16.f32 v12;
	[tilespmem:s18+$0xFFFFFCA0] =	vst v6;
	v5 =	vbroadcast v5, $0x0;
	v18 =	vld.idx.msk [tilespmem:v4+s21+$0x0], $0xffff;
	v4 =	vmul.f32 v7, v2  }
0x176: {  	v6 =	vshll.u32 v10, v1;
	v10 =	vunpack.i.u.bf16.f32 v12;
	v12 =	vmul.f32 v14, v13;
	v7 =	vld [tilespmem:s3+$0xFFFFFF50];
	[tilespmem:s18+$0xFFFFFFB0] =	vst v9  }
0x177: {  	v6 =	vbroadcast v6, $0x0;
	v9 =	vunpack.i.l.bf16.f32 v8;
	[tilespmem:s18+$0xFFFFFFC0] =	vst v4;
	v14 =	vld.idx.msk [tilespmem:v3+s21+$0x0], $0xffff;
	v3 =	vmul.f32 v10, v13  }
0x178: {  	[tilespmem:s18+$0xFFFFFD10] =	vst v12;
	v4 =	vunpack.i.u.bf16.f32 v8;
	v8 =	vmul.f32 v9, v15;
	v9 =	vld [tilespmem:s3+$0xFFFFFFF0]  }
0x179: {  	v10 =	vunpack.i.l.bf16.f32 v16;
	v4 =	vmul.f32 v4, v15;
	[tilespmem:s18+$0xFFFFFD20] =	vst v3  }
0x17a: {  	v12 =	vunpack.i.u.bf16.f32 v16;
	v3 =	vld [tilespmem:s3+$0xFFFFFF90];
	v10 =	vmul.f32 v10, v18;
	[tilespmem:s18+$0xFFFFFD90] =	vst v8  }
0x17b: {  	v17 =	vld.idx.msk [tilespmem:v5+s21+$0x0], $0xffff;
	v8 =	vunpack.i.l.bf16.f32 v7;
	v5 =	vmul.f32 v12, v18;
	[tilespmem:s18+$0xFFFFFDA0] =	vst v4  }
0x17c: {  	v4 =	vld [tilespmem:s3+$0xFFFFFE10];
	v7 =	vunpack.i.u.bf16.f32 v7;
	[tilespmem:s18+$0xFFFFFE10] =	vst v10;
	v8 =	vmul.f32 v8, v14  }
0x17d: {  	v10 =	vld.idx.msk [tilespmem:v6+s21+$0x0], $0xffff;
	[tilespmem:s18+$0xFFFFFE20] =	vst v5;
	v6 =	vmul.f32 v7, v14;
	v5 =	vunpack.i.l.bf16.f32 v9  }
0x17e: {  	v7 =	vld [tilespmem:s3+$0xFFFFFE60];
	v5 =	vmul.f32 v5, v2;
	[tilespmem:s18+$0xFFFFFE90] =	vst v8;
	v8 =	vunpack.i.u.bf16.f32 v9  }
0x17f: {  	v9 =	vunpack.i.l.bf16.f32 v3;
	[tilespmem:s18+$0xFFFFFEA0] =	vst v6;
	v6 =	vmul.f32 v8, v2  }
0x180: {  	v3 =	vunpack.i.u.bf16.f32 v3;
	v8 =	vmul.f32 v9, v17;
	v9 =	vld [tilespmem:s3+$0xFFFFFEA0];
	[tilespmem:s18+$0xFFFFFFD0] =	vst v5  }
0x181: {  	v12 =	vld [tilespmem:s3+$0xFFFFFEE0];
	v5 =	vunpack.i.l.bf16.f32 v4;
	v3 =	vmul.f32 v3, v17;
	[tilespmem:s18+$0xFFFFFFE0] =	vst v6  }
0x182: {  	v4 =	vunpack.i.u.bf16.f32 v4;
	v5 =	vmul.f32 v5, v10;
	[tilespmem:s18+$0xFFFFFF10] =	vst v8  }
0x183: {  	v4 =	vmul.f32 v4, v10;
	v6 =	vld [tilespmem:s3+$0xFFFFFF20];
	v8 =	vunpack.i.l.bf16.f32 v7;
	[tilespmem:s18+$0xFFFFFF20] =	vst v3  }
0x184: {  	s5 =	sadd.s32 $0x0, s13;
	v3 =	vunpack.i.u.bf16.f32 v7;
	v7 =	vmul.f32 v8, v11;
	v8 =	vld [tilespmem:s3+$0xFFFFFF60];
	[tilespmem:s18+$0xFFFFFC10] =	vst v5  }
0x185: {  	s22 =	sadd.s32 $0x5B, s5;
	v3 =	vmul.f32 v3, v11;
	[tilespmem:s18+$0xFFFFFC20] =	vst v4;
	v19 =	vld [tilespmem:s3+$0xFFFFFFA0];
	v5 =	vunpack.i.u.bf16.f32 v9;
	v9 =	vunpack.i.l.bf16.f32 v9  }
0x186: {  	v25 =	vmov s22;
	v16 =	vld [tilespmem:s3+$0x0];
	[tilespmem:s18+$0xFFFFFCB0] =	vst v7;
	v7 =	vunpack.i.u.bf16.f32 v12;
	v4 =	vmul.f32 v9, v13  }
0x187: {  	[tilespmem:s18+$0xFFFFFCC0] =	vst v3;
	v5 =	vmul.f32 v5, v13;
	v9 =	vunpack.i.l.bf16.f32 v12;
	v3 =	vmul.f32 v7, v15  }
0x188: {  	s26 =	sadd.s32 $0x5E, s5;
	v20 =	vld [tilespmem:s3+$0xFFFFFE70];
	v9 =	vmul.f32 v9, v15;
	v12 =	vunpack.i.l.bf16.f32 v6;
	v6 =	vunpack.i.u.bf16.f32 v6;
	[tilespmem:s18+$0xFFFFFD30] =	vst v4  }
0x189: {  	v27 =	vmov s26;
	v7 =	vmul.f32 v12, v18;
	v4 =	vmul.f32 v6, v18;
	[tilespmem:s18+$0xFFFFFD40] =	vst v5  }
0x18a: {  	v12 =	vld [tilespmem:s3+$0xFFFFFE20];
	v6 =	vunpack.i.u.bf16.f32 v8;
	v8 =	vunpack.i.l.bf16.f32 v8;
	[tilespmem:s18+$0xFFFFFDC0] =	vst v3;
	v3 =	vunpack.i.u.bf16.f32 v19  }
0x18b: {  	v5 =	vmul.f32 v8, v14;
	v6 =	vmul.f32 v6, v14;
	[tilespmem:s18+$0xFFFFFDB0] =	vst v9;
	v8 =	vunpack.i.u.bf16.f32 v16  }
0x18c: {  	v9 =	vunpack.i.l.bf16.f32 v16;
	v16 =	vunpack.i.l.bf16.f32 v19;
	v21 =	vld [tilespmem:s3+$0xFFFFFEB0];
	v8 =	vmul.f32 v8, v2;
	[tilespmem:s18+$0xFFFFFE30] =	vst v7  }
0x18d: {  	v16 =	vmul.f32 v16, v17;
	v7 =	vmul.f32 v3, v17;
	[tilespmem:s18+$0xFFFFFE40] =	vst v4;
	v4 =	vunpack.i.l.bf16.f32 v20  }
0x18e: {  	s8 =	sadd.s32 $0x5F, s5;
	v22 =	vld [tilespmem:s3+$0xFFFFFEF0];
	v3 =	vmul.f32 v9, v2;
	v9 =	vunpack.i.u.bf16.f32 v20;
	[tilespmem:s18+$0xFFFFFEC0] =	vst v6;
	v4 =	vmul.f32 v4, v11  }
0x18f: {  	v6 =	vmul.f32 v9, v11;
	[tilespmem:s18+$0xFFFFFF40] =	vst v7;
	v7 =	vmov s8;
	s8 =	sadd.s32 $0x5C, s5;
	v19 =	vunpack.i.u.bf16.f32 v12  }
0x190: {  	[tilespmem:s18+$0xFFFFFEB0] =	vst v5;
	v12 =	vunpack.i.l.bf16.f32 v12;
	v7 =	vshrl.u32 v7, $0x3;
	v26 =	vmov s8  }
0x191: {  	s11 =	sadd.s32 $0x5A, s5;
	v20 =	vld [tilespmem:s3+$0xFFFFFF70];
	[tilespmem:s18+$0xFFFFFF30] =	vst v16;
	v2 =	vmul.f32 v12, v10;
	v5 =	vmul.f32 v19, v10;
	v9 =	vunpack.i.u.bf16.f32 v21  }
0x192: {  	v12 =	vld [tilespmem:s3+$0xFFFFFF30];
	v19 =	vunpack.i.l.bf16.f32 v21;
	v7 =	vshll.u32 v7, v1;
	[tilespmem:s18+$0xFFFFFCE0] =	vst v6;
	v6 =	vmov s11  }
0x193: {  	v16 =	vmul.f32 v19, v13;
	v19 =	vunpack.i.u.bf16.f32 v22;
	v21 =	vunpack.i.l.bf16.f32 v22;
	v22 =	vld [tilespmem:s3+$0xFFFFFFB0]  }
0x194: {  	v9 =	vmul.f32 v9, v13;
	v7 =	vadd.s32 $0x7, v7;
	v23 =	vmul.f32 v21, v15  }
0x195: {  	[tilespmem:s18+$0xFFFFFCD0] =	vst v4;
	v6 =	vshrl.u32 v6, $0x3;
	v19 =	vmul.f32 v19, v15;
	v7 =	vbroadcast v7, $0x0  }
0x196: {  	s25 =	sadd.s32 $0x5D, s5;
	v6 =	vshll.u32 v6, v1;
	v24 =	vunpack.i.l.bf16.f32 v20;
	v20 =	vunpack.i.u.bf16.f32 v20;
	[tilespmem:s18+$0xFFFFFD50] =	vst v16  }
0x197: {  	v16 =	vmov s25;
	[tilespmem:s18+$0xFFFFFD60] =	vst v9;
	v9 =	vshrl.u32 v25, $0x3;
	v21 =	vunpack.i.u.bf16.f32 v12  }
0x198: {  	s9 =	sadd.s32 $0x59, s5;
	[tilespmem:s18+$0xFFFFFC30] =	vst v2;
	v24 =	vmul.f32 v24, v14;
	v2 =	vmul.f32 v21, v18;
	v21 =	vunpack.i.l.bf16.f32 v22  }
0x199: {  	s5 =	sadd.s32 $0x58, s5;
	[tilespmem:s18+$0xFFFFFC40] =	vst v5;
	v5 =	vmul.f32 v20, v14;
	v29 =	vld [tilespmem:s3+$0xFFFFFEC0];
	v4 =	vmul.f32 v21, v17;
	v21 =	vmov s9;
	s9 =	simm.s32 $0x2F60  }
0x19a: {  	[tilespmem:s18+$0xFFFFFDD0] =	vst v23;
	v23 =	vshrl.u32 v26, $0x3;
	v26 =	vmov s5;
	v21 =	vshrl.u32 v21, $0x3;
	v28 =	vld [tilespmem:s9+$0xFFFFFFD0]  }
0x19b: {  	[tilespmem:s18+$0xFFFFFDE0] =	vst v19;
	v16 =	vshrl.u32 v16, $0x3;
	v12 =	vunpack.i.l.bf16.f32 v12;
	v25 =	vshll.u32 v21, v1;
	v21 =	vld.idx.msk [tilespmem:v7+s21+$0x0], $0xffff  }
0x19c: {  	[tilespmem:s18+$0x0] =	vst v8;
	v19 =	vshrl.u32 v27, $0x3;
	v27 =	vld [tilespmem:s3+$0xFFFFFF00];
	v12 =	vmul.f32 v12, v18;
	v25 =	vadd.s32 $0x1, v25  }
0x19d: {  	v8 =	vshll.u32 v9, v1;
	v20 =	vunpack.i.u.bf16.f32 v22;
	v22 =	vld [tilespmem:s3+$0xFFFFFE30];
	[tilespmem:s18+$0xFFFFFED0] =	vst v24;
	v25 =	vbroadcast v25, $0x0  }
0x19e: {  	v9 =	vshll.u32 v23, v1;
	[tilespmem:s18+$0xFFFFFE50] =	vst v12;
	v12 =	vshll.u32 v16, v1;
	v16 =	vshll.u32 v19, v1;
	v19 =	vld [tilespmem:s9+$0xFFFFFE10]  }
0x19f: {  	v24 =	vshrl.u32 v26, $0x3;
	[tilespmem:s18+$0xFFFFFE60] =	vst v2;
	v2 =	vadd.s32 $0x2, v6;
	v6 =	vld [tilespmem:s9+$0xFFFFFE50];
	v23 =	vunpack.i.l.bf16.f32 v28  }
0x1a0: {  	v30 =	vld [tilespmem:s9+$0xFFFFFE90];
	v26 =	vbroadcast v2, $0x0;
	v28 =	vunpack.i.u.bf16.f32 v28;
	v23 =	vmul.f32 v23, v21  }
0x1a1: {  	s5 =	simm.s32 $0x8360;
	[tilespmem:s18+$0xFFFFFEE0] =	vst v5;
	v7 =	vld [tilespmem:s3+$0xFFFFFE80];
	v2 =	vadd.s32 $0x3, v8;
	v8 =	vadd.s32 $0x4, v9;
	v28 =	vmul.f32 v28, v21  }
0x1a2: {  	v20 =	vmul.f32 v20, v17;
	v9 =	vadd.s32 $0x5, v12;
	v12 =	vld [tilespmem:s9+$0xFFFFFED0];
	v5 =	vbroadcast v8, $0x0;
	[tilespmem:s5+$0xFFFFFF90] =	vst v23  }
0x1a3: {  	v8 =	vunpack.i.l.bf16.f32 v22;
	v23 =	vshll.u32 v24, v1;
	v24 =	vbroadcast v2, $0x0;
	[tilespmem:s5+$0xFFFFFFA0] =	vst v28;
	v2 =	vld.idx.msk [tilespmem:v25+s21+$0x0], $0xffff  }
0x1a4: {  	v16 =	vadd.s32 $0x6, v16;
	[tilespmem:s18+$0xFFFFFF50] =	vst v4;
	v8 =	vmul.f32 v8, v10;
	v25 =	vld [tilespmem:s9+$0xFFFFFFE0]  }
0x1a5: {  	[tilespmem:s18+$0xFFFFFF60] =	vst v20;
	v20 =	vld [tilespmem:s9+$0xFFFFFF50];
	v9 =	vbroadcast v9, $0x0;
	v4 =	vunpack.i.u.bf16.f32 v22;
	v22 =	vbroadcast v23, $0x0  }
0x1a6: {  	v16 =	vbroadcast v16, $0x0;
	v4 =	vmul.f32 v4, v10;
	[tilespmem:s18+$0xFFFFFC50] =	vst v8;
	v8 =	vld.idx.msk [tilespmem:v26+s21+$0x0], $0xffff  }
0x1a7: {  	v32 =	vld [tilespmem:s9+$0xFFFFFF90];
	v31 =	vunpack.i.l.bf16.f32 v7;
	v28 =	vunpack.i.u.bf16.f32 v7;
	v7 =	vunpack.i.l.bf16.f32 v6  }
0x1a8: {  	v33 =	vunpack.i.l.bf16.f32 v30;
	[tilespmem:s18+$0xFFFFFC60] =	vst v4;
	v6 =	vunpack.i.u.bf16.f32 v6;
	v23 =	vld [tilespmem:s9+$0xFFFFFF10];
	v4 =	vmul.f32 v7, v2  }
0x1a9: {  	[tilespmem:s18+$0xFFFFFFF0] =	vst v3;
	v30 =	vunpack.i.u.bf16.f32 v30;
	v7 =	vld.idx.msk [tilespmem:v24+s21+$0x0], $0xffff;
	v3 =	vmul.f32 v6, v2;
	v6 =	vunpack.i.l.bf16.f32 v25  }
0x1aa: {  	v34 =	vunpack.i.u.bf16.f32 v12;
	v5 =	vld.idx.msk [tilespmem:v5+s21+$0x0], $0xffff;
	[tilespmem:s5+$0xFFFFFC90] =	vst v4;
	v4 =	vunpack.i.u.bf16.f32 v25;
	v25 =	vmul.f32 v6, v21  }
0x1ab: {  	v12 =	vunpack.i.l.bf16.f32 v12;
	v52 =	vunpack.i.u.bf16.f32 v20;
	[tilespmem:s5+$0xFFFFFCA0] =	vst v3;
	v3 =	vld.idx.msk [tilespmem:v22+s21+$0x0], $0xffff;
	v22 =	vmul.f32 v30, v8  }
0x1ac: {  	v20 =	vunpack.i.l.bf16.f32 v20;
	v26 =	vunpack.i.u.bf16.f32 v29;
	v6 =	vld.idx.msk [tilespmem:v9+s21+$0x0], $0xffff;
	v9 =	vmul.f32 v4, v21;
	[tilespmem:s5+$0xFFFFFFB0] =	vst v25  }
0x1ad: {  	v29 =	vunpack.i.l.bf16.f32 v29;
	v24 =	vunpack.i.u.bf16.f32 v19;
	v4 =	vld.idx.msk [tilespmem:v16+s21+$0x0], $0xffff;
	v16 =	vmul.f32 v33, v8;
	[tilespmem:s5+$0xFFFFFD20] =	vst v22  }
0x1ae: {  	v57 =	vld [tilespmem:s3+$0xFFFFFFC0];
	v30 =	vunpack.i.u.bf16.f32 v23;
	v23 =	vunpack.i.l.bf16.f32 v23;
	[tilespmem:s5+$0xFFFFFFC0] =	vst v9;
	v12 =	vmul.f32 v12, v7  }
0x1af: {  	v19 =	vunpack.i.l.bf16.f32 v19;
	v23 =	vmul.f32 v23, v5;
	[tilespmem:s5+$0xFFFFFD10] =	vst v16;
	v34 =	vmul.f32 v34, v7;
	v16 =	vld [tilespmem:s9+$0xFFFFFFF0]  }
0x1b0: {  	v30 =	vmul.f32 v30, v5;
	v25 =	vunpack.i.u.bf16.f32 v27;
	v22 =	vld [tilespmem:s3+$0xFFFFFF40];
	v9 =	vmul.f32 v31, v11;
	[tilespmem:s5+$0xFFFFFD90] =	vst v12  }
0x1b1: {  	v27 =	vunpack.i.l.bf16.f32 v27;
	v31 =	vld [tilespmem:s9+$0xFFFFFE60];
	v11 =	vmul.f32 v28, v11;
	v20 =	vmul.f32 v20, v6;
	[tilespmem:s5+$0xFFFFFDA0] =	vst v34  }
0x1b2: {  	[tilespmem:s5+$0xFFFFFE10] =	vst v23;
	v12 =	vunpack.i.l.bf16.f32 v32;
	v33 =	vmul.f32 v52, v6;
	v19 =	vmul.f32 v19, v3;
	v28 =	vld [tilespmem:s9+$0xFFFFFEE0]  }
0x1b3: {  	[tilespmem:s5+$0xFFFFFE20] =	vst v30;
	v32 =	vunpack.i.u.bf16.f32 v32;
	v24 =	vmul.f32 v24, v3;
	v53 =	vmul.f32 v12, v4  }
0x1b4: {  	v34 =	vunpack.i.u.bf16.f32 v57;
	v32 =	vmul.f32 v32, v4;
	[tilespmem:s5+$0xFFFFFE90] =	vst v20;
	v12 =	vunpack.i.l.bf16.f32 v16  }
0x1b5: {  	v30 =	vld [tilespmem:s9+$0xFFFFFEA0];
	v35 =	vunpack.i.u.bf16.f32 v22;
	[tilespmem:s5+$0xFFFFFF10] =	vst v53;
	v16 =	vunpack.i.u.bf16.f32 v16;
	v20 =	vmul.f32 v12, v21  }
0x1b6: {  	v23 =	vld [tilespmem:s3+$0xFFFFFF80];
	v54 =	vunpack.i.u.bf16.f32 v31;
	v31 =	vunpack.i.l.bf16.f32 v31;
	[tilespmem:s5+$0xFFFFFF20] =	vst v32;
	v16 =	vmul.f32 v16, v21  }
0x1b7: {  	v12 =	vmul.f32 v29, v13;
	v29 =	vmul.f32 v54, v2;
	v56 =	vunpack.i.l.bf16.f32 v28;
	[tilespmem:s5+$0xFFFFFFD0] =	vst v20  }
0x1b8: {  	v58 =	vld [tilespmem:s9+$0xFFFFFFA0];
	v20 =	vunpack.i.l.bf16.f32 v22;
	v22 =	vmul.f32 v31, v2;
	[tilespmem:s5+$0xFFFFFFE0] =	vst v16;
	v16 =	vmul.f32 v26, v13  }
0x1b9: {  	[tilespmem:s5+$0xFFFFFEA0] =	vst v33;
	v28 =	vunpack.i.u.bf16.f32 v28;
	v31 =	vld [tilespmem:s9+$0xFFFFFF20];
	v13 =	vmul.f32 v27, v15;
	v15 =	vmul.f32 v25, v15  }
0x1ba: {  	[tilespmem:s5+$0xFFFFFC10] =	vst v19;
	v25 =	vunpack.i.u.bf16.f32 v30;
	v27 =	vunpack.i.l.bf16.f32 v30;
	v30 =	vld [tilespmem:s9+$0xFFFFFF60];
	v32 =	vmul.f32 v56, v7  }
0x1bb: {  	[tilespmem:s5+$0xFFFFFC20] =	vst v24;
	v55 =	vunpack.i.u.bf16.f32 v23;
	v24 =	vmul.f32 v28, v7;
	v26 =	vld [tilespmem:s9+$0x0];
	v27 =	vmul.f32 v27, v8  }
0x1bc: {  	v25 =	vmul.f32 v25, v8;
	v19 =	vmul.f32 v20, v18;
	[tilespmem:s5+$0xFFFFFCB0] =	vst v22;
	v22 =	vunpack.i.l.bf16.f32 v23  }
0x1bd: {  	[tilespmem:s5+$0xFFFFFCC0] =	vst v29;
	v20 =	vmul.f32 v35, v18;
	v60 =	vunpack.i.l.bf16.f32 v58;
	v22 =	vmul.f32 v22, v14  }
0x1be: {  	v29 =	vld [tilespmem:s9+$0xFFFFFE20];
	[tilespmem:s5+$0xFFFFFDB0] =	vst v32;
	v14 =	vmul.f32 v55, v14;
	v28 =	vunpack.i.u.bf16.f32 v31;
	v31 =	vunpack.i.l.bf16.f32 v31  }
0x1bf: {  	[tilespmem:s5+$0xFFFFFD30] =	vst v27;
	v32 =	vmul.f32 v60, v4;
	v27 =	vunpack.i.u.bf16.f32 v30;
	v31 =	vmul.f32 v31, v5  }
0x1c0: {  	[tilespmem:s5+$0xFFFFFDC0] =	vst v24;
	v59 =	vld [tilespmem:s9+$0xFFFFFE70];
	v18 =	vunpack.i.u.bf16.f32 v26;
	v23 =	vmul.f32 v28, v5;
	v28 =	vunpack.i.l.bf16.f32 v30  }
0x1c1: {  	[tilespmem:s5+$0xFFFFFD40] =	vst v25;
	v30 =	vld [tilespmem:s3+$0xFFFFFE40];
	v27 =	vmul.f32 v27, v6;
	v24 =	vunpack.i.l.bf16.f32 v26;
	v18 =	vmul.f32 v18, v21  }
0x1c2: {  	v25 =	vunpack.i.l.bf16.f32 v57;
	v26 =	vld [tilespmem:s9+$0xFFFFFEB0];
	v28 =	vmul.f32 v28, v6;
	v21 =	vmul.f32 v24, v21;
	[tilespmem:s5+$0xFFFFFE30] =	vst v31  }
0x1c3: {  	v31 =	vunpack.i.u.bf16.f32 v29;
	v29 =	vunpack.i.l.bf16.f32 v29;
	[tilespmem:s5+$0x0] =	vst v18;
	v18 =	vmul.f32 v25, v17  }
0x1c4: {  	v24 =	vld [tilespmem:s9+$0xFFFFFEF0];
	[tilespmem:s5+$0xFFFFFE40] =	vst v23;
	v25 =	vunpack.i.u.bf16.f32 v58;
	v17 =	vmul.f32 v34, v17;
	v61 =	vmul.f32 v29, v3  }
0x1c5: {  	v31 =	vmul.f32 v31, v3;
	v62 =	vld [tilespmem:s9+$0xFFFFFF30];
	[tilespmem:s5+$0xFFFFFEB0] =	vst v28;
	v28 =	vunpack.i.u.bf16.f32 v59;
	v29 =	vunpack.i.l.bf16.f32 v59  }
0x1c6: {  	[tilespmem:s5+$0xFFFFFEC0] =	vst v27;
	v25 =	vmul.f32 v25, v4;
	v36 =	vmul.f32 v28, v2;
	v23 =	vunpack.i.l.bf16.f32 v30  }
0x1c7: {  	[tilespmem:s5+$0xFFFFFF30] =	vst v32;
	v37 =	vld [tilespmem:s9+$0xFFFFFF70];
	v27 =	vunpack.i.u.bf16.f32 v30;
	v30 =	vmul.f32 v29, v2;
	v28 =	vunpack.i.u.bf16.f32 v26  }
0x1c8: {  	v26 =	vunpack.i.l.bf16.f32 v26;
	v23 =	vmul.f32 v23, v10;
	v10 =	vmul.f32 v27, v10;
	[tilespmem:s5+$0xFFFFFF40] =	vst v25  }
0x1c9: {  	[tilespmem:s5+$0xFFFFFC30] =	vst v61;
	v27 =	vmul.f32 v26, v8;
	v29 =	vmul.f32 v28, v8;
	v25 =	vunpack.i.l.bf16.f32 v24;
	v33 =	vld [tilespmem:s9+$0xFFFFFFB0]  }
0x1ca: {  	[tilespmem:s5+$0xFFFFFC40] =	vst v31;
	v24 =	vunpack.i.u.bf16.f32 v24;
	v32 =	vmul.f32 v25, v7;
	v25 =	vunpack.i.l.bf16.f32 v62  }
0x1cb: {  	v28 =	vmul.f32 v24, v7;
	[tilespmem:s5+$0xFFFFFCD0] =	vst v30;
	v24 =	vunpack.i.u.bf16.f32 v62;
	v30 =	vmul.f32 v25, v5  }
0x1cc: {  	v26 =	vld [tilespmem:s9+$0xFFFFFE30];
	[tilespmem:s5+$0xFFFFFCE0] =	vst v36;
	v24 =	vmul.f32 v24, v5;
	v63 =	vunpack.i.u.bf16.f32 v37;
	v31 =	vunpack.i.l.bf16.f32 v37  }
0x1cd: {  	s26 =	simm.s32 $0x8;
	s22 =	simm.s32 $0x2F60;
	s3 =	simm.s32 $0x8360;
	[tilespmem:s5+$0xFFFFFD50] =	vst v27;
	v25 =	vld [tilespmem:s9+$0xFFFFFE80];
	v31 =	vmul.f32 v31, v6;
	v27 =	vmul.f32 v63, v6  }
.LBB2_10:
0x1ce: {  	s6 =	sadd.s32 s26, s13;
	[tilespmem:s5+$0xFFFFFD60] =	vst v29;
	v29 =	vunpack.i.u.bf16.f32 v33;
	v33 =	vunpack.i.l.bf16.f32 v33  }
0x1cf: {  	s7 =	sadd.s32 $0x59, s6;
	s8 =	sadd.s32 $0x5A, s6;
	s11 =	sadd.s32 $0x5F, s6;
	v34 =	vld [tilespmem:s9+$0xFFFFFEC0];
	[tilespmem:s5+$0xFFFFFDD0] =	vst v32;
	v32 =	vmul.f32 v33, v4;
	v29 =	vmul.f32 v29, v4  }
0x1d0: {  	s25 =	sadd.s32 $0x5D, s6;
	v33 =	vmov s7;
	v35 =	vmov s8;
	s7 =	sadd.s32 $0x5B, s6;
	s8 =	sadd.s32 $0x5C, s6;
	v36 =	vmov s11;
	[tilespmem:s5+$0xFFFFFDE0] =	vst v28  }
0x1d1: {  	s26 =	sadd.s32 $0x8, s26;
	s11 =	sadd.s32 $0x58, s6;
	s6 =	sadd.s32 $0x5E, s6;
	v28 =	vmov s7;
	v37 =	vmov s8;
	v36 =	vshrl.u32 v36, $0x3;
	v38 =	vld [tilespmem:s9+$0xFFFFFF00];
	[tilespmem:s5+$0xFFFFFE50] =	vst v30  }
0x1d2: {  	p0 =	slt.u32 s26, $0x48;
	v30 =	vmov s25;
	v39 =	vmov s6;
	v36 =	vshll.u32 v36, v1;
	[tilespmem:s5+$0xFFFFFE60] =	vst v24  }
0x1d3: {  	v24 =	vshrl.u32 v33, $0x3;
	v33 =	vshrl.u32 v35, $0x3;
	v35 =	vadd.s32 $0x7, v36;
	v36 =	vld [tilespmem:s9+$0xFFFFFF40];
	[tilespmem:s5+$0xFFFFFED0] =	vst v31  }
0x1d4: {  	v28 =	vshrl.u32 v28, $0x3;
	v31 =	vshrl.u32 v37, $0x3;
	v35 =	vbroadcast v35, $0x0;
	[tilespmem:s5+$0xFFFFFEE0] =	vst v27  }
0x1d5: {  	v30 =	vshrl.u32 v30, $0x3;
	v37 =	vshrl.u32 v39, $0x3;
	v27 =	vmov s11;
	v39 =	vld [tilespmem:s9+$0xFFFFFF80];
	[tilespmem:s5+$0xFFFFFF50] =	vst v32  }
0x1d6: {  	v24 =	vshll.u32 v24, v1;
	v28 =	vshll.u32 v28, v1;
	v32 =	vshll.u32 v33, v1;
	[tilespmem:s5+$0xFFFFFF60] =	vst v29  }
0x1d7: {  	v30 =	vshll.u32 v30, v1;
	v29 =	vshll.u32 v31, v1;
	v31 =	vshll.u32 v37, v1;
	v33 =	vld [tilespmem:s9+$0xFFFFFFC0];
	[tilespmem:s18+$0xFFFFFCF0] =	vst v9  }
0x1d8: {  	v24 =	vadd.s32 $0x1, v24;
	v9 =	vshrl.u32 v27, $0x3;
	v27 =	vadd.s32 $0x2, v32;
	s9 =	sadd.s32 $0x200, s9;
	[tilespmem:s18+$0xFFFFFD00] =	vst v11  }
0x1d9: {  	v11 =	vadd.s32 $0x3, v28;
	v28 =	vadd.s32 $0x4, v29;
	v29 =	vadd.s32 $0x5, v30;
	v30 =	vld [tilespmem:s9+$0xFFFFFFD0];
	[tilespmem:s18+$0xFFFFFD70] =	vst v12  }
0x1da: {  	v31 =	vadd.s32 $0x6, v31;
	v9 =	vshll.u32 v9, v1;
	v12 =	vbroadcast v24, $0x0;
	v24 =	vld.idx.msk [tilespmem:v35+s21+$0x0], $0xffff;
	[tilespmem:s18+$0xFFFFFD80] =	vst v16  }
0x1db: {  	v32 =	vunpack.i.u.bf16.f32 v26;
	v27 =	vbroadcast v27, $0x0;
	v11 =	vbroadcast v11, $0x0;
	v16 =	vld [tilespmem:s9+$0xFFFFFE10];
	[tilespmem:s18+$0xFFFFFDF0] =	vst v13  }
0x1dc: {  	v26 =	vunpack.i.l.bf16.f32 v26;
	v28 =	vbroadcast v28, $0x0;
	v29 =	vbroadcast v29, $0x0;
	v13 =	vld [tilespmem:s9+$0xFFFFFE50];
	[tilespmem:s18+$0xFFFFFE00] =	vst v15  }
0x1dd: {  	v31 =	vbroadcast v31, $0x0;
	v9 =	vbroadcast v9, $0x0;
	v35 =	vunpack.i.u.bf16.f32 v25;
	v15 =	vld [tilespmem:s9+$0xFFFFFE90];
	[tilespmem:s18+$0xFFFFFE70] =	vst v19  }
0x1de: {  	v37 =	vunpack.i.l.bf16.f32 v25;
	v26 =	vmul.f32 v26, v3;
	v32 =	vmul.f32 v32, v3;
	v19 =	vld [tilespmem:s9+$0xFFFFFED0];
	[tilespmem:s18+$0xFFFFFE80] =	vst v20  }
0x1df: {  	v40 =	vunpack.i.u.bf16.f32 v34;
	v34 =	vunpack.i.l.bf16.f32 v34;
	v25 =	vunpack.i.l.bf16.f32 v30;
	v20 =	vld [tilespmem:s9+$0xFFFFFF10];
	[tilespmem:s18+$0xFFFFFEF0] =	vst v22  }
0x1e0: {  	v30 =	vunpack.i.u.bf16.f32 v30;
	v25 =	vmul.f32 v25, v24;
	v22 =	vunpack.i.u.bf16.f32 v16;
	v41 =	vld [tilespmem:s9+$0xFFFFFF50];
	[tilespmem:s5+$0xFFFFFC50] =	vst v26  }
0x1e1: {  	v30 =	vmul.f32 v30, v24;
	v16 =	vunpack.i.l.bf16.f32 v16;
	s5 =	sadd.s32 $0x400, s5;
	v26 =	vunpack.i.u.bf16.f32 v13;
	v42 =	vld [tilespmem:s9+$0xFFFFFF90];
	[tilespmem:s3+$0xFFFFFC60] =	vst v32  }
0x1e2: {  	v13 =	vunpack.i.l.bf16.f32 v13;
	v12 =	vld.idx.msk [tilespmem:v12+s21+$0x0], $0xffff;
	v32 =	vunpack.i.u.bf16.f32 v15;
	v15 =	vunpack.i.l.bf16.f32 v15;
	[tilespmem:s5+$0xFFFFFF90] =	vst v25  }
0x1e3: {  	v27 =	vld.idx.msk [tilespmem:v27+s21+$0x0], $0xffff;
	v43 =	vunpack.i.u.bf16.f32 v19;
	v19 =	vunpack.i.l.bf16.f32 v19;
	[tilespmem:s5+$0xFFFFFFA0] =	vst v30;
	v30 =	vunpack.i.u.bf16.f32 v38  }
0x1e4: {  	v38 =	vunpack.i.l.bf16.f32 v38;
	v44 =	vunpack.i.u.bf16.f32 v20;
	v20 =	vunpack.i.l.bf16.f32 v20;
	v45 =	vld [tilespmem:s9+$0xFFFFFFE0];
	[tilespmem:s18+$0xFFFFFF00] =	vst v14  }
0x1e5: {  	v46 =	vunpack.i.u.bf16.f32 v36;
	v14 =	vld.idx.msk [tilespmem:v11+s21+$0x0], $0xffff;
	v11 =	vunpack.i.u.bf16.f32 v41;
	v41 =	vunpack.i.l.bf16.f32 v41;
	[tilespmem:s18+$0xFFFFFF70] =	vst v18  }
0x1e6: {  	v36 =	vunpack.i.l.bf16.f32 v36;
	v18 =	vld.idx.msk [tilespmem:v28+s21+$0x0], $0xffff;
	v28 =	vunpack.i.u.bf16.f32 v42;
	v42 =	vunpack.i.l.bf16.f32 v42;
	[tilespmem:s18+$0xFFFFFF80] =	vst v17  }
0x1e7: {  	v47 =	vunpack.i.u.bf16.f32 v39;
	v39 =	vunpack.i.l.bf16.f32 v39;
	v17 =	vunpack.i.u.bf16.f32 v33;
	v29 =	vld.idx.msk [tilespmem:v29+s21+$0x0], $0xffff;
	[tilespmem:s3+$0xFFFFFFF0] =	vst v21  }
0x1e8: {  	v13 =	vmul.f32 v13, v12;
	v21 =	vmul.f32 v26, v12;
	v26 =	vld.idx.msk [tilespmem:v31+s21+$0x0], $0xffff;
	v31 =	vunpack.i.l.bf16.f32 v33;
	[tilespmem:s18+$0xFFFFFC70] =	vst v23  }
0x1e9: {  	v15 =	vmul.f32 v15, v27;
	v23 =	vmul.f32 v32, v27;
	v25 =	vld.idx.msk [tilespmem:v9+s21+$0x0], $0xffff;
	v9 =	vunpack.i.l.bf16.f32 v45;
	[tilespmem:s18+$0xFFFFFC80] =	vst v10;
	s18 =	smov.u32 s3;
	s3 =	smov.u32 s5  }
0x1ea: {  	v10 =	vunpack.i.u.bf16.f32 v45;
	[tilespmem:s5+$0xFFFFFC90] =	vst v13;
	v13 =	vmul.f32 v9, v24;
	v32 =	vld [tilespmem:s22+$0xFFFFFE40];
	v9 =	vmul.f32 v37, v2;
	s22 =	smov.u32 s9  }
0x1eb: {  	v19 =	vmul.f32 v19, v14;
	v10 =	vmul.f32 v10, v24;
	[tilespmem:s5+$0xFFFFFCA0] =	vst v21  }
0x1ec: {  	v33 =	vmul.f32 v43, v14;
	v20 =	vmul.f32 v20, v18;
	v21 =	vld [tilespmem:s9+$0xFFFFFE60];
	[tilespmem:s5+$0xFFFFFFB0] =	vst v13  }
0x1ed: {  	v13 =	vmul.f32 v44, v18;
	v37 =	vmul.f32 v41, v29;
	[tilespmem:s5+$0xFFFFFFC0] =	vst v10  }
0x1ee: {  	v10 =	vmul.f32 v11, v29;
	v41 =	vmul.f32 v42, v26;
	[tilespmem:s5+$0xFFFFFD10] =	vst v15;
	v15 =	vld [tilespmem:s9+$0xFFFFFFF0]  }
0x1ef: {  	v42 =	vmul.f32 v16, v25;
	[tilespmem:s5+$0xFFFFFD20] =	vst v23;
	v23 =	vmul.f32 v28, v26;
	v28 =	vunpack.i.u.bf16.f32 v32  }
0x1f0: {  	v11 =	vmul.f32 v35, v2;
	v2 =	vmovc v12;
	v22 =	vmul.f32 v22, v25;
	v32 =	vunpack.i.l.bf16.f32 v32;
	v43 =	vld [tilespmem:s9+$0xFFFFFEA0];
	[tilespmem:s5+$0xFFFFFD90] =	vst v19  }
0x1f1: {  	v12 =	vmul.f32 v34, v8;
	v16 =	vunpack.i.u.bf16.f32 v21;
	v19 =	vunpack.i.l.bf16.f32 v21;
	[tilespmem:s5+$0xFFFFFDA0] =	vst v33  }
0x1f2: {  	v21 =	vmul.f32 v19, v2;
	v33 =	vmul.f32 v16, v2;
	v19 =	vld [tilespmem:s9+$0xFFFFFEE0];
	[tilespmem:s5+$0xFFFFFE10] =	vst v20  }
0x1f3: {  	v16 =	vmul.f32 v40, v8;
	v8 =	vmovc v27;
	[tilespmem:s5+$0xFFFFFE20] =	vst v13;
	v20 =	vunpack.i.l.bf16.f32 v15;
	v13 =	vmul.f32 v38, v7  }
0x1f4: {  	v34 =	vunpack.i.u.bf16.f32 v15;
	v15 =	vmul.f32 v30, v7;
	v7 =	vmovc v14;
	v27 =	vld [tilespmem:s9+$0xFFFFFF20];
	[tilespmem:s5+$0xFFFFFE90] =	vst v37;
	v20 =	vmul.f32 v20, v24  }
0x1f5: {  	v14 =	vunpack.i.u.bf16.f32 v43;
	v30 =	vunpack.i.l.bf16.f32 v43;
	[tilespmem:s5+$0xFFFFFEA0] =	vst v10;
	v10 =	vmul.f32 v34, v24  }
0x1f6: {  	v30 =	vmul.f32 v30, v8;
	v34 =	vmul.f32 v14, v8;
	v14 =	vld [tilespmem:s9+$0xFFFFFF60];
	[tilespmem:s5+$0xFFFFFFD0] =	vst v20  }
0x1f7: {  	v20 =	vunpack.i.u.bf16.f32 v19;
	v35 =	vunpack.i.l.bf16.f32 v19;
	[tilespmem:s5+$0xFFFFFFE0] =	vst v10;
	v19 =	vmul.f32 v36, v5  }
0x1f8: {  	v10 =	vmul.f32 v35, v7;
	v35 =	vmul.f32 v20, v7;
	[tilespmem:s5+$0xFFFFFF10] =	vst v41;
	v36 =	vld [tilespmem:s9+$0x0]  }
0x1f9: {  	v20 =	vmul.f32 v46, v5;
	v5 =	vmovc v18;
	v37 =	vunpack.i.u.bf16.f32 v27;
	v27 =	vunpack.i.l.bf16.f32 v27;
	[tilespmem:s5+$0xFFFFFF20] =	vst v23  }
0x1fa: {  	[tilespmem:s5+$0xFFFFFC10] =	vst v42;
	v23 =	vmul.f32 v27, v5;
	v27 =	vmul.f32 v37, v5;
	v37 =	vld [tilespmem:s9+$0xFFFFFFA0]  }
0x1fb: {  	[tilespmem:s5+$0xFFFFFC20] =	vst v22;
	v18 =	vunpack.i.u.bf16.f32 v14;
	v14 =	vunpack.i.l.bf16.f32 v14;
	v22 =	vmul.f32 v39, v6  }
0x1fc: {  	v38 =	vld [tilespmem:s9+$0xFFFFFE20];
	[tilespmem:s5+$0xFFFFFCB0] =	vst v21;
	v39 =	vmul.f32 v14, v29;
	v40 =	vmul.f32 v18, v29  }
0x1fd: {  	v14 =	vmul.f32 v47, v6;
	v6 =	vmovc v29;
	[tilespmem:s5+$0xFFFFFCC0] =	vst v33;
	v18 =	vunpack.i.u.bf16.f32 v36;
	v21 =	vunpack.i.l.bf16.f32 v36  }
0x1fe: {  	v29 =	vld [tilespmem:s9+$0xFFFFFE70];
	[tilespmem:s5+$0xFFFFFD30] =	vst v30;
	v30 =	vmul.f32 v18, v24;
	v18 =	vmul.f32 v31, v4  }
0x1ff: {  	v17 =	vmul.f32 v17, v4;
	v4 =	vmovc v26;
	[tilespmem:s5+$0xFFFFFD40] =	vst v34;
	v31 =	vunpack.i.u.bf16.f32 v37;
	v33 =	vunpack.i.l.bf16.f32 v37  }
0x200: {  	v26 =	vld [tilespmem:s9+$0xFFFFFEB0];
	v33 =	vmul.f32 v33, v4;
	v31 =	vmul.f32 v31, v4;
	[tilespmem:s5+$0x0] =	vst v30  }
0x201: {  	v21 =	vmul.f32 v21, v24;
	v30 =	vunpack.i.u.bf16.f32 v38;
	v34 =	vunpack.i.l.bf16.f32 v38;
	[tilespmem:s5+$0xFFFFFDB0] =	vst v10  }
0x202: {  	v24 =	vmul.f32 v34, v25;
	v30 =	vmul.f32 v30, v25;
	[tilespmem:s5+$0xFFFFFDC0] =	vst v35  }
0x203: {  	v10 =	vunpack.i.u.bf16.f32 v29;
	v29 =	vunpack.i.l.bf16.f32 v29;
	v34 =	vld [tilespmem:s9+$0xFFFFFEF0];
	[tilespmem:s5+$0xFFFFFE30] =	vst v23;
	v23 =	vmul.f32 v32, v3  }
0x204: {  	v35 =	vmul.f32 v29, v2;
	v36 =	vmul.f32 v10, v2;
	[tilespmem:s5+$0xFFFFFE40] =	vst v27  }
0x205: {  	v10 =	vmul.f32 v28, v3;
	v3 =	vmovc v25;
	v27 =	vunpack.i.u.bf16.f32 v26;
	v26 =	vunpack.i.l.bf16.f32 v26;
	v37 =	vld [tilespmem:s9+$0xFFFFFF30];
	[tilespmem:s5+$0xFFFFFEB0] =	vst v39  }
0x206: {  	v38 =	vmul.f32 v26, v8;
	v29 =	vmul.f32 v27, v8;
	[tilespmem:s5+$0xFFFFFEC0] =	vst v40  }
0x207: {  	v25 =	vld [tilespmem:s9+$0xFFFFFF70];
	[tilespmem:s5+$0xFFFFFF30] =	vst v33  }
0x208: {  	v26 =	vunpack.i.u.bf16.f32 v34;
	v27 =	vunpack.i.l.bf16.f32 v34;
	[tilespmem:s5+$0xFFFFFF40] =	vst v31  }
.Ltmp8:
0x209: {  	[tilespmem:s5+$0xFFFFFC30] =	vst v24;
	v32 =	vmul.f32 v27, v7;
	v28 =	vmul.f32 v26, v7;
	v33 =	vld [tilespmem:s9+$0xFFFFFFB0];
	(pc) =	sbr.rel @p0 .LBB2_10-.Ltmp8, $4  }
0x20a: {  	[tilespmem:s5+$0xFFFFFC40] =	vst v30;
	v24 =	vunpack.i.u.bf16.f32 v37;
	v27 =	vunpack.i.l.bf16.f32 v37  }
0x20b: {  	v26 =	vld [tilespmem:s9+$0xFFFFFE30];
	[tilespmem:s5+$0xFFFFFCD0] =	vst v35;
	v30 =	vmul.f32 v27, v5;
	v24 =	vmul.f32 v24, v5  }
0x20c: {  	[tilespmem:s5+$0xFFFFFCE0] =	vst v36;
	v27 =	vunpack.i.u.bf16.f32 v25;
	v31 =	vunpack.i.l.bf16.f32 v25  }
0x20d: {  	v25 =	vld [tilespmem:s9+$0xFFFFFE80];
	[tilespmem:s5+$0xFFFFFD50] =	vst v38;
	v31 =	vmul.f32 v31, v6;
	v27 =	vmul.f32 v27, v6  }
0x20e: {  	[tilespmem:s5+$0xFFFFFD60] =	vst v29  }
0x20f: {  	[tilespmem:s5+$0xFFFFFDD0] =	vst v32  }
0x210: {  	[tilespmem:s5+$0xFFFFFDE0] =	vst v28  }
0x211: {  	[tilespmem:s5+$0xFFFFFE50] =	vst v30  }
0x212: {  	[tilespmem:s5+$0xFFFFFE60] =	vst v24  }
0x213: {  	[tilespmem:s18+$0xFFFFFCF0] =	vst v9  }
0x214: {  	[tilespmem:s18+$0xFFFFFD00] =	vst v11  }
0x215: {  	[tilespmem:s18+$0xFFFFFD70] =	vst v12  }
0x216: {  	[tilespmem:s18+$0xFFFFFD80] =	vst v16  }
0x217: {  	[tilespmem:s18+$0xFFFFFDF0] =	vst v13  }
0x218: {  	[tilespmem:s18+$0xFFFFFE00] =	vst v15  }
0x219: {  	[tilespmem:s18+$0xFFFFFE70] =	vst v19  }
0x21a: {  	[tilespmem:s18+$0xFFFFFE80] =	vst v20  }
0x21b: {  	[tilespmem:s18+$0xFFFFFEF0] =	vst v22  }
0x21c: {  	[tilespmem:s18+$0xFFFFFF00] =	vst v14  }
0x21d: {  	[tilespmem:s18+$0xFFFFFF70] =	vst v18  }
0x21e: {  	[tilespmem:s18+$0xFFFFFF80] =	vst v17  }
0x21f: {  	[tilespmem:s3+$0xFFFFFFF0] =	vst v21  }
0x220: {  	[tilespmem:s18+$0xFFFFFC70] =	vst v23  }
0x221: {  	v34 =	vunpack.i.l.bf16.f32 v33;
	[tilespmem:s18+$0xFFFFFC80] =	vst v10  }
0x222: {  	v35 =	vunpack.i.u.bf16.f32 v33;
	v28 =	vmul.f32 v34, v4;
	[tilespmem:s5+$0xFFFFFED0] =	vst v31;
	v38 =	vld [tilespmem:s9+$0xFFFFFEC0]  }
0x223: {  	v24 =	vmul.f32 v35, v4;
	[tilespmem:s5+$0xFFFFFEE0] =	vst v27;
	v36 =	vunpack.i.l.bf16.f32 v26  }
0x224: {  	v39 =	vld [tilespmem:s9+$0xFFFFFF00];
	v37 =	vunpack.i.u.bf16.f32 v26;
	[tilespmem:s5+$0xFFFFFF50] =	vst v28;
	v9 =	vmul.f32 v36, v3  }
0x225: {  	[tilespmem:s5+$0xFFFFFF60] =	vst v24;
	v11 =	vmul.f32 v37, v3;
	v40 =	vunpack.i.l.bf16.f32 v25  }
0x226: {  	v41 =	vld [tilespmem:s9+$0xFFFFFF40];
	v42 =	vunpack.i.u.bf16.f32 v25;
	[tilespmem:s5+$0xFFFFFC50] =	vst v9;
	v12 =	vmul.f32 v40, v2  }
0x227: {  	v2 =	vmul.f32 v42, v2;
	[tilespmem:s3+$0xFFFFFC60] =	vst v11;
	v43 =	vunpack.i.l.bf16.f32 v38  }
0x228: {  	v44 =	vld [tilespmem:s9+$0xFFFFFF80];
	v9 =	vunpack.i.u.bf16.f32 v38;
	v45 =	vmul.f32 v43, v8;
	[tilespmem:s3+$0xFFFFFCF0] =	vst v12  }
0x229: {  	v46 =	vunpack.i.l.bf16.f32 v39;
	v47 =	vmul.f32 v9, v8;
	[tilespmem:s3+$0xFFFFFD00] =	vst v2  }
0x22a: {  	v48 =	vunpack.i.u.bf16.f32 v39;
	v2 =	vld [tilespmem:s9+$0xFFFFFFC0];
	v49 =	vmul.f32 v46, v7;
	[tilespmem:s3+$0xFFFFFD70] =	vst v45  }
0x22b: {  	v50 =	vunpack.i.l.bf16.f32 v41;
	v51 =	vmul.f32 v48, v7;
	[tilespmem:s3+$0xFFFFFD80] =	vst v47  }
0x22c: {  	v52 =	vunpack.i.u.bf16.f32 v41;
	v53 =	vld [tilespmem:s22+$0xFFFFFE40];
	v12 =	vmul.f32 v50, v5;
	[tilespmem:s3+$0xFFFFFDF0] =	vst v49  }
0x22d: {  	v54 =	vunpack.i.l.bf16.f32 v44;
	v55 =	vmul.f32 v52, v5;
	[tilespmem:s3+$0xFFFFFE00] =	vst v51  }
0x22e: {  	v56 =	vunpack.i.u.bf16.f32 v44;
	v57 =	vmul.f32 v54, v6;
	[tilespmem:s3+$0xFFFFFE70] =	vst v12  }
0x22f: {  	v59 =	vmul.f32 v56, v6;
	[tilespmem:s3+$0xFFFFFE80] =	vst v55;
	v58 =	vunpack.i.l.bf16.f32 v2  }
0x230: {  	[tilespmem:s3+$0xFFFFFEF0] =	vst v57;
	v2 =	vunpack.i.u.bf16.f32 v2;
	v60 =	vmul.f32 v58, v4  }
0x231: {  	[tilespmem:s3+$0xFFFFFF00] =	vst v59;
	v61 =	vunpack.i.l.bf16.f32 v53;
	v2 =	vmul.f32 v2, v4  }
0x232: {  	s18 =	smul.u32 $0x140, s17;
	v62 =	vunpack.i.u.bf16.f32 v53;
	v63 =	vmul.f32 v61, v3;
	[tilespmem:s3+$0xFFFFFF70] =	vst v60  }
0x233: {  	v3 =	vmul.f32 v62, v3;
	[tilespmem:s3+$0xFFFFFF80] =	vst v2  }
0x234: {  	s5 =	sshra.s32 s18, $0x2;
	[tilespmem:s3+$0xFFFFFC70] =	vst v63  }
0x235: {  	s22 =	sadd.s32 $0x7D0, s5;
	[tilespmem:s3+$0xFFFFFC80] =	vst v3  }
0x236: {  	[spmem:s4] =	stream.indirect.scatter.add.f32 [tilespmem:s2], [sflag:$0x5], $0x80, s22, s23, $0xb8;
	[tilespmem:$0x1E370] =	vst v63  }
0x237: {  	s25 =	sadd.s32 $0x140, s15;
	s26 =	simm.s32 $0x2B70  }
0x238: {  	[tilespmem:s26], [sflag:$0x2] =	stream.indirect.gather [hbm4b:s1+s23], $0x40, s25, s23, $0xb8;
	[tilespmem:$0x1E370] =	vst v63  }
.LBB2_12:
0x239: {  	s5 =	sadd.s32 $0xFFFFFFF8, s13  }
0x23a: {  	s3 =	sadd.s32 $0xAF, s5  }
0x23b: {  	v2 =	vmov s3  }
0x23c: {  	v2 =	vshrl.u32 v2, $0x3  }
0x23d: {  	v2 =	vshll.u32 v2, v1  }
0x23e: {  	_ =	swait.ge [sflag:s10], $0x1400;
	v2 =	vadd.s32 $0x7, v2  }
0x23f: {  	[sflag:s10] =	ssyncset.done $0x0;
	v2 =	vbroadcast v2, $0x0  }
0x240: {  	[sflag:s10] =	ssyncadd.s32 $0xFFFFEC00  }
0x241: {  	_ =	swait.ge [sflag:s31], $0x2800  }
0x242: {  	s6 =	sadd.s32 $0xA9, s5;
	[sflag:s31] =	ssyncset.done $0x0  }
0x243: {  	s3 =	simm.s32 $0x4160;
	v3 =	vmov s6;
	[sflag:s31] =	ssyncadd.s32 $0xFFFFD800  }
0x244: {  	v3 =	vshrl.u32 v3, $0x3;
	v4 =	vld [tilespmem:s3+$0xFFFFFFD0]  }
0x245: {  	v3 =	vshll.u32 v3, v1;
	v2 =	vld.idx.msk [tilespmem:v2+s21+$0x0], $0xffff  }
0x246: {  	s25 =	sadd.s32 $0xAA, s5;
	v3 =	vadd.s32 $0x1, v3  }
0x247: {  	s26 =	sadd.s32 $0xAB, s5;
	s7 =	sadd.s32 $0xAC, s5;
	v5 =	vmov s25;
	v3 =	vbroadcast v3, $0x0  }
0x248: {  	v6 =	vmov s26;
	v7 =	vmov s7;
	v5 =	vshrl.u32 v5, $0x3  }
0x249: {  	v6 =	vshrl.u32 v6, $0x3;
	v5 =	vshll.u32 v5, v1;
	v8 =	vunpack.i.l.bf16.f32 v4  }
0x24a: {  	v5 =	vadd.s32 $0x2, v5;
	v4 =	vunpack.i.u.bf16.f32 v4;
	v8 =	vmul.f32 v8, v2  }
0x24b: {  	s17 =	simm.s32 $0x5570;
	v6 =	vshll.u32 v6, v1;
	v5 =	vbroadcast v5, $0x0;
	v4 =	vmul.f32 v4, v2  }
0x24c: {  	s7 =	sadd.s32 $0xAD, s5;
	v7 =	vshrl.u32 v7, $0x3;
	v6 =	vadd.s32 $0x3, v6;
	v9 =	vld [tilespmem:s3+$0xFFFFFE50];
	[tilespmem:s17+$0x180] =	vst v8  }
0x24d: {  	v7 =	vshll.u32 v7, v1;
	v6 =	vbroadcast v6, $0x0;
	v11 =	vld.idx.msk [tilespmem:v3+s21+$0x0], $0xffff;
	v8 =	vmov s7;
	[tilespmem:s17+$0x190] =	vst v4  }
0x24e: {  	v4 =	vadd.s32 $0x4, v7;
	v3 =	vshrl.u32 v8, $0x3;
	v7 =	vld [tilespmem:s3+$0xFFFFFFE0]  }
0x24f: {  	s8 =	sadd.s32 $0xA8, s5;
	s5 =	sadd.s32 $0xAE, s5;
	v4 =	vbroadcast v4, $0x0;
	v3 =	vshll.u32 v3, v1  }
0x250: {  	v10 =	vmov s8;
	v12 =	vld [tilespmem:s3+$0xFFFFFE90];
	v8 =	vmov s5;
	v3 =	vadd.s32 $0x5, v3  }
0x251: {  	v14 =	vunpack.i.l.bf16.f32 v9;
	v13 =	vld.idx.msk [tilespmem:v5+s21+$0x0], $0xffff;
	v8 =	vshrl.u32 v8, $0x3;
	v3 =	vbroadcast v3, $0x0  }
0x252: {  	v9 =	vunpack.i.u.bf16.f32 v9;
	v14 =	vmul.f32 v14, v11;
	v5 =	vshll.u32 v8, v1;
	v8 =	vld [tilespmem:s3+$0xFFFFFED0]  }
0x253: {  	v10 =	vshrl.u32 v10, $0x3;
	v15 =	vld.idx.msk [tilespmem:v6+s21+$0x0], $0xffff;
	v6 =	vmul.f32 v9, v11;
	v9 =	vunpack.i.l.bf16.f32 v7  }
0x254: {  	v16 =	vld [tilespmem:s3+$0xFFFFFF10];
	[tilespmem:s17+$0xFFFFFE80] =	vst v14;
	v5 =	vadd.s32 $0x6, v5;
	v7 =	vunpack.i.u.bf16.f32 v7;
	v9 =	vmul.f32 v9, v2  }
0x255: {  	v14 =	vunpack.i.l.bf16.f32 v12;
	[tilespmem:s17+$0xFFFFFE90] =	vst v6;
	v5 =	vbroadcast v5, $0x0;
	v18 =	vld.idx.msk [tilespmem:v4+s21+$0x0], $0xffff;
	v4 =	vmul.f32 v7, v2  }
0x256: {  	v6 =	vshll.u32 v10, v1;
	v10 =	vunpack.i.u.bf16.f32 v12;
	v12 =	vmul.f32 v14, v13;
	v7 =	vld [tilespmem:s3+$0xFFFFFF50];
	[tilespmem:s17+$0x1A0] =	vst v9  }
0x257: {  	v6 =	vbroadcast v6, $0x0;
	v9 =	vunpack.i.l.bf16.f32 v8;
	[tilespmem:s17+$0x1B0] =	vst v4;
	v14 =	vld.idx.msk [tilespmem:v3+s21+$0x0], $0xffff;
	v3 =	vmul.f32 v10, v13  }
0x258: {  	[tilespmem:s17+$0xFFFFFF00] =	vst v12;
	v4 =	vunpack.i.u.bf16.f32 v8;
	v8 =	vmul.f32 v9, v15;
	v9 =	vld [tilespmem:s3+$0xFFFFFFF0]  }
0x259: {  	v10 =	vunpack.i.l.bf16.f32 v16;
	v4 =	vmul.f32 v4, v15;
	[tilespmem:s17+$0xFFFFFF10] =	vst v3  }
0x25a: {  	v12 =	vunpack.i.u.bf16.f32 v16;
	v3 =	vld [tilespmem:s3+$0xFFFFFF90];
	v10 =	vmul.f32 v10, v18;
	[tilespmem:s17+$0xFFFFFF80] =	vst v8  }
0x25b: {  	v17 =	vld.idx.msk [tilespmem:v5+s21+$0x0], $0xffff;
	v8 =	vunpack.i.l.bf16.f32 v7;
	v5 =	vmul.f32 v12, v18;
	[tilespmem:s17+$0xFFFFFF90] =	vst v4  }
0x25c: {  	v4 =	vld [tilespmem:s3+$0xFFFFFE10];
	v7 =	vunpack.i.u.bf16.f32 v7;
	[tilespmem:s17+$0x0] =	vst v10;
	v8 =	vmul.f32 v8, v14  }
0x25d: {  	v10 =	vld.idx.msk [tilespmem:v6+s21+$0x0], $0xffff;
	[tilespmem:s17+$0x10] =	vst v5;
	v6 =	vmul.f32 v7, v14;
	v5 =	vunpack.i.l.bf16.f32 v9  }
0x25e: {  	v7 =	vld [tilespmem:s3+$0xFFFFFE60];
	v5 =	vmul.f32 v5, v2;
	[tilespmem:s17+$0x80] =	vst v8;
	v8 =	vunpack.i.u.bf16.f32 v9  }
0x25f: {  	v9 =	vunpack.i.l.bf16.f32 v3;
	[tilespmem:s17+$0x90] =	vst v6;
	v6 =	vmul.f32 v8, v2  }
0x260: {  	v3 =	vunpack.i.u.bf16.f32 v3;
	v8 =	vmul.f32 v9, v17;
	v9 =	vld [tilespmem:s3+$0xFFFFFEA0];
	[tilespmem:s17+$0x1C0] =	vst v5  }
0x261: {  	v12 =	vld [tilespmem:s3+$0xFFFFFEE0];
	v5 =	vunpack.i.l.bf16.f32 v4;
	v3 =	vmul.f32 v3, v17;
	[tilespmem:s17+$0x1D0] =	vst v6  }
0x262: {  	v4 =	vunpack.i.u.bf16.f32 v4;
	v5 =	vmul.f32 v5, v10;
	[tilespmem:s17+$0x100] =	vst v8  }
0x263: {  	v4 =	vmul.f32 v4, v10;
	v6 =	vld [tilespmem:s3+$0xFFFFFF20];
	v8 =	vunpack.i.l.bf16.f32 v7;
	[tilespmem:s17+$0x110] =	vst v3  }
0x264: {  	s5 =	sadd.s32 $0x0, s13;
	v3 =	vunpack.i.u.bf16.f32 v7;
	v7 =	vmul.f32 v8, v11;
	v8 =	vld [tilespmem:s3+$0xFFFFFF60];
	[tilespmem:s17+$0xFFFFFE00] =	vst v5  }
0x265: {  	s22 =	sadd.s32 $0xAB, s5;
	v3 =	vmul.f32 v3, v11;
	[tilespmem:s17+$0xFFFFFE10] =	vst v4;
	v19 =	vld [tilespmem:s3+$0xFFFFFFA0];
	v5 =	vunpack.i.u.bf16.f32 v9;
	v9 =	vunpack.i.l.bf16.f32 v9  }
0x266: {  	v25 =	vmov s22;
	v16 =	vld [tilespmem:s3+$0x0];
	[tilespmem:s17+$0xFFFFFEA0] =	vst v7;
	v7 =	vunpack.i.u.bf16.f32 v12;
	v4 =	vmul.f32 v9, v13  }
0x267: {  	[tilespmem:s17+$0xFFFFFEB0] =	vst v3;
	v5 =	vmul.f32 v5, v13;
	v9 =	vunpack.i.l.bf16.f32 v12;
	v3 =	vmul.f32 v7, v15  }
0x268: {  	s8 =	sadd.s32 $0xAC, s5;
	v9 =	vmul.f32 v9, v15;
	v12 =	vunpack.i.l.bf16.f32 v6;
	v6 =	vunpack.i.u.bf16.f32 v6;
	[tilespmem:s17+$0xFFFFFF20] =	vst v4  }
0x269: {  	v26 =	vmov s8;
	v20 =	vld [tilespmem:s3+$0xFFFFFE70];
	v7 =	vmul.f32 v12, v18;
	v4 =	vmul.f32 v6, v18;
	[tilespmem:s17+$0xFFFFFF30] =	vst v5  }
0x26a: {  	v6 =	vunpack.i.u.bf16.f32 v8;
	v8 =	vunpack.i.l.bf16.f32 v8;
	[tilespmem:s17+$0xFFFFFFB0] =	vst v3;
	v3 =	vunpack.i.u.bf16.f32 v19  }
0x26b: {  	v12 =	vld [tilespmem:s3+$0xFFFFFE20];
	v5 =	vmul.f32 v8, v14;
	v6 =	vmul.f32 v6, v14;
	[tilespmem:s17+$0xFFFFFFA0] =	vst v9;
	v8 =	vunpack.i.u.bf16.f32 v16  }
0x26c: {  	s26 =	sadd.s32 $0xAE, s5;
	v9 =	vunpack.i.l.bf16.f32 v16;
	v16 =	vunpack.i.l.bf16.f32 v19;
	v21 =	vld [tilespmem:s3+$0xFFFFFEB0];
	v8 =	vmul.f32 v8, v2;
	[tilespmem:s17+$0x20] =	vst v7  }
0x26d: {  	v27 =	vmov s26;
	v16 =	vmul.f32 v16, v17;
	v7 =	vmul.f32 v3, v17;
	[tilespmem:s17+$0x30] =	vst v4  }
0x26e: {  	s9 =	sadd.s32 $0xAF, s5;
	v22 =	vld [tilespmem:s3+$0xFFFFFEF0];
	v3 =	vmul.f32 v9, v2;
	v4 =	vunpack.i.l.bf16.f32 v20;
	v9 =	vunpack.i.u.bf16.f32 v20;
	[tilespmem:s17+$0xB0] =	vst v6  }
0x26f: {  	v4 =	vmul.f32 v4, v11;
	v6 =	vmul.f32 v9, v11;
	[tilespmem:s17+$0x130] =	vst v7;
	v7 =	vmov s9  }
0x270: {  	[tilespmem:s17+$0xA0] =	vst v5;
	v19 =	vunpack.i.u.bf16.f32 v12;
	v12 =	vunpack.i.l.bf16.f32 v12;
	v7 =	vshrl.u32 v7, $0x3  }
0x271: {  	s18 =	sadd.s32 $0xAA, s5;
	v20 =	vld [tilespmem:s3+$0xFFFFFF70];
	[tilespmem:s17+$0x120] =	vst v16;
	v2 =	vmul.f32 v12, v10;
	v5 =	vmul.f32 v19, v10;
	v9 =	vunpack.i.u.bf16.f32 v21  }
0x272: {  	v12 =	vld [tilespmem:s3+$0xFFFFFF30];
	v19 =	vunpack.i.l.bf16.f32 v21;
	v7 =	vshll.u32 v7, v1;
	[tilespmem:s17+$0xFFFFFED0] =	vst v6;
	v6 =	vmov s18  }
0x273: {  	v16 =	vmul.f32 v19, v13;
	v19 =	vunpack.i.u.bf16.f32 v22;
	v21 =	vunpack.i.l.bf16.f32 v22;
	v22 =	vld [tilespmem:s3+$0xFFFFFFB0]  }
0x274: {  	v9 =	vmul.f32 v9, v13;
	v7 =	vadd.s32 $0x7, v7;
	v23 =	vmul.f32 v21, v15  }
0x275: {  	[tilespmem:s17+$0xFFFFFEC0] =	vst v4;
	v6 =	vshrl.u32 v6, $0x3;
	v19 =	vmul.f32 v19, v15;
	v7 =	vbroadcast v7, $0x0  }
0x276: {  	s25 =	sadd.s32 $0xAD, s5;
	v6 =	vshll.u32 v6, v1;
	v24 =	vunpack.i.l.bf16.f32 v20;
	v20 =	vunpack.i.u.bf16.f32 v20;
	[tilespmem:s17+$0xFFFFFF40] =	vst v16  }
0x277: {  	v16 =	vmov s25;
	[tilespmem:s17+$0xFFFFFF50] =	vst v9;
	v9 =	vshrl.u32 v25, $0x3;
	v21 =	vunpack.i.u.bf16.f32 v12  }
0x278: {  	s11 =	sadd.s32 $0xA9, s5;
	s18 =	simm.s32 $0x4360;
	[tilespmem:s17+$0xFFFFFE20] =	vst v2;
	v24 =	vmul.f32 v24, v14;
	v2 =	vmul.f32 v21, v18;
	v21 =	vunpack.i.l.bf16.f32 v22  }
0x279: {  	s5 =	sadd.s32 $0xA8, s5;
	v28 =	vld [tilespmem:s18+$0xFFFFFFD0];
	[tilespmem:s17+$0xFFFFFE30] =	vst v5;
	v5 =	vmul.f32 v20, v14;
	v4 =	vmul.f32 v21, v17;
	v21 =	vmov s11  }
0x27a: {  	v30 =	vld [tilespmem:s18+$0xFFFFFE90];
	[tilespmem:s17+$0xFFFFFFC0] =	vst v23;
	v23 =	vshrl.u32 v26, $0x3;
	v26 =	vmov s5;
	v21 =	vshrl.u32 v21, $0x3  }
0x27b: {  	[tilespmem:s17+$0xFFFFFFD0] =	vst v19;
	v16 =	vshrl.u32 v16, $0x3;
	v19 =	vshrl.u32 v27, $0x3;
	v25 =	vshll.u32 v21, v1;
	v21 =	vld.idx.msk [tilespmem:v7+s21+$0x0], $0xffff  }
0x27c: {  	[tilespmem:s17+$0x1F0] =	vst v8;
	v32 =	vld [tilespmem:s18+$0xFFFFFF90];
	v8 =	vshll.u32 v9, v1;
	v12 =	vunpack.i.l.bf16.f32 v12;
	v25 =	vadd.s32 $0x1, v25  }
0x27d: {  	v29 =	vld [tilespmem:s3+$0xFFFFFEC0];
	v9 =	vshll.u32 v23, v1;
	v12 =	vmul.f32 v12, v18;
	v25 =	vbroadcast v25, $0x0  }
0x27e: {  	v20 =	vunpack.i.u.bf16.f32 v22;
	v22 =	vld [tilespmem:s3+$0xFFFFFE30];
	v23 =	vunpack.i.l.bf16.f32 v28;
	v28 =	vunpack.i.u.bf16.f32 v28;
	[tilespmem:s17+$0xC0] =	vst v24  }
0x27f: {  	v27 =	vld [tilespmem:s3+$0xFFFFFF00];
	v24 =	vshrl.u32 v26, $0x3;
	v20 =	vmul.f32 v20, v17;
	[tilespmem:s17+$0x50] =	vst v2;
	v2 =	vadd.s32 $0x2, v6  }
0x280: {  	[tilespmem:s17+$0x40] =	vst v12;
	v12 =	vshll.u32 v16, v1;
	v6 =	vld [tilespmem:s18+$0xFFFFFE50];
	v26 =	vbroadcast v2, $0x0;
	v23 =	vmul.f32 v23, v21  }
0x281: {  	s9 =	simm.s32 $0x5970;
	[tilespmem:s17+$0xD0] =	vst v5;
	v7 =	vld [tilespmem:s3+$0xFFFFFE80];
	v2 =	vadd.s32 $0x3, v8;
	v8 =	vadd.s32 $0x4, v9;
	v28 =	vmul.f32 v28, v21  }
0x282: {  	v16 =	vshll.u32 v19, v1;
	v9 =	vadd.s32 $0x5, v12;
	v12 =	vld [tilespmem:s18+$0xFFFFFED0];
	v5 =	vbroadcast v8, $0x0;
	[tilespmem:s9+$0x180] =	vst v23  }
0x283: {  	v8 =	vunpack.i.l.bf16.f32 v22;
	v23 =	vshll.u32 v24, v1;
	v24 =	vbroadcast v2, $0x0;
	[tilespmem:s9+$0x190] =	vst v28;
	v2 =	vld.idx.msk [tilespmem:v25+s21+$0x0], $0xffff  }
0x284: {  	v16 =	vadd.s32 $0x6, v16;
	[tilespmem:s17+$0x140] =	vst v4;
	v8 =	vmul.f32 v8, v10;
	v25 =	vld [tilespmem:s18+$0xFFFFFFE0]  }
0x285: {  	[tilespmem:s17+$0x150] =	vst v20;
	v20 =	vld [tilespmem:s18+$0xFFFFFF50];
	v9 =	vbroadcast v9, $0x0;
	v4 =	vunpack.i.u.bf16.f32 v22;
	v22 =	vbroadcast v23, $0x0  }
0x286: {  	v16 =	vbroadcast v16, $0x0;
	v4 =	vmul.f32 v4, v10;
	[tilespmem:s17+$0xFFFFFE40] =	vst v8;
	v8 =	vld.idx.msk [tilespmem:v26+s21+$0x0], $0xffff  }
0x287: {  	v19 =	vld [tilespmem:s18+$0xFFFFFE10];
	v31 =	vunpack.i.l.bf16.f32 v7;
	v28 =	vunpack.i.u.bf16.f32 v7;
	v7 =	vunpack.i.l.bf16.f32 v6  }
0x288: {  	v33 =	vunpack.i.l.bf16.f32 v30;
	[tilespmem:s17+$0xFFFFFE50] =	vst v4;
	v6 =	vunpack.i.u.bf16.f32 v6;
	v23 =	vld [tilespmem:s18+$0xFFFFFF10];
	v4 =	vmul.f32 v7, v2  }
0x289: {  	[tilespmem:s17+$0x1E0] =	vst v3;
	v30 =	vunpack.i.u.bf16.f32 v30;
	v7 =	vld.idx.msk [tilespmem:v24+s21+$0x0], $0xffff;
	v3 =	vmul.f32 v6, v2;
	v6 =	vunpack.i.l.bf16.f32 v25  }
0x28a: {  	v34 =	vunpack.i.u.bf16.f32 v12;
	v5 =	vld.idx.msk [tilespmem:v5+s21+$0x0], $0xffff;
	[tilespmem:s9+$0xFFFFFE80] =	vst v4;
	v4 =	vunpack.i.u.bf16.f32 v25;
	v25 =	vmul.f32 v6, v21  }
0x28b: {  	v12 =	vunpack.i.l.bf16.f32 v12;
	v53 =	vunpack.i.u.bf16.f32 v20;
	[tilespmem:s9+$0xFFFFFE90] =	vst v3;
	v3 =	vld.idx.msk [tilespmem:v22+s21+$0x0], $0xffff;
	v22 =	vmul.f32 v30, v8  }
0x28c: {  	v20 =	vunpack.i.l.bf16.f32 v20;
	v26 =	vunpack.i.u.bf16.f32 v29;
	v6 =	vld.idx.msk [tilespmem:v9+s21+$0x0], $0xffff;
	v9 =	vmul.f32 v4, v21;
	[tilespmem:s9+$0x1A0] =	vst v25  }
0x28d: {  	v29 =	vunpack.i.l.bf16.f32 v29;
	v24 =	vunpack.i.u.bf16.f32 v19;
	v4 =	vld.idx.msk [tilespmem:v16+s21+$0x0], $0xffff;
	v16 =	vmul.f32 v33, v8;
	[tilespmem:s9+$0xFFFFFF10] =	vst v22  }
0x28e: {  	v58 =	vld [tilespmem:s3+$0xFFFFFFC0];
	v30 =	vunpack.i.u.bf16.f32 v23;
	v23 =	vunpack.i.l.bf16.f32 v23;
	[tilespmem:s9+$0x1B0] =	vst v9;
	v12 =	vmul.f32 v12, v7  }
0x28f: {  	v19 =	vunpack.i.l.bf16.f32 v19;
	v23 =	vmul.f32 v23, v5;
	[tilespmem:s9+$0xFFFFFF00] =	vst v16;
	v34 =	vmul.f32 v34, v7;
	v16 =	vld [tilespmem:s18+$0xFFFFFFF0]  }
0x290: {  	v30 =	vmul.f32 v30, v5;
	v25 =	vunpack.i.u.bf16.f32 v27;
	v22 =	vld [tilespmem:s3+$0xFFFFFF40];
	v9 =	vmul.f32 v31, v11;
	[tilespmem:s9+$0xFFFFFF80] =	vst v12  }
0x291: {  	v27 =	vunpack.i.l.bf16.f32 v27;
	v31 =	vld [tilespmem:s18+$0xFFFFFE60];
	v11 =	vmul.f32 v28, v11;
	v20 =	vmul.f32 v20, v6;
	[tilespmem:s9+$0xFFFFFF90] =	vst v34  }
0x292: {  	[tilespmem:s9+$0x0] =	vst v23;
	v12 =	vunpack.i.l.bf16.f32 v32;
	v33 =	vmul.f32 v53, v6;
	v19 =	vmul.f32 v19, v3;
	v28 =	vld [tilespmem:s18+$0xFFFFFEE0]  }
0x293: {  	[tilespmem:s9+$0x10] =	vst v30;
	v32 =	vunpack.i.u.bf16.f32 v32;
	v24 =	vmul.f32 v24, v3;
	v54 =	vmul.f32 v12, v4  }
0x294: {  	v34 =	vunpack.i.u.bf16.f32 v58;
	v32 =	vmul.f32 v32, v4;
	[tilespmem:s9+$0x80] =	vst v20;
	v12 =	vunpack.i.l.bf16.f32 v16  }
0x295: {  	v30 =	vld [tilespmem:s18+$0xFFFFFEA0];
	v35 =	vunpack.i.u.bf16.f32 v22;
	[tilespmem:s9+$0x100] =	vst v54;
	v16 =	vunpack.i.u.bf16.f32 v16;
	v20 =	vmul.f32 v12, v21  }
0x296: {  	v23 =	vld [tilespmem:s3+$0xFFFFFF80];
	v55 =	vunpack.i.u.bf16.f32 v31;
	v31 =	vunpack.i.l.bf16.f32 v31;
	[tilespmem:s9+$0x110] =	vst v32;
	v16 =	vmul.f32 v16, v21  }
0x297: {  	v12 =	vmul.f32 v29, v13;
	v29 =	vmul.f32 v55, v2;
	v57 =	vunpack.i.l.bf16.f32 v28;
	[tilespmem:s9+$0x1C0] =	vst v20  }
0x298: {  	v59 =	vld [tilespmem:s18+$0xFFFFFFA0];
	v20 =	vunpack.i.l.bf16.f32 v22;
	v22 =	vmul.f32 v31, v2;
	[tilespmem:s9+$0x1D0] =	vst v16;
	v16 =	vmul.f32 v26, v13  }
0x299: {  	[tilespmem:s9+$0x90] =	vst v33;
	v28 =	vunpack.i.u.bf16.f32 v28;
	v31 =	vld [tilespmem:s18+$0xFFFFFF20];
	v13 =	vmul.f32 v27, v15;
	v15 =	vmul.f32 v25, v15  }
0x29a: {  	[tilespmem:s9+$0xFFFFFE00] =	vst v19;
	v25 =	vunpack.i.u.bf16.f32 v30;
	v27 =	vunpack.i.l.bf16.f32 v30;
	v30 =	vld [tilespmem:s18+$0xFFFFFF60];
	v32 =	vmul.f32 v57, v7  }
0x29b: {  	[tilespmem:s9+$0xFFFFFE10] =	vst v24;
	v56 =	vunpack.i.u.bf16.f32 v23;
	v24 =	vmul.f32 v28, v7;
	v26 =	vld [tilespmem:s18+$0x0];
	v27 =	vmul.f32 v27, v8  }
0x29c: {  	v25 =	vmul.f32 v25, v8;
	v19 =	vmul.f32 v20, v18;
	[tilespmem:s9+$0xFFFFFEA0] =	vst v22;
	v22 =	vunpack.i.l.bf16.f32 v23  }
0x29d: {  	[tilespmem:s9+$0xFFFFFEB0] =	vst v29;
	v20 =	vmul.f32 v35, v18;
	v61 =	vunpack.i.l.bf16.f32 v59;
	v22 =	vmul.f32 v22, v14  }
0x29e: {  	v29 =	vld [tilespmem:s18+$0xFFFFFE20];
	[tilespmem:s9+$0xFFFFFFA0] =	vst v32;
	v14 =	vmul.f32 v56, v14;
	v28 =	vunpack.i.u.bf16.f32 v31;
	v31 =	vunpack.i.l.bf16.f32 v31  }
0x29f: {  	[tilespmem:s9+$0xFFFFFF20] =	vst v27;
	v32 =	vmul.f32 v61, v4;
	v27 =	vunpack.i.u.bf16.f32 v30;
	v31 =	vmul.f32 v31, v5  }
0x2a0: {  	[tilespmem:s9+$0xFFFFFFB0] =	vst v24;
	v60 =	vld [tilespmem:s18+$0xFFFFFE70];
	v18 =	vunpack.i.u.bf16.f32 v26;
	v23 =	vmul.f32 v28, v5;
	v28 =	vunpack.i.l.bf16.f32 v30  }
0x2a1: {  	[tilespmem:s9+$0xFFFFFF30] =	vst v25;
	v30 =	vld [tilespmem:s3+$0xFFFFFE40];
	v27 =	vmul.f32 v27, v6;
	v24 =	vunpack.i.l.bf16.f32 v26;
	v18 =	vmul.f32 v18, v21  }
0x2a2: {  	v25 =	vunpack.i.l.bf16.f32 v58;
	v26 =	vld [tilespmem:s18+$0xFFFFFEB0];
	v28 =	vmul.f32 v28, v6;
	v21 =	vmul.f32 v24, v21;
	[tilespmem:s9+$0x20] =	vst v31  }
0x2a3: {  	v31 =	vunpack.i.u.bf16.f32 v29;
	v29 =	vunpack.i.l.bf16.f32 v29;
	[tilespmem:s9+$0x1F0] =	vst v18;
	v18 =	vmul.f32 v25, v17  }
0x2a4: {  	v24 =	vld [tilespmem:s18+$0xFFFFFEF0];
	[tilespmem:s9+$0x30] =	vst v23;
	v25 =	vunpack.i.u.bf16.f32 v59;
	v17 =	vmul.f32 v34, v17;
	v62 =	vmul.f32 v29, v3  }
0x2a5: {  	v31 =	vmul.f32 v31, v3;
	v63 =	vld [tilespmem:s18+$0xFFFFFF30];
	[tilespmem:s9+$0xA0] =	vst v28;
	v28 =	vunpack.i.u.bf16.f32 v60;
	v29 =	vunpack.i.l.bf16.f32 v60  }
0x2a6: {  	[tilespmem:s9+$0xB0] =	vst v27;
	v25 =	vmul.f32 v25, v4;
	v28 =	vmul.f32 v28, v2;
	v23 =	vunpack.i.l.bf16.f32 v30  }
0x2a7: {  	[tilespmem:s9+$0x120] =	vst v32;
	v36 =	vld [tilespmem:s18+$0xFFFFFF70];
	v27 =	vunpack.i.u.bf16.f32 v30;
	v30 =	vmul.f32 v29, v2;
	v29 =	vunpack.i.u.bf16.f32 v26  }
0x2a8: {  	v26 =	vunpack.i.l.bf16.f32 v26;
	v23 =	vmul.f32 v23, v10;
	v10 =	vmul.f32 v27, v10;
	[tilespmem:s9+$0x130] =	vst v25  }
0x2a9: {  	[tilespmem:s9+$0xFFFFFE20] =	vst v62;
	v37 =	vmul.f32 v26, v8;
	v29 =	vmul.f32 v29, v8;
	v25 =	vunpack.i.l.bf16.f32 v24;
	v33 =	vld [tilespmem:s18+$0xFFFFFFB0]  }
0x2aa: {  	[tilespmem:s9+$0xFFFFFE30] =	vst v31;
	v24 =	vunpack.i.u.bf16.f32 v24;
	v32 =	vmul.f32 v25, v7;
	v25 =	vunpack.i.l.bf16.f32 v63  }
0x2ab: {  	v27 =	vmul.f32 v24, v7;
	[tilespmem:s9+$0xFFFFFEC0] =	vst v30;
	v24 =	vunpack.i.u.bf16.f32 v63;
	v30 =	vmul.f32 v25, v5  }
0x2ac: {  	s26 =	simm.s32 $0x8;
	v26 =	vld [tilespmem:s18+$0xFFFFFE30];
	[tilespmem:s9+$0xFFFFFED0] =	vst v28;
	v24 =	vmul.f32 v24, v5;
	v28 =	vunpack.i.u.bf16.f32 v36;
	v31 =	vunpack.i.l.bf16.f32 v36  }
0x2ad: {  	s22 =	simm.s32 $0x4360;
	s5 =	sadd.s32 $0x2, s16;
	s3 =	simm.s32 $0x5970;
	[tilespmem:s9+$0xFFFFFF40] =	vst v37;
	v25 =	vld [tilespmem:s18+$0xFFFFFE80];
	v31 =	vmul.f32 v31, v6;
	v28 =	vmul.f32 v28, v6  }
.LBB2_13:
0x2ae: {  	s6 =	sadd.s32 s26, s13;
	[tilespmem:s9+$0xFFFFFF50] =	vst v29;
	v29 =	vunpack.i.u.bf16.f32 v33;
	v33 =	vunpack.i.l.bf16.f32 v33  }
0x2af: {  	s7 =	sadd.s32 $0xA9, s6;
	s8 =	sadd.s32 $0xAA, s6;
	s11 =	sadd.s32 $0xAF, s6;
	v34 =	vld [tilespmem:s18+$0xFFFFFEC0];
	[tilespmem:s9+$0xFFFFFFC0] =	vst v32;
	v32 =	vmul.f32 v33, v4;
	v29 =	vmul.f32 v29, v4  }
0x2b0: {  	s25 =	sadd.s32 $0xAD, s6;
	v33 =	vmov s7;
	v35 =	vmov s8;
	s7 =	sadd.s32 $0xAB, s6;
	s8 =	sadd.s32 $0xAC, s6;
	v36 =	vmov s11;
	[tilespmem:s9+$0xFFFFFFD0] =	vst v27  }
0x2b1: {  	s26 =	sadd.s32 $0x8, s26;
	s11 =	sadd.s32 $0xA8, s6;
	s6 =	sadd.s32 $0xAE, s6;
	v27 =	vmov s7;
	v37 =	vmov s8;
	v36 =	vshrl.u32 v36, $0x3;
	v38 =	vld [tilespmem:s18+$0xFFFFFF00];
	[tilespmem:s9+$0x40] =	vst v30  }
0x2b2: {  	p0 =	slt.u32 s26, $0x48;
	v30 =	vmov s25;
	v39 =	vmov s6;
	v36 =	vshll.u32 v36, v1;
	[tilespmem:s9+$0x50] =	vst v24  }
0x2b3: {  	v24 =	vshrl.u32 v33, $0x3;
	v33 =	vshrl.u32 v35, $0x3;
	v35 =	vadd.s32 $0x7, v36;
	v36 =	vld [tilespmem:s18+$0xFFFFFF40];
	[tilespmem:s9+$0xC0] =	vst v31  }
0x2b4: {  	v27 =	vshrl.u32 v27, $0x3;
	v31 =	vshrl.u32 v37, $0x3;
	v35 =	vbroadcast v35, $0x0;
	[tilespmem:s9+$0xD0] =	vst v28  }
0x2b5: {  	v30 =	vshrl.u32 v30, $0x3;
	v37 =	vshrl.u32 v39, $0x3;
	v28 =	vmov s11;
	v39 =	vld [tilespmem:s18+$0xFFFFFF80];
	[tilespmem:s9+$0x140] =	vst v32  }
0x2b6: {  	v24 =	vshll.u32 v24, v1;
	v27 =	vshll.u32 v27, v1;
	v32 =	vshll.u32 v33, v1;
	[tilespmem:s9+$0x150] =	vst v29  }
0x2b7: {  	v30 =	vshll.u32 v30, v1;
	v29 =	vshll.u32 v31, v1;
	v31 =	vshll.u32 v37, v1;
	v33 =	vld [tilespmem:s18+$0xFFFFFFC0];
	[tilespmem:s17+$0xFFFFFEE0] =	vst v9  }
0x2b8: {  	v24 =	vadd.s32 $0x1, v24;
	v9 =	vshrl.u32 v28, $0x3;
	v28 =	vadd.s32 $0x2, v32;
	s18 =	sadd.s32 $0x200, s18;
	[tilespmem:s17+$0xFFFFFEF0] =	vst v11  }
0x2b9: {  	v11 =	vadd.s32 $0x3, v27;
	v27 =	vadd.s32 $0x4, v29;
	v29 =	vadd.s32 $0x5, v30;
	v30 =	vld [tilespmem:s18+$0xFFFFFFD0];
	[tilespmem:s17+$0xFFFFFF60] =	vst v12  }
0x2ba: {  	v31 =	vadd.s32 $0x6, v31;
	v9 =	vshll.u32 v9, v1;
	v12 =	vbroadcast v24, $0x0;
	v24 =	vld.idx.msk [tilespmem:v35+s21+$0x0], $0xffff;
	[tilespmem:s17+$0xFFFFFF70] =	vst v16  }
0x2bb: {  	v32 =	vunpack.i.u.bf16.f32 v26;
	v28 =	vbroadcast v28, $0x0;
	v11 =	vbroadcast v11, $0x0;
	v16 =	vld [tilespmem:s18+$0xFFFFFE10];
	[tilespmem:s17+$0xFFFFFFE0] =	vst v13  }
0x2bc: {  	v26 =	vunpack.i.l.bf16.f32 v26;
	v27 =	vbroadcast v27, $0x0;
	v29 =	vbroadcast v29, $0x0;
	v13 =	vld [tilespmem:s18+$0xFFFFFE50];
	[tilespmem:s17+$0xFFFFFFF0] =	vst v15  }
0x2bd: {  	v31 =	vbroadcast v31, $0x0;
	v9 =	vbroadcast v9, $0x0;
	v35 =	vunpack.i.u.bf16.f32 v25;
	v15 =	vld [tilespmem:s18+$0xFFFFFE90];
	[tilespmem:s17+$0x60] =	vst v19  }
0x2be: {  	v37 =	vunpack.i.l.bf16.f32 v25;
	v26 =	vmul.f32 v26, v3;
	v32 =	vmul.f32 v32, v3;
	v19 =	vld [tilespmem:s18+$0xFFFFFED0];
	[tilespmem:s17+$0x70] =	vst v20  }
0x2bf: {  	v40 =	vunpack.i.u.bf16.f32 v34;
	v34 =	vunpack.i.l.bf16.f32 v34;
	v25 =	vunpack.i.l.bf16.f32 v30;
	v20 =	vld [tilespmem:s18+$0xFFFFFF10];
	[tilespmem:s17+$0xE0] =	vst v22  }
0x2c0: {  	v30 =	vunpack.i.u.bf16.f32 v30;
	v25 =	vmul.f32 v25, v24;
	v22 =	vunpack.i.u.bf16.f32 v16;
	v41 =	vld [tilespmem:s18+$0xFFFFFF50];
	[tilespmem:s9+$0xFFFFFE40] =	vst v26  }
0x2c1: {  	v30 =	vmul.f32 v30, v24;
	v16 =	vunpack.i.l.bf16.f32 v16;
	s9 =	sadd.s32 $0x400, s9;
	v26 =	vunpack.i.u.bf16.f32 v13;
	v42 =	vld [tilespmem:s18+$0xFFFFFF90];
	[tilespmem:s3+$0xFFFFFE50] =	vst v32  }
0x2c2: {  	v13 =	vunpack.i.l.bf16.f32 v13;
	v12 =	vld.idx.msk [tilespmem:v12+s21+$0x0], $0xffff;
	v32 =	vunpack.i.u.bf16.f32 v15;
	v15 =	vunpack.i.l.bf16.f32 v15;
	[tilespmem:s9+$0x180] =	vst v25  }
0x2c3: {  	v28 =	vld.idx.msk [tilespmem:v28+s21+$0x0], $0xffff;
	v43 =	vunpack.i.u.bf16.f32 v19;
	v19 =	vunpack.i.l.bf16.f32 v19;
	[tilespmem:s9+$0x190] =	vst v30;
	v30 =	vunpack.i.u.bf16.f32 v38  }
0x2c4: {  	v38 =	vunpack.i.l.bf16.f32 v38;
	v44 =	vunpack.i.u.bf16.f32 v20;
	v20 =	vunpack.i.l.bf16.f32 v20;
	v45 =	vld [tilespmem:s18+$0xFFFFFFE0];
	[tilespmem:s17+$0xF0] =	vst v14  }
0x2c5: {  	v46 =	vunpack.i.u.bf16.f32 v36;
	v14 =	vld.idx.msk [tilespmem:v11+s21+$0x0], $0xffff;
	v11 =	vunpack.i.u.bf16.f32 v41;
	v41 =	vunpack.i.l.bf16.f32 v41;
	[tilespmem:s17+$0x160] =	vst v18  }
0x2c6: {  	v36 =	vunpack.i.l.bf16.f32 v36;
	v18 =	vld.idx.msk [tilespmem:v27+s21+$0x0], $0xffff;
	v27 =	vunpack.i.u.bf16.f32 v42;
	v42 =	vunpack.i.l.bf16.f32 v42;
	[tilespmem:s17+$0x170] =	vst v17  }
0x2c7: {  	v47 =	vunpack.i.u.bf16.f32 v39;
	v39 =	vunpack.i.l.bf16.f32 v39;
	v17 =	vunpack.i.u.bf16.f32 v33;
	v29 =	vld.idx.msk [tilespmem:v29+s21+$0x0], $0xffff;
	[tilespmem:s3+$0x1E0] =	vst v21  }
0x2c8: {  	v13 =	vmul.f32 v13, v12;
	v21 =	vmul.f32 v26, v12;
	v26 =	vld.idx.msk [tilespmem:v31+s21+$0x0], $0xffff;
	v31 =	vunpack.i.l.bf16.f32 v33;
	[tilespmem:s17+$0xFFFFFE60] =	vst v23  }
0x2c9: {  	v15 =	vmul.f32 v15, v28;
	v23 =	vmul.f32 v32, v28;
	v25 =	vld.idx.msk [tilespmem:v9+s21+$0x0], $0xffff;
	v9 =	vunpack.i.l.bf16.f32 v45;
	[tilespmem:s17+$0xFFFFFE70] =	vst v10;
	s17 =	smov.u32 s3;
	s3 =	smov.u32 s9  }
0x2ca: {  	v10 =	vunpack.i.u.bf16.f32 v45;
	[tilespmem:s9+$0xFFFFFE80] =	vst v13;
	v13 =	vmul.f32 v9, v24;
	v32 =	vld [tilespmem:s22+$0xFFFFFE40];
	v9 =	vmul.f32 v37, v2;
	s22 =	smov.u32 s18  }
0x2cb: {  	v19 =	vmul.f32 v19, v14;
	v10 =	vmul.f32 v10, v24;
	[tilespmem:s9+$0xFFFFFE90] =	vst v21  }
0x2cc: {  	v33 =	vmul.f32 v43, v14;
	v20 =	vmul.f32 v20, v18;
	v21 =	vld [tilespmem:s18+$0xFFFFFE60];
	[tilespmem:s9+$0x1A0] =	vst v13  }
0x2cd: {  	v13 =	vmul.f32 v44, v18;
	v37 =	vmul.f32 v41, v29;
	[tilespmem:s9+$0x1B0] =	vst v10  }
0x2ce: {  	v10 =	vmul.f32 v11, v29;
	v41 =	vmul.f32 v42, v26;
	[tilespmem:s9+$0xFFFFFF00] =	vst v15;
	v15 =	vld [tilespmem:s18+$0xFFFFFFF0]  }
0x2cf: {  	v42 =	vmul.f32 v16, v25;
	[tilespmem:s9+$0xFFFFFF10] =	vst v23;
	v23 =	vmul.f32 v27, v26;
	v27 =	vunpack.i.u.bf16.f32 v32  }
0x2d0: {  	v11 =	vmul.f32 v35, v2;
	v2 =	vmovc v12;
	v22 =	vmul.f32 v22, v25;
	v32 =	vunpack.i.l.bf16.f32 v32;
	v43 =	vld [tilespmem:s18+$0xFFFFFEA0];
	[tilespmem:s9+$0xFFFFFF80] =	vst v19  }
0x2d1: {  	v12 =	vmul.f32 v34, v8;
	v16 =	vunpack.i.u.bf16.f32 v21;
	v19 =	vunpack.i.l.bf16.f32 v21;
	[tilespmem:s9+$0xFFFFFF90] =	vst v33  }
0x2d2: {  	v21 =	vmul.f32 v19, v2;
	v33 =	vmul.f32 v16, v2;
	v19 =	vld [tilespmem:s18+$0xFFFFFEE0];
	[tilespmem:s9+$0x0] =	vst v20  }
0x2d3: {  	v16 =	vmul.f32 v40, v8;
	v8 =	vmovc v28;
	[tilespmem:s9+$0x10] =	vst v13;
	v20 =	vunpack.i.l.bf16.f32 v15;
	v13 =	vmul.f32 v38, v7  }
0x2d4: {  	v34 =	vunpack.i.u.bf16.f32 v15;
	v15 =	vmul.f32 v30, v7;
	v7 =	vmovc v14;
	v28 =	vld [tilespmem:s18+$0xFFFFFF20];
	[tilespmem:s9+$0x80] =	vst v37;
	v20 =	vmul.f32 v20, v24  }
0x2d5: {  	v14 =	vunpack.i.u.bf16.f32 v43;
	v30 =	vunpack.i.l.bf16.f32 v43;
	[tilespmem:s9+$0x90] =	vst v10;
	v10 =	vmul.f32 v34, v24  }
0x2d6: {  	v30 =	vmul.f32 v30, v8;
	v34 =	vmul.f32 v14, v8;
	v14 =	vld [tilespmem:s18+$0xFFFFFF60];
	[tilespmem:s9+$0x1C0] =	vst v20  }
0x2d7: {  	v20 =	vunpack.i.u.bf16.f32 v19;
	v35 =	vunpack.i.l.bf16.f32 v19;
	[tilespmem:s9+$0x1D0] =	vst v10;
	v19 =	vmul.f32 v36, v5  }
0x2d8: {  	v10 =	vmul.f32 v35, v7;
	v35 =	vmul.f32 v20, v7;
	[tilespmem:s9+$0x100] =	vst v41;
	v36 =	vld [tilespmem:s18+$0x0]  }
0x2d9: {  	v20 =	vmul.f32 v46, v5;
	v5 =	vmovc v18;
	v37 =	vunpack.i.u.bf16.f32 v28;
	v28 =	vunpack.i.l.bf16.f32 v28;
	[tilespmem:s9+$0x110] =	vst v23  }
0x2da: {  	[tilespmem:s9+$0xFFFFFE00] =	vst v42;
	v23 =	vmul.f32 v28, v5;
	v28 =	vmul.f32 v37, v5;
	v37 =	vld [tilespmem:s18+$0xFFFFFFA0]  }
0x2db: {  	[tilespmem:s9+$0xFFFFFE10] =	vst v22;
	v18 =	vunpack.i.u.bf16.f32 v14;
	v14 =	vunpack.i.l.bf16.f32 v14;
	v22 =	vmul.f32 v39, v6  }
0x2dc: {  	v38 =	vld [tilespmem:s18+$0xFFFFFE20];
	[tilespmem:s9+$0xFFFFFEA0] =	vst v21;
	v39 =	vmul.f32 v14, v29;
	v40 =	vmul.f32 v18, v29  }
0x2dd: {  	v14 =	vmul.f32 v47, v6;
	v6 =	vmovc v29;
	[tilespmem:s9+$0xFFFFFEB0] =	vst v33;
	v18 =	vunpack.i.u.bf16.f32 v36;
	v21 =	vunpack.i.l.bf16.f32 v36  }
0x2de: {  	v29 =	vld [tilespmem:s18+$0xFFFFFE70];
	[tilespmem:s9+$0xFFFFFF20] =	vst v30;
	v30 =	vmul.f32 v18, v24;
	v18 =	vmul.f32 v31, v4  }
0x2df: {  	v17 =	vmul.f32 v17, v4;
	v4 =	vmovc v26;
	[tilespmem:s9+$0xFFFFFF30] =	vst v34;
	v31 =	vunpack.i.u.bf16.f32 v37;
	v33 =	vunpack.i.l.bf16.f32 v37  }
0x2e0: {  	v26 =	vld [tilespmem:s18+$0xFFFFFEB0];
	v33 =	vmul.f32 v33, v4;
	v31 =	vmul.f32 v31, v4;
	[tilespmem:s9+$0x1F0] =	vst v30  }
0x2e1: {  	v21 =	vmul.f32 v21, v24;
	v30 =	vunpack.i.u.bf16.f32 v38;
	v34 =	vunpack.i.l.bf16.f32 v38;
	[tilespmem:s9+$0xFFFFFFA0] =	vst v10  }
0x2e2: {  	v24 =	vmul.f32 v34, v25;
	v30 =	vmul.f32 v30, v25;
	[tilespmem:s9+$0xFFFFFFB0] =	vst v35  }
0x2e3: {  	v10 =	vunpack.i.u.bf16.f32 v29;
	v29 =	vunpack.i.l.bf16.f32 v29;
	v34 =	vld [tilespmem:s18+$0xFFFFFEF0];
	[tilespmem:s9+$0x20] =	vst v23;
	v23 =	vmul.f32 v32, v3  }
0x2e4: {  	v35 =	vmul.f32 v29, v2;
	v36 =	vmul.f32 v10, v2;
	[tilespmem:s9+$0x30] =	vst v28  }
0x2e5: {  	v10 =	vmul.f32 v27, v3;
	v3 =	vmovc v25;
	v28 =	vunpack.i.u.bf16.f32 v26;
	v26 =	vunpack.i.l.bf16.f32 v26;
	v37 =	vld [tilespmem:s18+$0xFFFFFF30];
	[tilespmem:s9+$0xA0] =	vst v39  }
0x2e6: {  	v38 =	vmul.f32 v26, v8;
	v29 =	vmul.f32 v28, v8;
	[tilespmem:s9+$0xB0] =	vst v40  }
0x2e7: {  	v25 =	vld [tilespmem:s18+$0xFFFFFF70];
	[tilespmem:s9+$0x120] =	vst v33  }
0x2e8: {  	v26 =	vunpack.i.u.bf16.f32 v34;
	v27 =	vunpack.i.l.bf16.f32 v34;
	[tilespmem:s9+$0x130] =	vst v31  }
.Ltmp9:
0x2e9: {  	[tilespmem:s9+$0xFFFFFE20] =	vst v24;
	v32 =	vmul.f32 v27, v7;
	v27 =	vmul.f32 v26, v7;
	v33 =	vld [tilespmem:s18+$0xFFFFFFB0];
	(pc) =	sbr.rel @p0 .LBB2_13-.Ltmp9, $4  }
0x2ea: {  	[tilespmem:s9+$0xFFFFFE30] =	vst v30;
	v24 =	vunpack.i.u.bf16.f32 v37;
	v28 =	vunpack.i.l.bf16.f32 v37  }
0x2eb: {  	v26 =	vld [tilespmem:s18+$0xFFFFFE30];
	[tilespmem:s9+$0xFFFFFEC0] =	vst v35;
	v30 =	vmul.f32 v28, v5;
	v24 =	vmul.f32 v24, v5  }
0x2ec: {  	[tilespmem:s9+$0xFFFFFED0] =	vst v36;
	v28 =	vunpack.i.u.bf16.f32 v25;
	v31 =	vunpack.i.l.bf16.f32 v25  }
0x2ed: {  	v25 =	vld [tilespmem:s18+$0xFFFFFE80];
	[tilespmem:s9+$0xFFFFFF40] =	vst v38;
	v31 =	vmul.f32 v31, v6;
	v28 =	vmul.f32 v28, v6  }
0x2ee: {  	[tilespmem:s9+$0xFFFFFF50] =	vst v29  }
0x2ef: {  	[tilespmem:s9+$0xFFFFFFC0] =	vst v32  }
0x2f0: {  	[tilespmem:s9+$0xFFFFFFD0] =	vst v27  }
0x2f1: {  	[tilespmem:s9+$0x40] =	vst v30  }
0x2f2: {  	[tilespmem:s9+$0x50] =	vst v24  }
0x2f3: {  	[tilespmem:s17+$0xFFFFFEE0] =	vst v9  }
0x2f4: {  	[tilespmem:s17+$0xFFFFFEF0] =	vst v11  }
0x2f5: {  	[tilespmem:s17+$0xFFFFFF60] =	vst v12  }
0x2f6: {  	[tilespmem:s17+$0xFFFFFF70] =	vst v16  }
0x2f7: {  	[tilespmem:s17+$0xFFFFFFE0] =	vst v13  }
0x2f8: {  	[tilespmem:s17+$0xFFFFFFF0] =	vst v15  }
0x2f9: {  	[tilespmem:s17+$0x60] =	vst v19  }
0x2fa: {  	[tilespmem:s17+$0x70] =	vst v20  }
0x2fb: {  	[tilespmem:s17+$0xE0] =	vst v22  }
0x2fc: {  	[tilespmem:s17+$0xF0] =	vst v14  }
0x2fd: {  	[tilespmem:s17+$0x160] =	vst v18  }
0x2fe: {  	[tilespmem:s17+$0x170] =	vst v17  }
0x2ff: {  	[tilespmem:s3+$0x1E0] =	vst v21;
	v9 =	vunpack.i.l.bf16.f32 v26  }
0x300: {  	[tilespmem:s17+$0xFFFFFE60] =	vst v23;
	v9 =	vmul.f32 v9, v3  }
0x301: {  	[tilespmem:s17+$0xFFFFFE70] =	vst v10;
	v11 =	vunpack.i.u.bf16.f32 v26  }
0x302: {  	v11 =	vmul.f32 v11, v3;
	[tilespmem:s9+$0xFFFFFE40] =	vst v9;
	v9 =	vld [tilespmem:s18+$0xFFFFFEC0]  }
0x303: {  	v27 =	vunpack.i.l.bf16.f32 v33;
	[tilespmem:s9+$0xC0] =	vst v31  }
0x304: {  	v24 =	vunpack.i.u.bf16.f32 v33;
	v27 =	vmul.f32 v27, v4;
	[tilespmem:s3+$0xFFFFFE50] =	vst v11;
	v11 =	vld [tilespmem:s18+$0xFFFFFF00]  }
0x305: {  	v24 =	vmul.f32 v24, v4;
	[tilespmem:s9+$0xD0] =	vst v28;
	v12 =	vunpack.i.l.bf16.f32 v25  }
0x306: {  	v13 =	vld [tilespmem:s18+$0xFFFFFF40];
	[tilespmem:s9+$0x140] =	vst v27;
	v14 =	vunpack.i.u.bf16.f32 v25;
	v12 =	vmul.f32 v12, v2  }
0x307: {  	[tilespmem:s9+$0x150] =	vst v24;
	v2 =	vmul.f32 v14, v2;
	v15 =	vunpack.i.l.bf16.f32 v9  }
0x308: {  	v10 =	vld [tilespmem:s18+$0xFFFFFF80];
	[tilespmem:s3+$0xFFFFFEE0] =	vst v12;
	v9 =	vunpack.i.u.bf16.f32 v9;
	v14 =	vmul.f32 v15, v8  }
0x309: {  	[tilespmem:s3+$0xFFFFFEF0] =	vst v2;
	v12 =	vunpack.i.l.bf16.f32 v11;
	v8 =	vmul.f32 v9, v8  }
0x30a: {  	v2 =	vld [tilespmem:s18+$0xFFFFFFC0];
	v9 =	vunpack.i.u.bf16.f32 v11;
	v11 =	vmul.f32 v12, v7;
	[tilespmem:s3+$0xFFFFFF60] =	vst v14  }
0x30b: {  	v12 =	vunpack.i.l.bf16.f32 v13;
	v7 =	vmul.f32 v9, v7;
	[tilespmem:s3+$0xFFFFFF70] =	vst v8  }
0x30c: {  	v9 =	vld [tilespmem:s22+$0xFFFFFE40];
	v8 =	vunpack.i.u.bf16.f32 v13;
	v12 =	vmul.f32 v12, v5;
	[tilespmem:s3+$0xFFFFFFE0] =	vst v11  }
0x30d: {  	v11 =	vunpack.i.l.bf16.f32 v10;
	v5 =	vmul.f32 v8, v5;
	[tilespmem:s3+$0xFFFFFFF0] =	vst v7  }
0x30e: {  	v7 =	vunpack.i.u.bf16.f32 v10;
	v8 =	vmul.f32 v11, v6;
	[tilespmem:s3+$0x60] =	vst v12  }
0x30f: {  	v10 =	vunpack.i.l.bf16.f32 v2;
	v2 =	vunpack.i.u.bf16.f32 v2;
	v6 =	vmul.f32 v7, v6;
	[tilespmem:s3+$0x70] =	vst v5  }
0x310: {  	v2 =	vmul.f32 v2, v4;
	[tilespmem:s3+$0xE0] =	vst v8  }
0x311: {  	v5 =	vmul.f32 v10, v4;
	v7 =	vunpack.i.l.bf16.f32 v9;
	[tilespmem:s3+$0xF0] =	vst v6  }
0x312: {  	s5 =	smul.u32 $0x140, s5;
	v4 =	vunpack.i.u.bf16.f32 v9;
	[tilespmem:s3+$0x170] =	vst v2;
	v6 =	vmul.f32 v7, v3  }
0x313: {  	[tilespmem:s3+$0x160] =	vst v5;
	v3 =	vmul.f32 v4, v3  }
0x314: {  	s6 =	sadd.s32 $0xFFFFFFF8, s13;
	s5 =	sshra.s32 s5, $0x2;
	[tilespmem:s3+$0xFFFFFE60] =	vst v6  }
0x315: {  	s17 =	sadd.s32 $0xFF, s6;
	s11 =	sadd.s32 $0x7D0, s5;
	[tilespmem:s3+$0xFFFFFE70] =	vst v3  }
0x316: {  	v2 =	vmov s17;
	[spmem:s4] =	stream.indirect.scatter.add.f32 [tilespmem:s19], [sflag:$0x4], $0x80, s11, s23, $0xb8;
	[tilespmem:$0x1E370] =	vst v63  }
0x317: {  	s18 =	sadd.s32 $0x190, s15;
	v2 =	vshrl.u32 v2, $0x3  }
0x318: {  	v2 =	vshll.u32 v2, v1;
	[tilespmem:s28], [sflag:$0x3] =	stream.indirect.gather [hbm4b:s1+s23], $0x40, s18, s23, $0xb8;
	[tilespmem:$0x1E370] =	vst v63  }
0x319: {  	v2 =	vadd.s32 $0x7, v2;
	_ =	swait.ge [sflag:s29], $0x1400  }
0x31a: {  	v2 =	vbroadcast v2, $0x0;
	[sflag:s29] =	ssyncset.done $0x0  }
0x31b: {  	[sflag:s29] =	ssyncadd.s32 $0xFFFFEC00  }
0x31c: {  	_ =	swait.ge [sflag:s30], $0x2800  }
0x31d: {  	s22 =	sadd.s32 $0xF9, s6;
	[sflag:s30] =	ssyncset.done $0x0  }
0x31e: {  	s3 =	simm.s32 $0x1870;
	v3 =	vmov s22;
	[sflag:s30] =	ssyncadd.s32 $0xFFFFD800  }
0x31f: {  	v3 =	vshrl.u32 v3, $0x3;
	v4 =	vld [tilespmem:s3+$0xC0]  }
0x320: {  	v3 =	vshll.u32 v3, v1;
	v2 =	vld.idx.msk [tilespmem:v2+s21+$0x0], $0xffff  }
0x321: {  	s25 =	sadd.s32 $0xFA, s6;
	v3 =	vadd.s32 $0x1, v3  }
0x322: {  	s26 =	sadd.s32 $0xFB, s6;
	s7 =	sadd.s32 $0xFC, s6;
	v5 =	vmov s25;
	v3 =	vbroadcast v3, $0x0  }
0x323: {  	v7 =	vmov s7;
	v5 =	vshrl.u32 v5, $0x3;
	v6 =	vmov s26  }
0x324: {  	v5 =	vshll.u32 v5, v1;
	v6 =	vshrl.u32 v6, $0x3;
	v8 =	vunpack.i.l.bf16.f32 v4  }
0x325: {  	v5 =	vadd.s32 $0x2, v5;
	v4 =	vunpack.i.u.bf16.f32 v4;
	v8 =	vmul.f32 v8, v2  }
0x326: {  	s17 =	simm.s32 $0x7F60;
	v6 =	vshll.u32 v6, v1;
	v5 =	vbroadcast v5, $0x0;
	v4 =	vmul.f32 v4, v2  }
0x327: {  	s7 =	sadd.s32 $0xFD, s6;
	v7 =	vshrl.u32 v7, $0x3;
	v6 =	vadd.s32 $0x3, v6;
	v9 =	vld [tilespmem:s3+$0xFFFFFF40];
	[tilespmem:s17+$0xFFFFFF90] =	vst v8  }
0x328: {  	v7 =	vshll.u32 v7, v1;
	v6 =	vbroadcast v6, $0x0;
	v11 =	vld.idx.msk [tilespmem:v3+s21+$0x0], $0xffff;
	v8 =	vmov s7;
	[tilespmem:s17+$0xFFFFFFA0] =	vst v4  }
0x329: {  	v4 =	vadd.s32 $0x4, v7;
	v3 =	vshrl.u32 v8, $0x3;
	v7 =	vld [tilespmem:s3+$0xD0]  }
0x32a: {  	s8 =	sadd.s32 $0xF8, s6;
	s6 =	sadd.s32 $0xFE, s6;
	v4 =	vbroadcast v4, $0x0;
	v3 =	vshll.u32 v3, v1  }
0x32b: {  	v10 =	vmov s8;
	v12 =	vld [tilespmem:s3+$0xFFFFFF80];
	v8 =	vmov s6;
	v3 =	vadd.s32 $0x5, v3  }
0x32c: {  	v13 =	vld.idx.msk [tilespmem:v5+s21+$0x0], $0xffff;
	v14 =	vunpack.i.l.bf16.f32 v9;
	v8 =	vshrl.u32 v8, $0x3;
	v3 =	vbroadcast v3, $0x0  }
0x32d: {  	v9 =	vunpack.i.u.bf16.f32 v9;
	v14 =	vmul.f32 v14, v11;
	v5 =	vshll.u32 v8, v1;
	v8 =	vld [tilespmem:s3+$0xFFFFFFC0]  }
0x32e: {  	v10 =	vshrl.u32 v10, $0x3;
	v15 =	vld.idx.msk [tilespmem:v6+s21+$0x0], $0xffff;
	v6 =	vmul.f32 v9, v11;
	v9 =	vunpack.i.l.bf16.f32 v7  }
0x32f: {  	v16 =	vld [tilespmem:s3+$0x0];
	[tilespmem:s17+$0xFFFFFC90] =	vst v14;
	v5 =	vadd.s32 $0x6, v5;
	v7 =	vunpack.i.u.bf16.f32 v7;
	v9 =	vmul.f32 v9, v2  }
0x330: {  	v14 =	vunpack.i.l.bf16.f32 v12;
	[tilespmem:s17+$0xFFFFFCA0] =	vst v6;
	v5 =	vbroadcast v5, $0x0;
	v18 =	vld.idx.msk [tilespmem:v4+s21+$0x0], $0xffff;
	v4 =	vmul.f32 v7, v2  }
0x331: {  	v6 =	vshll.u32 v10, v1;
	v10 =	vunpack.i.u.bf16.f32 v12;
	v12 =	vmul.f32 v14, v13;
	v7 =	vld [tilespmem:s3+$0x40];
	[tilespmem:s17+$0xFFFFFFB0] =	vst v9  }
0x332: {  	v6 =	vbroadcast v6, $0x0;
	v9 =	vunpack.i.l.bf16.f32 v8;
	[tilespmem:s17+$0xFFFFFFC0] =	vst v4;
	v14 =	vld.idx.msk [tilespmem:v3+s21+$0x0], $0xffff;
	v3 =	vmul.f32 v10, v13  }
0x333: {  	[tilespmem:s17+$0xFFFFFD10] =	vst v12;
	v4 =	vunpack.i.u.bf16.f32 v8;
	v8 =	vmul.f32 v9, v15;
	v9 =	vld [tilespmem:s3+$0xE0]  }
0x334: {  	v10 =	vunpack.i.l.bf16.f32 v16;
	v4 =	vmul.f32 v4, v15;
	[tilespmem:s17+$0xFFFFFD20] =	vst v3  }
0x335: {  	v12 =	vunpack.i.u.bf16.f32 v16;
	v3 =	vld [tilespmem:s3+$0x80];
	v10 =	vmul.f32 v10, v18;
	[tilespmem:s17+$0xFFFFFD90] =	vst v8  }
0x336: {  	v17 =	vld.idx.msk [tilespmem:v5+s21+$0x0], $0xffff;
	v8 =	vunpack.i.l.bf16.f32 v7;
	v5 =	vmul.f32 v12, v18;
	[tilespmem:s17+$0xFFFFFDA0] =	vst v4  }
0x337: {  	v4 =	vld [tilespmem:s3+$0xFFFFFF00];
	v7 =	vunpack.i.u.bf16.f32 v7;
	[tilespmem:s17+$0xFFFFFE10] =	vst v10;
	v8 =	vmul.f32 v8, v14  }
0x338: {  	v10 =	vld.idx.msk [tilespmem:v6+s21+$0x0], $0xffff;
	[tilespmem:s17+$0xFFFFFE20] =	vst v5;
	v6 =	vmul.f32 v7, v14;
	v5 =	vunpack.i.l.bf16.f32 v9  }
0x339: {  	v7 =	vld [tilespmem:s3+$0xFFFFFF50];
	v5 =	vmul.f32 v5, v2;
	[tilespmem:s17+$0xFFFFFE90] =	vst v8;
	v8 =	vunpack.i.u.bf16.f32 v9  }
0x33a: {  	v9 =	vunpack.i.l.bf16.f32 v3;
	[tilespmem:s17+$0xFFFFFEA0] =	vst v6;
	v6 =	vmul.f32 v8, v2  }
0x33b: {  	v3 =	vunpack.i.u.bf16.f32 v3;
	v8 =	vmul.f32 v9, v17;
	v9 =	vld [tilespmem:s3+$0xFFFFFF90];
	[tilespmem:s17+$0xFFFFFFD0] =	vst v5  }
0x33c: {  	v12 =	vld [tilespmem:s3+$0xFFFFFFD0];
	v5 =	vunpack.i.l.bf16.f32 v4;
	v3 =	vmul.f32 v3, v17;
	[tilespmem:s17+$0xFFFFFFE0] =	vst v6  }
0x33d: {  	v4 =	vunpack.i.u.bf16.f32 v4;
	v5 =	vmul.f32 v5, v10;
	[tilespmem:s17+$0xFFFFFF10] =	vst v8  }
0x33e: {  	v4 =	vmul.f32 v4, v10;
	v6 =	vld [tilespmem:s3+$0x10];
	v8 =	vunpack.i.l.bf16.f32 v7;
	[tilespmem:s17+$0xFFFFFF20] =	vst v3  }
0x33f: {  	s5 =	sadd.s32 $0x0, s13;
	v3 =	vunpack.i.u.bf16.f32 v7;
	v7 =	vmul.f32 v8, v11;
	v8 =	vld [tilespmem:s3+$0x50];
	[tilespmem:s17+$0xFFFFFC10] =	vst v5  }
0x340: {  	s8 =	sadd.s32 $0xFC, s5;
	v3 =	vmul.f32 v3, v11;
	[tilespmem:s17+$0xFFFFFC20] =	vst v4;
	v19 =	vld [tilespmem:s3+$0x90];
	v5 =	vunpack.i.u.bf16.f32 v9;
	v9 =	vunpack.i.l.bf16.f32 v9  }
0x341: {  	v26 =	vmov s8;
	v16 =	vld [tilespmem:s3+$0xF0];
	[tilespmem:s17+$0xFFFFFCB0] =	vst v7;
	v7 =	vunpack.i.u.bf16.f32 v12;
	v4 =	vmul.f32 v9, v13  }
0x342: {  	[tilespmem:s17+$0xFFFFFCC0] =	vst v3;
	v5 =	vmul.f32 v5, v13;
	v9 =	vunpack.i.l.bf16.f32 v12;
	v3 =	vmul.f32 v7, v15  }
0x343: {  	s22 =	sadd.s32 $0xFB, s5;
	v9 =	vmul.f32 v9, v15;
	v12 =	vunpack.i.l.bf16.f32 v6;
	v6 =	vunpack.i.u.bf16.f32 v6;
	[tilespmem:s17+$0xFFFFFD30] =	vst v4  }
0x344: {  	v25 =	vmov s22;
	v20 =	vld [tilespmem:s3+$0xFFFFFF60];
	v7 =	vmul.f32 v12, v18;
	v4 =	vmul.f32 v6, v18;
	[tilespmem:s17+$0xFFFFFD40] =	vst v5  }
0x345: {  	v6 =	vunpack.i.u.bf16.f32 v8;
	v8 =	vunpack.i.l.bf16.f32 v8;
	[tilespmem:s17+$0xFFFFFDC0] =	vst v3;
	v3 =	vunpack.i.u.bf16.f32 v19  }
0x346: {  	v12 =	vld [tilespmem:s3+$0xFFFFFF10];
	v5 =	vmul.f32 v8, v14;
	v6 =	vmul.f32 v6, v14;
	[tilespmem:s17+$0xFFFFFDB0] =	vst v9;
	v8 =	vunpack.i.u.bf16.f32 v16  }
0x347: {  	s26 =	sadd.s32 $0xFE, s5;
	v9 =	vunpack.i.l.bf16.f32 v16;
	v16 =	vunpack.i.l.bf16.f32 v19;
	v21 =	vld [tilespmem:s3+$0xFFFFFFA0];
	v8 =	vmul.f32 v8, v2;
	[tilespmem:s17+$0xFFFFFE30] =	vst v7  }
0x348: {  	v27 =	vmov s26;
	v16 =	vmul.f32 v16, v17;
	v7 =	vmul.f32 v3, v17;
	[tilespmem:s17+$0xFFFFFE40] =	vst v4  }
0x349: {  	s9 =	sadd.s32 $0xFF, s5;
	v22 =	vld [tilespmem:s3+$0xFFFFFFE0];
	v3 =	vmul.f32 v9, v2;
	v4 =	vunpack.i.l.bf16.f32 v20;
	v9 =	vunpack.i.u.bf16.f32 v20;
	[tilespmem:s17+$0xFFFFFEC0] =	vst v6  }
0x34a: {  	v4 =	vmul.f32 v4, v11;
	v6 =	vmul.f32 v9, v11;
	[tilespmem:s17+$0xFFFFFF40] =	vst v7;
	v7 =	vmov s9  }
0x34b: {  	[tilespmem:s17+$0xFFFFFEB0] =	vst v5;
	v19 =	vunpack.i.u.bf16.f32 v12;
	v12 =	vunpack.i.l.bf16.f32 v12;
	v7 =	vshrl.u32 v7, $0x3  }
0x34c: {  	s18 =	sadd.s32 $0xFA, s5;
	v20 =	vld [tilespmem:s3+$0x60];
	[tilespmem:s17+$0xFFFFFF30] =	vst v16;
	v2 =	vmul.f32 v12, v10;
	v5 =	vmul.f32 v19, v10;
	v9 =	vunpack.i.u.bf16.f32 v21  }
0x34d: {  	v12 =	vld [tilespmem:s3+$0x20];
	v19 =	vunpack.i.l.bf16.f32 v21;
	v7 =	vshll.u32 v7, v1;
	[tilespmem:s17+$0xFFFFFCE0] =	vst v6;
	v6 =	vmov s18  }
0x34e: {  	v16 =	vmul.f32 v19, v13;
	v19 =	vunpack.i.u.bf16.f32 v22;
	v21 =	vunpack.i.l.bf16.f32 v22;
	v22 =	vld [tilespmem:s3+$0xA0]  }
0x34f: {  	v9 =	vmul.f32 v9, v13;
	v7 =	vadd.s32 $0x7, v7;
	v23 =	vmul.f32 v21, v15  }
0x350: {  	[tilespmem:s17+$0xFFFFFCD0] =	vst v4;
	v6 =	vshrl.u32 v6, $0x3;
	v19 =	vmul.f32 v19, v15;
	v7 =	vbroadcast v7, $0x0  }
0x351: {  	s25 =	sadd.s32 $0xFD, s5;
	v6 =	vshll.u32 v6, v1;
	v24 =	vunpack.i.l.bf16.f32 v20;
	v20 =	vunpack.i.u.bf16.f32 v20;
	[tilespmem:s17+$0xFFFFFD50] =	vst v16  }
0x352: {  	v16 =	vmov s25;
	[tilespmem:s17+$0xFFFFFD60] =	vst v9;
	v9 =	vshrl.u32 v25, $0x3;
	v21 =	vunpack.i.u.bf16.f32 v12  }
0x353: {  	s11 =	sadd.s32 $0xF9, s5;
	s18 =	simm.s32 $0x1A70;
	[tilespmem:s17+$0xFFFFFC30] =	vst v2;
	v24 =	vmul.f32 v24, v14;
	v2 =	vmul.f32 v21, v18;
	v21 =	vunpack.i.l.bf16.f32 v22  }
0x354: {  	s5 =	sadd.s32 $0xF8, s5;
	v28 =	vld [tilespmem:s18+$0xC0];
	[tilespmem:s17+$0xFFFFFC40] =	vst v5;
	v5 =	vmul.f32 v20, v14;
	v4 =	vmul.f32 v21, v17;
	v21 =	vmov s11  }
0x355: {  	v30 =	vld [tilespmem:s18+$0xFFFFFF80];
	[tilespmem:s17+$0xFFFFFDD0] =	vst v23;
	v23 =	vshrl.u32 v26, $0x3;
	v26 =	vmov s5;
	v21 =	vshrl.u32 v21, $0x3  }
0x356: {  	[tilespmem:s17+$0x0] =	vst v8;
	v16 =	vshrl.u32 v16, $0x3;
	v12 =	vunpack.i.l.bf16.f32 v12;
	v25 =	vshll.u32 v21, v1;
	v21 =	vld.idx.msk [tilespmem:v7+s21+$0x0], $0xffff  }
0x357: {  	v51 =	vld [tilespmem:s18+$0x80];
	[tilespmem:s17+$0xFFFFFDE0] =	vst v19;
	v19 =	vshrl.u32 v27, $0x3;
	v12 =	vmul.f32 v12, v18;
	v25 =	vadd.s32 $0x1, v25  }
0x358: {  	v29 =	vld [tilespmem:s3+$0xFFFFFFB0];
	v8 =	vshll.u32 v9, v1;
	v9 =	vshll.u32 v23, v1;
	[tilespmem:s17+$0xFFFFFED0] =	vst v24;
	v25 =	vbroadcast v25, $0x0  }
0x359: {  	v20 =	vunpack.i.u.bf16.f32 v22;
	v22 =	vld [tilespmem:s3+$0xFFFFFF20];
	v23 =	vunpack.i.l.bf16.f32 v28;
	v28 =	vunpack.i.u.bf16.f32 v28;
	[tilespmem:s17+$0xFFFFFE50] =	vst v12  }
0x35a: {  	v27 =	vld [tilespmem:s3+$0xFFFFFFF0];
	v24 =	vshrl.u32 v26, $0x3;
	v12 =	vshll.u32 v16, v1;
	[tilespmem:s17+$0xFFFFFE60] =	vst v2;
	v2 =	vadd.s32 $0x2, v6  }
0x35b: {  	v16 =	vshll.u32 v19, v1;
	v19 =	vld [tilespmem:s18+$0xFFFFFF00];
	v26 =	vbroadcast v2, $0x0;
	v23 =	vmul.f32 v23, v21  }
0x35c: {  	s9 =	simm.s32 $0x8360;
	[tilespmem:s17+$0xFFFFFEE0] =	vst v5;
	v6 =	vld [tilespmem:s18+$0xFFFFFF40];
	v2 =	vadd.s32 $0x3, v8;
	v8 =	vadd.s32 $0x4, v9;
	v28 =	vmul.f32 v28, v21  }
0x35d: {  	v20 =	vmul.f32 v20, v17;
	v7 =	vld [tilespmem:s3+$0xFFFFFF70];
	v5 =	vbroadcast v8, $0x0;
	[tilespmem:s9+$0xFFFFFF90] =	vst v23  }
0x35e: {  	v8 =	vunpack.i.l.bf16.f32 v22;
	v23 =	vshll.u32 v24, v1;
	v24 =	vbroadcast v2, $0x0;
	[tilespmem:s9+$0xFFFFFFA0] =	vst v28;
	v2 =	vld.idx.msk [tilespmem:v25+s21+$0x0], $0xffff  }
0x35f: {  	v9 =	vadd.s32 $0x5, v12;
	v16 =	vadd.s32 $0x6, v16;
	v8 =	vmul.f32 v8, v10;
	v25 =	vld [tilespmem:s18+$0xD0]  }
0x360: {  	v12 =	vld [tilespmem:s18+$0xFFFFFFC0];
	[tilespmem:s17+$0xFFFFFF50] =	vst v4;
	v9 =	vbroadcast v9, $0x0;
	v4 =	vunpack.i.u.bf16.f32 v22;
	v22 =	vbroadcast v23, $0x0  }
0x361: {  	v16 =	vbroadcast v16, $0x0;
	v4 =	vmul.f32 v4, v10;
	[tilespmem:s17+$0xFFFFFC50] =	vst v8;
	v8 =	vld.idx.msk [tilespmem:v26+s21+$0x0], $0xffff  }
0x362: {  	[tilespmem:s17+$0xFFFFFF60] =	vst v20;
	v20 =	vld [tilespmem:s18+$0x40];
	v31 =	vunpack.i.l.bf16.f32 v7;
	v28 =	vunpack.i.u.bf16.f32 v7;
	v7 =	vunpack.i.l.bf16.f32 v6  }
0x363: {  	v52 =	vunpack.i.l.bf16.f32 v30;
	[tilespmem:s17+$0xFFFFFC60] =	vst v4;
	v6 =	vunpack.i.u.bf16.f32 v6;
	v23 =	vld [tilespmem:s18+$0x0];
	v4 =	vmul.f32 v7, v2  }
0x364: {  	[tilespmem:s17+$0xFFFFFFF0] =	vst v3;
	v30 =	vunpack.i.u.bf16.f32 v30;
	v7 =	vld.idx.msk [tilespmem:v24+s21+$0x0], $0xffff;
	v3 =	vmul.f32 v6, v2;
	v6 =	vunpack.i.l.bf16.f32 v25  }
0x365: {  	v32 =	vunpack.i.u.bf16.f32 v51;
	v5 =	vld.idx.msk [tilespmem:v5+s21+$0x0], $0xffff;
	[tilespmem:s9+$0xFFFFFC90] =	vst v4;
	v4 =	vunpack.i.u.bf16.f32 v25;
	v25 =	vmul.f32 v6, v21  }
0x366: {  	v34 =	vunpack.i.u.bf16.f32 v12;
	v12 =	vunpack.i.l.bf16.f32 v12;
	[tilespmem:s9+$0xFFFFFCA0] =	vst v3;
	v3 =	vld.idx.msk [tilespmem:v22+s21+$0x0], $0xffff;
	v22 =	vmul.f32 v30, v8  }
0x367: {  	v53 =	vunpack.i.u.bf16.f32 v20;
	v20 =	vunpack.i.l.bf16.f32 v20;
	v6 =	vld.idx.msk [tilespmem:v9+s21+$0x0], $0xffff;
	v9 =	vmul.f32 v4, v21;
	[tilespmem:s9+$0xFFFFFFB0] =	vst v25  }
0x368: {  	v26 =	vunpack.i.u.bf16.f32 v29;
	v29 =	vunpack.i.l.bf16.f32 v29;
	v4 =	vld.idx.msk [tilespmem:v16+s21+$0x0], $0xffff;
	v16 =	vmul.f32 v52, v8;
	[tilespmem:s9+$0xFFFFFD20] =	vst v22  }
0x369: {  	v58 =	vld [tilespmem:s3+$0xB0];
	v30 =	vunpack.i.u.bf16.f32 v23;
	v23 =	vunpack.i.l.bf16.f32 v23;
	[tilespmem:s9+$0xFFFFFFC0] =	vst v9;
	v12 =	vmul.f32 v12, v7  }
0x36a: {  	v24 =	vunpack.i.u.bf16.f32 v19;
	v23 =	vmul.f32 v23, v5;
	[tilespmem:s9+$0xFFFFFD10] =	vst v16;
	v34 =	vmul.f32 v34, v7;
	v16 =	vld [tilespmem:s18+$0xE0]  }
0x36b: {  	v19 =	vunpack.i.l.bf16.f32 v19;
	v30 =	vmul.f32 v30, v5;
	v22 =	vld [tilespmem:s3+$0x30];
	v9 =	vmul.f32 v31, v11;
	[tilespmem:s9+$0xFFFFFD90] =	vst v12  }
0x36c: {  	v25 =	vunpack.i.u.bf16.f32 v27;
	v31 =	vld [tilespmem:s18+$0xFFFFFF50];
	v11 =	vmul.f32 v28, v11;
	v20 =	vmul.f32 v20, v6;
	[tilespmem:s9+$0xFFFFFDA0] =	vst v34  }
0x36d: {  	[tilespmem:s9+$0xFFFFFE10] =	vst v23;
	v12 =	vunpack.i.l.bf16.f32 v51;
	v33 =	vmul.f32 v53, v6;
	v19 =	vmul.f32 v19, v3;
	v28 =	vld [tilespmem:s18+$0xFFFFFFD0]  }
0x36e: {  	v27 =	vunpack.i.l.bf16.f32 v27;
	[tilespmem:s9+$0xFFFFFE20] =	vst v30;
	v24 =	vmul.f32 v24, v3;
	v54 =	vmul.f32 v12, v4  }
0x36f: {  	v34 =	vunpack.i.u.bf16.f32 v58;
	v32 =	vmul.f32 v32, v4;
	[tilespmem:s9+$0xFFFFFE90] =	vst v20;
	v12 =	vunpack.i.l.bf16.f32 v16  }
0x370: {  	v30 =	vld [tilespmem:s18+$0xFFFFFF90];
	v35 =	vunpack.i.u.bf16.f32 v22;
	[tilespmem:s9+$0xFFFFFF10] =	vst v54;
	v16 =	vunpack.i.u.bf16.f32 v16;
	v20 =	vmul.f32 v12, v21  }
0x371: {  	v23 =	vld [tilespmem:s3+$0x70];
	v55 =	vunpack.i.u.bf16.f32 v31;
	v31 =	vunpack.i.l.bf16.f32 v31;
	[tilespmem:s9+$0xFFFFFF20] =	vst v32;
	v16 =	vmul.f32 v16, v21  }
0x372: {  	v12 =	vmul.f32 v29, v13;
	v29 =	vmul.f32 v55, v2;
	v57 =	vunpack.i.l.bf16.f32 v28;
	[tilespmem:s9+$0xFFFFFFD0] =	vst v20  }
0x373: {  	v59 =	vld [tilespmem:s18+$0x90];
	v20 =	vunpack.i.l.bf16.f32 v22;
	v22 =	vmul.f32 v31, v2;
	[tilespmem:s9+$0xFFFFFFE0] =	vst v16;
	v16 =	vmul.f32 v26, v13  }
0x374: {  	[tilespmem:s9+$0xFFFFFEA0] =	vst v33;
	v28 =	vunpack.i.u.bf16.f32 v28;
	v31 =	vld [tilespmem:s18+$0x10];
	v13 =	vmul.f32 v27, v15;
	v15 =	vmul.f32 v25, v15  }
0x375: {  	[tilespmem:s9+$0xFFFFFC10] =	vst v19;
	v25 =	vunpack.i.u.bf16.f32 v30;
	v27 =	vunpack.i.l.bf16.f32 v30;
	v30 =	vld [tilespmem:s18+$0x50];
	v32 =	vmul.f32 v57, v7  }
0x376: {  	[tilespmem:s9+$0xFFFFFC20] =	vst v24;
	v56 =	vunpack.i.u.bf16.f32 v23;
	v24 =	vmul.f32 v28, v7;
	v26 =	vld [tilespmem:s18+$0xF0];
	v27 =	vmul.f32 v27, v8  }
0x377: {  	v25 =	vmul.f32 v25, v8;
	v19 =	vmul.f32 v20, v18;
	[tilespmem:s9+$0xFFFFFCB0] =	vst v22;
	v22 =	vunpack.i.l.bf16.f32 v23  }
0x378: {  	[tilespmem:s9+$0xFFFFFCC0] =	vst v29;
	v20 =	vmul.f32 v35, v18;
	v61 =	vunpack.i.l.bf16.f32 v59;
	v22 =	vmul.f32 v22, v14  }
0x379: {  	v29 =	vld [tilespmem:s18+$0xFFFFFF10];
	[tilespmem:s9+$0xFFFFFDB0] =	vst v32;
	v14 =	vmul.f32 v56, v14;
	v28 =	vunpack.i.u.bf16.f32 v31;
	v31 =	vunpack.i.l.bf16.f32 v31  }
0x37a: {  	[tilespmem:s9+$0xFFFFFD30] =	vst v27;
	v32 =	vmul.f32 v61, v4;
	v27 =	vunpack.i.u.bf16.f32 v30;
	v31 =	vmul.f32 v31, v5  }
0x37b: {  	[tilespmem:s9+$0xFFFFFDC0] =	vst v24;
	v60 =	vld [tilespmem:s18+$0xFFFFFF60];
	v18 =	vunpack.i.u.bf16.f32 v26;
	v23 =	vmul.f32 v28, v5;
	v28 =	vunpack.i.l.bf16.f32 v30  }
0x37c: {  	[tilespmem:s9+$0xFFFFFD40] =	vst v25;
	v30 =	vld [tilespmem:s3+$0xFFFFFF30];
	v27 =	vmul.f32 v27, v6;
	v24 =	vunpack.i.l.bf16.f32 v26;
	v18 =	vmul.f32 v18, v21  }
0x37d: {  	v25 =	vunpack.i.l.bf16.f32 v58;
	v26 =	vld [tilespmem:s18+$0xFFFFFFA0];
	v28 =	vmul.f32 v28, v6;
	v21 =	vmul.f32 v24, v21;
	[tilespmem:s9+$0xFFFFFE30] =	vst v31  }
0x37e: {  	v31 =	vunpack.i.u.bf16.f32 v29;
	v29 =	vunpack.i.l.bf16.f32 v29;
	[tilespmem:s9+$0x0] =	vst v18;
	v18 =	vmul.f32 v25, v17  }
0x37f: {  	v24 =	vld [tilespmem:s18+$0xFFFFFFE0];
	[tilespmem:s9+$0xFFFFFE40] =	vst v23;
	v25 =	vunpack.i.u.bf16.f32 v59;
	v17 =	vmul.f32 v34, v17;
	v62 =	vmul.f32 v29, v3  }
0x380: {  	v31 =	vmul.f32 v31, v3;
	v63 =	vld [tilespmem:s18+$0x20];
	[tilespmem:s9+$0xFFFFFEB0] =	vst v28;
	v28 =	vunpack.i.u.bf16.f32 v60;
	v29 =	vunpack.i.l.bf16.f32 v60  }
0x381: {  	[tilespmem:s9+$0xFFFFFEC0] =	vst v27;
	v25 =	vmul.f32 v25, v4;
	v28 =	vmul.f32 v28, v2;
	v23 =	vunpack.i.l.bf16.f32 v30  }
0x382: {  	[tilespmem:s9+$0xFFFFFF30] =	vst v32;
	v36 =	vld [tilespmem:s18+$0x60];
	v27 =	vunpack.i.u.bf16.f32 v30;
	v30 =	vmul.f32 v29, v2;
	v29 =	vunpack.i.u.bf16.f32 v26  }
0x383: {  	v26 =	vunpack.i.l.bf16.f32 v26;
	v23 =	vmul.f32 v23, v10;
	v10 =	vmul.f32 v27, v10;
	[tilespmem:s9+$0xFFFFFF40] =	vst v25  }
0x384: {  	[tilespmem:s9+$0xFFFFFC30] =	vst v62;
	v37 =	vmul.f32 v26, v8;
	v29 =	vmul.f32 v29, v8;
	v25 =	vunpack.i.l.bf16.f32 v24;
	v33 =	vld [tilespmem:s18+$0xA0]  }
0x385: {  	[tilespmem:s9+$0xFFFFFC40] =	vst v31;
	v24 =	vunpack.i.u.bf16.f32 v24;
	v32 =	vmul.f32 v25, v7;
	v25 =	vunpack.i.l.bf16.f32 v63  }
0x386: {  	v27 =	vmul.f32 v24, v7;
	[tilespmem:s9+$0xFFFFFCD0] =	vst v30;
	v24 =	vunpack.i.u.bf16.f32 v63;
	v30 =	vmul.f32 v25, v5  }
0x387: {  	s26 =	simm.s32 $0x8;
	v26 =	vld [tilespmem:s18+$0xFFFFFF20];
	[tilespmem:s9+$0xFFFFFCE0] =	vst v28;
	v24 =	vmul.f32 v24, v5;
	v28 =	vunpack.i.u.bf16.f32 v36;
	v31 =	vunpack.i.l.bf16.f32 v36  }
0x388: {  	s22 =	simm.s32 $0x1A70;
	s5 =	sadd.s32 $0x3, s16;
	s3 =	simm.s32 $0x8360;
	[tilespmem:s9+$0xFFFFFD50] =	vst v37;
	v25 =	vld [tilespmem:s18+$0xFFFFFF70];
	v31 =	vmul.f32 v31, v6;
	v28 =	vmul.f32 v28, v6  }
.LBB2_15:
0x389: {  	s6 =	sadd.s32 s26, s13;
	[tilespmem:s9+$0xFFFFFD60] =	vst v29;
	v29 =	vunpack.i.u.bf16.f32 v33;
	v33 =	vunpack.i.l.bf16.f32 v33  }
0x38a: {  	s7 =	sadd.s32 $0xF9, s6;
	s8 =	sadd.s32 $0xFA, s6;
	s11 =	sadd.s32 $0xFF, s6;
	v34 =	vld [tilespmem:s18+$0xFFFFFFB0];
	[tilespmem:s9+$0xFFFFFDD0] =	vst v32;
	v32 =	vmul.f32 v33, v4;
	v29 =	vmul.f32 v29, v4  }
0x38b: {  	s25 =	sadd.s32 $0xFD, s6;
	v33 =	vmov s7;
	v35 =	vmov s8;
	s7 =	sadd.s32 $0xFB, s6;
	s8 =	sadd.s32 $0xFC, s6;
	v36 =	vmov s11;
	[tilespmem:s9+$0xFFFFFDE0] =	vst v27  }
0x38c: {  	s26 =	sadd.s32 $0x8, s26;
	s11 =	sadd.s32 $0xF8, s6;
	s6 =	sadd.s32 $0xFE, s6;
	v27 =	vmov s7;
	v37 =	vmov s8;
	v36 =	vshrl.u32 v36, $0x3;
	v38 =	vld [tilespmem:s18+$0xFFFFFFF0];
	[tilespmem:s9+$0xFFFFFE50] =	vst v30  }
0x38d: {  	p0 =	slt.u32 s26, $0x48;
	v30 =	vmov s25;
	v39 =	vmov s6;
	v36 =	vshll.u32 v36, v1;
	[tilespmem:s9+$0xFFFFFE60] =	vst v24  }
0x38e: {  	v24 =	vshrl.u32 v33, $0x3;
	v33 =	vshrl.u32 v35, $0x3;
	v35 =	vadd.s32 $0x7, v36;
	v36 =	vld [tilespmem:s18+$0x30];
	[tilespmem:s9+$0xFFFFFED0] =	vst v31  }
0x38f: {  	v27 =	vshrl.u32 v27, $0x3;
	v31 =	vshrl.u32 v37, $0x3;
	v35 =	vbroadcast v35, $0x0;
	[tilespmem:s9+$0xFFFFFEE0] =	vst v28  }
0x390: {  	v30 =	vshrl.u32 v30, $0x3;
	v37 =	vshrl.u32 v39, $0x3;
	v28 =	vmov s11;
	v39 =	vld [tilespmem:s18+$0x70];
	[tilespmem:s9+$0xFFFFFF50] =	vst v32  }
0x391: {  	v24 =	vshll.u32 v24, v1;
	v27 =	vshll.u32 v27, v1;
	v32 =	vshll.u32 v33, v1;
	[tilespmem:s9+$0xFFFFFF60] =	vst v29  }
0x392: {  	v30 =	vshll.u32 v30, v1;
	v29 =	vshll.u32 v31, v1;
	v31 =	vshll.u32 v37, v1;
	v33 =	vld [tilespmem:s18+$0xB0];
	[tilespmem:s17+$0xFFFFFCF0] =	vst v9  }
0x393: {  	v24 =	vadd.s32 $0x1, v24;
	v9 =	vshrl.u32 v28, $0x3;
	v28 =	vadd.s32 $0x2, v32;
	s18 =	sadd.s32 $0x200, s18;
	[tilespmem:s17+$0xFFFFFD00] =	vst v11  }
0x394: {  	v11 =	vadd.s32 $0x3, v27;
	v27 =	vadd.s32 $0x4, v29;
	v29 =	vadd.s32 $0x5, v30;
	v30 =	vld [tilespmem:s18+$0xC0];
	[tilespmem:s17+$0xFFFFFD70] =	vst v12  }
0x395: {  	v31 =	vadd.s32 $0x6, v31;
	v9 =	vshll.u32 v9, v1;
	v12 =	vbroadcast v24, $0x0;
	v24 =	vld.idx.msk [tilespmem:v35+s21+$0x0], $0xffff;
	[tilespmem:s17+$0xFFFFFD80] =	vst v16  }
0x396: {  	v32 =	vunpack.i.u.bf16.f32 v26;
	v28 =	vbroadcast v28, $0x0;
	v11 =	vbroadcast v11, $0x0;
	v16 =	vld [tilespmem:s18+$0xFFFFFF00];
	[tilespmem:s17+$0xFFFFFDF0] =	vst v13  }
0x397: {  	v26 =	vunpack.i.l.bf16.f32 v26;
	v27 =	vbroadcast v27, $0x0;
	v29 =	vbroadcast v29, $0x0;
	v13 =	vld [tilespmem:s18+$0xFFFFFF40];
	[tilespmem:s17+$0xFFFFFE00] =	vst v15  }
0x398: {  	v31 =	vbroadcast v31, $0x0;
	v9 =	vbroadcast v9, $0x0;
	v35 =	vunpack.i.u.bf16.f32 v25;
	v15 =	vld [tilespmem:s18+$0xFFFFFF80];
	[tilespmem:s17+$0xFFFFFE70] =	vst v19  }
0x399: {  	v37 =	vunpack.i.l.bf16.f32 v25;
	v26 =	vmul.f32 v26, v3;
	v32 =	vmul.f32 v32, v3;
	v19 =	vld [tilespmem:s18+$0xFFFFFFC0];
	[tilespmem:s17+$0xFFFFFE80] =	vst v20  }
0x39a: {  	v40 =	vunpack.i.u.bf16.f32 v34;
	v34 =	vunpack.i.l.bf16.f32 v34;
	v25 =	vunpack.i.l.bf16.f32 v30;
	v20 =	vld [tilespmem:s18+$0x0];
	[tilespmem:s17+$0xFFFFFEF0] =	vst v22  }
0x39b: {  	v30 =	vunpack.i.u.bf16.f32 v30;
	v25 =	vmul.f32 v25, v24;
	v22 =	vunpack.i.u.bf16.f32 v16;
	v41 =	vld [tilespmem:s18+$0x40];
	[tilespmem:s9+$0xFFFFFC50] =	vst v26  }
0x39c: {  	v30 =	vmul.f32 v30, v24;
	v16 =	vunpack.i.l.bf16.f32 v16;
	s9 =	sadd.s32 $0x400, s9;
	v26 =	vunpack.i.u.bf16.f32 v13;
	v42 =	vld [tilespmem:s18+$0x80];
	[tilespmem:s3+$0xFFFFFC60] =	vst v32  }
0x39d: {  	v13 =	vunpack.i.l.bf16.f32 v13;
	v12 =	vld.idx.msk [tilespmem:v12+s21+$0x0], $0xffff;
	v32 =	vunpack.i.u.bf16.f32 v15;
	v15 =	vunpack.i.l.bf16.f32 v15;
	[tilespmem:s9+$0xFFFFFF90] =	vst v25  }
0x39e: {  	v28 =	vld.idx.msk [tilespmem:v28+s21+$0x0], $0xffff;
	v43 =	vunpack.i.u.bf16.f32 v19;
	v19 =	vunpack.i.l.bf16.f32 v19;
	[tilespmem:s9+$0xFFFFFFA0] =	vst v30;
	v30 =	vunpack.i.u.bf16.f32 v38  }
0x39f: {  	v38 =	vunpack.i.l.bf16.f32 v38;
	v44 =	vunpack.i.u.bf16.f32 v20;
	v20 =	vunpack.i.l.bf16.f32 v20;
	v45 =	vld [tilespmem:s18+$0xD0];
	[tilespmem:s17+$0xFFFFFF00] =	vst v14  }
0x3a0: {  	v46 =	vunpack.i.u.bf16.f32 v36;
	v14 =	vld.idx.msk [tilespmem:v11+s21+$0x0], $0xffff;
	v11 =	vunpack.i.u.bf16.f32 v41;
	v41 =	vunpack.i.l.bf16.f32 v41;
	[tilespmem:s17+$0xFFFFFF70] =	vst v18  }
0x3a1: {  	v36 =	vunpack.i.l.bf16.f32 v36;
	v18 =	vld.idx.msk [tilespmem:v27+s21+$0x0], $0xffff;
	v27 =	vunpack.i.u.bf16.f32 v42;
	v42 =	vunpack.i.l.bf16.f32 v42;
	[tilespmem:s17+$0xFFFFFF80] =	vst v17  }
0x3a2: {  	v47 =	vunpack.i.u.bf16.f32 v39;
	v39 =	vunpack.i.l.bf16.f32 v39;
	v17 =	vunpack.i.u.bf16.f32 v33;
	v29 =	vld.idx.msk [tilespmem:v29+s21+$0x0], $0xffff;
	[tilespmem:s3+$0xFFFFFFF0] =	vst v21  }
0x3a3: {  	v13 =	vmul.f32 v13, v12;
	v21 =	vmul.f32 v26, v12;
	v26 =	vld.idx.msk [tilespmem:v31+s21+$0x0], $0xffff;
	v31 =	vunpack.i.l.bf16.f32 v33;
	[tilespmem:s17+$0xFFFFFC70] =	vst v23  }
0x3a4: {  	v15 =	vmul.f32 v15, v28;
	v23 =	vmul.f32 v32, v28;
	v25 =	vld.idx.msk [tilespmem:v9+s21+$0x0], $0xffff;
	v9 =	vunpack.i.l.bf16.f32 v45;
	[tilespmem:s17+$0xFFFFFC80] =	vst v10;
	s17 =	smov.u32 s3;
	s3 =	smov.u32 s9  }
0x3a5: {  	v10 =	vunpack.i.u.bf16.f32 v45;
	[tilespmem:s9+$0xFFFFFC90] =	vst v13;
	v13 =	vmul.f32 v9, v24;
	v32 =	vld [tilespmem:s22+$0xFFFFFF30];
	v9 =	vmul.f32 v37, v2;
	s22 =	smov.u32 s18  }
0x3a6: {  	v19 =	vmul.f32 v19, v14;
	v10 =	vmul.f32 v10, v24;
	[tilespmem:s9+$0xFFFFFCA0] =	vst v21  }
0x3a7: {  	v33 =	vmul.f32 v43, v14;
	v20 =	vmul.f32 v20, v18;
	v21 =	vld [tilespmem:s18+$0xFFFFFF50];
	[tilespmem:s9+$0xFFFFFFB0] =	vst v13  }
0x3a8: {  	v13 =	vmul.f32 v44, v18;
	v37 =	vmul.f32 v41, v29;
	[tilespmem:s9+$0xFFFFFFC0] =	vst v10  }
0x3a9: {  	v10 =	vmul.f32 v11, v29;
	v41 =	vmul.f32 v42, v26;
	[tilespmem:s9+$0xFFFFFD10] =	vst v15;
	v15 =	vld [tilespmem:s18+$0xE0]  }
0x3aa: {  	v42 =	vmul.f32 v16, v25;
	[tilespmem:s9+$0xFFFFFD20] =	vst v23;
	v23 =	vmul.f32 v27, v26;
	v27 =	vunpack.i.u.bf16.f32 v32  }
0x3ab: {  	v11 =	vmul.f32 v35, v2;
	v2 =	vmovc v12;
	v22 =	vmul.f32 v22, v25;
	v32 =	vunpack.i.l.bf16.f32 v32;
	v43 =	vld [tilespmem:s18+$0xFFFFFF90];
	[tilespmem:s9+$0xFFFFFD90] =	vst v19  }
0x3ac: {  	v12 =	vmul.f32 v34, v8;
	v16 =	vunpack.i.u.bf16.f32 v21;
	v19 =	vunpack.i.l.bf16.f32 v21;
	[tilespmem:s9+$0xFFFFFDA0] =	vst v33  }
0x3ad: {  	v21 =	vmul.f32 v19, v2;
	v33 =	vmul.f32 v16, v2;
	v19 =	vld [tilespmem:s18+$0xFFFFFFD0];
	[tilespmem:s9+$0xFFFFFE10] =	vst v20  }
0x3ae: {  	v16 =	vmul.f32 v40, v8;
	v8 =	vmovc v28;
	[tilespmem:s9+$0xFFFFFE20] =	vst v13;
	v20 =	vunpack.i.l.bf16.f32 v15;
	v13 =	vmul.f32 v38, v7  }
0x3af: {  	v34 =	vunpack.i.u.bf16.f32 v15;
	v15 =	vmul.f32 v30, v7;
	v7 =	vmovc v14;
	v28 =	vld [tilespmem:s18+$0x10];
	[tilespmem:s9+$0xFFFFFE90] =	vst v37;
	v20 =	vmul.f32 v20, v24  }
0x3b0: {  	v14 =	vunpack.i.u.bf16.f32 v43;
	v30 =	vunpack.i.l.bf16.f32 v43;
	[tilespmem:s9+$0xFFFFFEA0] =	vst v10;
	v10 =	vmul.f32 v34, v24  }
0x3b1: {  	v30 =	vmul.f32 v30, v8;
	v34 =	vmul.f32 v14, v8;
	v14 =	vld [tilespmem:s18+$0x50];
	[tilespmem:s9+$0xFFFFFFD0] =	vst v20  }
0x3b2: {  	v20 =	vunpack.i.u.bf16.f32 v19;
	v35 =	vunpack.i.l.bf16.f32 v19;
	[tilespmem:s9+$0xFFFFFFE0] =	vst v10;
	v19 =	vmul.f32 v36, v5  }
0x3b3: {  	v10 =	vmul.f32 v35, v7;
	v35 =	vmul.f32 v20, v7;
	[tilespmem:s9+$0xFFFFFF10] =	vst v41;
	v36 =	vld [tilespmem:s18+$0xF0]  }
0x3b4: {  	v20 =	vmul.f32 v46, v5;
	v5 =	vmovc v18;
	v37 =	vunpack.i.u.bf16.f32 v28;
	v28 =	vunpack.i.l.bf16.f32 v28;
	[tilespmem:s9+$0xFFFFFF20] =	vst v23  }
0x3b5: {  	[tilespmem:s9+$0xFFFFFC10] =	vst v42;
	v23 =	vmul.f32 v28, v5;
	v28 =	vmul.f32 v37, v5;
	v37 =	vld [tilespmem:s18+$0x90]  }
0x3b6: {  	[tilespmem:s9+$0xFFFFFC20] =	vst v22;
	v18 =	vunpack.i.u.bf16.f32 v14;
	v14 =	vunpack.i.l.bf16.f32 v14;
	v22 =	vmul.f32 v39, v6  }
0x3b7: {  	v38 =	vld [tilespmem:s18+$0xFFFFFF10];
	[tilespmem:s9+$0xFFFFFCB0] =	vst v21;
	v39 =	vmul.f32 v14, v29;
	v40 =	vmul.f32 v18, v29  }
0x3b8: {  	v14 =	vmul.f32 v47, v6;
	v6 =	vmovc v29;
	[tilespmem:s9+$0xFFFFFCC0] =	vst v33;
	v18 =	vunpack.i.u.bf16.f32 v36;
	v21 =	vunpack.i.l.bf16.f32 v36  }
0x3b9: {  	v29 =	vld [tilespmem:s18+$0xFFFFFF60];
	[tilespmem:s9+$0xFFFFFD30] =	vst v30;
	v30 =	vmul.f32 v18, v24;
	v18 =	vmul.f32 v31, v4  }
0x3ba: {  	v17 =	vmul.f32 v17, v4;
	v4 =	vmovc v26;
	[tilespmem:s9+$0xFFFFFD40] =	vst v34;
	v31 =	vunpack.i.u.bf16.f32 v37;
	v33 =	vunpack.i.l.bf16.f32 v37  }
0x3bb: {  	v26 =	vld [tilespmem:s18+$0xFFFFFFA0];
	v33 =	vmul.f32 v33, v4;
	v31 =	vmul.f32 v31, v4;
	[tilespmem:s9+$0x0] =	vst v30  }
0x3bc: {  	v21 =	vmul.f32 v21, v24;
	v30 =	vunpack.i.u.bf16.f32 v38;
	v34 =	vunpack.i.l.bf16.f32 v38;
	[tilespmem:s9+$0xFFFFFDB0] =	vst v10  }
0x3bd: {  	v24 =	vmul.f32 v34, v25;
	v30 =	vmul.f32 v30, v25;
	[tilespmem:s9+$0xFFFFFDC0] =	vst v35  }
0x3be: {  	v10 =	vunpack.i.u.bf16.f32 v29;
	v29 =	vunpack.i.l.bf16.f32 v29;
	v34 =	vld [tilespmem:s18+$0xFFFFFFE0];
	[tilespmem:s9+$0xFFFFFE30] =	vst v23;
	v23 =	vmul.f32 v32, v3  }
0x3bf: {  	v35 =	vmul.f32 v29, v2;
	v36 =	vmul.f32 v10, v2;
	[tilespmem:s9+$0xFFFFFE40] =	vst v28  }
0x3c0: {  	v10 =	vmul.f32 v27, v3;
	v3 =	vmovc v25;
	v28 =	vunpack.i.u.bf16.f32 v26;
	v26 =	vunpack.i.l.bf16.f32 v26;
	v37 =	vld [tilespmem:s18+$0x20];
	[tilespmem:s9+$0xFFFFFEB0] =	vst v39  }
0x3c1: {  	v38 =	vmul.f32 v26, v8;
	v29 =	vmul.f32 v28, v8;
	[tilespmem:s9+$0xFFFFFEC0] =	vst v40  }
0x3c2: {  	v25 =	vld [tilespmem:s18+$0x60];
	[tilespmem:s9+$0xFFFFFF30] =	vst v33  }
0x3c3: {  	v26 =	vunpack.i.u.bf16.f32 v34;
	v27 =	vunpack.i.l.bf16.f32 v34;
	[tilespmem:s9+$0xFFFFFF40] =	vst v31  }
.Ltmp10:
0x3c4: {  	[tilespmem:s9+$0xFFFFFC30] =	vst v24;
	v32 =	vmul.f32 v27, v7;
	v27 =	vmul.f32 v26, v7;
	v33 =	vld [tilespmem:s18+$0xA0];
	(pc) =	sbr.rel @p0 .LBB2_15-.Ltmp10, $4  }
0x3c5: {  	[tilespmem:s9+$0xFFFFFC40] =	vst v30;
	v24 =	vunpack.i.u.bf16.f32 v37;
	v28 =	vunpack.i.l.bf16.f32 v37  }
0x3c6: {  	v26 =	vld [tilespmem:s18+$0xFFFFFF20];
	[tilespmem:s9+$0xFFFFFCD0] =	vst v35;
	v30 =	vmul.f32 v28, v5;
	v24 =	vmul.f32 v24, v5  }
0x3c7: {  	[tilespmem:s9+$0xFFFFFCE0] =	vst v36;
	v28 =	vunpack.i.u.bf16.f32 v25;
	v31 =	vunpack.i.l.bf16.f32 v25  }
0x3c8: {  	v25 =	vld [tilespmem:s18+$0xFFFFFF70];
	[tilespmem:s9+$0xFFFFFD50] =	vst v38;
	v31 =	vmul.f32 v31, v6;
	v28 =	vmul.f32 v28, v6  }
0x3c9: {  	[tilespmem:s9+$0xFFFFFD60] =	vst v29  }
0x3ca: {  	[tilespmem:s9+$0xFFFFFDD0] =	vst v32  }
0x3cb: {  	[tilespmem:s9+$0xFFFFFDE0] =	vst v27  }
0x3cc: {  	[tilespmem:s9+$0xFFFFFE50] =	vst v30  }
0x3cd: {  	[tilespmem:s9+$0xFFFFFE60] =	vst v24  }
0x3ce: {  	[tilespmem:s17+$0xFFFFFCF0] =	vst v9  }
0x3cf: {  	[tilespmem:s17+$0xFFFFFD00] =	vst v11  }
0x3d0: {  	[tilespmem:s17+$0xFFFFFD70] =	vst v12  }
0x3d1: {  	[tilespmem:s17+$0xFFFFFD80] =	vst v16  }
0x3d2: {  	[tilespmem:s17+$0xFFFFFDF0] =	vst v13  }
0x3d3: {  	[tilespmem:s17+$0xFFFFFE00] =	vst v15  }
0x3d4: {  	[tilespmem:s17+$0xFFFFFE70] =	vst v19  }
0x3d5: {  	[tilespmem:s17+$0xFFFFFE80] =	vst v20  }
0x3d6: {  	[tilespmem:s17+$0xFFFFFEF0] =	vst v22  }
0x3d7: {  	[tilespmem:s17+$0xFFFFFF00] =	vst v14  }
0x3d8: {  	[tilespmem:s17+$0xFFFFFF70] =	vst v18  }
0x3d9: {  	[tilespmem:s17+$0xFFFFFF80] =	vst v17  }
0x3da: {  	[tilespmem:s3+$0xFFFFFFF0] =	vst v21;
	v9 =	vunpack.i.l.bf16.f32 v26  }
0x3db: {  	[tilespmem:s17+$0xFFFFFC70] =	vst v23;
	v9 =	vmul.f32 v9, v3  }
0x3dc: {  	[tilespmem:s17+$0xFFFFFC80] =	vst v10;
	v11 =	vunpack.i.u.bf16.f32 v26  }
0x3dd: {  	v11 =	vmul.f32 v11, v3;
	[tilespmem:s9+$0xFFFFFC50] =	vst v9;
	v9 =	vld [tilespmem:s18+$0xFFFFFFB0]  }
0x3de: {  	v27 =	vunpack.i.l.bf16.f32 v33;
	[tilespmem:s9+$0xFFFFFED0] =	vst v31  }
0x3df: {  	v24 =	vunpack.i.u.bf16.f32 v33;
	v27 =	vmul.f32 v27, v4;
	[tilespmem:s3+$0xFFFFFC60] =	vst v11;
	v11 =	vld [tilespmem:s18+$0xFFFFFFF0]  }
0x3e0: {  	v24 =	vmul.f32 v24, v4;
	[tilespmem:s9+$0xFFFFFEE0] =	vst v28;
	v12 =	vunpack.i.l.bf16.f32 v25  }
0x3e1: {  	v13 =	vld [tilespmem:s18+$0x30];
	[tilespmem:s9+$0xFFFFFF50] =	vst v27;
	v14 =	vunpack.i.u.bf16.f32 v25;
	v12 =	vmul.f32 v12, v2  }
0x3e2: {  	[tilespmem:s9+$0xFFFFFF60] =	vst v24;
	v2 =	vmul.f32 v14, v2;
	v15 =	vunpack.i.l.bf16.f32 v9  }
0x3e3: {  	v10 =	vld [tilespmem:s18+$0x70];
	[tilespmem:s3+$0xFFFFFCF0] =	vst v12;
	v9 =	vunpack.i.u.bf16.f32 v9;
	v14 =	vmul.f32 v15, v8  }
0x3e4: {  	[tilespmem:s3+$0xFFFFFD00] =	vst v2;
	v12 =	vunpack.i.l.bf16.f32 v11;
	v8 =	vmul.f32 v9, v8  }
0x3e5: {  	v2 =	vld [tilespmem:s18+$0xB0];
	v9 =	vunpack.i.u.bf16.f32 v11;
	v11 =	vmul.f32 v12, v7;
	[tilespmem:s3+$0xFFFFFD70] =	vst v14  }
0x3e6: {  	v12 =	vunpack.i.l.bf16.f32 v13;
	v7 =	vmul.f32 v9, v7;
	[tilespmem:s3+$0xFFFFFD80] =	vst v8  }
0x3e7: {  	v9 =	vld [tilespmem:s22+$0xFFFFFF30];
	v8 =	vunpack.i.u.bf16.f32 v13;
	v12 =	vmul.f32 v12, v5;
	[tilespmem:s3+$0xFFFFFDF0] =	vst v11  }
0x3e8: {  	v11 =	vunpack.i.l.bf16.f32 v10;
	v5 =	vmul.f32 v8, v5;
	[tilespmem:s3+$0xFFFFFE00] =	vst v7  }
0x3e9: {  	v7 =	vunpack.i.u.bf16.f32 v10;
	v8 =	vmul.f32 v11, v6;
	[tilespmem:s3+$0xFFFFFE70] =	vst v12  }
0x3ea: {  	v10 =	vunpack.i.l.bf16.f32 v2;
	v2 =	vunpack.i.u.bf16.f32 v2;
	v6 =	vmul.f32 v7, v6;
	[tilespmem:s3+$0xFFFFFE80] =	vst v5  }
0x3eb: {  	v2 =	vmul.f32 v2, v4;
	[tilespmem:s3+$0xFFFFFEF0] =	vst v8  }
0x3ec: {  	v5 =	vmul.f32 v10, v4;
	v7 =	vunpack.i.l.bf16.f32 v9;
	[tilespmem:s3+$0xFFFFFF00] =	vst v6  }
0x3ed: {  	s5 =	smul.u32 $0x140, s5;
	v4 =	vunpack.i.u.bf16.f32 v9;
	[tilespmem:s3+$0xFFFFFF80] =	vst v2;
	v6 =	vmul.f32 v7, v3  }
0x3ee: {  	[tilespmem:s3+$0xFFFFFF70] =	vst v5;
	v3 =	vmul.f32 v4, v3  }
0x3ef: {  	s6 =	sadd.s32 $0xFFFFFFF8, s13;
	s5 =	sshra.s32 s5, $0x2;
	[tilespmem:s3+$0xFFFFFC70] =	vst v6  }
0x3f0: {  	s17 =	sadd.s32 $0x14F, s6;
	s11 =	sadd.s32 $0x7D0, s5;
	[tilespmem:s3+$0xFFFFFC80] =	vst v3  }
0x3f1: {  	v2 =	vmov s17;
	[spmem:s4] =	stream.indirect.scatter.add.f32 [tilespmem:s2], [sflag:$0x5], $0x80, s11, s23, $0xb8;
	[tilespmem:$0x1E370] =	vst v63  }
0x3f2: {  	s18 =	sadd.s32 $0x1E0, s15;
	v2 =	vshrl.u32 v2, $0x3  }
0x3f3: {  	v2 =	vshll.u32 v2, v1;
	[tilespmem:s24], [sflag:$0x1] =	stream.indirect.gather [hbm4b:s1+s23], $0x40, s18, s23, $0xb8;
	[tilespmem:$0x1E370] =	vst v63  }
0x3f4: {  	v2 =	vadd.s32 $0x7, v2;
	_ =	swait.ge [sflag:s0], $0x1400  }
0x3f5: {  	v2 =	vbroadcast v2, $0x0;
	[sflag:s0] =	ssyncset.done $0x0  }
0x3f6: {  	[sflag:s0] =	ssyncadd.s32 $0xFFFFEC00  }
0x3f7: {  	_ =	swait.ge [sflag:s31], $0x2800  }
0x3f8: {  	s22 =	sadd.s32 $0x149, s6;
	[sflag:s31] =	ssyncset.done $0x0  }
0x3f9: {  	s3 =	simm.s32 $0x2D60;
	v3 =	vmov s22;
	[sflag:s31] =	ssyncadd.s32 $0xFFFFD800  }
0x3fa: {  	v3 =	vshrl.u32 v3, $0x3;
	v4 =	vld [tilespmem:s3+$0xFFFFFFD0]  }
0x3fb: {  	v3 =	vshll.u32 v3, v1;
	v2 =	vld.idx.msk [tilespmem:v2+s21+$0x0], $0xffff  }
0x3fc: {  	s25 =	sadd.s32 $0x14A, s6;
	v3 =	vadd.s32 $0x1, v3  }
0x3fd: {  	s26 =	sadd.s32 $0x14B, s6;
	s7 =	sadd.s32 $0x14C, s6;
	v5 =	vmov s25;
	v3 =	vbroadcast v3, $0x0  }
0x3fe: {  	v7 =	vmov s7;
	v5 =	vshrl.u32 v5, $0x3;
	v6 =	vmov s26  }
0x3ff: {  	v5 =	vshll.u32 v5, v1;
	v6 =	vshrl.u32 v6, $0x3;
	v8 =	vunpack.i.l.bf16.f32 v4  }
0x400: {  	v5 =	vadd.s32 $0x2, v5;
	v4 =	vunpack.i.u.bf16.f32 v4;
	v8 =	vmul.f32 v8, v2  }
0x401: {  	s17 =	simm.s32 $0x5570;
	v6 =	vshll.u32 v6, v1;
	v5 =	vbroadcast v5, $0x0;
	v4 =	vmul.f32 v4, v2  }
0x402: {  	s7 =	sadd.s32 $0x14D, s6;
	v7 =	vshrl.u32 v7, $0x3;
	v6 =	vadd.s32 $0x3, v6;
	v9 =	vld [tilespmem:s3+$0xFFFFFE50];
	[tilespmem:s17+$0x180] =	vst v8  }
0x403: {  	v7 =	vshll.u32 v7, v1;
	v6 =	vbroadcast v6, $0x0;
	v11 =	vld.idx.msk [tilespmem:v3+s21+$0x0], $0xffff;
	v8 =	vmov s7;
	[tilespmem:s17+$0x190] =	vst v4  }
0x404: {  	v4 =	vadd.s32 $0x4, v7;
	v3 =	vshrl.u32 v8, $0x3;
	v7 =	vld [tilespmem:s3+$0xFFFFFFE0]  }
0x405: {  	s8 =	sadd.s32 $0x148, s6;
	s6 =	sadd.s32 $0x14E, s6;
	v4 =	vbroadcast v4, $0x0;
	v3 =	vshll.u32 v3, v1  }
0x406: {  	v10 =	vmov s8;
	v12 =	vld [tilespmem:s3+$0xFFFFFE90];
	v8 =	vmov s6;
	v3 =	vadd.s32 $0x5, v3  }
0x407: {  	v13 =	vld.idx.msk [tilespmem:v5+s21+$0x0], $0xffff;
	v14 =	vunpack.i.l.bf16.f32 v9;
	v8 =	vshrl.u32 v8, $0x3;
	v3 =	vbroadcast v3, $0x0  }
0x408: {  	v9 =	vunpack.i.u.bf16.f32 v9;
	v14 =	vmul.f32 v14, v11;
	v5 =	vshll.u32 v8, v1;
	v8 =	vld [tilespmem:s3+$0xFFFFFED0]  }
0x409: {  	v10 =	vshrl.u32 v10, $0x3;
	v15 =	vld.idx.msk [tilespmem:v6+s21+$0x0], $0xffff;
	v6 =	vmul.f32 v9, v11;
	v9 =	vunpack.i.l.bf16.f32 v7  }
0x40a: {  	v16 =	vld [tilespmem:s3+$0xFFFFFF10];
	[tilespmem:s17+$0xFFFFFE80] =	vst v14;
	v5 =	vadd.s32 $0x6, v5;
	v7 =	vunpack.i.u.bf16.f32 v7;
	v9 =	vmul.f32 v9, v2  }
0x40b: {  	v14 =	vunpack.i.l.bf16.f32 v12;
	[tilespmem:s17+$0xFFFFFE90] =	vst v6;
	v5 =	vbroadcast v5, $0x0;
	v18 =	vld.idx.msk [tilespmem:v4+s21+$0x0], $0xffff;
	v4 =	vmul.f32 v7, v2  }
0x40c: {  	v6 =	vshll.u32 v10, v1;
	v10 =	vunpack.i.u.bf16.f32 v12;
	v12 =	vmul.f32 v14, v13;
	v7 =	vld [tilespmem:s3+$0xFFFFFF50];
	[tilespmem:s17+$0x1A0] =	vst v9  }
0x40d: {  	v6 =	vbroadcast v6, $0x0;
	v9 =	vunpack.i.l.bf16.f32 v8;
	[tilespmem:s17+$0x1B0] =	vst v4;
	v14 =	vld.idx.msk [tilespmem:v3+s21+$0x0], $0xffff;
	v3 =	vmul.f32 v10, v13  }
0x40e: {  	[tilespmem:s17+$0xFFFFFF00] =	vst v12;
	v4 =	vunpack.i.u.bf16.f32 v8;
	v8 =	vmul.f32 v9, v15;
	v9 =	vld [tilespmem:s3+$0xFFFFFFF0]  }
0x40f: {  	v10 =	vunpack.i.l.bf16.f32 v16;
	v4 =	vmul.f32 v4, v15;
	[tilespmem:s17+$0xFFFFFF10] =	vst v3  }
0x410: {  	v12 =	vunpack.i.u.bf16.f32 v16;
	v3 =	vld [tilespmem:s3+$0xFFFFFF90];
	v10 =	vmul.f32 v10, v18;
	[tilespmem:s17+$0xFFFFFF80] =	vst v8  }
0x411: {  	v17 =	vld.idx.msk [tilespmem:v5+s21+$0x0], $0xffff;
	v8 =	vunpack.i.l.bf16.f32 v7;
	v5 =	vmul.f32 v12, v18;
	[tilespmem:s17+$0xFFFFFF90] =	vst v4  }
0x412: {  	v4 =	vld [tilespmem:s3+$0xFFFFFE10];
	v7 =	vunpack.i.u.bf16.f32 v7;
	[tilespmem:s17+$0x0] =	vst v10;
	v8 =	vmul.f32 v8, v14  }
0x413: {  	v10 =	vld.idx.msk [tilespmem:v6+s21+$0x0], $0xffff;
	[tilespmem:s17+$0x10] =	vst v5;
	v6 =	vmul.f32 v7, v14;
	v5 =	vunpack.i.l.bf16.f32 v9  }
0x414: {  	v7 =	vld [tilespmem:s3+$0xFFFFFE60];
	v5 =	vmul.f32 v5, v2;
	[tilespmem:s17+$0x80] =	vst v8;
	v8 =	vunpack.i.u.bf16.f32 v9  }
0x415: {  	v9 =	vunpack.i.l.bf16.f32 v3;
	[tilespmem:s17+$0x90] =	vst v6;
	v6 =	vmul.f32 v8, v2  }
0x416: {  	v3 =	vunpack.i.u.bf16.f32 v3;
	v8 =	vmul.f32 v9, v17;
	v9 =	vld [tilespmem:s3+$0xFFFFFEA0];
	[tilespmem:s17+$0x1C0] =	vst v5  }
0x417: {  	v12 =	vld [tilespmem:s3+$0xFFFFFEE0];
	v5 =	vunpack.i.l.bf16.f32 v4;
	v3 =	vmul.f32 v3, v17;
	[tilespmem:s17+$0x1D0] =	vst v6  }
0x418: {  	v4 =	vunpack.i.u.bf16.f32 v4;
	v5 =	vmul.f32 v5, v10;
	[tilespmem:s17+$0x100] =	vst v8  }
0x419: {  	v4 =	vmul.f32 v4, v10;
	v6 =	vld [tilespmem:s3+$0xFFFFFF20];
	v8 =	vunpack.i.l.bf16.f32 v7;
	[tilespmem:s17+$0x110] =	vst v3  }
0x41a: {  	s5 =	sadd.s32 $0x0, s13;
	v3 =	vunpack.i.u.bf16.f32 v7;
	v7 =	vmul.f32 v8, v11;
	v8 =	vld [tilespmem:s3+$0xFFFFFF60];
	[tilespmem:s17+$0xFFFFFE00] =	vst v5  }
0x41b: {  	s8 =	sadd.s32 $0x14C, s5;
	v3 =	vmul.f32 v3, v11;
	[tilespmem:s17+$0xFFFFFE10] =	vst v4;
	v19 =	vld [tilespmem:s3+$0xFFFFFFA0];
	v5 =	vunpack.i.u.bf16.f32 v9;
	v9 =	vunpack.i.l.bf16.f32 v9  }
0x41c: {  	v26 =	vmov s8;
	v16 =	vld [tilespmem:s3+$0x0];
	[tilespmem:s17+$0xFFFFFEA0] =	vst v7;
	v7 =	vunpack.i.u.bf16.f32 v12;
	v4 =	vmul.f32 v9, v13  }
0x41d: {  	[tilespmem:s17+$0xFFFFFEB0] =	vst v3;
	v5 =	vmul.f32 v5, v13;
	v9 =	vunpack.i.l.bf16.f32 v12;
	v3 =	vmul.f32 v7, v15  }
0x41e: {  	s22 =	sadd.s32 $0x14B, s5;
	v9 =	vmul.f32 v9, v15;
	v12 =	vunpack.i.l.bf16.f32 v6;
	v6 =	vunpack.i.u.bf16.f32 v6;
	[tilespmem:s17+$0xFFFFFF20] =	vst v4  }
0x41f: {  	v25 =	vmov s22;
	v20 =	vld [tilespmem:s3+$0xFFFFFE70];
	v7 =	vmul.f32 v12, v18;
	v4 =	vmul.f32 v6, v18;
	[tilespmem:s17+$0xFFFFFF30] =	vst v5  }
0x420: {  	v6 =	vunpack.i.u.bf16.f32 v8;
	v8 =	vunpack.i.l.bf16.f32 v8;
	[tilespmem:s17+$0xFFFFFFB0] =	vst v3;
	v3 =	vunpack.i.u.bf16.f32 v19  }
0x421: {  	v12 =	vld [tilespmem:s3+$0xFFFFFE20];
	v5 =	vmul.f32 v8, v14;
	v6 =	vmul.f32 v6, v14;
	[tilespmem:s17+$0xFFFFFFA0] =	vst v9;
	v8 =	vunpack.i.u.bf16.f32 v16  }
0x422: {  	s26 =	sadd.s32 $0x14E, s5;
	v9 =	vunpack.i.l.bf16.f32 v16;
	v16 =	vunpack.i.l.bf16.f32 v19;
	v21 =	vld [tilespmem:s3+$0xFFFFFEB0];
	v8 =	vmul.f32 v8, v2;
	[tilespmem:s17+$0x20] =	vst v7  }
0x423: {  	v27 =	vmov s26;
	v16 =	vmul.f32 v16, v17;
	v7 =	vmul.f32 v3, v17;
	[tilespmem:s17+$0x30] =	vst v4  }
0x424: {  	s9 =	sadd.s32 $0x14F, s5;
	v22 =	vld [tilespmem:s3+$0xFFFFFEF0];
	v3 =	vmul.f32 v9, v2;
	v4 =	vunpack.i.l.bf16.f32 v20;
	v9 =	vunpack.i.u.bf16.f32 v20;
	[tilespmem:s17+$0xB0] =	vst v6  }
0x425: {  	v4 =	vmul.f32 v4, v11;
	v6 =	vmul.f32 v9, v11;
	[tilespmem:s17+$0x130] =	vst v7;
	v7 =	vmov s9  }
0x426: {  	[tilespmem:s17+$0xA0] =	vst v5;
	v19 =	vunpack.i.u.bf16.f32 v12;
	v12 =	vunpack.i.l.bf16.f32 v12;
	v7 =	vshrl.u32 v7, $0x3  }
0x427: {  	s18 =	sadd.s32 $0x14A, s5;
	v20 =	vld [tilespmem:s3+$0xFFFFFF70];
	[tilespmem:s17+$0x120] =	vst v16;
	v2 =	vmul.f32 v12, v10;
	v5 =	vmul.f32 v19, v10;
	v9 =	vunpack.i.u.bf16.f32 v21  }
0x428: {  	v12 =	vld [tilespmem:s3+$0xFFFFFF30];
	v19 =	vunpack.i.l.bf16.f32 v21;
	v7 =	vshll.u32 v7, v1;
	[tilespmem:s17+$0xFFFFFED0] =	vst v6;
	v6 =	vmov s18  }
0x429: {  	v16 =	vmul.f32 v19, v13;
	v19 =	vunpack.i.u.bf16.f32 v22;
	v21 =	vunpack.i.l.bf16.f32 v22;
	v22 =	vld [tilespmem:s3+$0xFFFFFFB0]  }
0x42a: {  	v9 =	vmul.f32 v9, v13;
	v7 =	vadd.s32 $0x7, v7;
	v23 =	vmul.f32 v21, v15  }
0x42b: {  	[tilespmem:s17+$0xFFFFFEC0] =	vst v4;
	v6 =	vshrl.u32 v6, $0x3;
	v19 =	vmul.f32 v19, v15;
	v7 =	vbroadcast v7, $0x0  }
0x42c: {  	s25 =	sadd.s32 $0x14D, s5;
	v6 =	vshll.u32 v6, v1;
	v24 =	vunpack.i.l.bf16.f32 v20;
	v20 =	vunpack.i.u.bf16.f32 v20;
	[tilespmem:s17+$0xFFFFFF40] =	vst v16  }
0x42d: {  	v16 =	vmov s25;
	[tilespmem:s17+$0xFFFFFF50] =	vst v9;
	v9 =	vshrl.u32 v25, $0x3;
	v21 =	vunpack.i.u.bf16.f32 v12  }
0x42e: {  	s11 =	sadd.s32 $0x149, s5;
	s18 =	simm.s32 $0x2F60;
	[tilespmem:s17+$0xFFFFFE20] =	vst v2;
	v24 =	vmul.f32 v24, v14;
	v2 =	vmul.f32 v21, v18;
	v21 =	vunpack.i.l.bf16.f32 v22  }
0x42f: {  	s5 =	sadd.s32 $0x148, s5;
	v28 =	vld [tilespmem:s18+$0xFFFFFFD0];
	[tilespmem:s17+$0xFFFFFE30] =	vst v5;
	v5 =	vmul.f32 v20, v14;
	v4 =	vmul.f32 v21, v17;
	v21 =	vmov s11  }
0x430: {  	v30 =	vld [tilespmem:s18+$0xFFFFFE90];
	[tilespmem:s17+$0xFFFFFFC0] =	vst v23;
	v23 =	vshrl.u32 v26, $0x3;
	v26 =	vmov s5;
	v21 =	vshrl.u32 v21, $0x3  }
0x431: {  	[tilespmem:s17+$0x1F0] =	vst v8;
	v16 =	vshrl.u32 v16, $0x3;
	v12 =	vunpack.i.l.bf16.f32 v12;
	v25 =	vshll.u32 v21, v1;
	v21 =	vld.idx.msk [tilespmem:v7+s21+$0x0], $0xffff  }
0x432: {  	v51 =	vld [tilespmem:s18+$0xFFFFFF90];
	[tilespmem:s17+$0xFFFFFFD0] =	vst v19;
	v19 =	vshrl.u32 v27, $0x3;
	v12 =	vmul.f32 v12, v18;
	v25 =	vadd.s32 $0x1, v25  }
0x433: {  	v29 =	vld [tilespmem:s3+$0xFFFFFEC0];
	v8 =	vshll.u32 v9, v1;
	v9 =	vshll.u32 v23, v1;
	[tilespmem:s17+$0xC0] =	vst v24;
	v25 =	vbroadcast v25, $0x0  }
0x434: {  	v20 =	vunpack.i.u.bf16.f32 v22;
	v22 =	vld [tilespmem:s3+$0xFFFFFE30];
	v23 =	vunpack.i.l.bf16.f32 v28;
	v28 =	vunpack.i.u.bf16.f32 v28;
	[tilespmem:s17+$0x40] =	vst v12  }
0x435: {  	v27 =	vld [tilespmem:s3+$0xFFFFFF00];
	v24 =	vshrl.u32 v26, $0x3;
	v12 =	vshll.u32 v16, v1;
	[tilespmem:s17+$0x50] =	vst v2;
	v2 =	vadd.s32 $0x2, v6  }
0x436: {  	v16 =	vshll.u32 v19, v1;
	v19 =	vld [tilespmem:s18+$0xFFFFFE10];
	v26 =	vbroadcast v2, $0x0;
	v23 =	vmul.f32 v23, v21  }
0x437: {  	s9 =	simm.s32 $0x5970;
	[tilespmem:s17+$0xD0] =	vst v5;
	v6 =	vld [tilespmem:s18+$0xFFFFFE50];
	v2 =	vadd.s32 $0x3, v8;
	v8 =	vadd.s32 $0x4, v9;
	v28 =	vmul.f32 v28, v21  }
0x438: {  	v20 =	vmul.f32 v20, v17;
	v7 =	vld [tilespmem:s3+$0xFFFFFE80];
	v5 =	vbroadcast v8, $0x0;
	[tilespmem:s9+$0x180] =	vst v23  }
0x439: {  	v8 =	vunpack.i.l.bf16.f32 v22;
	v23 =	vshll.u32 v24, v1;
	v24 =	vbroadcast v2, $0x0;
	[tilespmem:s9+$0x190] =	vst v28;
	v2 =	vld.idx.msk [tilespmem:v25+s21+$0x0], $0xffff  }
0x43a: {  	v9 =	vadd.s32 $0x5, v12;
	v16 =	vadd.s32 $0x6, v16;
	v8 =	vmul.f32 v8, v10;
	v25 =	vld [tilespmem:s18+$0xFFFFFFE0]  }
0x43b: {  	v12 =	vld [tilespmem:s18+$0xFFFFFED0];
	[tilespmem:s17+$0x140] =	vst v4;
	v9 =	vbroadcast v9, $0x0;
	v4 =	vunpack.i.u.bf16.f32 v22;
	v22 =	vbroadcast v23, $0x0  }
0x43c: {  	v16 =	vbroadcast v16, $0x0;
	v4 =	vmul.f32 v4, v10;
	[tilespmem:s17+$0xFFFFFE40] =	vst v8;
	v8 =	vld.idx.msk [tilespmem:v26+s21+$0x0], $0xffff  }
0x43d: {  	[tilespmem:s17+$0x150] =	vst v20;
	v20 =	vld [tilespmem:s18+$0xFFFFFF50];
	v31 =	vunpack.i.l.bf16.f32 v7;
	v28 =	vunpack.i.u.bf16.f32 v7;
	v7 =	vunpack.i.l.bf16.f32 v6  }
0x43e: {  	v52 =	vunpack.i.l.bf16.f32 v30;
	[tilespmem:s17+$0xFFFFFE50] =	vst v4;
	v6 =	vunpack.i.u.bf16.f32 v6;
	v23 =	vld [tilespmem:s18+$0xFFFFFF10];
	v4 =	vmul.f32 v7, v2  }
0x43f: {  	[tilespmem:s17+$0x1E0] =	vst v3;
	v30 =	vunpack.i.u.bf16.f32 v30;
	v7 =	vld.idx.msk [tilespmem:v24+s21+$0x0], $0xffff;
	v3 =	vmul.f32 v6, v2;
	v6 =	vunpack.i.l.bf16.f32 v25  }
0x440: {  	v32 =	vunpack.i.u.bf16.f32 v51;
	v5 =	vld.idx.msk [tilespmem:v5+s21+$0x0], $0xffff;
	[tilespmem:s9+$0xFFFFFE80] =	vst v4;
	v4 =	vunpack.i.u.bf16.f32 v25;
	v25 =	vmul.f32 v6, v21  }
0x441: {  	v34 =	vunpack.i.u.bf16.f32 v12;
	v12 =	vunpack.i.l.bf16.f32 v12;
	[tilespmem:s9+$0xFFFFFE90] =	vst v3;
	v3 =	vld.idx.msk [tilespmem:v22+s21+$0x0], $0xffff;
	v22 =	vmul.f32 v30, v8  }
0x442: {  	v53 =	vunpack.i.u.bf16.f32 v20;
	v20 =	vunpack.i.l.bf16.f32 v20;
	v6 =	vld.idx.msk [tilespmem:v9+s21+$0x0], $0xffff;
	v9 =	vmul.f32 v4, v21;
	[tilespmem:s9+$0x1A0] =	vst v25  }
0x443: {  	v26 =	vunpack.i.u.bf16.f32 v29;
	v29 =	vunpack.i.l.bf16.f32 v29;
	v4 =	vld.idx.msk [tilespmem:v16+s21+$0x0], $0xffff;
	v16 =	vmul.f32 v52, v8;
	[tilespmem:s9+$0xFFFFFF10] =	vst v22  }
0x444: {  	v58 =	vld [tilespmem:s3+$0xFFFFFFC0];
	v30 =	vunpack.i.u.bf16.f32 v23;
	v23 =	vunpack.i.l.bf16.f32 v23;
	[tilespmem:s9+$0x1B0] =	vst v9;
	v12 =	vmul.f32 v12, v7  }
0x445: {  	v24 =	vunpack.i.u.bf16.f32 v19;
	v23 =	vmul.f32 v23, v5;
	[tilespmem:s9+$0xFFFFFF00] =	vst v16;
	v34 =	vmul.f32 v34, v7;
	v16 =	vld [tilespmem:s18+$0xFFFFFFF0]  }
0x446: {  	v19 =	vunpack.i.l.bf16.f32 v19;
	v30 =	vmul.f32 v30, v5;
	v22 =	vld [tilespmem:s3+$0xFFFFFF40];
	v9 =	vmul.f32 v31, v11;
	[tilespmem:s9+$0xFFFFFF80] =	vst v12  }
0x447: {  	v25 =	vunpack.i.u.bf16.f32 v27;
	v31 =	vld [tilespmem:s18+$0xFFFFFE60];
	v11 =	vmul.f32 v28, v11;
	v20 =	vmul.f32 v20, v6;
	[tilespmem:s9+$0xFFFFFF90] =	vst v34  }
0x448: {  	[tilespmem:s9+$0x0] =	vst v23;
	v12 =	vunpack.i.l.bf16.f32 v51;
	v33 =	vmul.f32 v53, v6;
	v19 =	vmul.f32 v19, v3;
	v28 =	vld [tilespmem:s18+$0xFFFFFEE0]  }
0x449: {  	v27 =	vunpack.i.l.bf16.f32 v27;
	[tilespmem:s9+$0x10] =	vst v30;
	v24 =	vmul.f32 v24, v3;
	v54 =	vmul.f32 v12, v4  }
0x44a: {  	v34 =	vunpack.i.u.bf16.f32 v58;
	v32 =	vmul.f32 v32, v4;
	[tilespmem:s9+$0x80] =	vst v20;
	v12 =	vunpack.i.l.bf16.f32 v16  }
0x44b: {  	v30 =	vld [tilespmem:s18+$0xFFFFFEA0];
	v35 =	vunpack.i.u.bf16.f32 v22;
	[tilespmem:s9+$0x100] =	vst v54;
	v16 =	vunpack.i.u.bf16.f32 v16;
	v20 =	vmul.f32 v12, v21  }
0x44c: {  	v23 =	vld [tilespmem:s3+$0xFFFFFF80];
	v55 =	vunpack.i.u.bf16.f32 v31;
	v31 =	vunpack.i.l.bf16.f32 v31;
	[tilespmem:s9+$0x110] =	vst v32;
	v16 =	vmul.f32 v16, v21  }
0x44d: {  	v12 =	vmul.f32 v29, v13;
	v29 =	vmul.f32 v55, v2;
	v57 =	vunpack.i.l.bf16.f32 v28;
	[tilespmem:s9+$0x1C0] =	vst v20  }
0x44e: {  	v59 =	vld [tilespmem:s18+$0xFFFFFFA0];
	v20 =	vunpack.i.l.bf16.f32 v22;
	v22 =	vmul.f32 v31, v2;
	[tilespmem:s9+$0x1D0] =	vst v16;
	v16 =	vmul.f32 v26, v13  }
0x44f: {  	[tilespmem:s9+$0x90] =	vst v33;
	v28 =	vunpack.i.u.bf16.f32 v28;
	v31 =	vld [tilespmem:s18+$0xFFFFFF20];
	v13 =	vmul.f32 v27, v15;
	v15 =	vmul.f32 v25, v15  }
0x450: {  	[tilespmem:s9+$0xFFFFFE00] =	vst v19;
	v25 =	vunpack.i.u.bf16.f32 v30;
	v27 =	vunpack.i.l.bf16.f32 v30;
	v30 =	vld [tilespmem:s18+$0xFFFFFF60];
	v32 =	vmul.f32 v57, v7  }
0x451: {  	[tilespmem:s9+$0xFFFFFE10] =	vst v24;
	v56 =	vunpack.i.u.bf16.f32 v23;
	v24 =	vmul.f32 v28, v7;
	v26 =	vld [tilespmem:s18+$0x0];
	v27 =	vmul.f32 v27, v8  }
0x452: {  	v25 =	vmul.f32 v25, v8;
	v19 =	vmul.f32 v20, v18;
	[tilespmem:s9+$0xFFFFFEA0] =	vst v22;
	v22 =	vunpack.i.l.bf16.f32 v23  }
0x453: {  	[tilespmem:s9+$0xFFFFFEB0] =	vst v29;
	v20 =	vmul.f32 v35, v18;
	v61 =	vunpack.i.l.bf16.f32 v59;
	v22 =	vmul.f32 v22, v14  }
0x454: {  	v29 =	vld [tilespmem:s18+$0xFFFFFE20];
	[tilespmem:s9+$0xFFFFFFA0] =	vst v32;
	v14 =	vmul.f32 v56, v14;
	v28 =	vunpack.i.u.bf16.f32 v31;
	v31 =	vunpack.i.l.bf16.f32 v31  }
0x455: {  	[tilespmem:s9+$0xFFFFFF20] =	vst v27;
	v32 =	vmul.f32 v61, v4;
	v27 =	vunpack.i.u.bf16.f32 v30;
	v31 =	vmul.f32 v31, v5  }
0x456: {  	[tilespmem:s9+$0xFFFFFFB0] =	vst v24;
	v60 =	vld [tilespmem:s18+$0xFFFFFE70];
	v18 =	vunpack.i.u.bf16.f32 v26;
	v23 =	vmul.f32 v28, v5;
	v28 =	vunpack.i.l.bf16.f32 v30  }
0x457: {  	[tilespmem:s9+$0xFFFFFF30] =	vst v25;
	v30 =	vld [tilespmem:s3+$0xFFFFFE40];
	v27 =	vmul.f32 v27, v6;
	v24 =	vunpack.i.l.bf16.f32 v26;
	v18 =	vmul.f32 v18, v21  }
0x458: {  	v25 =	vunpack.i.l.bf16.f32 v58;
	v26 =	vld [tilespmem:s18+$0xFFFFFEB0];
	v28 =	vmul.f32 v28, v6;
	v21 =	vmul.f32 v24, v21;
	[tilespmem:s9+$0x20] =	vst v31  }
0x459: {  	v31 =	vunpack.i.u.bf16.f32 v29;
	v29 =	vunpack.i.l.bf16.f32 v29;
	[tilespmem:s9+$0x1F0] =	vst v18;
	v18 =	vmul.f32 v25, v17  }
0x45a: {  	v24 =	vld [tilespmem:s18+$0xFFFFFEF0];
	[tilespmem:s9+$0x30] =	vst v23;
	v25 =	vunpack.i.u.bf16.f32 v59;
	v17 =	vmul.f32 v34, v17;
	v62 =	vmul.f32 v29, v3  }
0x45b: {  	v31 =	vmul.f32 v31, v3;
	v63 =	vld [tilespmem:s18+$0xFFFFFF30];
	[tilespmem:s9+$0xA0] =	vst v28;
	v28 =	vunpack.i.u.bf16.f32 v60;
	v29 =	vunpack.i.l.bf16.f32 v60  }
0x45c: {  	[tilespmem:s9+$0xB0] =	vst v27;
	v25 =	vmul.f32 v25, v4;
	v28 =	vmul.f32 v28, v2;
	v23 =	vunpack.i.l.bf16.f32 v30  }
0x45d: {  	[tilespmem:s9+$0x120] =	vst v32;
	v36 =	vld [tilespmem:s18+$0xFFFFFF70];
	v27 =	vunpack.i.u.bf16.f32 v30;
	v30 =	vmul.f32 v29, v2;
	v29 =	vunpack.i.u.bf16.f32 v26  }
0x45e: {  	v26 =	vunpack.i.l.bf16.f32 v26;
	v23 =	vmul.f32 v23, v10;
	v10 =	vmul.f32 v27, v10;
	[tilespmem:s9+$0x130] =	vst v25  }
0x45f: {  	[tilespmem:s9+$0xFFFFFE20] =	vst v62;
	v37 =	vmul.f32 v26, v8;
	v29 =	vmul.f32 v29, v8;
	v25 =	vunpack.i.l.bf16.f32 v24;
	v33 =	vld [tilespmem:s18+$0xFFFFFFB0]  }
0x460: {  	[tilespmem:s9+$0xFFFFFE30] =	vst v31;
	v24 =	vunpack.i.u.bf16.f32 v24;
	v32 =	vmul.f32 v25, v7;
	v25 =	vunpack.i.l.bf16.f32 v63  }
0x461: {  	v27 =	vmul.f32 v24, v7;
	[tilespmem:s9+$0xFFFFFEC0] =	vst v30;
	v24 =	vunpack.i.u.bf16.f32 v63;
	v30 =	vmul.f32 v25, v5  }
0x462: {  	s26 =	simm.s32 $0x8;
	v26 =	vld [tilespmem:s18+$0xFFFFFE30];
	[tilespmem:s9+$0xFFFFFED0] =	vst v28;
	v24 =	vmul.f32 v24, v5;
	v28 =	vunpack.i.u.bf16.f32 v36;
	v31 =	vunpack.i.l.bf16.f32 v36  }
0x463: {  	s22 =	simm.s32 $0x2F60;
	s5 =	sadd.s32 $0x4, s16;
	s3 =	simm.s32 $0x5970;
	[tilespmem:s9+$0xFFFFFF40] =	vst v37;
	v25 =	vld [tilespmem:s18+$0xFFFFFE80];
	v31 =	vmul.f32 v31, v6;
	v28 =	vmul.f32 v28, v6  }
.LBB2_17:
0x464: {  	s6 =	sadd.s32 s26, s13;
	[tilespmem:s9+$0xFFFFFF50] =	vst v29;
	v29 =	vunpack.i.u.bf16.f32 v33;
	v33 =	vunpack.i.l.bf16.f32 v33  }
0x465: {  	s7 =	sadd.s32 $0x149, s6;
	s8 =	sadd.s32 $0x14A, s6;
	s11 =	sadd.s32 $0x14F, s6;
	v34 =	vld [tilespmem:s18+$0xFFFFFEC0];
	[tilespmem:s9+$0xFFFFFFC0] =	vst v32;
	v32 =	vmul.f32 v33, v4;
	v29 =	vmul.f32 v29, v4  }
0x466: {  	s25 =	sadd.s32 $0x14D, s6;
	v33 =	vmov s7;
	v35 =	vmov s8;
	s7 =	sadd.s32 $0x14B, s6;
	s8 =	sadd.s32 $0x14C, s6;
	v36 =	vmov s11;
	[tilespmem:s9+$0xFFFFFFD0] =	vst v27  }
0x467: {  	s26 =	sadd.s32 $0x8, s26;
	s11 =	sadd.s32 $0x148, s6;
	s6 =	sadd.s32 $0x14E, s6;
	v27 =	vmov s7;
	v37 =	vmov s8;
	v36 =	vshrl.u32 v36, $0x3;
	v38 =	vld [tilespmem:s18+$0xFFFFFF00];
	[tilespmem:s9+$0x40] =	vst v30  }
0x468: {  	p0 =	slt.u32 s26, $0x48;
	v30 =	vmov s25;
	v39 =	vmov s6;
	v36 =	vshll.u32 v36, v1;
	[tilespmem:s9+$0x50] =	vst v24  }
0x469: {  	v24 =	vshrl.u32 v33, $0x3;
	v33 =	vshrl.u32 v35, $0x3;
	v35 =	vadd.s32 $0x7, v36;
	v36 =	vld [tilespmem:s18+$0xFFFFFF40];
	[tilespmem:s9+$0xC0] =	vst v31  }
0x46a: {  	v27 =	vshrl.u32 v27, $0x3;
	v31 =	vshrl.u32 v37, $0x3;
	v35 =	vbroadcast v35, $0x0;
	[tilespmem:s9+$0xD0] =	vst v28  }
0x46b: {  	v30 =	vshrl.u32 v30, $0x3;
	v37 =	vshrl.u32 v39, $0x3;
	v28 =	vmov s11;
	v39 =	vld [tilespmem:s18+$0xFFFFFF80];
	[tilespmem:s9+$0x140] =	vst v32  }
0x46c: {  	v24 =	vshll.u32 v24, v1;
	v27 =	vshll.u32 v27, v1;
	v32 =	vshll.u32 v33, v1;
	[tilespmem:s9+$0x150] =	vst v29  }
0x46d: {  	v30 =	vshll.u32 v30, v1;
	v29 =	vshll.u32 v31, v1;
	v31 =	vshll.u32 v37, v1;
	v33 =	vld [tilespmem:s18+$0xFFFFFFC0];
	[tilespmem:s17+$0xFFFFFEE0] =	vst v9  }
0x46e: {  	v24 =	vadd.s32 $0x1, v24;
	v9 =	vshrl.u32 v28, $0x3;
	v28 =	vadd.s32 $0x2, v32;
	s18 =	sadd.s32 $0x200, s18;
	[tilespmem:s17+$0xFFFFFEF0] =	vst v11  }
0x46f: {  	v11 =	vadd.s32 $0x3, v27;
	v27 =	vadd.s32 $0x4, v29;
	v29 =	vadd.s32 $0x5, v30;
	v30 =	vld [tilespmem:s18+$0xFFFFFFD0];
	[tilespmem:s17+$0xFFFFFF60] =	vst v12  }
0x470: {  	v31 =	vadd.s32 $0x6, v31;
	v9 =	vshll.u32 v9, v1;
	v12 =	vbroadcast v24, $0x0;
	v24 =	vld.idx.msk [tilespmem:v35+s21+$0x0], $0xffff;
	[tilespmem:s17+$0xFFFFFF70] =	vst v16  }
0x471: {  	v32 =	vunpack.i.u.bf16.f32 v26;
	v28 =	vbroadcast v28, $0x0;
	v11 =	vbroadcast v11, $0x0;
	v16 =	vld [tilespmem:s18+$0xFFFFFE10];
	[tilespmem:s17+$0xFFFFFFE0] =	vst v13  }
0x472: {  	v26 =	vunpack.i.l.bf16.f32 v26;
	v27 =	vbroadcast v27, $0x0;
	v29 =	vbroadcast v29, $0x0;
	v13 =	vld [tilespmem:s18+$0xFFFFFE50];
	[tilespmem:s17+$0xFFFFFFF0] =	vst v15  }
0x473: {  	v31 =	vbroadcast v31, $0x0;
	v9 =	vbroadcast v9, $0x0;
	v35 =	vunpack.i.u.bf16.f32 v25;
	v15 =	vld [tilespmem:s18+$0xFFFFFE90];
	[tilespmem:s17+$0x60] =	vst v19  }
0x474: {  	v37 =	vunpack.i.l.bf16.f32 v25;
	v26 =	vmul.f32 v26, v3;
	v32 =	vmul.f32 v32, v3;
	v19 =	vld [tilespmem:s18+$0xFFFFFED0];
	[tilespmem:s17+$0x70] =	vst v20  }
0x475: {  	v40 =	vunpack.i.u.bf16.f32 v34;
	v34 =	vunpack.i.l.bf16.f32 v34;
	v25 =	vunpack.i.l.bf16.f32 v30;
	v20 =	vld [tilespmem:s18+$0xFFFFFF10];
	[tilespmem:s17+$0xE0] =	vst v22  }
0x476: {  	v30 =	vunpack.i.u.bf16.f32 v30;
	v25 =	vmul.f32 v25, v24;
	v22 =	vunpack.i.u.bf16.f32 v16;
	v41 =	vld [tilespmem:s18+$0xFFFFFF50];
	[tilespmem:s9+$0xFFFFFE40] =	vst v26  }
0x477: {  	v30 =	vmul.f32 v30, v24;
	v16 =	vunpack.i.l.bf16.f32 v16;
	s9 =	sadd.s32 $0x400, s9;
	v26 =	vunpack.i.u.bf16.f32 v13;
	v42 =	vld [tilespmem:s18+$0xFFFFFF90];
	[tilespmem:s3+$0xFFFFFE50] =	vst v32  }
0x478: {  	v13 =	vunpack.i.l.bf16.f32 v13;
	v12 =	vld.idx.msk [tilespmem:v12+s21+$0x0], $0xffff;
	v32 =	vunpack.i.u.bf16.f32 v15;
	v15 =	vunpack.i.l.bf16.f32 v15;
	[tilespmem:s9+$0x180] =	vst v25  }
0x479: {  	v28 =	vld.idx.msk [tilespmem:v28+s21+$0x0], $0xffff;
	v43 =	vunpack.i.u.bf16.f32 v19;
	v19 =	vunpack.i.l.bf16.f32 v19;
	[tilespmem:s9+$0x190] =	vst v30;
	v30 =	vunpack.i.u.bf16.f32 v38  }
0x47a: {  	v38 =	vunpack.i.l.bf16.f32 v38;
	v44 =	vunpack.i.u.bf16.f32 v20;
	v20 =	vunpack.i.l.bf16.f32 v20;
	v45 =	vld [tilespmem:s18+$0xFFFFFFE0];
	[tilespmem:s17+$0xF0] =	vst v14  }
0x47b: {  	v46 =	vunpack.i.u.bf16.f32 v36;
	v14 =	vld.idx.msk [tilespmem:v11+s21+$0x0], $0xffff;
	v11 =	vunpack.i.u.bf16.f32 v41;
	v41 =	vunpack.i.l.bf16.f32 v41;
	[tilespmem:s17+$0x160] =	vst v18  }
0x47c: {  	v36 =	vunpack.i.l.bf16.f32 v36;
	v18 =	vld.idx.msk [tilespmem:v27+s21+$0x0], $0xffff;
	v27 =	vunpack.i.u.bf16.f32 v42;
	v42 =	vunpack.i.l.bf16.f32 v42;
	[tilespmem:s17+$0x170] =	vst v17  }
0x47d: {  	v47 =	vunpack.i.u.bf16.f32 v39;
	v39 =	vunpack.i.l.bf16.f32 v39;
	v17 =	vunpack.i.u.bf16.f32 v33;
	v29 =	vld.idx.msk [tilespmem:v29+s21+$0x0], $0xffff;
	[tilespmem:s3+$0x1E0] =	vst v21  }
0x47e: {  	v13 =	vmul.f32 v13, v12;
	v21 =	vmul.f32 v26, v12;
	v26 =	vld.idx.msk [tilespmem:v31+s21+$0x0], $0xffff;
	v31 =	vunpack.i.l.bf16.f32 v33;
	[tilespmem:s17+$0xFFFFFE60] =	vst v23  }
0x47f: {  	v15 =	vmul.f32 v15, v28;
	v23 =	vmul.f32 v32, v28;
	v25 =	vld.idx.msk [tilespmem:v9+s21+$0x0], $0xffff;
	v9 =	vunpack.i.l.bf16.f32 v45;
	[tilespmem:s17+$0xFFFFFE70] =	vst v10;
	s17 =	smov.u32 s3;
	s3 =	smov.u32 s9  }
0x480: {  	v10 =	vunpack.i.u.bf16.f32 v45;
	[tilespmem:s9+$0xFFFFFE80] =	vst v13;
	v13 =	vmul.f32 v9, v24;
	v32 =	vld [tilespmem:s22+$0xFFFFFE40];
	v9 =	vmul.f32 v37, v2;
	s22 =	smov.u32 s18  }
0x481: {  	v19 =	vmul.f32 v19, v14;
	v10 =	vmul.f32 v10, v24;
	[tilespmem:s9+$0xFFFFFE90] =	vst v21  }
0x482: {  	v33 =	vmul.f32 v43, v14;
	v20 =	vmul.f32 v20, v18;
	v21 =	vld [tilespmem:s18+$0xFFFFFE60];
	[tilespmem:s9+$0x1A0] =	vst v13  }
0x483: {  	v13 =	vmul.f32 v44, v18;
	v37 =	vmul.f32 v41, v29;
	[tilespmem:s9+$0x1B0] =	vst v10  }
0x484: {  	v10 =	vmul.f32 v11, v29;
	v41 =	vmul.f32 v42, v26;
	[tilespmem:s9+$0xFFFFFF00] =	vst v15;
	v15 =	vld [tilespmem:s18+$0xFFFFFFF0]  }
0x485: {  	v42 =	vmul.f32 v16, v25;
	[tilespmem:s9+$0xFFFFFF10] =	vst v23;
	v23 =	vmul.f32 v27, v26;
	v27 =	vunpack.i.u.bf16.f32 v32  }
0x486: {  	v11 =	vmul.f32 v35, v2;
	v2 =	vmovc v12;
	v22 =	vmul.f32 v22, v25;
	v32 =	vunpack.i.l.bf16.f32 v32;
	v43 =	vld [tilespmem:s18+$0xFFFFFEA0];
	[tilespmem:s9+$0xFFFFFF80] =	vst v19  }
0x487: {  	v12 =	vmul.f32 v34, v8;
	v16 =	vunpack.i.u.bf16.f32 v21;
	v19 =	vunpack.i.l.bf16.f32 v21;
	[tilespmem:s9+$0xFFFFFF90] =	vst v33  }
0x488: {  	v21 =	vmul.f32 v19, v2;
	v33 =	vmul.f32 v16, v2;
	v19 =	vld [tilespmem:s18+$0xFFFFFEE0];
	[tilespmem:s9+$0x0] =	vst v20  }
0x489: {  	v16 =	vmul.f32 v40, v8;
	v8 =	vmovc v28;
	[tilespmem:s9+$0x10] =	vst v13;
	v20 =	vunpack.i.l.bf16.f32 v15;
	v13 =	vmul.f32 v38, v7  }
0x48a: {  	v34 =	vunpack.i.u.bf16.f32 v15;
	v15 =	vmul.f32 v30, v7;
	v7 =	vmovc v14;
	v28 =	vld [tilespmem:s18+$0xFFFFFF20];
	[tilespmem:s9+$0x80] =	vst v37;
	v20 =	vmul.f32 v20, v24  }
0x48b: {  	v14 =	vunpack.i.u.bf16.f32 v43;
	v30 =	vunpack.i.l.bf16.f32 v43;
	[tilespmem:s9+$0x90] =	vst v10;
	v10 =	vmul.f32 v34, v24  }
0x48c: {  	v30 =	vmul.f32 v30, v8;
	v34 =	vmul.f32 v14, v8;
	v14 =	vld [tilespmem:s18+$0xFFFFFF60];
	[tilespmem:s9+$0x1C0] =	vst v20  }
0x48d: {  	v20 =	vunpack.i.u.bf16.f32 v19;
	v35 =	vunpack.i.l.bf16.f32 v19;
	[tilespmem:s9+$0x1D0] =	vst v10;
	v19 =	vmul.f32 v36, v5  }
0x48e: {  	v10 =	vmul.f32 v35, v7;
	v35 =	vmul.f32 v20, v7;
	[tilespmem:s9+$0x100] =	vst v41;
	v36 =	vld [tilespmem:s18+$0x0]  }
0x48f: {  	v20 =	vmul.f32 v46, v5;
	v5 =	vmovc v18;
	v37 =	vunpack.i.u.bf16.f32 v28;
	v28 =	vunpack.i.l.bf16.f32 v28;
	[tilespmem:s9+$0x110] =	vst v23  }
0x490: {  	[tilespmem:s9+$0xFFFFFE00] =	vst v42;
	v23 =	vmul.f32 v28, v5;
	v28 =	vmul.f32 v37, v5;
	v37 =	vld [tilespmem:s18+$0xFFFFFFA0]  }
0x491: {  	[tilespmem:s9+$0xFFFFFE10] =	vst v22;
	v18 =	vunpack.i.u.bf16.f32 v14;
	v14 =	vunpack.i.l.bf16.f32 v14;
	v22 =	vmul.f32 v39, v6  }
0x492: {  	v38 =	vld [tilespmem:s18+$0xFFFFFE20];
	[tilespmem:s9+$0xFFFFFEA0] =	vst v21;
	v39 =	vmul.f32 v14, v29;
	v40 =	vmul.f32 v18, v29  }
0x493: {  	v14 =	vmul.f32 v47, v6;
	v6 =	vmovc v29;
	[tilespmem:s9+$0xFFFFFEB0] =	vst v33;
	v18 =	vunpack.i.u.bf16.f32 v36;
	v21 =	vunpack.i.l.bf16.f32 v36  }
0x494: {  	v29 =	vld [tilespmem:s18+$0xFFFFFE70];
	[tilespmem:s9+$0xFFFFFF20] =	vst v30;
	v30 =	vmul.f32 v18, v24;
	v18 =	vmul.f32 v31, v4  }
0x495: {  	v17 =	vmul.f32 v17, v4;
	v4 =	vmovc v26;
	[tilespmem:s9+$0xFFFFFF30] =	vst v34;
	v31 =	vunpack.i.u.bf16.f32 v37;
	v33 =	vunpack.i.l.bf16.f32 v37  }
0x496: {  	v26 =	vld [tilespmem:s18+$0xFFFFFEB0];
	v33 =	vmul.f32 v33, v4;
	v31 =	vmul.f32 v31, v4;
	[tilespmem:s9+$0x1F0] =	vst v30  }
0x497: {  	v21 =	vmul.f32 v21, v24;
	v30 =	vunpack.i.u.bf16.f32 v38;
	v34 =	vunpack.i.l.bf16.f32 v38;
	[tilespmem:s9+$0xFFFFFFA0] =	vst v10  }
0x498: {  	v24 =	vmul.f32 v34, v25;
	v30 =	vmul.f32 v30, v25;
	[tilespmem:s9+$0xFFFFFFB0] =	vst v35  }
0x499: {  	v10 =	vunpack.i.u.bf16.f32 v29;
	v29 =	vunpack.i.l.bf16.f32 v29;
	v34 =	vld [tilespmem:s18+$0xFFFFFEF0];
	[tilespmem:s9+$0x20] =	vst v23;
	v23 =	vmul.f32 v32, v3  }
0x49a: {  	v35 =	vmul.f32 v29, v2;
	v36 =	vmul.f32 v10, v2;
	[tilespmem:s9+$0x30] =	vst v28  }
0x49b: {  	v10 =	vmul.f32 v27, v3;
	v3 =	vmovc v25;
	v28 =	vunpack.i.u.bf16.f32 v26;
	v26 =	vunpack.i.l.bf16.f32 v26;
	v37 =	vld [tilespmem:s18+$0xFFFFFF30];
	[tilespmem:s9+$0xA0] =	vst v39  }
0x49c: {  	v38 =	vmul.f32 v26, v8;
	v29 =	vmul.f32 v28, v8;
	[tilespmem:s9+$0xB0] =	vst v40  }
0x49d: {  	v25 =	vld [tilespmem:s18+$0xFFFFFF70];
	[tilespmem:s9+$0x120] =	vst v33  }
0x49e: {  	v26 =	vunpack.i.u.bf16.f32 v34;
	v27 =	vunpack.i.l.bf16.f32 v34;
	[tilespmem:s9+$0x130] =	vst v31  }
.Ltmp11:
0x49f: {  	[tilespmem:s9+$0xFFFFFE20] =	vst v24;
	v32 =	vmul.f32 v27, v7;
	v27 =	vmul.f32 v26, v7;
	v33 =	vld [tilespmem:s18+$0xFFFFFFB0];
	(pc) =	sbr.rel @p0 .LBB2_17-.Ltmp11, $4  }
0x4a0: {  	[tilespmem:s9+$0xFFFFFE30] =	vst v30;
	v24 =	vunpack.i.u.bf16.f32 v37;
	v28 =	vunpack.i.l.bf16.f32 v37  }
0x4a1: {  	v26 =	vld [tilespmem:s18+$0xFFFFFE30];
	[tilespmem:s9+$0xFFFFFEC0] =	vst v35;
	v30 =	vmul.f32 v28, v5;
	v24 =	vmul.f32 v24, v5  }
0x4a2: {  	[tilespmem:s9+$0xFFFFFED0] =	vst v36;
	v28 =	vunpack.i.u.bf16.f32 v25;
	v31 =	vunpack.i.l.bf16.f32 v25  }
0x4a3: {  	v25 =	vld [tilespmem:s18+$0xFFFFFE80];
	[tilespmem:s9+$0xFFFFFF40] =	vst v38;
	v31 =	vmul.f32 v31, v6;
	v28 =	vmul.f32 v28, v6  }
0x4a4: {  	[tilespmem:s9+$0xFFFFFF50] =	vst v29  }
0x4a5: {  	[tilespmem:s9+$0xFFFFFFC0] =	vst v32  }
0x4a6: {  	[tilespmem:s9+$0xFFFFFFD0] =	vst v27  }
0x4a7: {  	[tilespmem:s9+$0x40] =	vst v30  }
0x4a8: {  	[tilespmem:s9+$0x50] =	vst v24  }
0x4a9: {  	[tilespmem:s17+$0xFFFFFEE0] =	vst v9  }
0x4aa: {  	[tilespmem:s17+$0xFFFFFEF0] =	vst v11  }
0x4ab: {  	[tilespmem:s17+$0xFFFFFF60] =	vst v12  }
0x4ac: {  	[tilespmem:s17+$0xFFFFFF70] =	vst v16  }
0x4ad: {  	[tilespmem:s17+$0xFFFFFFE0] =	vst v13  }
0x4ae: {  	[tilespmem:s17+$0xFFFFFFF0] =	vst v15  }
0x4af: {  	[tilespmem:s17+$0x60] =	vst v19  }
0x4b0: {  	[tilespmem:s17+$0x70] =	vst v20  }
0x4b1: {  	[tilespmem:s17+$0xE0] =	vst v22  }
0x4b2: {  	[tilespmem:s17+$0xF0] =	vst v14  }
0x4b3: {  	[tilespmem:s17+$0x160] =	vst v18  }
0x4b4: {  	[tilespmem:s17+$0x170] =	vst v17  }
0x4b5: {  	[tilespmem:s3+$0x1E0] =	vst v21;
	v9 =	vunpack.i.l.bf16.f32 v26  }
0x4b6: {  	[tilespmem:s17+$0xFFFFFE60] =	vst v23;
	v9 =	vmul.f32 v9, v3  }
0x4b7: {  	[tilespmem:s17+$0xFFFFFE70] =	vst v10;
	v11 =	vunpack.i.u.bf16.f32 v26  }
0x4b8: {  	v11 =	vmul.f32 v11, v3;
	[tilespmem:s9+$0xFFFFFE40] =	vst v9;
	v9 =	vld [tilespmem:s18+$0xFFFFFEC0]  }
0x4b9: {  	v27 =	vunpack.i.l.bf16.f32 v33;
	[tilespmem:s9+$0xC0] =	vst v31  }
0x4ba: {  	v24 =	vunpack.i.u.bf16.f32 v33;
	v27 =	vmul.f32 v27, v4;
	[tilespmem:s3+$0xFFFFFE50] =	vst v11;
	v11 =	vld [tilespmem:s18+$0xFFFFFF00]  }
0x4bb: {  	v24 =	vmul.f32 v24, v4;
	[tilespmem:s9+$0xD0] =	vst v28;
	v12 =	vunpack.i.l.bf16.f32 v25  }
0x4bc: {  	v13 =	vld [tilespmem:s18+$0xFFFFFF40];
	[tilespmem:s9+$0x140] =	vst v27;
	v14 =	vunpack.i.u.bf16.f32 v25;
	v12 =	vmul.f32 v12, v2  }
0x4bd: {  	[tilespmem:s9+$0x150] =	vst v24;
	v2 =	vmul.f32 v14, v2;
	v15 =	vunpack.i.l.bf16.f32 v9  }
0x4be: {  	v10 =	vld [tilespmem:s18+$0xFFFFFF80];
	[tilespmem:s3+$0xFFFFFEE0] =	vst v12;
	v9 =	vunpack.i.u.bf16.f32 v9;
	v14 =	vmul.f32 v15, v8  }
0x4bf: {  	[tilespmem:s3+$0xFFFFFEF0] =	vst v2;
	v12 =	vunpack.i.l.bf16.f32 v11;
	v8 =	vmul.f32 v9, v8  }
0x4c0: {  	v2 =	vld [tilespmem:s18+$0xFFFFFFC0];
	v9 =	vunpack.i.u.bf16.f32 v11;
	v11 =	vmul.f32 v12, v7;
	[tilespmem:s3+$0xFFFFFF60] =	vst v14  }
0x4c1: {  	v12 =	vunpack.i.l.bf16.f32 v13;
	v7 =	vmul.f32 v9, v7;
	[tilespmem:s3+$0xFFFFFF70] =	vst v8  }
0x4c2: {  	v9 =	vld [tilespmem:s22+$0xFFFFFE40];
	v8 =	vunpack.i.u.bf16.f32 v13;
	v12 =	vmul.f32 v12, v5;
	[tilespmem:s3+$0xFFFFFFE0] =	vst v11  }
0x4c3: {  	v11 =	vunpack.i.l.bf16.f32 v10;
	v5 =	vmul.f32 v8, v5;
	[tilespmem:s3+$0xFFFFFFF0] =	vst v7  }
0x4c4: {  	v7 =	vunpack.i.u.bf16.f32 v10;
	v8 =	vmul.f32 v11, v6;
	[tilespmem:s3+$0x60] =	vst v12  }
0x4c5: {  	v10 =	vunpack.i.l.bf16.f32 v2;
	v2 =	vunpack.i.u.bf16.f32 v2;
	v6 =	vmul.f32 v7, v6;
	[tilespmem:s3+$0x70] =	vst v5  }
0x4c6: {  	v2 =	vmul.f32 v2, v4;
	[tilespmem:s3+$0xE0] =	vst v8  }
0x4c7: {  	v5 =	vmul.f32 v10, v4;
	v7 =	vunpack.i.l.bf16.f32 v9;
	[tilespmem:s3+$0xF0] =	vst v6  }
0x4c8: {  	s5 =	smul.u32 $0x140, s5;
	v4 =	vunpack.i.u.bf16.f32 v9;
	[tilespmem:s3+$0x170] =	vst v2;
	v6 =	vmul.f32 v7, v3  }
0x4c9: {  	[tilespmem:s3+$0x160] =	vst v5;
	v3 =	vmul.f32 v4, v3  }
0x4ca: {  	s11 =	sadd.s32 $0xFFFFFFF8, s13;
	s5 =	sshra.s32 s5, $0x2;
	[tilespmem:s3+$0xFFFFFE60] =	vst v6  }
0x4cb: {  	p0 =	sgt.u32 s14, $0x2;
	s17 =	sadd.s32 $0x19F, s11;
	s9 =	sadd.s32 $0x7D0, s5;
	[tilespmem:s3+$0xFFFFFE70] =	vst v3  }
0x4cc: {  	v2 =	vmov s17;
	[spmem:s4] =	stream.indirect.scatter.add.f32 [tilespmem:s19], [sflag:$0x4], $0x80, s9, s23, $0xb8;
	[tilespmem:$0x1E370] =	vst v63  }
0x4cd: {  	s6 =	simm.s32 @!p0 $0x50;
	s7 =	simm.s32 @!p0 $0x2B70;
	v2 =	vshrl.u32 v2, $0x3;
	s3 =	sadd.s32 @!p0 $0x230, s15  }
0x4ce: {  	v2 =	vshll.u32 v2, v1;
	[tilespmem:s7], [sflag:$0x2] =	stream.indirect.gather @!p0 [hbm4b:s1+s6], $0x40, s3, s6, $0xb8;
	[tilespmem:$0x1E370] =	vst v63  }
0x4cf: {  	v2 =	vadd.s32 $0x7, v2;
	_ =	swait.ge [sflag:s10], $0x1400  }
0x4d0: {  	v2 =	vbroadcast v2, $0x0;
	[sflag:s10] =	ssyncset.done $0x0  }
0x4d1: {  	[sflag:s10] =	ssyncadd.s32 $0xFFFFEC00  }
0x4d2: {  	_ =	swait.ge [sflag:s30], $0x2800  }
0x4d3: {  	s18 =	sadd.s32 $0x199, s11;
	[sflag:s30] =	ssyncset.done $0x0  }
0x4d4: {  	v3 =	vmov s18;
	s3 =	simm.s32 $0x4160;
	[sflag:s30] =	ssyncadd.s32 $0xFFFFD800  }
0x4d5: {  	v3 =	vshrl.u32 v3, $0x3;
	v4 =	vld [tilespmem:s3+$0xFFFFFFD0]  }
0x4d6: {  	v3 =	vshll.u32 v3, v1;
	v2 =	vld.idx.msk [tilespmem:v2+s21+$0x0], $0xffff  }
0x4d7: {  	s22 =	sadd.s32 $0x19A, s11;
	v3 =	vadd.s32 $0x1, v3  }
0x4d8: {  	s25 =	sadd.s32 $0x19B, s11;
	s26 =	sadd.s32 $0x19C, s11;
	v5 =	vmov s22;
	v3 =	vbroadcast v3, $0x0  }
0x4d9: {  	v7 =	vmov s26;
	v5 =	vshrl.u32 v5, $0x3;
	v6 =	vmov s25  }
0x4da: {  	v5 =	vshll.u32 v5, v1;
	v6 =	vshrl.u32 v6, $0x3;
	v8 =	vunpack.i.l.bf16.f32 v4  }
0x4db: {  	v5 =	vadd.s32 $0x2, v5;
	v4 =	vunpack.i.u.bf16.f32 v4;
	v8 =	vmul.f32 v8, v2  }
0x4dc: {  	s17 =	simm.s32 $0x7F60;
	v6 =	vshll.u32 v6, v1;
	v5 =	vbroadcast v5, $0x0;
	v4 =	vmul.f32 v4, v2  }
0x4dd: {  	v7 =	vshrl.u32 v7, $0x3;
	s7 =	sadd.s32 $0x19D, s11;
	v6 =	vadd.s32 $0x3, v6;
	v9 =	vld [tilespmem:s3+$0xFFFFFE50];
	[tilespmem:s17+$0xFFFFFF90] =	vst v8  }
0x4de: {  	v7 =	vshll.u32 v7, v1;
	v6 =	vbroadcast v6, $0x0;
	v11 =	vld.idx.msk [tilespmem:v3+s21+$0x0], $0xffff;
	v8 =	vmov s7;
	[tilespmem:s17+$0xFFFFFFA0] =	vst v4  }
0x4df: {  	v4 =	vadd.s32 $0x4, v7;
	v3 =	vshrl.u32 v8, $0x3;
	v7 =	vld [tilespmem:s3+$0xFFFFFFE0]  }
0x4e0: {  	s8 =	sadd.s32 $0x198, s11;
	s5 =	sadd.s32 $0x19E, s11;
	v4 =	vbroadcast v4, $0x0;
	v3 =	vshll.u32 v3, v1  }
0x4e1: {  	v10 =	vmov s8;
	v12 =	vld [tilespmem:s3+$0xFFFFFE90];
	v8 =	vmov s5;
	v3 =	vadd.s32 $0x5, v3  }
0x4e2: {  	v13 =	vld.idx.msk [tilespmem:v5+s21+$0x0], $0xffff;
	v14 =	vunpack.i.l.bf16.f32 v9;
	v8 =	vshrl.u32 v8, $0x3;
	v3 =	vbroadcast v3, $0x0  }
0x4e3: {  	v9 =	vunpack.i.u.bf16.f32 v9;
	v14 =	vmul.f32 v14, v11;
	v5 =	vshll.u32 v8, v1;
	v8 =	vld [tilespmem:s3+$0xFFFFFED0]  }
0x4e4: {  	v10 =	vshrl.u32 v10, $0x3;
	v15 =	vld.idx.msk [tilespmem:v6+s21+$0x0], $0xffff;
	v6 =	vmul.f32 v9, v11;
	v9 =	vunpack.i.l.bf16.f32 v7  }
0x4e5: {  	v16 =	vld [tilespmem:s3+$0xFFFFFF10];
	[tilespmem:s17+$0xFFFFFC90] =	vst v14;
	v5 =	vadd.s32 $0x6, v5;
	v7 =	vunpack.i.u.bf16.f32 v7;
	v9 =	vmul.f32 v9, v2  }
0x4e6: {  	v14 =	vunpack.i.l.bf16.f32 v12;
	[tilespmem:s17+$0xFFFFFCA0] =	vst v6;
	v5 =	vbroadcast v5, $0x0;
	v18 =	vld.idx.msk [tilespmem:v4+s21+$0x0], $0xffff;
	v4 =	vmul.f32 v7, v2  }
0x4e7: {  	v6 =	vshll.u32 v10, v1;
	v10 =	vunpack.i.u.bf16.f32 v12;
	v12 =	vmul.f32 v14, v13;
	v7 =	vld [tilespmem:s3+$0xFFFFFF50];
	[tilespmem:s17+$0xFFFFFFB0] =	vst v9  }
0x4e8: {  	v6 =	vbroadcast v6, $0x0;
	v9 =	vunpack.i.l.bf16.f32 v8;
	[tilespmem:s17+$0xFFFFFFC0] =	vst v4;
	v14 =	vld.idx.msk [tilespmem:v3+s21+$0x0], $0xffff;
	v3 =	vmul.f32 v10, v13  }
0x4e9: {  	[tilespmem:s17+$0xFFFFFD10] =	vst v12;
	v4 =	vunpack.i.u.bf16.f32 v8;
	v8 =	vmul.f32 v9, v15;
	v9 =	vld [tilespmem:s3+$0xFFFFFFF0]  }
0x4ea: {  	v10 =	vunpack.i.l.bf16.f32 v16;
	v4 =	vmul.f32 v4, v15;
	[tilespmem:s17+$0xFFFFFD20] =	vst v3  }
0x4eb: {  	v12 =	vunpack.i.u.bf16.f32 v16;
	v3 =	vld [tilespmem:s3+$0xFFFFFF90];
	v10 =	vmul.f32 v10, v18;
	[tilespmem:s17+$0xFFFFFD90] =	vst v8  }
0x4ec: {  	v17 =	vld.idx.msk [tilespmem:v5+s21+$0x0], $0xffff;
	v8 =	vunpack.i.l.bf16.f32 v7;
	v5 =	vmul.f32 v12, v18;
	[tilespmem:s17+$0xFFFFFDA0] =	vst v4  }
0x4ed: {  	v4 =	vld [tilespmem:s3+$0xFFFFFE10];
	v7 =	vunpack.i.u.bf16.f32 v7;
	[tilespmem:s17+$0xFFFFFE10] =	vst v10;
	v8 =	vmul.f32 v8, v14  }
0x4ee: {  	v10 =	vld.idx.msk [tilespmem:v6+s21+$0x0], $0xffff;
	[tilespmem:s17+$0xFFFFFE20] =	vst v5;
	v6 =	vmul.f32 v7, v14;
	v5 =	vunpack.i.l.bf16.f32 v9  }
0x4ef: {  	v7 =	vld [tilespmem:s3+$0xFFFFFE60];
	v5 =	vmul.f32 v5, v2;
	[tilespmem:s17+$0xFFFFFE90] =	vst v8;
	v8 =	vunpack.i.u.bf16.f32 v9  }
0x4f0: {  	v9 =	vunpack.i.l.bf16.f32 v3;
	[tilespmem:s17+$0xFFFFFEA0] =	vst v6;
	v6 =	vmul.f32 v8, v2  }
0x4f1: {  	v3 =	vunpack.i.u.bf16.f32 v3;
	v8 =	vmul.f32 v9, v17;
	v9 =	vld [tilespmem:s3+$0xFFFFFEA0];
	[tilespmem:s17+$0xFFFFFFD0] =	vst v5  }
0x4f2: {  	v12 =	vld [tilespmem:s3+$0xFFFFFEE0];
	v5 =	vunpack.i.l.bf16.f32 v4;
	v3 =	vmul.f32 v3, v17;
	[tilespmem:s17+$0xFFFFFFE0] =	vst v6  }
0x4f3: {  	v4 =	vunpack.i.u.bf16.f32 v4;
	v5 =	vmul.f32 v5, v10;
	[tilespmem:s17+$0xFFFFFF10] =	vst v8  }
0x4f4: {  	v4 =	vmul.f32 v4, v10;
	v6 =	vld [tilespmem:s3+$0xFFFFFF20];
	v8 =	vunpack.i.l.bf16.f32 v7;
	[tilespmem:s17+$0xFFFFFF20] =	vst v3  }
0x4f5: {  	s5 =	sadd.s32 $0x0, s13;
	v3 =	vunpack.i.u.bf16.f32 v7;
	v7 =	vmul.f32 v8, v11;
	v8 =	vld [tilespmem:s3+$0xFFFFFF60];
	[tilespmem:s17+$0xFFFFFC10] =	vst v5  }
0x4f6: {  	s22 =	sadd.s32 $0x19B, s5;
	v3 =	vmul.f32 v3, v11;
	[tilespmem:s17+$0xFFFFFC20] =	vst v4;
	v19 =	vld [tilespmem:s3+$0xFFFFFFA0];
	v5 =	vunpack.i.u.bf16.f32 v9;
	v9 =	vunpack.i.l.bf16.f32 v9  }
0x4f7: {  	v25 =	vmov s22;
	v16 =	vld [tilespmem:s3+$0x0];
	[tilespmem:s17+$0xFFFFFCB0] =	vst v7;
	v7 =	vunpack.i.u.bf16.f32 v12;
	v4 =	vmul.f32 v9, v13  }
0x4f8: {  	[tilespmem:s17+$0xFFFFFCC0] =	vst v3;
	v5 =	vmul.f32 v5, v13;
	v9 =	vunpack.i.l.bf16.f32 v12;
	v3 =	vmul.f32 v7, v15  }
0x4f9: {  	s8 =	sadd.s32 $0x19C, s5;
	v9 =	vmul.f32 v9, v15;
	v12 =	vunpack.i.l.bf16.f32 v6;
	v6 =	vunpack.i.u.bf16.f32 v6;
	[tilespmem:s17+$0xFFFFFD30] =	vst v4  }
0x4fa: {  	v26 =	vmov s8;
	v20 =	vld [tilespmem:s3+$0xFFFFFE70];
	v7 =	vmul.f32 v12, v18;
	v4 =	vmul.f32 v6, v18;
	[tilespmem:s17+$0xFFFFFD40] =	vst v5  }
0x4fb: {  	v6 =	vunpack.i.u.bf16.f32 v8;
	v8 =	vunpack.i.l.bf16.f32 v8;
	[tilespmem:s17+$0xFFFFFDC0] =	vst v3;
	v3 =	vunpack.i.u.bf16.f32 v19  }
0x4fc: {  	v12 =	vld [tilespmem:s3+$0xFFFFFE20];
	v5 =	vmul.f32 v8, v14;
	v6 =	vmul.f32 v6, v14;
	[tilespmem:s17+$0xFFFFFDB0] =	vst v9;
	v8 =	vunpack.i.u.bf16.f32 v16  }
0x4fd: {  	s26 =	sadd.s32 $0x19E, s5;
	v9 =	vunpack.i.l.bf16.f32 v16;
	v16 =	vunpack.i.l.bf16.f32 v19;
	v21 =	vld [tilespmem:s3+$0xFFFFFEB0];
	v8 =	vmul.f32 v8, v2;
	[tilespmem:s17+$0xFFFFFE30] =	vst v7  }
0x4fe: {  	v27 =	vmov s26;
	v16 =	vmul.f32 v16, v17;
	v7 =	vmul.f32 v3, v17;
	[tilespmem:s17+$0xFFFFFE40] =	vst v4  }
0x4ff: {  	s9 =	sadd.s32 $0x19F, s5;
	v22 =	vld [tilespmem:s3+$0xFFFFFEF0];
	v3 =	vmul.f32 v9, v2;
	v4 =	vunpack.i.l.bf16.f32 v20;
	v9 =	vunpack.i.u.bf16.f32 v20;
	[tilespmem:s17+$0xFFFFFEC0] =	vst v6  }
0x500: {  	v4 =	vmul.f32 v4, v11;
	v6 =	vmul.f32 v9, v11;
	[tilespmem:s17+$0xFFFFFF40] =	vst v7;
	v7 =	vmov s9  }
0x501: {  	[tilespmem:s17+$0xFFFFFEB0] =	vst v5;
	v19 =	vunpack.i.u.bf16.f32 v12;
	v12 =	vunpack.i.l.bf16.f32 v12;
	v7 =	vshrl.u32 v7, $0x3  }
0x502: {  	s18 =	sadd.s32 $0x19A, s5;
	v20 =	vld [tilespmem:s3+$0xFFFFFF70];
	[tilespmem:s17+$0xFFFFFF30] =	vst v16;
	v2 =	vmul.f32 v12, v10;
	v5 =	vmul.f32 v19, v10;
	v9 =	vunpack.i.u.bf16.f32 v21  }
0x503: {  	v12 =	vld [tilespmem:s3+$0xFFFFFF30];
	v19 =	vunpack.i.l.bf16.f32 v21;
	v7 =	vshll.u32 v7, v1;
	[tilespmem:s17+$0xFFFFFCE0] =	vst v6;
	v6 =	vmov s18  }
0x504: {  	v16 =	vmul.f32 v19, v13;
	v19 =	vunpack.i.u.bf16.f32 v22;
	v21 =	vunpack.i.l.bf16.f32 v22;
	v22 =	vld [tilespmem:s3+$0xFFFFFFB0]  }
0x505: {  	v9 =	vmul.f32 v9, v13;
	v7 =	vadd.s32 $0x7, v7;
	v23 =	vmul.f32 v21, v15  }
0x506: {  	[tilespmem:s17+$0xFFFFFCD0] =	vst v4;
	v6 =	vshrl.u32 v6, $0x3;
	v19 =	vmul.f32 v19, v15;
	v7 =	vbroadcast v7, $0x0  }
0x507: {  	s25 =	sadd.s32 $0x19D, s5;
	v6 =	vshll.u32 v6, v1;
	v24 =	vunpack.i.l.bf16.f32 v20;
	v20 =	vunpack.i.u.bf16.f32 v20;
	[tilespmem:s17+$0xFFFFFD50] =	vst v16  }
0x508: {  	v16 =	vmov s25;
	[tilespmem:s17+$0xFFFFFD60] =	vst v9;
	v9 =	vshrl.u32 v25, $0x3;
	v21 =	vunpack.i.u.bf16.f32 v12  }
0x509: {  	s11 =	sadd.s32 $0x199, s5;
	s18 =	simm.s32 $0x4360;
	[tilespmem:s17+$0xFFFFFC30] =	vst v2;
	v24 =	vmul.f32 v24, v14;
	v2 =	vmul.f32 v21, v18;
	v21 =	vunpack.i.l.bf16.f32 v22  }
0x50a: {  	s5 =	sadd.s32 $0x198, s5;
	v28 =	vld [tilespmem:s18+$0xFFFFFFD0];
	[tilespmem:s17+$0xFFFFFC40] =	vst v5;
	v5 =	vmul.f32 v20, v14;
	v4 =	vmul.f32 v21, v17;
	v21 =	vmov s11  }
0x50b: {  	v30 =	vld [tilespmem:s18+$0xFFFFFE90];
	[tilespmem:s17+$0xFFFFFDD0] =	vst v23;
	v23 =	vshrl.u32 v26, $0x3;
	v26 =	vmov s5;
	v21 =	vshrl.u32 v21, $0x3  }
0x50c: {  	[tilespmem:s17+$0x0] =	vst v8;
	v16 =	vshrl.u32 v16, $0x3;
	v12 =	vunpack.i.l.bf16.f32 v12;
	v25 =	vshll.u32 v21, v1;
	v21 =	vld.idx.msk [tilespmem:v7+s21+$0x0], $0xffff  }
0x50d: {  	v51 =	vld [tilespmem:s18+$0xFFFFFF90];
	[tilespmem:s17+$0xFFFFFDE0] =	vst v19;
	v19 =	vshrl.u32 v27, $0x3;
	v12 =	vmul.f32 v12, v18;
	v25 =	vadd.s32 $0x1, v25  }
0x50e: {  	v29 =	vld [tilespmem:s3+$0xFFFFFEC0];
	v8 =	vshll.u32 v9, v1;
	v9 =	vshll.u32 v23, v1;
	[tilespmem:s17+$0xFFFFFED0] =	vst v24;
	v25 =	vbroadcast v25, $0x0  }
0x50f: {  	v20 =	vunpack.i.u.bf16.f32 v22;
	v22 =	vld [tilespmem:s3+$0xFFFFFE30];
	v23 =	vunpack.i.l.bf16.f32 v28;
	v28 =	vunpack.i.u.bf16.f32 v28;
	[tilespmem:s17+$0xFFFFFE50] =	vst v12  }
0x510: {  	v27 =	vld [tilespmem:s3+$0xFFFFFF00];
	v24 =	vshrl.u32 v26, $0x3;
	v12 =	vshll.u32 v16, v1;
	[tilespmem:s17+$0xFFFFFE60] =	vst v2;
	v2 =	vadd.s32 $0x2, v6  }
0x511: {  	v16 =	vshll.u32 v19, v1;
	v19 =	vld [tilespmem:s18+$0xFFFFFE10];
	v26 =	vbroadcast v2, $0x0;
	v23 =	vmul.f32 v23, v21  }
0x512: {  	s9 =	simm.s32 $0x8360;
	[tilespmem:s17+$0xFFFFFEE0] =	vst v5;
	v6 =	vld [tilespmem:s18+$0xFFFFFE50];
	v2 =	vadd.s32 $0x3, v8;
	v8 =	vadd.s32 $0x4, v9;
	v28 =	vmul.f32 v28, v21  }
0x513: {  	v20 =	vmul.f32 v20, v17;
	v7 =	vld [tilespmem:s3+$0xFFFFFE80];
	v5 =	vbroadcast v8, $0x0;
	[tilespmem:s9+$0xFFFFFF90] =	vst v23  }
0x514: {  	v8 =	vunpack.i.l.bf16.f32 v22;
	v23 =	vshll.u32 v24, v1;
	v24 =	vbroadcast v2, $0x0;
	[tilespmem:s9+$0xFFFFFFA0] =	vst v28;
	v2 =	vld.idx.msk [tilespmem:v25+s21+$0x0], $0xffff  }
0x515: {  	v9 =	vadd.s32 $0x5, v12;
	v16 =	vadd.s32 $0x6, v16;
	v8 =	vmul.f32 v8, v10;
	v25 =	vld [tilespmem:s18+$0xFFFFFFE0]  }
0x516: {  	v12 =	vld [tilespmem:s18+$0xFFFFFED0];
	[tilespmem:s17+$0xFFFFFF50] =	vst v4;
	v9 =	vbroadcast v9, $0x0;
	v4 =	vunpack.i.u.bf16.f32 v22;
	v22 =	vbroadcast v23, $0x0  }
0x517: {  	v16 =	vbroadcast v16, $0x0;
	v4 =	vmul.f32 v4, v10;
	[tilespmem:s17+$0xFFFFFC50] =	vst v8;
	v8 =	vld.idx.msk [tilespmem:v26+s21+$0x0], $0xffff  }
0x518: {  	[tilespmem:s17+$0xFFFFFF60] =	vst v20;
	v20 =	vld [tilespmem:s18+$0xFFFFFF50];
	v31 =	vunpack.i.l.bf16.f32 v7;
	v28 =	vunpack.i.u.bf16.f32 v7;
	v7 =	vunpack.i.l.bf16.f32 v6  }
0x519: {  	v52 =	vunpack.i.l.bf16.f32 v30;
	[tilespmem:s17+$0xFFFFFC60] =	vst v4;
	v6 =	vunpack.i.u.bf16.f32 v6;
	v23 =	vld [tilespmem:s18+$0xFFFFFF10];
	v4 =	vmul.f32 v7, v2  }
0x51a: {  	[tilespmem:s17+$0xFFFFFFF0] =	vst v3;
	v30 =	vunpack.i.u.bf16.f32 v30;
	v7 =	vld.idx.msk [tilespmem:v24+s21+$0x0], $0xffff;
	v3 =	vmul.f32 v6, v2;
	v6 =	vunpack.i.l.bf16.f32 v25  }
0x51b: {  	v32 =	vunpack.i.u.bf16.f32 v51;
	v5 =	vld.idx.msk [tilespmem:v5+s21+$0x0], $0xffff;
	[tilespmem:s9+$0xFFFFFC90] =	vst v4;
	v4 =	vunpack.i.u.bf16.f32 v25;
	v25 =	vmul.f32 v6, v21  }
0x51c: {  	v34 =	vunpack.i.u.bf16.f32 v12;
	v12 =	vunpack.i.l.bf16.f32 v12;
	[tilespmem:s9+$0xFFFFFCA0] =	vst v3;
	v3 =	vld.idx.msk [tilespmem:v22+s21+$0x0], $0xffff;
	v22 =	vmul.f32 v30, v8  }
0x51d: {  	v53 =	vunpack.i.u.bf16.f32 v20;
	v20 =	vunpack.i.l.bf16.f32 v20;
	v6 =	vld.idx.msk [tilespmem:v9+s21+$0x0], $0xffff;
	v9 =	vmul.f32 v4, v21;
	[tilespmem:s9+$0xFFFFFFB0] =	vst v25  }
0x51e: {  	v26 =	vunpack.i.u.bf16.f32 v29;
	v29 =	vunpack.i.l.bf16.f32 v29;
	v4 =	vld.idx.msk [tilespmem:v16+s21+$0x0], $0xffff;
	v16 =	vmul.f32 v52, v8;
	[tilespmem:s9+$0xFFFFFD20] =	vst v22  }
0x51f: {  	v58 =	vld [tilespmem:s3+$0xFFFFFFC0];
	v30 =	vunpack.i.u.bf16.f32 v23;
	v23 =	vunpack.i.l.bf16.f32 v23;
	[tilespmem:s9+$0xFFFFFFC0] =	vst v9;
	v12 =	vmul.f32 v12, v7  }
0x520: {  	v24 =	vunpack.i.u.bf16.f32 v19;
	v23 =	vmul.f32 v23, v5;
	[tilespmem:s9+$0xFFFFFD10] =	vst v16;
	v34 =	vmul.f32 v34, v7;
	v16 =	vld [tilespmem:s18+$0xFFFFFFF0]  }
0x521: {  	v19 =	vunpack.i.l.bf16.f32 v19;
	v30 =	vmul.f32 v30, v5;
	v22 =	vld [tilespmem:s3+$0xFFFFFF40];
	v9 =	vmul.f32 v31, v11;
	[tilespmem:s9+$0xFFFFFD90] =	vst v12  }
0x522: {  	v25 =	vunpack.i.u.bf16.f32 v27;
	v31 =	vld [tilespmem:s18+$0xFFFFFE60];
	v11 =	vmul.f32 v28, v11;
	v20 =	vmul.f32 v20, v6;
	[tilespmem:s9+$0xFFFFFDA0] =	vst v34  }
0x523: {  	[tilespmem:s9+$0xFFFFFE10] =	vst v23;
	v12 =	vunpack.i.l.bf16.f32 v51;
	v33 =	vmul.f32 v53, v6;
	v19 =	vmul.f32 v19, v3;
	v28 =	vld [tilespmem:s18+$0xFFFFFEE0]  }
0x524: {  	v27 =	vunpack.i.l.bf16.f32 v27;
	[tilespmem:s9+$0xFFFFFE20] =	vst v30;
	v24 =	vmul.f32 v24, v3;
	v54 =	vmul.f32 v12, v4  }
0x525: {  	v34 =	vunpack.i.u.bf16.f32 v58;
	v32 =	vmul.f32 v32, v4;
	[tilespmem:s9+$0xFFFFFE90] =	vst v20;
	v12 =	vunpack.i.l.bf16.f32 v16  }
0x526: {  	v30 =	vld [tilespmem:s18+$0xFFFFFEA0];
	v35 =	vunpack.i.u.bf16.f32 v22;
	[tilespmem:s9+$0xFFFFFF10] =	vst v54;
	v16 =	vunpack.i.u.bf16.f32 v16;
	v20 =	vmul.f32 v12, v21  }
0x527: {  	v23 =	vld [tilespmem:s3+$0xFFFFFF80];
	v55 =	vunpack.i.u.bf16.f32 v31;
	v31 =	vunpack.i.l.bf16.f32 v31;
	[tilespmem:s9+$0xFFFFFF20] =	vst v32;
	v16 =	vmul.f32 v16, v21  }
0x528: {  	v12 =	vmul.f32 v29, v13;
	v29 =	vmul.f32 v55, v2;
	v57 =	vunpack.i.l.bf16.f32 v28;
	[tilespmem:s9+$0xFFFFFFD0] =	vst v20  }
0x529: {  	v59 =	vld [tilespmem:s18+$0xFFFFFFA0];
	v20 =	vunpack.i.l.bf16.f32 v22;
	v22 =	vmul.f32 v31, v2;
	[tilespmem:s9+$0xFFFFFFE0] =	vst v16;
	v16 =	vmul.f32 v26, v13  }
0x52a: {  	[tilespmem:s9+$0xFFFFFEA0] =	vst v33;
	v28 =	vunpack.i.u.bf16.f32 v28;
	v31 =	vld [tilespmem:s18+$0xFFFFFF20];
	v13 =	vmul.f32 v27, v15;
	v15 =	vmul.f32 v25, v15  }
0x52b: {  	[tilespmem:s9+$0xFFFFFC10] =	vst v19;
	v25 =	vunpack.i.u.bf16.f32 v30;
	v27 =	vunpack.i.l.bf16.f32 v30;
	v30 =	vld [tilespmem:s18+$0xFFFFFF60];
	v32 =	vmul.f32 v57, v7  }
0x52c: {  	[tilespmem:s9+$0xFFFFFC20] =	vst v24;
	v56 =	vunpack.i.u.bf16.f32 v23;
	v24 =	vmul.f32 v28, v7;
	v26 =	vld [tilespmem:s18+$0x0];
	v27 =	vmul.f32 v27, v8  }
0x52d: {  	v25 =	vmul.f32 v25, v8;
	v19 =	vmul.f32 v20, v18;
	[tilespmem:s9+$0xFFFFFCB0] =	vst v22;
	v22 =	vunpack.i.l.bf16.f32 v23  }
0x52e: {  	[tilespmem:s9+$0xFFFFFCC0] =	vst v29;
	v20 =	vmul.f32 v35, v18;
	v61 =	vunpack.i.l.bf16.f32 v59;
	v22 =	vmul.f32 v22, v14  }
0x52f: {  	v29 =	vld [tilespmem:s18+$0xFFFFFE20];
	[tilespmem:s9+$0xFFFFFDB0] =	vst v32;
	v14 =	vmul.f32 v56, v14;
	v28 =	vunpack.i.u.bf16.f32 v31;
	v31 =	vunpack.i.l.bf16.f32 v31  }
0x530: {  	[tilespmem:s9+$0xFFFFFD30] =	vst v27;
	v32 =	vmul.f32 v61, v4;
	v27 =	vunpack.i.u.bf16.f32 v30;
	v31 =	vmul.f32 v31, v5  }
0x531: {  	[tilespmem:s9+$0xFFFFFDC0] =	vst v24;
	v60 =	vld [tilespmem:s18+$0xFFFFFE70];
	v18 =	vunpack.i.u.bf16.f32 v26;
	v23 =	vmul.f32 v28, v5;
	v28 =	vunpack.i.l.bf16.f32 v30  }
0x532: {  	[tilespmem:s9+$0xFFFFFD40] =	vst v25;
	v30 =	vld [tilespmem:s3+$0xFFFFFE40];
	v27 =	vmul.f32 v27, v6;
	v24 =	vunpack.i.l.bf16.f32 v26;
	v18 =	vmul.f32 v18, v21  }
0x533: {  	v25 =	vunpack.i.l.bf16.f32 v58;
	v26 =	vld [tilespmem:s18+$0xFFFFFEB0];
	v28 =	vmul.f32 v28, v6;
	v21 =	vmul.f32 v24, v21;
	[tilespmem:s9+$0xFFFFFE30] =	vst v31  }
0x534: {  	v31 =	vunpack.i.u.bf16.f32 v29;
	v29 =	vunpack.i.l.bf16.f32 v29;
	[tilespmem:s9+$0x0] =	vst v18;
	v18 =	vmul.f32 v25, v17  }
0x535: {  	v24 =	vld [tilespmem:s18+$0xFFFFFEF0];
	[tilespmem:s9+$0xFFFFFE40] =	vst v23;
	v25 =	vunpack.i.u.bf16.f32 v59;
	v17 =	vmul.f32 v34, v17;
	v62 =	vmul.f32 v29, v3  }
0x536: {  	v31 =	vmul.f32 v31, v3;
	v63 =	vld [tilespmem:s18+$0xFFFFFF30];
	[tilespmem:s9+$0xFFFFFEB0] =	vst v28;
	v28 =	vunpack.i.u.bf16.f32 v60;
	v29 =	vunpack.i.l.bf16.f32 v60  }
0x537: {  	[tilespmem:s9+$0xFFFFFEC0] =	vst v27;
	v25 =	vmul.f32 v25, v4;
	v28 =	vmul.f32 v28, v2;
	v23 =	vunpack.i.l.bf16.f32 v30  }
0x538: {  	[tilespmem:s9+$0xFFFFFF30] =	vst v32;
	v36 =	vld [tilespmem:s18+$0xFFFFFF70];
	v27 =	vunpack.i.u.bf16.f32 v30;
	v30 =	vmul.f32 v29, v2;
	v29 =	vunpack.i.u.bf16.f32 v26  }
0x539: {  	v26 =	vunpack.i.l.bf16.f32 v26;
	v23 =	vmul.f32 v23, v10;
	v10 =	vmul.f32 v27, v10;
	[tilespmem:s9+$0xFFFFFF40] =	vst v25  }
0x53a: {  	[tilespmem:s9+$0xFFFFFC30] =	vst v62;
	v37 =	vmul.f32 v26, v8;
	v29 =	vmul.f32 v29, v8;
	v25 =	vunpack.i.l.bf16.f32 v24;
	v33 =	vld [tilespmem:s18+$0xFFFFFFB0]  }
0x53b: {  	[tilespmem:s9+$0xFFFFFC40] =	vst v31;
	v24 =	vunpack.i.u.bf16.f32 v24;
	v32 =	vmul.f32 v25, v7;
	v25 =	vunpack.i.l.bf16.f32 v63  }
0x53c: {  	v27 =	vmul.f32 v24, v7;
	[tilespmem:s9+$0xFFFFFCD0] =	vst v30;
	v24 =	vunpack.i.u.bf16.f32 v63;
	v30 =	vmul.f32 v25, v5  }
0x53d: {  	s22 =	simm.s32 $0x8;
	v26 =	vld [tilespmem:s18+$0xFFFFFE30];
	[tilespmem:s9+$0xFFFFFCE0] =	vst v28;
	v24 =	vmul.f32 v24, v5;
	v28 =	vunpack.i.u.bf16.f32 v36;
	v31 =	vunpack.i.l.bf16.f32 v36  }
0x53e: {  	s5 =	sadd.s32 $0x5, s16;
	s16 =	simm.s32 $0x4360;
	s3 =	simm.s32 $0x8360;
	[tilespmem:s9+$0xFFFFFD50] =	vst v37;
	v25 =	vld [tilespmem:s18+$0xFFFFFE80];
	v31 =	vmul.f32 v31, v6;
	v28 =	vmul.f32 v28, v6  }
.LBB2_19:
0x53f: {  	s6 =	sadd.s32 s22, s13;
	[tilespmem:s9+$0xFFFFFD60] =	vst v29;
	v29 =	vunpack.i.u.bf16.f32 v33;
	v33 =	vunpack.i.l.bf16.f32 v33  }
0x540: {  	s7 =	sadd.s32 $0x199, s6;
	s8 =	sadd.s32 $0x19A, s6;
	s11 =	sadd.s32 $0x19F, s6;
	v34 =	vld [tilespmem:s18+$0xFFFFFEC0];
	[tilespmem:s9+$0xFFFFFDD0] =	vst v32;
	v32 =	vmul.f32 v33, v4;
	v29 =	vmul.f32 v29, v4  }
0x541: {  	s25 =	sadd.s32 $0x19D, s6;
	v33 =	vmov s7;
	v35 =	vmov s8;
	s7 =	sadd.s32 $0x19B, s6;
	s8 =	sadd.s32 $0x19C, s6;
	v36 =	vmov s11;
	[tilespmem:s9+$0xFFFFFDE0] =	vst v27  }
0x542: {  	s22 =	sadd.s32 $0x8, s22;
	s11 =	sadd.s32 $0x198, s6;
	s6 =	sadd.s32 $0x19E, s6;
	v27 =	vmov s7;
	v37 =	vmov s8;
	v36 =	vshrl.u32 v36, $0x3;
	v38 =	vld [tilespmem:s18+$0xFFFFFF00];
	[tilespmem:s9+$0xFFFFFE50] =	vst v30  }
0x543: {  	p1 =	slt.u32 s22, $0x48;
	v30 =	vmov s25;
	v39 =	vmov s6;
	v36 =	vshll.u32 v36, v1;
	[tilespmem:s9+$0xFFFFFE60] =	vst v24  }
0x544: {  	v24 =	vshrl.u32 v33, $0x3;
	v33 =	vshrl.u32 v35, $0x3;
	v35 =	vadd.s32 $0x7, v36;
	v36 =	vld [tilespmem:s18+$0xFFFFFF40];
	[tilespmem:s9+$0xFFFFFED0] =	vst v31  }
0x545: {  	v27 =	vshrl.u32 v27, $0x3;
	v31 =	vshrl.u32 v37, $0x3;
	v35 =	vbroadcast v35, $0x0;
	[tilespmem:s9+$0xFFFFFEE0] =	vst v28  }
0x546: {  	v30 =	vshrl.u32 v30, $0x3;
	v37 =	vshrl.u32 v39, $0x3;
	v28 =	vmov s11;
	v39 =	vld [tilespmem:s18+$0xFFFFFF80];
	[tilespmem:s9+$0xFFFFFF50] =	vst v32  }
0x547: {  	v24 =	vshll.u32 v24, v1;
	v27 =	vshll.u32 v27, v1;
	v32 =	vshll.u32 v33, v1;
	[tilespmem:s9+$0xFFFFFF60] =	vst v29  }
0x548: {  	v30 =	vshll.u32 v30, v1;
	v29 =	vshll.u32 v31, v1;
	v31 =	vshll.u32 v37, v1;
	v33 =	vld [tilespmem:s18+$0xFFFFFFC0];
	[tilespmem:s17+$0xFFFFFCF0] =	vst v9  }
0x549: {  	v24 =	vadd.s32 $0x1, v24;
	v9 =	vshrl.u32 v28, $0x3;
	v28 =	vadd.s32 $0x2, v32;
	s18 =	sadd.s32 $0x200, s18;
	[tilespmem:s17+$0xFFFFFD00] =	vst v11  }
0x54a: {  	v11 =	vadd.s32 $0x3, v27;
	v27 =	vadd.s32 $0x4, v29;
	v29 =	vadd.s32 $0x5, v30;
	v30 =	vld [tilespmem:s18+$0xFFFFFFD0];
	[tilespmem:s17+$0xFFFFFD70] =	vst v12  }
0x54b: {  	v31 =	vadd.s32 $0x6, v31;
	v9 =	vshll.u32 v9, v1;
	v12 =	vbroadcast v24, $0x0;
	v24 =	vld.idx.msk [tilespmem:v35+s21+$0x0], $0xffff;
	[tilespmem:s17+$0xFFFFFD80] =	vst v16  }
0x54c: {  	v32 =	vunpack.i.u.bf16.f32 v26;
	v28 =	vbroadcast v28, $0x0;
	v11 =	vbroadcast v11, $0x0;
	v16 =	vld [tilespmem:s18+$0xFFFFFE10];
	[tilespmem:s17+$0xFFFFFDF0] =	vst v13  }
0x54d: {  	v26 =	vunpack.i.l.bf16.f32 v26;
	v27 =	vbroadcast v27, $0x0;
	v29 =	vbroadcast v29, $0x0;
	v13 =	vld [tilespmem:s18+$0xFFFFFE50];
	[tilespmem:s17+$0xFFFFFE00] =	vst v15  }
0x54e: {  	v31 =	vbroadcast v31, $0x0;
	v9 =	vbroadcast v9, $0x0;
	v35 =	vunpack.i.u.bf16.f32 v25;
	v15 =	vld [tilespmem:s18+$0xFFFFFE90];
	[tilespmem:s17+$0xFFFFFE70] =	vst v19  }
0x54f: {  	v37 =	vunpack.i.l.bf16.f32 v25;
	v26 =	vmul.f32 v26, v3;
	v32 =	vmul.f32 v32, v3;
	v19 =	vld [tilespmem:s18+$0xFFFFFED0];
	[tilespmem:s17+$0xFFFFFE80] =	vst v20  }
0x550: {  	v40 =	vunpack.i.u.bf16.f32 v34;
	v34 =	vunpack.i.l.bf16.f32 v34;
	v25 =	vunpack.i.l.bf16.f32 v30;
	v20 =	vld [tilespmem:s18+$0xFFFFFF10];
	[tilespmem:s17+$0xFFFFFEF0] =	vst v22  }
0x551: {  	v30 =	vunpack.i.u.bf16.f32 v30;
	v25 =	vmul.f32 v25, v24;
	v22 =	vunpack.i.u.bf16.f32 v16;
	v41 =	vld [tilespmem:s18+$0xFFFFFF50];
	[tilespmem:s9+$0xFFFFFC50] =	vst v26  }
0x552: {  	v30 =	vmul.f32 v30, v24;
	v16 =	vunpack.i.l.bf16.f32 v16;
	s9 =	sadd.s32 $0x400, s9;
	v26 =	vunpack.i.u.bf16.f32 v13;
	v42 =	vld [tilespmem:s18+$0xFFFFFF90];
	[tilespmem:s3+$0xFFFFFC60] =	vst v32  }
0x553: {  	v13 =	vunpack.i.l.bf16.f32 v13;
	v12 =	vld.idx.msk [tilespmem:v12+s21+$0x0], $0xffff;
	v32 =	vunpack.i.u.bf16.f32 v15;
	v15 =	vunpack.i.l.bf16.f32 v15;
	[tilespmem:s9+$0xFFFFFF90] =	vst v25  }
0x554: {  	v28 =	vld.idx.msk [tilespmem:v28+s21+$0x0], $0xffff;
	v43 =	vunpack.i.u.bf16.f32 v19;
	v19 =	vunpack.i.l.bf16.f32 v19;
	[tilespmem:s9+$0xFFFFFFA0] =	vst v30;
	v30 =	vunpack.i.u.bf16.f32 v38  }
0x555: {  	v38 =	vunpack.i.l.bf16.f32 v38;
	v44 =	vunpack.i.u.bf16.f32 v20;
	v20 =	vunpack.i.l.bf16.f32 v20;
	v45 =	vld [tilespmem:s18+$0xFFFFFFE0];
	[tilespmem:s17+$0xFFFFFF00] =	vst v14  }
0x556: {  	v46 =	vunpack.i.u.bf16.f32 v36;
	v14 =	vld.idx.msk [tilespmem:v11+s21+$0x0], $0xffff;
	v11 =	vunpack.i.u.bf16.f32 v41;
	v41 =	vunpack.i.l.bf16.f32 v41;
	[tilespmem:s17+$0xFFFFFF70] =	vst v18  }
0x557: {  	v36 =	vunpack.i.l.bf16.f32 v36;
	v18 =	vld.idx.msk [tilespmem:v27+s21+$0x0], $0xffff;
	v27 =	vunpack.i.u.bf16.f32 v42;
	v42 =	vunpack.i.l.bf16.f32 v42;
	[tilespmem:s17+$0xFFFFFF80] =	vst v17  }
0x558: {  	v47 =	vunpack.i.u.bf16.f32 v39;
	v39 =	vunpack.i.l.bf16.f32 v39;
	v17 =	vunpack.i.u.bf16.f32 v33;
	v29 =	vld.idx.msk [tilespmem:v29+s21+$0x0], $0xffff;
	[tilespmem:s3+$0xFFFFFFF0] =	vst v21  }
0x559: {  	v13 =	vmul.f32 v13, v12;
	v21 =	vmul.f32 v26, v12;
	v26 =	vld.idx.msk [tilespmem:v31+s21+$0x0], $0xffff;
	v31 =	vunpack.i.l.bf16.f32 v33;
	[tilespmem:s17+$0xFFFFFC70] =	vst v23  }
0x55a: {  	v15 =	vmul.f32 v15, v28;
	v23 =	vmul.f32 v32, v28;
	v25 =	vld.idx.msk [tilespmem:v9+s21+$0x0], $0xffff;
	v9 =	vunpack.i.l.bf16.f32 v45;
	[tilespmem:s17+$0xFFFFFC80] =	vst v10;
	s17 =	smov.u32 s3;
	s3 =	smov.u32 s9  }
0x55b: {  	v10 =	vunpack.i.u.bf16.f32 v45;
	[tilespmem:s9+$0xFFFFFC90] =	vst v13;
	v13 =	vmul.f32 v9, v24;
	v32 =	vld [tilespmem:s16+$0xFFFFFE40];
	v9 =	vmul.f32 v37, v2;
	s16 =	smov.u32 s18  }
0x55c: {  	v19 =	vmul.f32 v19, v14;
	v10 =	vmul.f32 v10, v24;
	[tilespmem:s9+$0xFFFFFCA0] =	vst v21  }
0x55d: {  	v33 =	vmul.f32 v43, v14;
	v20 =	vmul.f32 v20, v18;
	v21 =	vld [tilespmem:s18+$0xFFFFFE60];
	[tilespmem:s9+$0xFFFFFFB0] =	vst v13  }
0x55e: {  	v13 =	vmul.f32 v44, v18;
	v37 =	vmul.f32 v41, v29;
	[tilespmem:s9+$0xFFFFFFC0] =	vst v10  }
0x55f: {  	v10 =	vmul.f32 v11, v29;
	v41 =	vmul.f32 v42, v26;
	[tilespmem:s9+$0xFFFFFD10] =	vst v15;
	v15 =	vld [tilespmem:s18+$0xFFFFFFF0]  }
0x560: {  	v42 =	vmul.f32 v16, v25;
	[tilespmem:s9+$0xFFFFFD20] =	vst v23;
	v23 =	vmul.f32 v27, v26;
	v27 =	vunpack.i.u.bf16.f32 v32  }
0x561: {  	v11 =	vmul.f32 v35, v2;
	v2 =	vmovc v12;
	v22 =	vmul.f32 v22, v25;
	v32 =	vunpack.i.l.bf16.f32 v32;
	v43 =	vld [tilespmem:s18+$0xFFFFFEA0];
	[tilespmem:s9+$0xFFFFFD90] =	vst v19  }
0x562: {  	v12 =	vmul.f32 v34, v8;
	v16 =	vunpack.i.u.bf16.f32 v21;
	v19 =	vunpack.i.l.bf16.f32 v21;
	[tilespmem:s9+$0xFFFFFDA0] =	vst v33  }
0x563: {  	v21 =	vmul.f32 v19, v2;
	v33 =	vmul.f32 v16, v2;
	v19 =	vld [tilespmem:s18+$0xFFFFFEE0];
	[tilespmem:s9+$0xFFFFFE10] =	vst v20  }
0x564: {  	v16 =	vmul.f32 v40, v8;
	v8 =	vmovc v28;
	[tilespmem:s9+$0xFFFFFE20] =	vst v13;
	v20 =	vunpack.i.l.bf16.f32 v15;
	v13 =	vmul.f32 v38, v7  }
0x565: {  	v34 =	vunpack.i.u.bf16.f32 v15;
	v15 =	vmul.f32 v30, v7;
	v7 =	vmovc v14;
	v28 =	vld [tilespmem:s18+$0xFFFFFF20];
	[tilespmem:s9+$0xFFFFFE90] =	vst v37;
	v20 =	vmul.f32 v20, v24  }
0x566: {  	v14 =	vunpack.i.u.bf16.f32 v43;
	v30 =	vunpack.i.l.bf16.f32 v43;
	[tilespmem:s9+$0xFFFFFEA0] =	vst v10;
	v10 =	vmul.f32 v34, v24  }
0x567: {  	v30 =	vmul.f32 v30, v8;
	v34 =	vmul.f32 v14, v8;
	v14 =	vld [tilespmem:s18+$0xFFFFFF60];
	[tilespmem:s9+$0xFFFFFFD0] =	vst v20  }
0x568: {  	v20 =	vunpack.i.u.bf16.f32 v19;
	v35 =	vunpack.i.l.bf16.f32 v19;
	[tilespmem:s9+$0xFFFFFFE0] =	vst v10;
	v19 =	vmul.f32 v36, v5  }
0x569: {  	v10 =	vmul.f32 v35, v7;
	v35 =	vmul.f32 v20, v7;
	[tilespmem:s9+$0xFFFFFF10] =	vst v41;
	v36 =	vld [tilespmem:s18+$0x0]  }
0x56a: {  	v20 =	vmul.f32 v46, v5;
	v5 =	vmovc v18;
	v37 =	vunpack.i.u.bf16.f32 v28;
	v28 =	vunpack.i.l.bf16.f32 v28;
	[tilespmem:s9+$0xFFFFFF20] =	vst v23  }
0x56b: {  	[tilespmem:s9+$0xFFFFFC10] =	vst v42;
	v23 =	vmul.f32 v28, v5;
	v28 =	vmul.f32 v37, v5;
	v37 =	vld [tilespmem:s18+$0xFFFFFFA0]  }
0x56c: {  	[tilespmem:s9+$0xFFFFFC20] =	vst v22;
	v18 =	vunpack.i.u.bf16.f32 v14;
	v14 =	vunpack.i.l.bf16.f32 v14;
	v22 =	vmul.f32 v39, v6  }
0x56d: {  	v38 =	vld [tilespmem:s18+$0xFFFFFE20];
	[tilespmem:s9+$0xFFFFFCB0] =	vst v21;
	v39 =	vmul.f32 v14, v29;
	v40 =	vmul.f32 v18, v29  }
0x56e: {  	v14 =	vmul.f32 v47, v6;
	v6 =	vmovc v29;
	[tilespmem:s9+$0xFFFFFCC0] =	vst v33;
	v18 =	vunpack.i.u.bf16.f32 v36;
	v21 =	vunpack.i.l.bf16.f32 v36  }
0x56f: {  	v29 =	vld [tilespmem:s18+$0xFFFFFE70];
	[tilespmem:s9+$0xFFFFFD30] =	vst v30;
	v30 =	vmul.f32 v18, v24;
	v18 =	vmul.f32 v31, v4  }
0x570: {  	v17 =	vmul.f32 v17, v4;
	v4 =	vmovc v26;
	[tilespmem:s9+$0xFFFFFD40] =	vst v34;
	v31 =	vunpack.i.u.bf16.f32 v37;
	v33 =	vunpack.i.l.bf16.f32 v37  }
0x571: {  	v26 =	vld [tilespmem:s18+$0xFFFFFEB0];
	v33 =	vmul.f32 v33, v4;
	v31 =	vmul.f32 v31, v4;
	[tilespmem:s9+$0x0] =	vst v30  }
0x572: {  	v21 =	vmul.f32 v21, v24;
	v30 =	vunpack.i.u.bf16.f32 v38;
	v34 =	vunpack.i.l.bf16.f32 v38;
	[tilespmem:s9+$0xFFFFFDB0] =	vst v10  }
0x573: {  	v24 =	vmul.f32 v34, v25;
	v30 =	vmul.f32 v30, v25;
	[tilespmem:s9+$0xFFFFFDC0] =	vst v35  }
0x574: {  	v10 =	vunpack.i.u.bf16.f32 v29;
	v29 =	vunpack.i.l.bf16.f32 v29;
	v34 =	vld [tilespmem:s18+$0xFFFFFEF0];
	[tilespmem:s9+$0xFFFFFE30] =	vst v23;
	v23 =	vmul.f32 v32, v3  }
0x575: {  	v35 =	vmul.f32 v29, v2;
	v36 =	vmul.f32 v10, v2;
	[tilespmem:s9+$0xFFFFFE40] =	vst v28  }
0x576: {  	v10 =	vmul.f32 v27, v3;
	v3 =	vmovc v25;
	v28 =	vunpack.i.u.bf16.f32 v26;
	v26 =	vunpack.i.l.bf16.f32 v26;
	v37 =	vld [tilespmem:s18+$0xFFFFFF30];
	[tilespmem:s9+$0xFFFFFEB0] =	vst v39  }
0x577: {  	v38 =	vmul.f32 v26, v8;
	v29 =	vmul.f32 v28, v8;
	[tilespmem:s9+$0xFFFFFEC0] =	vst v40  }
0x578: {  	v25 =	vld [tilespmem:s18+$0xFFFFFF70];
	[tilespmem:s9+$0xFFFFFF30] =	vst v33  }
0x579: {  	v26 =	vunpack.i.u.bf16.f32 v34;
	v27 =	vunpack.i.l.bf16.f32 v34;
	[tilespmem:s9+$0xFFFFFF40] =	vst v31  }
.Ltmp12:
0x57a: {  	[tilespmem:s9+$0xFFFFFC30] =	vst v24;
	v32 =	vmul.f32 v27, v7;
	v27 =	vmul.f32 v26, v7;
	v33 =	vld [tilespmem:s18+$0xFFFFFFB0];
	(pc) =	sbr.rel @p1 .LBB2_19-.Ltmp12, $4  }
0x57b: {  	[tilespmem:s9+$0xFFFFFC40] =	vst v30;
	v24 =	vunpack.i.u.bf16.f32 v37;
	v28 =	vunpack.i.l.bf16.f32 v37  }
0x57c: {  	v26 =	vld [tilespmem:s18+$0xFFFFFE30];
	[tilespmem:s9+$0xFFFFFCD0] =	vst v35;
	v30 =	vmul.f32 v28, v5;
	v24 =	vmul.f32 v24, v5  }
0x57d: {  	[tilespmem:s9+$0xFFFFFCE0] =	vst v36;
	v28 =	vunpack.i.u.bf16.f32 v25;
	v31 =	vunpack.i.l.bf16.f32 v25  }
0x57e: {  	v25 =	vld [tilespmem:s18+$0xFFFFFE80];
	[tilespmem:s9+$0xFFFFFD50] =	vst v38;
	v31 =	vmul.f32 v31, v6;
	v28 =	vmul.f32 v28, v6  }
0x57f: {  	[tilespmem:s9+$0xFFFFFD60] =	vst v29  }
0x580: {  	[tilespmem:s9+$0xFFFFFDD0] =	vst v32  }
0x581: {  	[tilespmem:s9+$0xFFFFFDE0] =	vst v27  }
0x582: {  	[tilespmem:s9+$0xFFFFFE50] =	vst v30  }
0x583: {  	[tilespmem:s9+$0xFFFFFE60] =	vst v24  }
0x584: {  	[tilespmem:s17+$0xFFFFFCF0] =	vst v9  }
0x585: {  	[tilespmem:s17+$0xFFFFFD00] =	vst v11  }
0x586: {  	[tilespmem:s17+$0xFFFFFD70] =	vst v12  }
0x587: {  	[tilespmem:s17+$0xFFFFFD80] =	vst v16  }
0x588: {  	[tilespmem:s17+$0xFFFFFDF0] =	vst v13  }
0x589: {  	[tilespmem:s17+$0xFFFFFE00] =	vst v15  }
0x58a: {  	[tilespmem:s17+$0xFFFFFE70] =	vst v19  }
0x58b: {  	[tilespmem:s17+$0xFFFFFE80] =	vst v20  }
0x58c: {  	[tilespmem:s17+$0xFFFFFEF0] =	vst v22  }
0x58d: {  	[tilespmem:s17+$0xFFFFFF00] =	vst v14  }
0x58e: {  	[tilespmem:s17+$0xFFFFFF70] =	vst v18  }
0x58f: {  	[tilespmem:s17+$0xFFFFFF80] =	vst v17  }
0x590: {  	[tilespmem:s3+$0xFFFFFFF0] =	vst v21  }
0x591: {  	[tilespmem:s17+$0xFFFFFC70] =	vst v23  }
0x592: {  	v34 =	vunpack.i.l.bf16.f32 v33;
	[tilespmem:s17+$0xFFFFFC80] =	vst v10  }
0x593: {  	v35 =	vunpack.i.u.bf16.f32 v33;
	v27 =	vmul.f32 v34, v4;
	[tilespmem:s9+$0xFFFFFED0] =	vst v31;
	v38 =	vld [tilespmem:s18+$0xFFFFFEC0]  }
0x594: {  	v24 =	vmul.f32 v35, v4;
	[tilespmem:s9+$0xFFFFFEE0] =	vst v28;
	v36 =	vunpack.i.l.bf16.f32 v26  }
0x595: {  	v39 =	vld [tilespmem:s18+$0xFFFFFF00];
	v37 =	vunpack.i.u.bf16.f32 v26;
	[tilespmem:s9+$0xFFFFFF50] =	vst v27;
	v9 =	vmul.f32 v36, v3  }
0x596: {  	[tilespmem:s9+$0xFFFFFF60] =	vst v24;
	v11 =	vmul.f32 v37, v3;
	v40 =	vunpack.i.l.bf16.f32 v25  }
0x597: {  	v41 =	vld [tilespmem:s18+$0xFFFFFF40];
	v42 =	vunpack.i.u.bf16.f32 v25;
	[tilespmem:s9+$0xFFFFFC50] =	vst v9;
	v12 =	vmul.f32 v40, v2  }
0x598: {  	v2 =	vmul.f32 v42, v2;
	[tilespmem:s3+$0xFFFFFC60] =	vst v11;
	v43 =	vunpack.i.l.bf16.f32 v38  }
0x599: {  	v44 =	vld [tilespmem:s18+$0xFFFFFF80];
	v9 =	vunpack.i.u.bf16.f32 v38;
	v45 =	vmul.f32 v43, v8;
	[tilespmem:s3+$0xFFFFFCF0] =	vst v12  }
0x59a: {  	v46 =	vunpack.i.l.bf16.f32 v39;
	v47 =	vmul.f32 v9, v8;
	[tilespmem:s3+$0xFFFFFD00] =	vst v2  }
0x59b: {  	v48 =	vunpack.i.u.bf16.f32 v39;
	v2 =	vld [tilespmem:s18+$0xFFFFFFC0];
	v49 =	vmul.f32 v46, v7;
	[tilespmem:s3+$0xFFFFFD70] =	vst v45  }
0x59c: {  	v50 =	vunpack.i.l.bf16.f32 v41;
	v51 =	vmul.f32 v48, v7;
	[tilespmem:s3+$0xFFFFFD80] =	vst v47  }
0x59d: {  	v52 =	vunpack.i.u.bf16.f32 v41;
	v53 =	vld [tilespmem:s16+$0xFFFFFE40];
	v12 =	vmul.f32 v50, v5;
	[tilespmem:s3+$0xFFFFFDF0] =	vst v49  }
0x59e: {  	v54 =	vunpack.i.l.bf16.f32 v44;
	v55 =	vmul.f32 v52, v5;
	[tilespmem:s3+$0xFFFFFE00] =	vst v51  }
0x59f: {  	v56 =	vunpack.i.u.bf16.f32 v44;
	v57 =	vmul.f32 v54, v6;
	[tilespmem:s3+$0xFFFFFE70] =	vst v12  }
0x5a0: {  	v59 =	vmul.f32 v56, v6;
	[tilespmem:s3+$0xFFFFFE80] =	vst v55;
	v58 =	vunpack.i.l.bf16.f32 v2  }
0x5a1: {  	[tilespmem:s3+$0xFFFFFEF0] =	vst v57;
	v2 =	vunpack.i.u.bf16.f32 v2;
	v60 =	vmul.f32 v58, v4  }
0x5a2: {  	[tilespmem:s3+$0xFFFFFF00] =	vst v59;
	v61 =	vunpack.i.l.bf16.f32 v53;
	v2 =	vmul.f32 v2, v4  }
0x5a3: {  	s5 =	smul.u32 $0x140, s5;
	v62 =	vunpack.i.u.bf16.f32 v53;
	v63 =	vmul.f32 v61, v3;
	[tilespmem:s3+$0xFFFFFF70] =	vst v60  }
0x5a4: {  	v3 =	vmul.f32 v62, v3;
	[tilespmem:s3+$0xFFFFFF80] =	vst v2  }
0x5a5: {  	s5 =	sshra.s32 s5, $0x2;
	[tilespmem:s3+$0xFFFFFC70] =	vst v63  }
0x5a6: {  	s6 =	simm.s32 @!p0 $0x3F70;
	s26 =	sadd.s32 $0x7D0, s5;
	[tilespmem:s3+$0xFFFFFC80] =	vst v3  }
0x5a7: {  	[spmem:s4] =	stream.indirect.scatter.add.f32 [tilespmem:s2], [sflag:$0x5], $0x80, s26, s23, $0xb8;
	[tilespmem:$0x1E370] =	vst v63  }
0x5a8: {  	s14 =	sadd.s32 $0x1, s14;
	s5 =	simm.s32 @!p0 $0x50;
	s3 =	sadd.s32 @!p0 $0x280, s15  }
0x5a9: {  	[tilespmem:s6], [sflag:$0x3] =	stream.indirect.gather @!p0 [hbm4b:s1+s5], $0x40, s3, s5, $0xb8;
	[tilespmem:$0x1E370] =	vst v63  }
0x5aa: {  	p0 =	sne.s32 s14, $0x5  }
.Ltmp13:
0x5ab: {  	_ = 	snop;
	(pc) =	sbr.rel @p0 .LBB2_5-.Ltmp13, $4  }
.Ltmp14:
0x5ac: {  	_ = 	snop;
	(pc) =	sbr.rel @!p0 .LBB2_21-.Ltmp14, $4  }
0x5ad: {  	_ = 	snop  }
0x5ae: {  	_ = 	snop  }
0x5af: {  	s13 =	sadd.s32 $0x1E0, s13  }
0x5b0: {  	_ = 	snop  }
.LBB2_23:
0x5b1: {  	_ =	sfence.sel $0x180000  }
0x5b2: {  	[bflag:$0x0] =	sbarrier.arrive $0xFFFF  }
0x5b3: {  	_ =	strace $0x9000004A  }
0x5b4: {  	s0 =	stileid.u32;
	[bflag:$0x2] =	sbarrier.arrive $0xFFFF  }
0x5b5: {  	p0 =	sne.s32 s0, $0x0;
	s0 =	rddreg [dreg:$0x3]  }
0x5b6: {  	s0 =	sadd.s32 @!p0 $0x100000, s0  }
0x5b7: {  	[sflag:s0] =	ssyncadd.tile.s32 @!p0 $0x1;
	_ =	shalt  }
.Lfunc_end2:
_tile_overlayer_lowered:
.L_overlay_start_2:
0x5b8: {  	(tag) =	ssettag $0x2  }
0x5b9: {  	s0 =	rddreg [dreg:$0x0];
	s2 =	stileid.u32  }
0x5ba: {  	s1 =	rddreg [dreg:$0x1];
	p0 =	sne.s32 s2, $0x0  }
0x5bb: {  	s3 =	rddreg [dreg:$0x2];
	[bflag:$0x3] =	sbarrier.arrive $0xFFFF;
	s2 =	simm.s32 @!p0 $0x1C06  }
0x5bc: {  	[timem:s3], [sflag:s2] =	dma.local @!p0 [hbm:s0], s1  }
0x5bd: {  	s0 =	simm.s32 @!p0 $0x6  }
0x5be: {  	_ =	swait.ge @!p0 [sflag:s0], s1  }
0x5bf: {  	s1 =	ssub.s32 @!p0 $0x0, s1;
	[sflag:s0] =	ssyncset.done @!p0 $0x0  }
0x5c0: {  	[sflag:s0] =	ssyncadd.s32 @!p0 s1  }
0x5c1: {  	[bflag:$0x3] =	sbarrier.arrive $0xFFFF  }
0x5c2: {  	_ =	shalt  }

</sc_bundles>
